<compile_context>
chip_gen: v7x
topology: tpu7x:2x2x1
jax: 0.10.2.dev20260603
libtpu: 0.0.44.dev20260713+nightly
codegen_flags: <defaults>
</compile_context>

<pallas_src>
import functools

import jax
import jax.numpy as jnp
from jax import lax
from jax.experimental import pallas as pl
from jax.experimental.pallas import tpu as pltpu
from jax.experimental.pallas import tpu_sc as plsc

D_MODEL = 1024
LANES = 16
VECS = D_MODEL // LANES
NUM_CORES = 2
NUM_SUBCORES = 16
NUM_WORKERS = NUM_CORES * NUM_SUBCORES
CHUNK = 8
NBATCH = 4
NSLOT = 3
ILV = 16


def _embed_body(seq_len, table_hbm, pos_hbm, idx_hbm, out_hbm,
                idx_v, tok_v, pos_v, gsem, ssem, psem):
    span = seq_len // NUM_WORKERS
    n_pchunks = span // CHUNK
    wid = lax.axis_index("s") * NUM_CORES + lax.axis_index("c")
    s0 = wid * span

    pltpu.async_copy(pos_hbm.at[pl.ds(s0, CHUNK)], pos_v.at[0], psem.at[0])

    pltpu.sync_copy(idx_hbm.at[:, pl.ds(s0, span)], idx_v)

    def issue_gather(p, bi, s):
        pltpu.async_copy(
            table_hbm.at[idx_v.at[bi, pl.ds(p * CHUNK, CHUNK)]],
            tok_v.at[bi, s], gsem.at[bi, s])

    def wait_gather(bi, s):
        pltpu.make_async_copy(
            table_hbm.at[idx_v.at[bi, pl.ds(0, CHUNK)]],
            tok_v.at[bi, s], gsem.at[bi, s]).wait()

    def issue_store(p, bi, s):
        pltpu.async_copy(
            tok_v.at[bi, s],
            out_hbm.at[bi, pl.ds(s0 + p * CHUNK, CHUNK)], ssem.at[bi, s])

    def wait_store(bi, s):
        pltpu.make_async_copy(
            tok_v.at[bi, s],
            out_hbm.at[bi, pl.ds(s0, CHUNK)], ssem.at[bi, s]).wait()

    def issue_pos(p, q):
        pltpu.async_copy(
            pos_hbm.at[pl.ds(s0 + p * CHUNK, CHUNK)], pos_v.at[q],
            psem.at[q])

    def wait_pos(q):
        pltpu.make_async_copy(
            pos_hbm.at[pl.ds(s0, CHUNK)], pos_v.at[q], psem.at[q]).wait()

    for bi in range(NBATCH):
        issue_gather(0, bi, 0)

    @pl.loop(0, n_pchunks)
    def _pchunk(p):
        q = lax.rem(p, 2)
        s = lax.rem(p, NSLOT)
        sn = lax.rem(p + 1, NSLOT)
        wait_pos(q)

        @pl.when(p + 1 < n_pchunks)
        def _():
            issue_pos(p + 1, 1 - q)

            @pl.when(p >= NSLOT - 1)
            def _():
                for bi in range(NBATCH):
                    wait_store(bi, sn)
            for bi in range(NBATCH):
                issue_gather(p + 1, bi, sn)

        for bi in range(NBATCH):
            wait_gather(bi, s)

        @pl.loop(0, CHUNK)
        def _row(r):
            for j0 in range(0, VECS, ILV):
                vs = [pos_v[q, r, pl.ds((j0 + k) * LANES, LANES)]
                      for k in range(ILV)]
                for bi in range(NBATCH):
                    for k in range(ILV):
                        plsc.addupdate(
                            tok_v.at[bi, s, r,
                                     pl.ds((j0 + k) * LANES, LANES)],
                            vs[k])

        for bi in range(NBATCH):
            issue_store(p, bi, s)

    for bi in range(NBATCH):
        wait_store(bi, lax.rem(n_pchunks - 2, NSLOT))
        wait_store(bi, lax.rem(n_pchunks - 1, NSLOT))


def kernel(x, token_table, pos_table):
    batch, seq_len = x.shape
    d = token_table.shape[1]
    xi = x.astype(jnp.int32)
    span = seq_len // NUM_WORKERS

    mesh = plsc.VectorSubcoreMesh(core_axis_name="c", subcore_axis_name="s")
    run = pl.kernel(
        functools.partial(_embed_body, seq_len),
        out_type=jax.ShapeDtypeStruct((batch, seq_len, d), jnp.float32),
        mesh=mesh,
        scratch_types=[
            pltpu.VMEM((NBATCH, span), jnp.int32),
            pltpu.VMEM((NBATCH, NSLOT, CHUNK, d), jnp.float32),
            pltpu.VMEM((2, CHUNK, d), jnp.float32),
            pltpu.SemaphoreType.DMA((NBATCH, NSLOT)),
            pltpu.SemaphoreType.DMA((NBATCH, NSLOT)),
            pltpu.SemaphoreType.DMA((2,)),
        ],
    )
    return run(token_table, pos_table, xi)

# --- scband reference (transcript-rebuilt; emitter-appended) ---
"""Pipeline reference for scband-transformer-embedding-37898791419993 (READ-ONLY COPY).

The authoritative reference and input builder live on the scoring server;
editing this copy changes nothing except your own understanding.
"""

import jax, jax.numpy as jnp
import numpy as np

VOCAB = 100000
D_MODEL = 1024
BATCH = 4
SEQ_LEN = 4096


def setup_inputs(seed: int = 0) -> dict:
    key = jax.random.key(seed)
    k1, k2, k3 = jax.random.split(key, 3)
    x = jax.random.randint(k1, (BATCH, SEQ_LEN), 0, VOCAB)
    token_table = jax.random.normal(k2, (VOCAB, D_MODEL), dtype=jnp.float32) * 0.02
    pos_table = jax.random.normal(k3, (SEQ_LEN, D_MODEL), dtype=jnp.float32) * 0.02
    return {"x": x, "token_table": token_table, "pos_table": pos_table}


def reference(x, token_table, pos_table):
    # nn.Sequential(token_embed, pos_embed):
    #   token_embed: nn.Embedding(vocab, d_model) -> gather rows by token id
    #   pos_embed:   adds learned positional embedding for positions [0, S)
    tok = jnp.take(token_table, x, axis=0)            # [B, S, D] gather
    out = tok + pos_table[None, :x.shape[1], :]       # broadcast add of positions
    return out

if __name__ == "__main__":
    import jax
    _d = setup_inputs()
    print(jax.jit(kernel)(*tuple(_d.values())))

</pallas_src>

<mosaic_0001>
#map = affine_map<(d0, d1) -> (0, 0)>
#map1 = affine_map<(d0, d1) -> (0, 0, 0)>
module attributes {stable_mosaic.version = 14 : i64} {
  func.func @_embed_body(%arg0: i32, %arg1: i32, %arg2: memref<100000x1024xf32, #tpu.memory_space<hbm>>, %arg3: memref<4096x1024xf32, #tpu.memory_space<hbm>>, %arg4: memref<4x4096xi32, #tpu.memory_space<hbm>>, %arg5: memref<4x4096x1024xf32, #tpu.memory_space<hbm>>, %arg6: memref<4x128xi32, #tpu.memory_space<vmem>>, %arg7: memref<4x3x8x1024xf32, #tpu.memory_space<vmem>>, %arg8: memref<2x8x1024xf32, #tpu.memory_space<vmem>>, %arg9: memref<4x3x!tpu.dma_semaphore, #tpu.memory_space<semaphore_mem>>, %arg10: memref<4x3x!tpu.dma_semaphore, #tpu.memory_space<semaphore_mem>>, %arg11: memref<2x!tpu.dma_semaphore, #tpu.memory_space<semaphore_mem>>) attributes {dimension_semantics = [#tpu.dimension_semantics<core_parallel>, #tpu.dimension_semantics<subcore_parallel>], iteration_bounds = array<i64: 2, 16>, scalar_prefetch = 0 : i64, scratch_operands = 6 : i64, tpu.core_type = #tpu.core_type<sc_vector_subcore>, window_params = [{transform_indices = #map}, {transform_indices = #map}, {transform_indices = #map}, {transform_indices = #map1}]} {
    %mul3A = arith.constant 2 : i32
    %mul3A_0 = arith.muli %arg1, %mul3A : i32
    %add3A = arith.addi %mul3A_0, %arg0 : i32
    %mul3A_1 = arith.constant 128 : i32
    %mul3A_2 = arith.muli %add3A, %mul3A_1 : i32
    %dma_start3A = arith.constant 0 : i32
    %dma_start3A_3 = arith.constant 0 : i32
    %dma_start3A_4 = arith.constant 0 : i32
    %dma_start3A_5 = arith.constant 0 : i32
    %dma_start3A_6 = tpu.memref_slice %arg8[%dma_start3A, %dma_start3A_4, %dma_start3A_5] : memref<2x8x1024xf32, #tpu.memory_space<vmem>> -> memref<1x8x1024xf32, #tpu.memory_space<vmem>>
    %dma_start3A_7 = tpu.memref_squeeze %dma_start3A_6 : memref<1x8x1024xf32, #tpu.memory_space<vmem>> -> memref<8x1024xf32, #tpu.memory_space<vmem>>
    %dma_start3A_8 = arith.constant 0 : i32
    %dma_start3A_9 = tpu.memref_slice %arg3[%mul3A_2, %dma_start3A_8] : memref<4096x1024xf32, #tpu.memory_space<hbm>> -> memref<8x1024xf32, #tpu.memory_space<hbm>>
    %dma_start3A_10 = tpu.memref_slice %arg11[%dma_start3A_3] : memref<2x!tpu.dma_semaphore, #tpu.memory_space<semaphore_mem>> -> memref<1x!tpu.dma_semaphore, #tpu.memory_space<semaphore_mem>>
    %dma_start3A_11 = tpu.memref_squeeze %dma_start3A_10 : memref<1x!tpu.dma_semaphore, #tpu.memory_space<semaphore_mem>> -> memref<!tpu.dma_semaphore, #tpu.memory_space<semaphore_mem>>
    %dma_start3A_12 = arith.constant 0 : i32
    %dma_start3A_13 = arith.constant 0 : i32
    %dma_start3A_14 = tpu.memref_slice %arg8[%dma_start3A, %dma_start3A_12, %dma_start3A_13] : memref<2x8x1024xf32, #tpu.memory_space<vmem>> -> memref<1x8x1024xf32, #tpu.memory_space<vmem>>
    %dma_start3A_15 = tpu.memref_squeeze %dma_start3A_14 : memref<1x8x1024xf32, #tpu.memory_space<vmem>> -> memref<8x1024xf32, #tpu.memory_space<vmem>>
    %dma_start3A_16 = arith.constant 0 : i32
    %dma_start3A_17 = tpu.memref_slice %arg3[%mul3A_2, %dma_start3A_16] : memref<4096x1024xf32, #tpu.memory_space<hbm>> -> memref<8x1024xf32, #tpu.memory_space<hbm>>
    tpu.enqueue_dma source(%dma_start3A_17 : memref<8x1024xf32, #tpu.memory_space<hbm>>) target(%dma_start3A_15 : memref<8x1024xf32, #tpu.memory_space<vmem>>) target_semaphore(%dma_start3A_11 : memref<!tpu.dma_semaphore, #tpu.memory_space<semaphore_mem>>)
    "tpu.region"() ({
      %run_scoped3A = tpu.sem_alloc : memref<!tpu.dma_semaphore, #tpu.memory_space<semaphore_mem>>
      %dma_start3A_264 = arith.constant 0 : i32
      %dma_start3A_265 = tpu.memref_slice %arg4[%dma_start3A_264, %mul3A_2] : memref<4x4096xi32, #tpu.memory_space<hbm>> -> memref<4x128xi32, #tpu.memory_space<hbm>>
      %dma_start3A_266 = arith.constant 0 : i32
      %dma_start3A_267 = tpu.memref_slice %arg4[%dma_start3A_266, %mul3A_2] : memref<4x4096xi32, #tpu.memory_space<hbm>> -> memref<4x128xi32, #tpu.memory_space<hbm>>
      tpu.enqueue_dma source(%dma_start3A_267 : memref<4x128xi32, #tpu.memory_space<hbm>>) target(%arg6 : memref<4x128xi32, #tpu.memory_space<vmem>>) target_semaphore(%run_scoped3A : memref<!tpu.dma_semaphore, #tpu.memory_space<semaphore_mem>>)
      %dma_wait3A_268 = arith.constant 0 : i32
      %dma_wait3A_269 = tpu.memref_slice %arg4[%dma_wait3A_268, %mul3A_2] : memref<4x4096xi32, #tpu.memory_space<hbm>> -> memref<4x128xi32, #tpu.memory_space<hbm>>
      %dma_wait3A_270 = arith.constant 0 : i32
      %dma_wait3A_271 = tpu.memref_slice %arg4[%dma_wait3A_270, %mul3A_2] : memref<4x4096xi32, #tpu.memory_space<hbm>> -> memref<4x128xi32, #tpu.memory_space<hbm>>
      tpu.wait_dma2 semaphore(%run_scoped3A : memref<!tpu.dma_semaphore, #tpu.memory_space<semaphore_mem>>) src(%dma_wait3A_271 : memref<4x128xi32, #tpu.memory_space<hbm>>) dst(%arg6 : memref<4x128xi32, #tpu.memory_space<vmem>>)
      tpu.yield
    }) : () -> ()
    %dma_start3A_18 = arith.constant 0 : i32
    %dma_start3A_19 = arith.constant 0 : i32
    %dma_start3A_20 = arith.constant 0 : i32
    %dma_start3A_21 = arith.constant 0 : i32
    %dma_start3A_22 = arith.constant 0 : i32
    %dma_start3A_23 = arith.constant 0 : i32
    %dma_start3A_24 = arith.constant 0 : i32
    %dma_start3A_25 = tpu.memref_slice %arg7[%dma_start3A_19, %dma_start3A_20, %dma_start3A_23, %dma_start3A_24] : memref<4x3x8x1024xf32, #tpu.memory_space<vmem>> -> memref<1x1x8x1024xf32, #tpu.memory_space<vmem>>
    %dma_start3A_26 = tpu.memref_squeeze %dma_start3A_25 : memref<1x1x8x1024xf32, #tpu.memory_space<vmem>> -> memref<8x1024xf32, #tpu.memory_space<vmem>>
    %dma_start3A_27 = arith.constant 0 : i32
    %dma_start3A_28 = tpu.memref_slice %arg6[%dma_start3A_18, %dma_start3A_27] : memref<4x128xi32, #tpu.memory_space<vmem>> -> memref<1x8xi32, #tpu.memory_space<vmem>>
    %dma_start3A_29 = tpu.memref_squeeze %dma_start3A_28 : memref<1x8xi32, #tpu.memory_space<vmem>> -> memref<8xi32, #tpu.memory_space<vmem>>
    %dma_start3A_30 = arith.constant 0 : i32
    %dma_start3A_31 = arith.constant 0 : i32
    %dma_start3A_32 = tpu.memref_slice %arg2[%dma_start3A_30, %dma_start3A_31] : memref<100000x1024xf32, #tpu.memory_space<hbm>> -> memref<100000x1024xf32, #tpu.memory_space<hbm>>
    %dma_start3A_33 = tpu.memref_slice %arg9[%dma_start3A_21, %dma_start3A_22] : memref<4x3x!tpu.dma_semaphore, #tpu.memory_space<semaphore_mem>> -> memref<1x1x!tpu.dma_semaphore, #tpu.memory_space<semaphore_mem>>
    %dma_start3A_34 = tpu.memref_squeeze %dma_start3A_33 : memref<1x1x!tpu.dma_semaphore, #tpu.memory_space<semaphore_mem>> -> memref<!tpu.dma_semaphore, #tpu.memory_space<semaphore_mem>>
    tpu.enqueue_indirect_dma source(%dma_start3A_32 : memref<100000x1024xf32, #tpu.memory_space<hbm>>) target(%dma_start3A_26 : memref<8x1024xf32, #tpu.memory_space<vmem>>) offsets(%dma_start3A_29 : memref<8xi32, #tpu.memory_space<vmem>>) semaphore(%dma_start3A_34 : memref<!tpu.dma_semaphore, #tpu.memory_space<semaphore_mem>>)
    %dma_start3A_35 = arith.constant 1 : i32
    %dma_start3A_36 = arith.constant 1 : i32
    %dma_start3A_37 = arith.constant 0 : i32
    %dma_start3A_38 = arith.constant 1 : i32
    %dma_start3A_39 = arith.constant 0 : i32
    %dma_start3A_40 = arith.constant 0 : i32
    %dma_start3A_41 = arith.constant 0 : i32
    %dma_start3A_42 = tpu.memref_slice %arg7[%dma_start3A_36, %dma_start3A_37, %dma_start3A_40, %dma_start3A_41] : memref<4x3x8x1024xf32, #tpu.memory_space<vmem>> -> memref<1x1x8x1024xf32, #tpu.memory_space<vmem>>
    %dma_start3A_43 = tpu.memref_squeeze %dma_start3A_42 : memref<1x1x8x1024xf32, #tpu.memory_space<vmem>> -> memref<8x1024xf32, #tpu.memory_space<vmem>>
    %dma_start3A_44 = arith.constant 0 : i32
    %dma_start3A_45 = tpu.memref_slice %arg6[%dma_start3A_35, %dma_start3A_44] : memref<4x128xi32, #tpu.memory_space<vmem>> -> memref<1x8xi32, #tpu.memory_space<vmem>>
    %dma_start3A_46 = tpu.memref_squeeze %dma_start3A_45 : memref<1x8xi32, #tpu.memory_space<vmem>> -> memref<8xi32, #tpu.memory_space<vmem>>
    %dma_start3A_47 = arith.constant 0 : i32
    %dma_start3A_48 = arith.constant 0 : i32
    %dma_start3A_49 = tpu.memref_slice %arg2[%dma_start3A_47, %dma_start3A_48] : memref<100000x1024xf32, #tpu.memory_space<hbm>> -> memref<100000x1024xf32, #tpu.memory_space<hbm>>
    %dma_start3A_50 = tpu.memref_slice %arg9[%dma_start3A_38, %dma_start3A_39] : memref<4x3x!tpu.dma_semaphore, #tpu.memory_space<semaphore_mem>> -> memref<1x1x!tpu.dma_semaphore, #tpu.memory_space<semaphore_mem>>
    %dma_start3A_51 = tpu.memref_squeeze %dma_start3A_50 : memref<1x1x!tpu.dma_semaphore, #tpu.memory_space<semaphore_mem>> -> memref<!tpu.dma_semaphore, #tpu.memory_space<semaphore_mem>>
    tpu.enqueue_indirect_dma source(%dma_start3A_49 : memref<100000x1024xf32, #tpu.memory_space<hbm>>) target(%dma_start3A_43 : memref<8x1024xf32, #tpu.memory_space<vmem>>) offsets(%dma_start3A_46 : memref<8xi32, #tpu.memory_space<vmem>>) semaphore(%dma_start3A_51 : memref<!tpu.dma_semaphore, #tpu.memory_space<semaphore_mem>>)
    %dma_start3A_52 = arith.constant 2 : i32
    %dma_start3A_53 = arith.constant 2 : i32
    %dma_start3A_54 = arith.constant 0 : i32
    %dma_start3A_55 = arith.constant 2 : i32
    %dma_start3A_56 = arith.constant 0 : i32
    %dma_start3A_57 = arith.constant 0 : i32
    %dma_start3A_58 = arith.constant 0 : i32
    %dma_start3A_59 = tpu.memref_slice %arg7[%dma_start3A_53, %dma_start3A_54, %dma_start3A_57, %dma_start3A_58] : memref<4x3x8x1024xf32, #tpu.memory_space<vmem>> -> memref<1x1x8x1024xf32, #tpu.memory_space<vmem>>
    %dma_start3A_60 = tpu.memref_squeeze %dma_start3A_59 : memref<1x1x8x1024xf32, #tpu.memory_space<vmem>> -> memref<8x1024xf32, #tpu.memory_space<vmem>>
    %dma_start3A_61 = arith.constant 0 : i32
    %dma_start3A_62 = tpu.memref_slice %arg6[%dma_start3A_52, %dma_start3A_61] : memref<4x128xi32, #tpu.memory_space<vmem>> -> memref<1x8xi32, #tpu.memory_space<vmem>>
    %dma_start3A_63 = tpu.memref_squeeze %dma_start3A_62 : memref<1x8xi32, #tpu.memory_space<vmem>> -> memref<8xi32, #tpu.memory_space<vmem>>
    %dma_start3A_64 = arith.constant 0 : i32
    %dma_start3A_65 = arith.constant 0 : i32
    %dma_start3A_66 = tpu.memref_slice %arg2[%dma_start3A_64, %dma_start3A_65] : memref<100000x1024xf32, #tpu.memory_space<hbm>> -> memref<100000x1024xf32, #tpu.memory_space<hbm>>
    %dma_start3A_67 = tpu.memref_slice %arg9[%dma_start3A_55, %dma_start3A_56] : memref<4x3x!tpu.dma_semaphore, #tpu.memory_space<semaphore_mem>> -> memref<1x1x!tpu.dma_semaphore, #tpu.memory_space<semaphore_mem>>
    %dma_start3A_68 = tpu.memref_squeeze %dma_start3A_67 : memref<1x1x!tpu.dma_semaphore, #tpu.memory_space<semaphore_mem>> -> memref<!tpu.dma_semaphore, #tpu.memory_space<semaphore_mem>>
    tpu.enqueue_indirect_dma source(%dma_start3A_66 : memref<100000x1024xf32, #tpu.memory_space<hbm>>) target(%dma_start3A_60 : memref<8x1024xf32, #tpu.memory_space<vmem>>) offsets(%dma_start3A_63 : memref<8xi32, #tpu.memory_space<vmem>>) semaphore(%dma_start3A_68 : memref<!tpu.dma_semaphore, #tpu.memory_space<semaphore_mem>>)
    %dma_start3A_69 = arith.constant 3 : i32
    %dma_start3A_70 = arith.constant 3 : i32
    %dma_start3A_71 = arith.constant 0 : i32
    %dma_start3A_72 = arith.constant 3 : i32
    %dma_start3A_73 = arith.constant 0 : i32
    %dma_start3A_74 = arith.constant 0 : i32
    %dma_start3A_75 = arith.constant 0 : i32
    %dma_start3A_76 = tpu.memref_slice %arg7[%dma_start3A_70, %dma_start3A_71, %dma_start3A_74, %dma_start3A_75] : memref<4x3x8x1024xf32, #tpu.memory_space<vmem>> -> memref<1x1x8x1024xf32, #tpu.memory_space<vmem>>
    %dma_start3A_77 = tpu.memref_squeeze %dma_start3A_76 : memref<1x1x8x1024xf32, #tpu.memory_space<vmem>> -> memref<8x1024xf32, #tpu.memory_space<vmem>>
    %dma_start3A_78 = arith.constant 0 : i32
    %dma_start3A_79 = tpu.memref_slice %arg6[%dma_start3A_69, %dma_start3A_78] : memref<4x128xi32, #tpu.memory_space<vmem>> -> memref<1x8xi32, #tpu.memory_space<vmem>>
    %dma_start3A_80 = tpu.memref_squeeze %dma_start3A_79 : memref<1x8xi32, #tpu.memory_space<vmem>> -> memref<8xi32, #tpu.memory_space<vmem>>
    %dma_start3A_81 = arith.constant 0 : i32
    %dma_start3A_82 = arith.constant 0 : i32
    %dma_start3A_83 = tpu.memref_slice %arg2[%dma_start3A_81, %dma_start3A_82] : memref<100000x1024xf32, #tpu.memory_space<hbm>> -> memref<100000x1024xf32, #tpu.memory_space<hbm>>
    %dma_start3A_84 = tpu.memref_slice %arg9[%dma_start3A_72, %dma_start3A_73] : memref<4x3x!tpu.dma_semaphore, #tpu.memory_space<semaphore_mem>> -> memref<1x1x!tpu.dma_semaphore, #tpu.memory_space<semaphore_mem>>
    %dma_start3A_85 = tpu.memref_squeeze %dma_start3A_84 : memref<1x1x!tpu.dma_semaphore, #tpu.memory_space<semaphore_mem>> -> memref<!tpu.dma_semaphore, #tpu.memory_space<semaphore_mem>>
    tpu.enqueue_indirect_dma source(%dma_start3A_83 : memref<100000x1024xf32, #tpu.memory_space<hbm>>) target(%dma_start3A_77 : memref<8x1024xf32, #tpu.memory_space<vmem>>) offsets(%dma_start3A_80 : memref<8xi32, #tpu.memory_space<vmem>>) semaphore(%dma_start3A_85 : memref<!tpu.dma_semaphore, #tpu.memory_space<semaphore_mem>>)
    %scan3A = arith.constant 0 : i32
    %scan3A_86 = arith.constant 16 : i32
    %scan3A_87 = arith.addi %scan3A, %scan3A_86 : i32
    %scan3A_88 = arith.constant 1 : i32
    scf.for %scan3A_264 = %scan3A to %scan3A_87 step %scan3A_88  : i32 {
      %mul3A_265 = arith.constant 1 : i32
      %mul3A_266 = arith.muli %scan3A_264, %mul3A_265 : i32
      %add3A_267 = arith.constant 0 : i32
      %add3A_268 = arith.addi %add3A_267, %mul3A_266 : i32
      %rem3A_269 = arith.constant 2 : i32
      %rem3A_270 = arith.remsi %add3A_268, %rem3A_269 : i32
      %rem3A_271 = arith.constant 3 : i32
      %rem3A_272 = arith.remsi %add3A_268, %rem3A_271 : i32
      %add3A_273 = arith.constant 1 : i32
      %add3A_274 = arith.addi %add3A_268, %add3A_273 : i32
      %rem3A_275 = arith.constant 3 : i32
      %rem3A_276 = arith.remsi %add3A_274, %rem3A_275 : i32
      %dma_wait3A_277 = arith.constant 0 : i32
      %dma_wait3A_278 = arith.constant 0 : i32
      %dma_wait3A_279 = tpu.memref_slice %arg8[%rem3A_270, %dma_wait3A_277, %dma_wait3A_278] : memref<2x8x1024xf32, #tpu.memory_space<vmem>> -> memref<1x8x1024xf32, #tpu.memory_space<vmem>>
      %dma_wait3A_280 = tpu.memref_squeeze %dma_wait3A_279 : memref<1x8x1024xf32, #tpu.memory_space<vmem>> -> memref<8x1024xf32, #tpu.memory_space<vmem>>
      %dma_wait3A_281 = arith.constant 0 : i32
      %dma_wait3A_282 = tpu.memref_slice %arg3[%mul3A_2, %dma_wait3A_281] : memref<4096x1024xf32, #tpu.memory_space<hbm>> -> memref<8x1024xf32, #tpu.memory_space<hbm>>
      %dma_wait3A_283 = tpu.memref_slice %arg11[%rem3A_270] : memref<2x!tpu.dma_semaphore, #tpu.memory_space<semaphore_mem>> -> memref<1x!tpu.dma_semaphore, #tpu.memory_space<semaphore_mem>>
      %dma_wait3A_284 = tpu.memref_squeeze %dma_wait3A_283 : memref<1x!tpu.dma_semaphore, #tpu.memory_space<semaphore_mem>> -> memref<!tpu.dma_semaphore, #tpu.memory_space<semaphore_mem>>
      %dma_wait3A_285 = arith.constant 0 : i32
      %dma_wait3A_286 = arith.constant 0 : i32
      %dma_wait3A_287 = tpu.memref_slice %arg8[%rem3A_270, %dma_wait3A_285, %dma_wait3A_286] : memref<2x8x1024xf32, #tpu.memory_space<vmem>> -> memref<1x8x1024xf32, #tpu.memory_space<vmem>>
      %dma_wait3A_288 = tpu.memref_squeeze %dma_wait3A_287 : memref<1x8x1024xf32, #tpu.memory_space<vmem>> -> memref<8x1024xf32, #tpu.memory_space<vmem>>
      %dma_wait3A_289 = arith.constant 0 : i32
      %dma_wait3A_290 = tpu.memref_slice %arg3[%mul3A_2, %dma_wait3A_289] : memref<4096x1024xf32, #tpu.memory_space<hbm>> -> memref<8x1024xf32, #tpu.memory_space<hbm>>
      tpu.wait_dma2 semaphore(%dma_wait3A_284 : memref<!tpu.dma_semaphore, #tpu.memory_space<semaphore_mem>>) src(%dma_wait3A_290 : memref<8x1024xf32, #tpu.memory_space<hbm>>) dst(%dma_wait3A_288 : memref<8x1024xf32, #tpu.memory_space<vmem>>)
      %add3A_291 = arith.constant 1 : i32
      %add3A_292 = arith.addi %add3A_268, %add3A_291 : i32
      %lt3A = arith.constant 16 : i32
      %lt3A_293 = arith.cmpi slt, %add3A_292, %lt3A : i32
      %convert_element_type3A = arith.extui %lt3A_293 : i1 to i32
      %cond3A = arith.constant 0 : i32
      %cond3A_294 = arith.cmpi ne, %convert_element_type3A, %cond3A : i32
      scf.if %cond3A_294 {
        %add3A_448 = arith.constant 1 : i32
        %add3A_449 = arith.addi %add3A_268, %add3A_448 : i32
        %sub3A = arith.constant 1 : i32
        %sub3A_450 = arith.subi %sub3A, %rem3A_270 : i32
        %mul3A_451 = arith.constant 8 : i32
        %mul3A_452 = arith.muli %add3A_449, %mul3A_451 : i32
        %add3A_453 = arith.addi %mul3A_2, %mul3A_452 : i32
        %dma_start3A_454 = arith.constant 0 : i32
        %dma_start3A_455 = arith.constant 0 : i32
        %dma_start3A_456 = tpu.memref_slice %arg8[%sub3A_450, %dma_start3A_454, %dma_start3A_455] : memref<2x8x1024xf32, #tpu.memory_space<vmem>> -> memref<1x8x1024xf32, #tpu.memory_space<vmem>>
        %dma_start3A_457 = tpu.memref_squeeze %dma_start3A_456 : memref<1x8x1024xf32, #tpu.memory_space<vmem>> -> memref<8x1024xf32, #tpu.memory_space<vmem>>
        %dma_start3A_458 = arith.constant 0 : i32
        %dma_start3A_459 = tpu.memref_slice %arg3[%add3A_453, %dma_start3A_458] : memref<4096x1024xf32, #tpu.memory_space<hbm>> -> memref<8x1024xf32, #tpu.memory_space<hbm>>
        %dma_start3A_460 = tpu.memref_slice %arg11[%sub3A_450] : memref<2x!tpu.dma_semaphore, #tpu.memory_space<semaphore_mem>> -> memref<1x!tpu.dma_semaphore, #tpu.memory_space<semaphore_mem>>
        %dma_start3A_461 = tpu.memref_squeeze %dma_start3A_460 : memref<1x!tpu.dma_semaphore, #tpu.memory_space<semaphore_mem>> -> memref<!tpu.dma_semaphore, #tpu.memory_space<semaphore_mem>>
        %dma_start3A_462 = arith.constant 0 : i32
        %dma_start3A_463 = arith.constant 0 : i32
        %dma_start3A_464 = tpu.memref_slice %arg8[%sub3A_450, %dma_start3A_462, %dma_start3A_463] : memref<2x8x1024xf32, #tpu.memory_space<vmem>> -> memref<1x8x1024xf32, #tpu.memory_space<vmem>>
        %dma_start3A_465 = tpu.memref_squeeze %dma_start3A_464 : memref<1x8x1024xf32, #tpu.memory_space<vmem>> -> memref<8x1024xf32, #tpu.memory_space<vmem>>
        %dma_start3A_466 = arith.constant 0 : i32
        %dma_start3A_467 = tpu.memref_slice %arg3[%add3A_453, %dma_start3A_466] : memref<4096x1024xf32, #tpu.memory_space<hbm>> -> memref<8x1024xf32, #tpu.memory_space<hbm>>
        tpu.enqueue_dma source(%dma_start3A_467 : memref<8x1024xf32, #tpu.memory_space<hbm>>) target(%dma_start3A_465 : memref<8x1024xf32, #tpu.memory_space<vmem>>) target_semaphore(%dma_start3A_461 : memref<!tpu.dma_semaphore, #tpu.memory_space<semaphore_mem>>)
        %ge3A = arith.constant 2 : i32
        %ge3A_468 = arith.cmpi sge, %add3A_268, %ge3A : i32
        %convert_element_type3A_469 = arith.extui %ge3A_468 : i1 to i32
        %cond3A_470 = arith.constant 0 : i32
        %cond3A_471 = arith.cmpi ne, %convert_element_type3A_469, %cond3A_470 : i32
        scf.if %cond3A_471 {
          %dma_wait3A_544 = arith.constant 0 : i32
          %dma_wait3A_545 = arith.constant 0 : i32
          %dma_wait3A_546 = arith.constant 0 : i32
          %dma_wait3A_547 = arith.constant 0 : i32
          %dma_wait3A_548 = arith.constant 0 : i32
          %dma_wait3A_549 = tpu.memref_slice %arg7[%dma_wait3A_544, %rem3A_276, %dma_wait3A_547, %dma_wait3A_548] : memref<4x3x8x1024xf32, #tpu.memory_space<vmem>> -> memref<1x1x8x1024xf32, #tpu.memory_space<vmem>>
          %dma_wait3A_550 = tpu.memref_squeeze %dma_wait3A_549 : memref<1x1x8x1024xf32, #tpu.memory_space<vmem>> -> memref<8x1024xf32, #tpu.memory_space<vmem>>
          %dma_wait3A_551 = arith.constant 0 : i32
          %dma_wait3A_552 = tpu.memref_slice %arg5[%dma_wait3A_545, %mul3A_2, %dma_wait3A_551] : memref<4x4096x1024xf32, #tpu.memory_space<hbm>> -> memref<1x8x1024xf32, #tpu.memory_space<hbm>>
          %dma_wait3A_553 = tpu.memref_squeeze %dma_wait3A_552 : memref<1x8x1024xf32, #tpu.memory_space<hbm>> -> memref<8x1024xf32, #tpu.memory_space<hbm>>
          %dma_wait3A_554 = tpu.memref_slice %arg10[%dma_wait3A_546, %rem3A_276] : memref<4x3x!tpu.dma_semaphore, #tpu.memory_space<semaphore_mem>> -> memref<1x1x!tpu.dma_semaphore, #tpu.memory_space<semaphore_mem>>
          %dma_wait3A_555 = tpu.memref_squeeze %dma_wait3A_554 : memref<1x1x!tpu.dma_semaphore, #tpu.memory_space<semaphore_mem>> -> memref<!tpu.dma_semaphore, #tpu.memory_space<semaphore_mem>>
          %dma_wait3A_556 = arith.constant 0 : i32
          %dma_wait3A_557 = tpu.memref_slice %arg5[%dma_wait3A_545, %mul3A_2, %dma_wait3A_556] : memref<4x4096x1024xf32, #tpu.memory_space<hbm>> -> memref<1x8x1024xf32, #tpu.memory_space<hbm>>
          %dma_wait3A_558 = tpu.memref_squeeze %dma_wait3A_557 : memref<1x8x1024xf32, #tpu.memory_space<hbm>> -> memref<8x1024xf32, #tpu.memory_space<hbm>>
          %dma_wait3A_559 = arith.constant 0 : i32
          %dma_wait3A_560 = arith.constant 0 : i32
          %dma_wait3A_561 = tpu.memref_slice %arg7[%dma_wait3A_544, %rem3A_276, %dma_wait3A_559, %dma_wait3A_560] : memref<4x3x8x1024xf32, #tpu.memory_space<vmem>> -> memref<1x1x8x1024xf32, #tpu.memory_space<vmem>>
          %dma_wait3A_562 = tpu.memref_squeeze %dma_wait3A_561 : memref<1x1x8x1024xf32, #tpu.memory_space<vmem>> -> memref<8x1024xf32, #tpu.memory_space<vmem>>
          tpu.wait_dma2 semaphore(%dma_wait3A_555 : memref<!tpu.dma_semaphore, #tpu.memory_space<semaphore_mem>>) src(%dma_wait3A_562 : memref<8x1024xf32, #tpu.memory_space<vmem>>) dst(%dma_wait3A_558 : memref<8x1024xf32, #tpu.memory_space<hbm>>)
          %dma_wait3A_563 = arith.constant 1 : i32
          %dma_wait3A_564 = arith.constant 1 : i32
          %dma_wait3A_565 = arith.constant 1 : i32
          %dma_wait3A_566 = arith.constant 0 : i32
          %dma_wait3A_567 = arith.constant 0 : i32
          %dma_wait3A_568 = tpu.memref_slice %arg7[%dma_wait3A_563, %rem3A_276, %dma_wait3A_566, %dma_wait3A_567] : memref<4x3x8x1024xf32, #tpu.memory_space<vmem>> -> memref<1x1x8x1024xf32, #tpu.memory_space<vmem>>
          %dma_wait3A_569 = tpu.memref_squeeze %dma_wait3A_568 : memref<1x1x8x1024xf32, #tpu.memory_space<vmem>> -> memref<8x1024xf32, #tpu.memory_space<vmem>>
          %dma_wait3A_570 = arith.constant 0 : i32
          %dma_wait3A_571 = tpu.memref_slice %arg5[%dma_wait3A_564, %mul3A_2, %dma_wait3A_570] : memref<4x4096x1024xf32, #tpu.memory_space<hbm>> -> memref<1x8x1024xf32, #tpu.memory_space<hbm>>
          %dma_wait3A_572 = tpu.memref_squeeze %dma_wait3A_571 : memref<1x8x1024xf32, #tpu.memory_space<hbm>> -> memref<8x1024xf32, #tpu.memory_space<hbm>>
          %dma_wait3A_573 = tpu.memref_slice %arg10[%dma_wait3A_565, %rem3A_276] : memref<4x3x!tpu.dma_semaphore, #tpu.memory_space<semaphore_mem>> -> memref<1x1x!tpu.dma_semaphore, #tpu.memory_space<semaphore_mem>>
          %dma_wait3A_574 = tpu.memref_squeeze %dma_wait3A_573 : memref<1x1x!tpu.dma_semaphore, #tpu.memory_space<semaphore_mem>> -> memref<!tpu.dma_semaphore, #tpu.memory_space<semaphore_mem>>
          %dma_wait3A_575 = arith.constant 0 : i32
          %dma_wait3A_576 = tpu.memref_slice %arg5[%dma_wait3A_564, %mul3A_2, %dma_wait3A_575] : memref<4x4096x1024xf32, #tpu.memory_space<hbm>> -> memref<1x8x1024xf32, #tpu.memory_space<hbm>>
          %dma_wait3A_577 = tpu.memref_squeeze %dma_wait3A_576 : memref<1x8x1024xf32, #tpu.memory_space<hbm>> -> memref<8x1024xf32, #tpu.memory_space<hbm>>
          %dma_wait3A_578 = arith.constant 0 : i32
          %dma_wait3A_579 = arith.constant 0 : i32
          %dma_wait3A_580 = tpu.memref_slice %arg7[%dma_wait3A_563, %rem3A_276, %dma_wait3A_578, %dma_wait3A_579] : memref<4x3x8x1024xf32, #tpu.memory_space<vmem>> -> memref<1x1x8x1024xf32, #tpu.memory_space<vmem>>
          %dma_wait3A_581 = tpu.memref_squeeze %dma_wait3A_580 : memref<1x1x8x1024xf32, #tpu.memory_space<vmem>> -> memref<8x1024xf32, #tpu.memory_space<vmem>>
          tpu.wait_dma2 semaphore(%dma_wait3A_574 : memref<!tpu.dma_semaphore, #tpu.memory_space<semaphore_mem>>) src(%dma_wait3A_581 : memref<8x1024xf32, #tpu.memory_space<vmem>>) dst(%dma_wait3A_577 : memref<8x1024xf32, #tpu.memory_space<hbm>>)
          %dma_wait3A_582 = arith.constant 2 : i32
          %dma_wait3A_583 = arith.constant 2 : i32
          %dma_wait3A_584 = arith.constant 2 : i32
          %dma_wait3A_585 = arith.constant 0 : i32
          %dma_wait3A_586 = arith.constant 0 : i32
          %dma_wait3A_587 = tpu.memref_slice %arg7[%dma_wait3A_582, %rem3A_276, %dma_wait3A_585, %dma_wait3A_586] : memref<4x3x8x1024xf32, #tpu.memory_space<vmem>> -> memref<1x1x8x1024xf32, #tpu.memory_space<vmem>>
          %dma_wait3A_588 = tpu.memref_squeeze %dma_wait3A_587 : memref<1x1x8x1024xf32, #tpu.memory_space<vmem>> -> memref<8x1024xf32, #tpu.memory_space<vmem>>
          %dma_wait3A_589 = arith.constant 0 : i32
          %dma_wait3A_590 = tpu.memref_slice %arg5[%dma_wait3A_583, %mul3A_2, %dma_wait3A_589] : memref<4x4096x1024xf32, #tpu.memory_space<hbm>> -> memref<1x8x1024xf32, #tpu.memory_space<hbm>>
          %dma_wait3A_591 = tpu.memref_squeeze %dma_wait3A_590 : memref<1x8x1024xf32, #tpu.memory_space<hbm>> -> memref<8x1024xf32, #tpu.memory_space<hbm>>
          %dma_wait3A_592 = tpu.memref_slice %arg10[%dma_wait3A_584, %rem3A_276] : memref<4x3x!tpu.dma_semaphore, #tpu.memory_space<semaphore_mem>> -> memref<1x1x!tpu.dma_semaphore, #tpu.memory_space<semaphore_mem>>
          %dma_wait3A_593 = tpu.memref_squeeze %dma_wait3A_592 : memref<1x1x!tpu.dma_semaphore, #tpu.memory_space<semaphore_mem>> -> memref<!tpu.dma_semaphore, #tpu.memory_space<semaphore_mem>>
          %dma_wait3A_594 = arith.constant 0 : i32
          %dma_wait3A_595 = tpu.memref_slice %arg5[%dma_wait3A_583, %mul3A_2, %dma_wait3A_594] : memref<4x4096x1024xf32, #tpu.memory_space<hbm>> -> memref<1x8x1024xf32, #tpu.memory_space<hbm>>
          %dma_wait3A_596 = tpu.memref_squeeze %dma_wait3A_595 : memref<1x8x1024xf32, #tpu.memory_space<hbm>> -> memref<8x1024xf32, #tpu.memory_space<hbm>>
          %dma_wait3A_597 = arith.constant 0 : i32
          %dma_wait3A_598 = arith.constant 0 : i32
          %dma_wait3A_599 = tpu.memref_slice %arg7[%dma_wait3A_582, %rem3A_276, %dma_wait3A_597, %dma_wait3A_598] : memref<4x3x8x1024xf32, #tpu.memory_space<vmem>> -> memref<1x1x8x1024xf32, #tpu.memory_space<vmem>>
          %dma_wait3A_600 = tpu.memref_squeeze %dma_wait3A_599 : memref<1x1x8x1024xf32, #tpu.memory_space<vmem>> -> memref<8x1024xf32, #tpu.memory_space<vmem>>
          tpu.wait_dma2 semaphore(%dma_wait3A_593 : memref<!tpu.dma_semaphore, #tpu.memory_space<semaphore_mem>>) src(%dma_wait3A_600 : memref<8x1024xf32, #tpu.memory_space<vmem>>) dst(%dma_wait3A_596 : memref<8x1024xf32, #tpu.memory_space<hbm>>)
          %dma_wait3A_601 = arith.constant 3 : i32
          %dma_wait3A_602 = arith.constant 3 : i32
          %dma_wait3A_603 = arith.constant 3 : i32
          %dma_wait3A_604 = arith.constant 0 : i32
          %dma_wait3A_605 = arith.constant 0 : i32
          %dma_wait3A_606 = tpu.memref_slice %arg7[%dma_wait3A_601, %rem3A_276, %dma_wait3A_604, %dma_wait3A_605] : memref<4x3x8x1024xf32, #tpu.memory_space<vmem>> -> memref<1x1x8x1024xf32, #tpu.memory_space<vmem>>
          %dma_wait3A_607 = tpu.memref_squeeze %dma_wait3A_606 : memref<1x1x8x1024xf32, #tpu.memory_space<vmem>> -> memref<8x1024xf32, #tpu.memory_space<vmem>>
          %dma_wait3A_608 = arith.constant 0 : i32
          %dma_wait3A_609 = tpu.memref_slice %arg5[%dma_wait3A_602, %mul3A_2, %dma_wait3A_608] : memref<4x4096x1024xf32, #tpu.memory_space<hbm>> -> memref<1x8x1024xf32, #tpu.memory_space<hbm>>
          %dma_wait3A_610 = tpu.memref_squeeze %dma_wait3A_609 : memref<1x8x1024xf32, #tpu.memory_space<hbm>> -> memref<8x1024xf32, #tpu.memory_space<hbm>>
          %dma_wait3A_611 = tpu.memref_slice %arg10[%dma_wait3A_603, %rem3A_276] : memref<4x3x!tpu.dma_semaphore, #tpu.memory_space<semaphore_mem>> -> memref<1x1x!tpu.dma_semaphore, #tpu.memory_space<semaphore_mem>>
          %dma_wait3A_612 = tpu.memref_squeeze %dma_wait3A_611 : memref<1x1x!tpu.dma_semaphore, #tpu.memory_space<semaphore_mem>> -> memref<!tpu.dma_semaphore, #tpu.memory_space<semaphore_mem>>
          %dma_wait3A_613 = arith.constant 0 : i32
          %dma_wait3A_614 = tpu.memref_slice %arg5[%dma_wait3A_602, %mul3A_2, %dma_wait3A_613] : memref<4x4096x1024xf32, #tpu.memory_space<hbm>> -> memref<1x8x1024xf32, #tpu.memory_space<hbm>>
          %dma_wait3A_615 = tpu.memref_squeeze %dma_wait3A_614 : memref<1x8x1024xf32, #tpu.memory_space<hbm>> -> memref<8x1024xf32, #tpu.memory_space<hbm>>
          %dma_wait3A_616 = arith.constant 0 : i32
          %dma_wait3A_617 = arith.constant 0 : i32
          %dma_wait3A_618 = tpu.memref_slice %arg7[%dma_wait3A_601, %rem3A_276, %dma_wait3A_616, %dma_wait3A_617] : memref<4x3x8x1024xf32, #tpu.memory_space<vmem>> -> memref<1x1x8x1024xf32, #tpu.memory_space<vmem>>
          %dma_wait3A_619 = tpu.memref_squeeze %dma_wait3A_618 : memref<1x1x8x1024xf32, #tpu.memory_space<vmem>> -> memref<8x1024xf32, #tpu.memory_space<vmem>>
          tpu.wait_dma2 semaphore(%dma_wait3A_612 : memref<!tpu.dma_semaphore, #tpu.memory_space<semaphore_mem>>) src(%dma_wait3A_619 : memref<8x1024xf32, #tpu.memory_space<vmem>>) dst(%dma_wait3A_615 : memref<8x1024xf32, #tpu.memory_space<hbm>>)
        } else {
        }
        %add3A_472 = arith.constant 1 : i32
        %add3A_473 = arith.addi %add3A_268, %add3A_472 : i32
        %mul3A_474 = arith.constant 8 : i32
        %mul3A_475 = arith.muli %add3A_473, %mul3A_474 : i32
        %dma_start3A_476 = arith.constant 0 : i32
        %dma_start3A_477 = arith.constant 0 : i32
        %dma_start3A_478 = arith.constant 0 : i32
        %dma_start3A_479 = arith.constant 0 : i32
        %dma_start3A_480 = arith.constant 0 : i32
        %dma_start3A_481 = tpu.memref_slice %arg7[%dma_start3A_477, %rem3A_276, %dma_start3A_479, %dma_start3A_480] : memref<4x3x8x1024xf32, #tpu.memory_space<vmem>> -> memref<1x1x8x1024xf32, #tpu.memory_space<vmem>>
        %dma_start3A_482 = tpu.memref_squeeze %dma_start3A_481 : memref<1x1x8x1024xf32, #tpu.memory_space<vmem>> -> memref<8x1024xf32, #tpu.memory_space<vmem>>
        %dma_start3A_483 = tpu.memref_slice %arg6[%dma_start3A_476, %mul3A_475] : memref<4x128xi32, #tpu.memory_space<vmem>> -> memref<1x8xi32, #tpu.memory_space<vmem>>
        %dma_start3A_484 = tpu.memref_squeeze %dma_start3A_483 : memref<1x8xi32, #tpu.memory_space<vmem>> -> memref<8xi32, #tpu.memory_space<vmem>>
        %dma_start3A_485 = arith.constant 0 : i32
        %dma_start3A_486 = arith.constant 0 : i32
        %dma_start3A_487 = tpu.memref_slice %arg2[%dma_start3A_485, %dma_start3A_486] : memref<100000x1024xf32, #tpu.memory_space<hbm>> -> memref<100000x1024xf32, #tpu.memory_space<hbm>>
        %dma_start3A_488 = tpu.memref_slice %arg9[%dma_start3A_478, %rem3A_276] : memref<4x3x!tpu.dma_semaphore, #tpu.memory_space<semaphore_mem>> -> memref<1x1x!tpu.dma_semaphore, #tpu.memory_space<semaphore_mem>>
        %dma_start3A_489 = tpu.memref_squeeze %dma_start3A_488 : memref<1x1x!tpu.dma_semaphore, #tpu.memory_space<semaphore_mem>> -> memref<!tpu.dma_semaphore, #tpu.memory_space<semaphore_mem>>
        tpu.enqueue_indirect_dma source(%dma_start3A_487 : memref<100000x1024xf32, #tpu.memory_space<hbm>>) target(%dma_start3A_482 : memref<8x1024xf32, #tpu.memory_space<vmem>>) offsets(%dma_start3A_484 : memref<8xi32, #tpu.memory_space<vmem>>) semaphore(%dma_start3A_489 : memref<!tpu.dma_semaphore, #tpu.memory_space<semaphore_mem>>)
        %add3A_490 = arith.constant 1 : i32
        %add3A_491 = arith.addi %add3A_268, %add3A_490 : i32
        %mul3A_492 = arith.constant 8 : i32
        %mul3A_493 = arith.muli %add3A_491, %mul3A_492 : i32
        %dma_start3A_494 = arith.constant 1 : i32
        %dma_start3A_495 = arith.constant 1 : i32
        %dma_start3A_496 = arith.constant 1 : i32
        %dma_start3A_497 = arith.constant 0 : i32
        %dma_start3A_498 = arith.constant 0 : i32
        %dma_start3A_499 = tpu.memref_slice %arg7[%dma_start3A_495, %rem3A_276, %dma_start3A_497, %dma_start3A_498] : memref<4x3x8x1024xf32, #tpu.memory_space<vmem>> -> memref<1x1x8x1024xf32, #tpu.memory_space<vmem>>
        %dma_start3A_500 = tpu.memref_squeeze %dma_start3A_499 : memref<1x1x8x1024xf32, #tpu.memory_space<vmem>> -> memref<8x1024xf32, #tpu.memory_space<vmem>>
        %dma_start3A_501 = tpu.memref_slice %arg6[%dma_start3A_494, %mul3A_493] : memref<4x128xi32, #tpu.memory_space<vmem>> -> memref<1x8xi32, #tpu.memory_space<vmem>>
        %dma_start3A_502 = tpu.memref_squeeze %dma_start3A_501 : memref<1x8xi32, #tpu.memory_space<vmem>> -> memref<8xi32, #tpu.memory_space<vmem>>
        %dma_start3A_503 = arith.constant 0 : i32
        %dma_start3A_504 = arith.constant 0 : i32
        %dma_start3A_505 = tpu.memref_slice %arg2[%dma_start3A_503, %dma_start3A_504] : memref<100000x1024xf32, #tpu.memory_space<hbm>> -> memref<100000x1024xf32, #tpu.memory_space<hbm>>
        %dma_start3A_506 = tpu.memref_slice %arg9[%dma_start3A_496, %rem3A_276] : memref<4x3x!tpu.dma_semaphore, #tpu.memory_space<semaphore_mem>> -> memref<1x1x!tpu.dma_semaphore, #tpu.memory_space<semaphore_mem>>
        %dma_start3A_507 = tpu.memref_squeeze %dma_start3A_506 : memref<1x1x!tpu.dma_semaphore, #tpu.memory_space<semaphore_mem>> -> memref<!tpu.dma_semaphore, #tpu.memory_space<semaphore_mem>>
        tpu.enqueue_indirect_dma source(%dma_start3A_505 : memref<100000x1024xf32, #tpu.memory_space<hbm>>) target(%dma_start3A_500 : memref<8x1024xf32, #tpu.memory_space<vmem>>) offsets(%dma_start3A_502 : memref<8xi32, #tpu.memory_space<vmem>>) semaphore(%dma_start3A_507 : memref<!tpu.dma_semaphore, #tpu.memory_space<semaphore_mem>>)
        %add3A_508 = arith.constant 1 : i32
        %add3A_509 = arith.addi %add3A_268, %add3A_508 : i32
        %mul3A_510 = arith.constant 8 : i32
        %mul3A_511 = arith.muli %add3A_509, %mul3A_510 : i32
        %dma_start3A_512 = arith.constant 2 : i32
        %dma_start3A_513 = arith.constant 2 : i32
        %dma_start3A_514 = arith.constant 2 : i32
        %dma_start3A_515 = arith.constant 0 : i32
        %dma_start3A_516 = arith.constant 0 : i32
        %dma_start3A_517 = tpu.memref_slice %arg7[%dma_start3A_513, %rem3A_276, %dma_start3A_515, %dma_start3A_516] : memref<4x3x8x1024xf32, #tpu.memory_space<vmem>> -> memref<1x1x8x1024xf32, #tpu.memory_space<vmem>>
        %dma_start3A_518 = tpu.memref_squeeze %dma_start3A_517 : memref<1x1x8x1024xf32, #tpu.memory_space<vmem>> -> memref<8x1024xf32, #tpu.memory_space<vmem>>
        %dma_start3A_519 = tpu.memref_slice %arg6[%dma_start3A_512, %mul3A_511] : memref<4x128xi32, #tpu.memory_space<vmem>> -> memref<1x8xi32, #tpu.memory_space<vmem>>
        %dma_start3A_520 = tpu.memref_squeeze %dma_start3A_519 : memref<1x8xi32, #tpu.memory_space<vmem>> -> memref<8xi32, #tpu.memory_space<vmem>>
        %dma_start3A_521 = arith.constant 0 : i32
        %dma_start3A_522 = arith.constant 0 : i32
        %dma_start3A_523 = tpu.memref_slice %arg2[%dma_start3A_521, %dma_start3A_522] : memref<100000x1024xf32, #tpu.memory_space<hbm>> -> memref<100000x1024xf32, #tpu.memory_space<hbm>>
        %dma_start3A_524 = tpu.memref_slice %arg9[%dma_start3A_514, %rem3A_276] : memref<4x3x!tpu.dma_semaphore, #tpu.memory_space<semaphore_mem>> -> memref<1x1x!tpu.dma_semaphore, #tpu.memory_space<semaphore_mem>>
        %dma_start3A_525 = tpu.memref_squeeze %dma_start3A_524 : memref<1x1x!tpu.dma_semaphore, #tpu.memory_space<semaphore_mem>> -> memref<!tpu.dma_semaphore, #tpu.memory_space<semaphore_mem>>
        tpu.enqueue_indirect_dma source(%dma_start3A_523 : memref<100000x1024xf32, #tpu.memory_space<hbm>>) target(%dma_start3A_518 : memref<8x1024xf32, #tpu.memory_space<vmem>>) offsets(%dma_start3A_520 : memref<8xi32, #tpu.memory_space<vmem>>) semaphore(%dma_start3A_525 : memref<!tpu.dma_semaphore, #tpu.memory_space<semaphore_mem>>)
        %add3A_526 = arith.constant 1 : i32
        %add3A_527 = arith.addi %add3A_268, %add3A_526 : i32
        %mul3A_528 = arith.constant 8 : i32
        %mul3A_529 = arith.muli %add3A_527, %mul3A_528 : i32
        %dma_start3A_530 = arith.constant 3 : i32
        %dma_start3A_531 = arith.constant 3 : i32
        %dma_start3A_532 = arith.constant 3 : i32
        %dma_start3A_533 = arith.constant 0 : i32
        %dma_start3A_534 = arith.constant 0 : i32
        %dma_start3A_535 = tpu.memref_slice %arg7[%dma_start3A_531, %rem3A_276, %dma_start3A_533, %dma_start3A_534] : memref<4x3x8x1024xf32, #tpu.memory_space<vmem>> -> memref<1x1x8x1024xf32, #tpu.memory_space<vmem>>
        %dma_start3A_536 = tpu.memref_squeeze %dma_start3A_535 : memref<1x1x8x1024xf32, #tpu.memory_space<vmem>> -> memref<8x1024xf32, #tpu.memory_space<vmem>>
        %dma_start3A_537 = tpu.memref_slice %arg6[%dma_start3A_530, %mul3A_529] : memref<4x128xi32, #tpu.memory_space<vmem>> -> memref<1x8xi32, #tpu.memory_space<vmem>>
        %dma_start3A_538 = tpu.memref_squeeze %dma_start3A_537 : memref<1x8xi32, #tpu.memory_space<vmem>> -> memref<8xi32, #tpu.memory_space<vmem>>
        %dma_start3A_539 = arith.constant 0 : i32
        %dma_start3A_540 = arith.constant 0 : i32
        %dma_start3A_541 = tpu.memref_slice %arg2[%dma_start3A_539, %dma_start3A_540] : memref<100000x1024xf32, #tpu.memory_space<hbm>> -> memref<100000x1024xf32, #tpu.memory_space<hbm>>
        %dma_start3A_542 = tpu.memref_slice %arg9[%dma_start3A_532, %rem3A_276] : memref<4x3x!tpu.dma_semaphore, #tpu.memory_space<semaphore_mem>> -> memref<1x1x!tpu.dma_semaphore, #tpu.memory_space<semaphore_mem>>
        %dma_start3A_543 = tpu.memref_squeeze %dma_start3A_542 : memref<1x1x!tpu.dma_semaphore, #tpu.memory_space<semaphore_mem>> -> memref<!tpu.dma_semaphore, #tpu.memory_space<semaphore_mem>>
        tpu.enqueue_indirect_dma source(%dma_start3A_541 : memref<100000x1024xf32, #tpu.memory_space<hbm>>) target(%dma_start3A_536 : memref<8x1024xf32, #tpu.memory_space<vmem>>) offsets(%dma_start3A_538 : memref<8xi32, #tpu.memory_space<vmem>>) semaphore(%dma_start3A_543 : memref<!tpu.dma_semaphore, #tpu.memory_space<semaphore_mem>>)
      } else {
      }
      %dma_wait3A_295 = arith.constant 0 : i32
      %dma_wait3A_296 = arith.constant 0 : i32
      %dma_wait3A_297 = arith.constant 0 : i32
      %dma_wait3A_298 = arith.constant 0 : i32
      %dma_wait3A_299 = arith.constant 0 : i32
      %dma_wait3A_300 = tpu.memref_slice %arg7[%dma_wait3A_296, %rem3A_272, %dma_wait3A_298, %dma_wait3A_299] : memref<4x3x8x1024xf32, #tpu.memory_space<vmem>> -> memref<1x1x8x1024xf32, #tpu.memory_space<vmem>>
      %dma_wait3A_301 = tpu.memref_squeeze %dma_wait3A_300 : memref<1x1x8x1024xf32, #tpu.memory_space<vmem>> -> memref<8x1024xf32, #tpu.memory_space<vmem>>
      %dma_wait3A_302 = arith.constant 0 : i32
      %dma_wait3A_303 = tpu.memref_slice %arg6[%dma_wait3A_295, %dma_wait3A_302] : memref<4x128xi32, #tpu.memory_space<vmem>> -> memref<1x8xi32, #tpu.memory_space<vmem>>
      %dma_wait3A_304 = tpu.memref_squeeze %dma_wait3A_303 : memref<1x8xi32, #tpu.memory_space<vmem>> -> memref<8xi32, #tpu.memory_space<vmem>>
      %dma_wait3A_305 = arith.constant 0 : i32
      %dma_wait3A_306 = arith.constant 0 : i32
      %dma_wait3A_307 = tpu.memref_slice %arg2[%dma_wait3A_305, %dma_wait3A_306] : memref<100000x1024xf32, #tpu.memory_space<hbm>> -> memref<100000x1024xf32, #tpu.memory_space<hbm>>
      %dma_wait3A_308 = tpu.memref_slice %arg9[%dma_wait3A_297, %rem3A_272] : memref<4x3x!tpu.dma_semaphore, #tpu.memory_space<semaphore_mem>> -> memref<1x1x!tpu.dma_semaphore, #tpu.memory_space<semaphore_mem>>
      %dma_wait3A_309 = tpu.memref_squeeze %dma_wait3A_308 : memref<1x1x!tpu.dma_semaphore, #tpu.memory_space<semaphore_mem>> -> memref<!tpu.dma_semaphore, #tpu.memory_space<semaphore_mem>>
      tpu.wait_indirect_dma semaphore(%dma_wait3A_309 : memref<!tpu.dma_semaphore, #tpu.memory_space<semaphore_mem>>) src(%dma_wait3A_307 : memref<100000x1024xf32, #tpu.memory_space<hbm>>) dst(%dma_wait3A_301 : memref<8x1024xf32, #tpu.memory_space<vmem>>)
      %dma_wait3A_310 = arith.constant 1 : i32
      %dma_wait3A_311 = arith.constant 1 : i32
      %dma_wait3A_312 = arith.constant 1 : i32
      %dma_wait3A_313 = arith.constant 0 : i32
      %dma_wait3A_314 = arith.constant 0 : i32
      %dma_wait3A_315 = tpu.memref_slice %arg7[%dma_wait3A_311, %rem3A_272, %dma_wait3A_313, %dma_wait3A_314] : memref<4x3x8x1024xf32, #tpu.memory_space<vmem>> -> memref<1x1x8x1024xf32, #tpu.memory_space<vmem>>
      %dma_wait3A_316 = tpu.memref_squeeze %dma_wait3A_315 : memref<1x1x8x1024xf32, #tpu.memory_space<vmem>> -> memref<8x1024xf32, #tpu.memory_space<vmem>>
      %dma_wait3A_317 = arith.constant 0 : i32
      %dma_wait3A_318 = tpu.memref_slice %arg6[%dma_wait3A_310, %dma_wait3A_317] : memref<4x128xi32, #tpu.memory_space<vmem>> -> memref<1x8xi32, #tpu.memory_space<vmem>>
      %dma_wait3A_319 = tpu.memref_squeeze %dma_wait3A_318 : memref<1x8xi32, #tpu.memory_space<vmem>> -> memref<8xi32, #tpu.memory_space<vmem>>
      %dma_wait3A_320 = arith.constant 0 : i32
      %dma_wait3A_321 = arith.constant 0 : i32
      %dma_wait3A_322 = tpu.memref_slice %arg2[%dma_wait3A_320, %dma_wait3A_321] : memref<100000x1024xf32, #tpu.memory_space<hbm>> -> memref<100000x1024xf32, #tpu.memory_space<hbm>>
      %dma_wait3A_323 = tpu.memref_slice %arg9[%dma_wait3A_312, %rem3A_272] : memref<4x3x!tpu.dma_semaphore, #tpu.memory_space<semaphore_mem>> -> memref<1x1x!tpu.dma_semaphore, #tpu.memory_space<semaphore_mem>>
      %dma_wait3A_324 = tpu.memref_squeeze %dma_wait3A_323 : memref<1x1x!tpu.dma_semaphore, #tpu.memory_space<semaphore_mem>> -> memref<!tpu.dma_semaphore, #tpu.memory_space<semaphore_mem>>
      tpu.wait_indirect_dma semaphore(%dma_wait3A_324 : memref<!tpu.dma_semaphore, #tpu.memory_space<semaphore_mem>>) src(%dma_wait3A_322 : memref<100000x1024xf32, #tpu.memory_space<hbm>>) dst(%dma_wait3A_316 : memref<8x1024xf32, #tpu.memory_space<vmem>>)
      %dma_wait3A_325 = arith.constant 2 : i32
      %dma_wait3A_326 = arith.constant 2 : i32
      %dma_wait3A_327 = arith.constant 2 : i32
      %dma_wait3A_328 = arith.constant 0 : i32
      %dma_wait3A_329 = arith.constant 0 : i32
      %dma_wait3A_330 = tpu.memref_slice %arg7[%dma_wait3A_326, %rem3A_272, %dma_wait3A_328, %dma_wait3A_329] : memref<4x3x8x1024xf32, #tpu.memory_space<vmem>> -> memref<1x1x8x1024xf32, #tpu.memory_space<vmem>>
      %dma_wait3A_331 = tpu.memref_squeeze %dma_wait3A_330 : memref<1x1x8x1024xf32, #tpu.memory_space<vmem>> -> memref<8x1024xf32, #tpu.memory_space<vmem>>
      %dma_wait3A_332 = arith.constant 0 : i32
      %dma_wait3A_333 = tpu.memref_slice %arg6[%dma_wait3A_325, %dma_wait3A_332] : memref<4x128xi32, #tpu.memory_space<vmem>> -> memref<1x8xi32, #tpu.memory_space<vmem>>
      %dma_wait3A_334 = tpu.memref_squeeze %dma_wait3A_333 : memref<1x8xi32, #tpu.memory_space<vmem>> -> memref<8xi32, #tpu.memory_space<vmem>>
      %dma_wait3A_335 = arith.constant 0 : i32
      %dma_wait3A_336 = arith.constant 0 : i32
      %dma_wait3A_337 = tpu.memref_slice %arg2[%dma_wait3A_335, %dma_wait3A_336] : memref<100000x1024xf32, #tpu.memory_space<hbm>> -> memref<100000x1024xf32, #tpu.memory_space<hbm>>
      %dma_wait3A_338 = tpu.memref_slice %arg9[%dma_wait3A_327, %rem3A_272] : memref<4x3x!tpu.dma_semaphore, #tpu.memory_space<semaphore_mem>> -> memref<1x1x!tpu.dma_semaphore, #tpu.memory_space<semaphore_mem>>
      %dma_wait3A_339 = tpu.memref_squeeze %dma_wait3A_338 : memref<1x1x!tpu.dma_semaphore, #tpu.memory_space<semaphore_mem>> -> memref<!tpu.dma_semaphore, #tpu.memory_space<semaphore_mem>>
      tpu.wait_indirect_dma semaphore(%dma_wait3A_339 : memref<!tpu.dma_semaphore, #tpu.memory_space<semaphore_mem>>) src(%dma_wait3A_337 : memref<100000x1024xf32, #tpu.memory_space<hbm>>) dst(%dma_wait3A_331 : memref<8x1024xf32, #tpu.memory_space<vmem>>)
      %dma_wait3A_340 = arith.constant 3 : i32
      %dma_wait3A_341 = arith.constant 3 : i32
      %dma_wait3A_342 = arith.constant 3 : i32
      %dma_wait3A_343 = arith.constant 0 : i32
      %dma_wait3A_344 = arith.constant 0 : i32
      %dma_wait3A_345 = tpu.memref_slice %arg7[%dma_wait3A_341, %rem3A_272, %dma_wait3A_343, %dma_wait3A_344] : memref<4x3x8x1024xf32, #tpu.memory_space<vmem>> -> memref<1x1x8x1024xf32, #tpu.memory_space<vmem>>
      %dma_wait3A_346 = tpu.memref_squeeze %dma_wait3A_345 : memref<1x1x8x1024xf32, #tpu.memory_space<vmem>> -> memref<8x1024xf32, #tpu.memory_space<vmem>>
      %dma_wait3A_347 = arith.constant 0 : i32
      %dma_wait3A_348 = tpu.memref_slice %arg6[%dma_wait3A_340, %dma_wait3A_347] : memref<4x128xi32, #tpu.memory_space<vmem>> -> memref<1x8xi32, #tpu.memory_space<vmem>>
      %dma_wait3A_349 = tpu.memref_squeeze %dma_wait3A_348 : memref<1x8xi32, #tpu.memory_space<vmem>> -> memref<8xi32, #tpu.memory_space<vmem>>
      %dma_wait3A_350 = arith.constant 0 : i32
      %dma_wait3A_351 = arith.constant 0 : i32
      %dma_wait3A_352 = tpu.memref_slice %arg2[%dma_wait3A_350, %dma_wait3A_351] : memref<100000x1024xf32, #tpu.memory_space<hbm>> -> memref<100000x1024xf32, #tpu.memory_space<hbm>>
      %dma_wait3A_353 = tpu.memref_slice %arg9[%dma_wait3A_342, %rem3A_272] : memref<4x3x!tpu.dma_semaphore, #tpu.memory_space<semaphore_mem>> -> memref<1x1x!tpu.dma_semaphore, #tpu.memory_space<semaphore_mem>>
      %dma_wait3A_354 = tpu.memref_squeeze %dma_wait3A_353 : memref<1x1x!tpu.dma_semaphore, #tpu.memory_space<semaphore_mem>> -> memref<!tpu.dma_semaphore, #tpu.memory_space<semaphore_mem>>
      tpu.wait_indirect_dma semaphore(%dma_wait3A_354 : memref<!tpu.dma_semaphore, #tpu.memory_space<semaphore_mem>>) src(%dma_wait3A_352 : memref<100000x1024xf32, #tpu.memory_space<hbm>>) dst(%dma_wait3A_346 : memref<8x1024xf32, #tpu.memory_space<vmem>>)
      %scan3A_355 = arith.constant 0 : i32
      %scan3A_356 = arith.constant 8 : i32
      %scan3A_357 = arith.addi %scan3A_355, %scan3A_356 : i32
      %scan3A_358 = arith.constant 1 : i32
      scf.for %scan3A_448 = %scan3A_355 to %scan3A_357 step %scan3A_358  : i32 {
        %mul3A_449 = arith.constant 1 : i32
        %mul3A_450 = arith.muli %scan3A_448, %mul3A_449 : i32
        %add3A_451 = arith.constant 0 : i32
        %add3A_452 = arith.addi %add3A_451, %mul3A_450 : i32
        %get3A = arith.index_cast %rem3A_270 : i32 to index
        %get3A_453 = arith.index_cast %add3A_452 : i32 to index
        %get3A_454 = arith.constant 0 : index
        %get3A_455 = tpu.vector_load %arg8[%get3A, %get3A_453, %get3A_454] {strides = array<i32>} : memref<2x8x1024xf32, #tpu.memory_space<vmem>>, vector<1x1x16xf32>,
        %get3A_456 = vector.shape_cast %get3A_455 : vector<1x1x16xf32> to vector<16xf32>
        %get3A_457 = arith.index_cast %rem3A_270 : i32 to index
        %get3A_458 = arith.index_cast %add3A_452 : i32 to index
        %get3A_459 = arith.constant 16 : index
        %get3A_460 = tpu.vector_load %arg8[%get3A_457, %get3A_458, %get3A_459] {strides = array<i32>} : memref<2x8x1024xf32, #tpu.memory_space<vmem>>, vector<1x1x16xf32>,
        %get3A_461 = vector.shape_cast %get3A_460 : vector<1x1x16xf32> to vector<16xf32>
        %get3A_462 = arith.index_cast %rem3A_270 : i32 to index
        %get3A_463 = arith.index_cast %add3A_452 : i32 to index
        %get3A_464 = arith.constant 32 : index
        %get3A_465 = tpu.vector_load %arg8[%get3A_462, %get3A_463, %get3A_464] {strides = array<i32>} : memref<2x8x1024xf32, #tpu.memory_space<vmem>>, vector<1x1x16xf32>,
        %get3A_466 = vector.shape_cast %get3A_465 : vector<1x1x16xf32> to vector<16xf32>
        %get3A_467 = arith.index_cast %rem3A_270 : i32 to index
        %get3A_468 = arith.index_cast %add3A_452 : i32 to index
        %get3A_469 = arith.constant 48 : index
        %get3A_470 = tpu.vector_load %arg8[%get3A_467, %get3A_468, %get3A_469] {strides = array<i32>} : memref<2x8x1024xf32, #tpu.memory_space<vmem>>, vector<1x1x16xf32>,
        %get3A_471 = vector.shape_cast %get3A_470 : vector<1x1x16xf32> to vector<16xf32>
        %get3A_472 = arith.index_cast %rem3A_270 : i32 to index
        %get3A_473 = arith.index_cast %add3A_452 : i32 to index
        %get3A_474 = arith.constant 64 : index
        %get3A_475 = tpu.vector_load %arg8[%get3A_472, %get3A_473, %get3A_474] {strides = array<i32>} : memref<2x8x1024xf32, #tpu.memory_space<vmem>>, vector<1x1x16xf32>,
        %get3A_476 = vector.shape_cast %get3A_475 : vector<1x1x16xf32> to vector<16xf32>
        %get3A_477 = arith.index_cast %rem3A_270 : i32 to index
        %get3A_478 = arith.index_cast %add3A_452 : i32 to index
        %get3A_479 = arith.constant 80 : index
        %get3A_480 = tpu.vector_load %arg8[%get3A_477, %get3A_478, %get3A_479] {strides = array<i32>} : memref<2x8x1024xf32, #tpu.memory_space<vmem>>, vector<1x1x16xf32>,
        %get3A_481 = vector.shape_cast %get3A_480 : vector<1x1x16xf32> to vector<16xf32>
        %get3A_482 = arith.index_cast %rem3A_270 : i32 to index
        %get3A_483 = arith.index_cast %add3A_452 : i32 to index
        %get3A_484 = arith.constant 96 : index
        %get3A_485 = tpu.vector_load %arg8[%get3A_482, %get3A_483, %get3A_484] {strides = array<i32>} : memref<2x8x1024xf32, #tpu.memory_space<vmem>>, vector<1x1x16xf32>,
        %get3A_486 = vector.shape_cast %get3A_485 : vector<1x1x16xf32> to vector<16xf32>
        %get3A_487 = arith.index_cast %rem3A_270 : i32 to index
        %get3A_488 = arith.index_cast %add3A_452 : i32 to index
        %get3A_489 = arith.constant 112 : index
        %get3A_490 = tpu.vector_load %arg8[%get3A_487, %get3A_488, %get3A_489] {strides = array<i32>} : memref<2x8x1024xf32, #tpu.memory_space<vmem>>, vector<1x1x16xf32>,
        %get3A_491 = vector.shape_cast %get3A_490 : vector<1x1x16xf32> to vector<16xf32>
        %get3A_492 = arith.index_cast %rem3A_270 : i32 to index
        %get3A_493 = arith.index_cast %add3A_452 : i32 to index
        %get3A_494 = arith.constant 128 : index
        %get3A_495 = tpu.vector_load %arg8[%get3A_492, %get3A_493, %get3A_494] {strides = array<i32>} : memref<2x8x1024xf32, #tpu.memory_space<vmem>>, vector<1x1x16xf32>,
        %get3A_496 = vector.shape_cast %get3A_495 : vector<1x1x16xf32> to vector<16xf32>
        %get3A_497 = arith.index_cast %rem3A_270 : i32 to index
        %get3A_498 = arith.index_cast %add3A_452 : i32 to index
        %get3A_499 = arith.constant 144 : index
        %get3A_500 = tpu.vector_load %arg8[%get3A_497, %get3A_498, %get3A_499] {strides = array<i32>} : memref<2x8x1024xf32, #tpu.memory_space<vmem>>, vector<1x1x16xf32>,
        %get3A_501 = vector.shape_cast %get3A_500 : vector<1x1x16xf32> to vector<16xf32>
        %get3A_502 = arith.index_cast %rem3A_270 : i32 to index
        %get3A_503 = arith.index_cast %add3A_452 : i32 to index
        %get3A_504 = arith.constant 160 : index
        %get3A_505 = tpu.vector_load %arg8[%get3A_502, %get3A_503, %get3A_504] {strides = array<i32>} : memref<2x8x1024xf32, #tpu.memory_space<vmem>>, vector<1x1x16xf32>,
        %get3A_506 = vector.shape_cast %get3A_505 : vector<1x1x16xf32> to vector<16xf32>
        %get3A_507 = arith.index_cast %rem3A_270 : i32 to index
        %get3A_508 = arith.index_cast %add3A_452 : i32 to index
        %get3A_509 = arith.constant 176 : index
        %get3A_510 = tpu.vector_load %arg8[%get3A_507, %get3A_508, %get3A_509] {strides = array<i32>} : memref<2x8x1024xf32, #tpu.memory_space<vmem>>, vector<1x1x16xf32>,
        %get3A_511 = vector.shape_cast %get3A_510 : vector<1x1x16xf32> to vector<16xf32>
        %get3A_512 = arith.index_cast %rem3A_270 : i32 to index
        %get3A_513 = arith.index_cast %add3A_452 : i32 to index
        %get3A_514 = arith.constant 192 : index
        %get3A_515 = tpu.vector_load %arg8[%get3A_512, %get3A_513, %get3A_514] {strides = array<i32>} : memref<2x8x1024xf32, #tpu.memory_space<vmem>>, vector<1x1x16xf32>,
        %get3A_516 = vector.shape_cast %get3A_515 : vector<1x1x16xf32> to vector<16xf32>
        %get3A_517 = arith.index_cast %rem3A_270 : i32 to index
        %get3A_518 = arith.index_cast %add3A_452 : i32 to index
        %get3A_519 = arith.constant 208 : index
        %get3A_520 = tpu.vector_load %arg8[%get3A_517, %get3A_518, %get3A_519] {strides = array<i32>} : memref<2x8x1024xf32, #tpu.memory_space<vmem>>, vector<1x1x16xf32>,
        %get3A_521 = vector.shape_cast %get3A_520 : vector<1x1x16xf32> to vector<16xf32>
        %get3A_522 = arith.index_cast %rem3A_270 : i32 to index
        %get3A_523 = arith.index_cast %add3A_452 : i32 to index
        %get3A_524 = arith.constant 224 : index
        %get3A_525 = tpu.vector_load %arg8[%get3A_522, %get3A_523, %get3A_524] {strides = array<i32>} : memref<2x8x1024xf32, #tpu.memory_space<vmem>>, vector<1x1x16xf32>,
        %get3A_526 = vector.shape_cast %get3A_525 : vector<1x1x16xf32> to vector<16xf32>
        %get3A_527 = arith.index_cast %rem3A_270 : i32 to index
        %get3A_528 = arith.index_cast %add3A_452 : i32 to index
        %get3A_529 = arith.constant 240 : index
        %get3A_530 = tpu.vector_load %arg8[%get3A_527, %get3A_528, %get3A_529] {strides = array<i32>} : memref<2x8x1024xf32, #tpu.memory_space<vmem>>, vector<1x1x16xf32>,
        %get3A_531 = vector.shape_cast %get3A_530 : vector<1x1x16xf32> to vector<16xf32>
        %swap3A = arith.constant 0 : i32
        %swap3A_532 = arith.index_cast %swap3A : i32 to index
        %swap3A_533 = arith.index_cast %rem3A_272 : i32 to index
        %swap3A_534 = arith.index_cast %add3A_452 : i32 to index
        %swap3A_535 = arith.constant 0 : index
        %swap3A_536 = tpu.vector_load %arg7[%swap3A_532, %swap3A_533, %swap3A_534, %swap3A_535] {strides = array<i32>} : memref<4x3x8x1024xf32, #tpu.memory_space<vmem>>, vector<1x1x1x16xf32>,
        %swap3A_537 = vector.shape_cast %swap3A_536 : vector<1x1x1x16xf32> to vector<16xf32>
        %swap3A_538 = vector.shape_cast %get3A_456 : vector<16xf32> to vector<1x1x1x16xf32>
        tpu.vector_store %arg7[%swap3A_532, %swap3A_533, %swap3A_534, %swap3A_535], %swap3A_538 {add = true, strides = array<i32>} : memref<4x3x8x1024xf32, #tpu.memory_space<vmem>>, vector<1x1x1x16xf32>,
        %swap3A_539 = arith.constant 0 : i32
        %swap3A_540 = arith.index_cast %swap3A_539 : i32 to index
        %swap3A_541 = arith.index_cast %rem3A_272 : i32 to index
        %swap3A_542 = arith.index_cast %add3A_452 : i32 to index
        %swap3A_543 = arith.constant 16 : index
        %swap3A_544 = tpu.vector_load %arg7[%swap3A_540, %swap3A_541, %swap3A_542, %swap3A_543] {strides = array<i32>} : memref<4x3x8x1024xf32, #tpu.memory_space<vmem>>, vector<1x1x1x16xf32>,
        %swap3A_545 = vector.shape_cast %swap3A_544 : vector<1x1x1x16xf32> to vector<16xf32>
        %swap3A_546 = vector.shape_cast %get3A_461 : vector<16xf32> to vector<1x1x1x16xf32>
        tpu.vector_store %arg7[%swap3A_540, %swap3A_541, %swap3A_542, %swap3A_543], %swap3A_546 {add = true, strides = array<i32>} : memref<4x3x8x1024xf32, #tpu.memory_space<vmem>>, vector<1x1x1x16xf32>,
        %swap3A_547 = arith.constant 0 : i32
        %swap3A_548 = arith.index_cast %swap3A_547 : i32 to index
        %swap3A_549 = arith.index_cast %rem3A_272 : i32 to index
        %swap3A_550 = arith.index_cast %add3A_452 : i32 to index
        %swap3A_551 = arith.constant 32 : index
        %swap3A_552 = tpu.vector_load %arg7[%swap3A_548, %swap3A_549, %swap3A_550, %swap3A_551] {strides = array<i32>} : memref<4x3x8x1024xf32, #tpu.memory_space<vmem>>, vector<1x1x1x16xf32>,
        %swap3A_553 = vector.shape_cast %swap3A_552 : vector<1x1x1x16xf32> to vector<16xf32>
        %swap3A_554 = vector.shape_cast %get3A_466 : vector<16xf32> to vector<1x1x1x16xf32>
        tpu.vector_store %arg7[%swap3A_548, %swap3A_549, %swap3A_550, %swap3A_551], %swap3A_554 {add = true, strides = array<i32>} : memref<4x3x8x1024xf32, #tpu.memory_space<vmem>>, vector<1x1x1x16xf32>,
        %swap3A_555 = arith.constant 0 : i32
        %swap3A_556 = arith.index_cast %swap3A_555 : i32 to index
        %swap3A_557 = arith.index_cast %rem3A_272 : i32 to index
        %swap3A_558 = arith.index_cast %add3A_452 : i32 to index
        %swap3A_559 = arith.constant 48 : index
        %swap3A_560 = tpu.vector_load %arg7[%swap3A_556, %swap3A_557, %swap3A_558, %swap3A_559] {strides = array<i32>} : memref<4x3x8x1024xf32, #tpu.memory_space<vmem>>, vector<1x1x1x16xf32>,
        %swap3A_561 = vector.shape_cast %swap3A_560 : vector<1x1x1x16xf32> to vector<16xf32>
        %swap3A_562 = vector.shape_cast %get3A_471 : vector<16xf32> to vector<1x1x1x16xf32>
        tpu.vector_store %arg7[%swap3A_556, %swap3A_557, %swap3A_558, %swap3A_559], %swap3A_562 {add = true, strides = array<i32>} : memref<4x3x8x1024xf32, #tpu.memory_space<vmem>>, vector<1x1x1x16xf32>,
        %swap3A_563 = arith.constant 0 : i32
        %swap3A_564 = arith.index_cast %swap3A_563 : i32 to index
        %swap3A_565 = arith.index_cast %rem3A_272 : i32 to index
        %swap3A_566 = arith.index_cast %add3A_452 : i32 to index
        %swap3A_567 = arith.constant 64 : index
        %swap3A_568 = tpu.vector_load %arg7[%swap3A_564, %swap3A_565, %swap3A_566, %swap3A_567] {strides = array<i32>} : memref<4x3x8x1024xf32, #tpu.memory_space<vmem>>, vector<1x1x1x16xf32>,
        %swap3A_569 = vector.shape_cast %swap3A_568 : vector<1x1x1x16xf32> to vector<16xf32>
        %swap3A_570 = vector.shape_cast %get3A_476 : vector<16xf32> to vector<1x1x1x16xf32>
        tpu.vector_store %arg7[%swap3A_564, %swap3A_565, %swap3A_566, %swap3A_567], %swap3A_570 {add = true, strides = array<i32>} : memref<4x3x8x1024xf32, #tpu.memory_space<vmem>>, vector<1x1x1x16xf32>,
        %swap3A_571 = arith.constant 0 : i32
        %swap3A_572 = arith.index_cast %swap3A_571 : i32 to index
        %swap3A_573 = arith.index_cast %rem3A_272 : i32 to index
        %swap3A_574 = arith.index_cast %add3A_452 : i32 to index
        %swap3A_575 = arith.constant 80 : index
        %swap3A_576 = tpu.vector_load %arg7[%swap3A_572, %swap3A_573, %swap3A_574, %swap3A_575] {strides = array<i32>} : memref<4x3x8x1024xf32, #tpu.memory_space<vmem>>, vector<1x1x1x16xf32>,
        %swap3A_577 = vector.shape_cast %swap3A_576 : vector<1x1x1x16xf32> to vector<16xf32>
        %swap3A_578 = vector.shape_cast %get3A_481 : vector<16xf32> to vector<1x1x1x16xf32>
        tpu.vector_store %arg7[%swap3A_572, %swap3A_573, %swap3A_574, %swap3A_575], %swap3A_578 {add = true, strides = array<i32>} : memref<4x3x8x1024xf32, #tpu.memory_space<vmem>>, vector<1x1x1x16xf32>,
        %swap3A_579 = arith.constant 0 : i32
        %swap3A_580 = arith.index_cast %swap3A_579 : i32 to index
        %swap3A_581 = arith.index_cast %rem3A_272 : i32 to index
        %swap3A_582 = arith.index_cast %add3A_452 : i32 to index
        %swap3A_583 = arith.constant 96 : index
        %swap3A_584 = tpu.vector_load %arg7[%swap3A_580, %swap3A_581, %swap3A_582, %swap3A_583] {strides = array<i32>} : memref<4x3x8x1024xf32, #tpu.memory_space<vmem>>, vector<1x1x1x16xf32>,
        %swap3A_585 = vector.shape_cast %swap3A_584 : vector<1x1x1x16xf32> to vector<16xf32>
        %swap3A_586 = vector.shape_cast %get3A_486 : vector<16xf32> to vector<1x1x1x16xf32>
        tpu.vector_store %arg7[%swap3A_580, %swap3A_581, %swap3A_582, %swap3A_583], %swap3A_586 {add = true, strides = array<i32>} : memref<4x3x8x1024xf32, #tpu.memory_space<vmem>>, vector<1x1x1x16xf32>,
        %swap3A_587 = arith.constant 0 : i32
        %swap3A_588 = arith.index_cast %swap3A_587 : i32 to index
        %swap3A_589 = arith.index_cast %rem3A_272 : i32 to index
        %swap3A_590 = arith.index_cast %add3A_452 : i32 to index
        %swap3A_591 = arith.constant 112 : index
        %swap3A_592 = tpu.vector_load %arg7[%swap3A_588, %swap3A_589, %swap3A_590, %swap3A_591] {strides = array<i32>} : memref<4x3x8x1024xf32, #tpu.memory_space<vmem>>, vector<1x1x1x16xf32>,
        %swap3A_593 = vector.shape_cast %swap3A_592 : vector<1x1x1x16xf32> to vector<16xf32>
        %swap3A_594 = vector.shape_cast %get3A_491 : vector<16xf32> to vector<1x1x1x16xf32>
        tpu.vector_store %arg7[%swap3A_588, %swap3A_589, %swap3A_590, %swap3A_591], %swap3A_594 {add = true, strides = array<i32>} : memref<4x3x8x1024xf32, #tpu.memory_space<vmem>>, vector<1x1x1x16xf32>,
        %swap3A_595 = arith.constant 0 : i32
        %swap3A_596 = arith.index_cast %swap3A_595 : i32 to index
        %swap3A_597 = arith.index_cast %rem3A_272 : i32 to index
        %swap3A_598 = arith.index_cast %add3A_452 : i32 to index
        %swap3A_599 = arith.constant 128 : index
        %swap3A_600 = tpu.vector_load %arg7[%swap3A_596, %swap3A_597, %swap3A_598, %swap3A_599] {strides = array<i32>} : memref<4x3x8x1024xf32, #tpu.memory_space<vmem>>, vector<1x1x1x16xf32>,
        %swap3A_601 = vector.shape_cast %swap3A_600 : vector<1x1x1x16xf32> to vector<16xf32>
        %swap3A_602 = vector.shape_cast %get3A_496 : vector<16xf32> to vector<1x1x1x16xf32>
        tpu.vector_store %arg7[%swap3A_596, %swap3A_597, %swap3A_598, %swap3A_599], %swap3A_602 {add = true, strides = array<i32>} : memref<4x3x8x1024xf32, #tpu.memory_space<vmem>>, vector<1x1x1x16xf32>,
        %swap3A_603 = arith.constant 0 : i32
        %swap3A_604 = arith.index_cast %swap3A_603 : i32 to index
        %swap3A_605 = arith.index_cast %rem3A_272 : i32 to index
        %swap3A_606 = arith.index_cast %add3A_452 : i32 to index
        %swap3A_607 = arith.constant 144 : index
        %swap3A_608 = tpu.vector_load %arg7[%swap3A_604, %swap3A_605, %swap3A_606, %swap3A_607] {strides = array<i32>} : memref<4x3x8x1024xf32, #tpu.memory_space<vmem>>, vector<1x1x1x16xf32>,
        %swap3A_609 = vector.shape_cast %swap3A_608 : vector<1x1x1x16xf32> to vector<16xf32>
        %swap3A_610 = vector.shape_cast %get3A_501 : vector<16xf32> to vector<1x1x1x16xf32>
        tpu.vector_store %arg7[%swap3A_604, %swap3A_605, %swap3A_606, %swap3A_607], %swap3A_610 {add = true, strides = array<i32>} : memref<4x3x8x1024xf32, #tpu.memory_space<vmem>>, vector<1x1x1x16xf32>,
        %swap3A_611 = arith.constant 0 : i32
        %swap3A_612 = arith.index_cast %swap3A_611 : i32 to index
        %swap3A_613 = arith.index_cast %rem3A_272 : i32 to index
        %swap3A_614 = arith.index_cast %add3A_452 : i32 to index
        %swap3A_615 = arith.constant 160 : index
        %swap3A_616 = tpu.vector_load %arg7[%swap3A_612, %swap3A_613, %swap3A_614, %swap3A_615] {strides = array<i32>} : memref<4x3x8x1024xf32, #tpu.memory_space<vmem>>, vector<1x1x1x16xf32>,
        %swap3A_617 = vector.shape_cast %swap3A_616 : vector<1x1x1x16xf32> to vector<16xf32>
        %swap3A_618 = vector.shape_cast %get3A_506 : vector<16xf32> to vector<1x1x1x16xf32>
        tpu.vector_store %arg7[%swap3A_612, %swap3A_613, %swap3A_614, %swap3A_615], %swap3A_618 {add = true, strides = array<i32>} : memref<4x3x8x1024xf32, #tpu.memory_space<vmem>>, vector<1x1x1x16xf32>,
        %swap3A_619 = arith.constant 0 : i32
        %swap3A_620 = arith.index_cast %swap3A_619 : i32 to index
        %swap3A_621 = arith.index_cast %rem3A_272 : i32 to index
        %swap3A_622 = arith.index_cast %add3A_452 : i32 to index
        %swap3A_623 = arith.constant 176 : index
        %swap3A_624 = tpu.vector_load %arg7[%swap3A_620, %swap3A_621, %swap3A_622, %swap3A_623] {strides = array<i32>} : memref<4x3x8x1024xf32, #tpu.memory_space<vmem>>, vector<1x1x1x16xf32>,
        %swap3A_625 = vector.shape_cast %swap3A_624 : vector<1x1x1x16xf32> to vector<16xf32>
        %swap3A_626 = vector.shape_cast %get3A_511 : vector<16xf32> to vector<1x1x1x16xf32>
        tpu.vector_store %arg7[%swap3A_620, %swap3A_621, %swap3A_622, %swap3A_623], %swap3A_626 {add = true, strides = array<i32>} : memref<4x3x8x1024xf32, #tpu.memory_space<vmem>>, vector<1x1x1x16xf32>,
        %swap3A_627 = arith.constant 0 : i32
        %swap3A_628 = arith.index_cast %swap3A_627 : i32 to index
        %swap3A_629 = arith.index_cast %rem3A_272 : i32 to index
        %swap3A_630 = arith.index_cast %add3A_452 : i32 to index
        %swap3A_631 = arith.constant 192 : index
        %swap3A_632 = tpu.vector_load %arg7[%swap3A_628, %swap3A_629, %swap3A_630, %swap3A_631] {strides = array<i32>} : memref<4x3x8x1024xf32, #tpu.memory_space<vmem>>, vector<1x1x1x16xf32>,
        %swap3A_633 = vector.shape_cast %swap3A_632 : vector<1x1x1x16xf32> to vector<16xf32>
        %swap3A_634 = vector.shape_cast %get3A_516 : vector<16xf32> to vector<1x1x1x16xf32>
        tpu.vector_store %arg7[%swap3A_628, %swap3A_629, %swap3A_630, %swap3A_631], %swap3A_634 {add = true, strides = array<i32>} : memref<4x3x8x1024xf32, #tpu.memory_space<vmem>>, vector<1x1x1x16xf32>,
        %swap3A_635 = arith.constant 0 : i32
        %swap3A_636 = arith.index_cast %swap3A_635 : i32 to index
        %swap3A_637 = arith.index_cast %rem3A_272 : i32 to index
        %swap3A_638 = arith.index_cast %add3A_452 : i32 to index
        %swap3A_639 = arith.constant 208 : index
        %swap3A_640 = tpu.vector_load %arg7[%swap3A_636, %swap3A_637, %swap3A_638, %swap3A_639] {strides = array<i32>} : memref<4x3x8x1024xf32, #tpu.memory_space<vmem>>, vector<1x1x1x16xf32>,
        %swap3A_641 = vector.shape_cast %swap3A_640 : vector<1x1x1x16xf32> to vector<16xf32>
        %swap3A_642 = vector.shape_cast %get3A_521 : vector<16xf32> to vector<1x1x1x16xf32>
        tpu.vector_store %arg7[%swap3A_636, %swap3A_637, %swap3A_638, %swap3A_639], %swap3A_642 {add = true, strides = array<i32>} : memref<4x3x8x1024xf32, #tpu.memory_space<vmem>>, vector<1x1x1x16xf32>,
        %swap3A_643 = arith.constant 0 : i32
        %swap3A_644 = arith.index_cast %swap3A_643 : i32 to index
        %swap3A_645 = arith.index_cast %rem3A_272 : i32 to index
        %swap3A_646 = arith.index_cast %add3A_452 : i32 to index
        %swap3A_647 = arith.constant 224 : index
        %swap3A_648 = tpu.vector_load %arg7[%swap3A_644, %swap3A_645, %swap3A_646, %swap3A_647] {strides = array<i32>} : memref<4x3x8x1024xf32, #tpu.memory_space<vmem>>, vector<1x1x1x16xf32>,
        %swap3A_649 = vector.shape_cast %swap3A_648 : vector<1x1x1x16xf32> to vector<16xf32>
        %swap3A_650 = vector.shape_cast %get3A_526 : vector<16xf32> to vector<1x1x1x16xf32>
        tpu.vector_store %arg7[%swap3A_644, %swap3A_645, %swap3A_646, %swap3A_647], %swap3A_650 {add = true, strides = array<i32>} : memref<4x3x8x1024xf32, #tpu.memory_space<vmem>>, vector<1x1x1x16xf32>,
        %swap3A_651 = arith.constant 0 : i32
        %swap3A_652 = arith.index_cast %swap3A_651 : i32 to index
        %swap3A_653 = arith.index_cast %rem3A_272 : i32 to index
        %swap3A_654 = arith.index_cast %add3A_452 : i32 to index
        %swap3A_655 = arith.constant 240 : index
        %swap3A_656 = tpu.vector_load %arg7[%swap3A_652, %swap3A_653, %swap3A_654, %swap3A_655] {strides = array<i32>} : memref<4x3x8x1024xf32, #tpu.memory_space<vmem>>, vector<1x1x1x16xf32>,
        %swap3A_657 = vector.shape_cast %swap3A_656 : vector<1x1x1x16xf32> to vector<16xf32>
        %swap3A_658 = vector.shape_cast %get3A_531 : vector<16xf32> to vector<1x1x1x16xf32>
        tpu.vector_store %arg7[%swap3A_652, %swap3A_653, %swap3A_654, %swap3A_655], %swap3A_658 {add = true, strides = array<i32>} : memref<4x3x8x1024xf32, #tpu.memory_space<vmem>>, vector<1x1x1x16xf32>,
        %swap3A_659 = arith.constant 1 : i32
        %swap3A_660 = arith.index_cast %swap3A_659 : i32 to index
        %swap3A_661 = arith.index_cast %rem3A_272 : i32 to index
        %swap3A_662 = arith.index_cast %add3A_452 : i32 to index
        %swap3A_663 = arith.constant 0 : index
        %swap3A_664 = tpu.vector_load %arg7[%swap3A_660, %swap3A_661, %swap3A_662, %swap3A_663] {strides = array<i32>} : memref<4x3x8x1024xf32, #tpu.memory_space<vmem>>, vector<1x1x1x16xf32>,
        %swap3A_665 = vector.shape_cast %swap3A_664 : vector<1x1x1x16xf32> to vector<16xf32>
        %swap3A_666 = vector.shape_cast %get3A_456 : vector<16xf32> to vector<1x1x1x16xf32>
        tpu.vector_store %arg7[%swap3A_660, %swap3A_661, %swap3A_662, %swap3A_663], %swap3A_666 {add = true, strides = array<i32>} : memref<4x3x8x1024xf32, #tpu.memory_space<vmem>>, vector<1x1x1x16xf32>,
        %swap3A_667 = arith.constant 1 : i32
        %swap3A_668 = arith.index_cast %swap3A_667 : i32 to index
        %swap3A_669 = arith.index_cast %rem3A_272 : i32 to index
        %swap3A_670 = arith.index_cast %add3A_452 : i32 to index
        %swap3A_671 = arith.constant 16 : index
        %swap3A_672 = tpu.vector_load %arg7[%swap3A_668, %swap3A_669, %swap3A_670, %swap3A_671] {strides = array<i32>} : memref<4x3x8x1024xf32, #tpu.memory_space<vmem>>, vector<1x1x1x16xf32>,
        %swap3A_673 = vector.shape_cast %swap3A_672 : vector<1x1x1x16xf32> to vector<16xf32>
        %swap3A_674 = vector.shape_cast %get3A_461 : vector<16xf32> to vector<1x1x1x16xf32>
        tpu.vector_store %arg7[%swap3A_668, %swap3A_669, %swap3A_670, %swap3A_671], %swap3A_674 {add = true, strides = array<i32>} : memref<4x3x8x1024xf32, #tpu.memory_space<vmem>>, vector<1x1x1x16xf32>,
        %swap3A_675 = arith.constant 1 : i32
        %swap3A_676 = arith.index_cast %swap3A_675 : i32 to index
        %swap3A_677 = arith.index_cast %rem3A_272 : i32 to index
        %swap3A_678 = arith.index_cast %add3A_452 : i32 to index
        %swap3A_679 = arith.constant 32 : index
        %swap3A_680 = tpu.vector_load %arg7[%swap3A_676, %swap3A_677, %swap3A_678, %swap3A_679] {strides = array<i32>} : memref<4x3x8x1024xf32, #tpu.memory_space<vmem>>, vector<1x1x1x16xf32>,
        %swap3A_681 = vector.shape_cast %swap3A_680 : vector<1x1x1x16xf32> to vector<16xf32>
        %swap3A_682 = vector.shape_cast %get3A_466 : vector<16xf32> to vector<1x1x1x16xf32>
        tpu.vector_store %arg7[%swap3A_676, %swap3A_677, %swap3A_678, %swap3A_679], %swap3A_682 {add = true, strides = array<i32>} : memref<4x3x8x1024xf32, #tpu.memory_space<vmem>>, vector<1x1x1x16xf32>,
        %swap3A_683 = arith.constant 1 : i32
        %swap3A_684 = arith.index_cast %swap3A_683 : i32 to index
        %swap3A_685 = arith.index_cast %rem3A_272 : i32 to index
        %swap3A_686 = arith.index_cast %add3A_452 : i32 to index
        %swap3A_687 = arith.constant 48 : index
        %swap3A_688 = tpu.vector_load %arg7[%swap3A_684, %swap3A_685, %swap3A_686, %swap3A_687] {strides = array<i32>} : memref<4x3x8x1024xf32, #tpu.memory_space<vmem>>, vector<1x1x1x16xf32>,
        %swap3A_689 = vector.shape_cast %swap3A_688 : vector<1x1x1x16xf32> to vector<16xf32>
        %swap3A_690 = vector.shape_cast %get3A_471 : vector<16xf32> to vector<1x1x1x16xf32>
        tpu.vector_store %arg7[%swap3A_684, %swap3A_685, %swap3A_686, %swap3A_687], %swap3A_690 {add = true, strides = array<i32>} : memref<4x3x8x1024xf32, #tpu.memory_space<vmem>>, vector<1x1x1x16xf32>,
        %swap3A_691 = arith.constant 1 : i32
        %swap3A_692 = arith.index_cast %swap3A_691 : i32 to index
        %swap3A_693 = arith.index_cast %rem3A_272 : i32 to index
        %swap3A_694 = arith.index_cast %add3A_452 : i32 to index
        %swap3A_695 = arith.constant 64 : index
        %swap3A_696 = tpu.vector_load %arg7[%swap3A_692, %swap3A_693, %swap3A_694, %swap3A_695] {strides = array<i32>} : memref<4x3x8x1024xf32, #tpu.memory_space<vmem>>, vector<1x1x1x16xf32>,
        %swap3A_697 = vector.shape_cast %swap3A_696 : vector<1x1x1x16xf32> to vector<16xf32>
        %swap3A_698 = vector.shape_cast %get3A_476 : vector<16xf32> to vector<1x1x1x16xf32>
        tpu.vector_store %arg7[%swap3A_692, %swap3A_693, %swap3A_694, %swap3A_695], %swap3A_698 {add = true, strides = array<i32>} : memref<4x3x8x1024xf32, #tpu.memory_space<vmem>>, vector<1x1x1x16xf32>,
        %swap3A_699 = arith.constant 1 : i32
        %swap3A_700 = arith.index_cast %swap3A_699 : i32 to index
        %swap3A_701 = arith.index_cast %rem3A_272 : i32 to index
        %swap3A_702 = arith.index_cast %add3A_452 : i32 to index
        %swap3A_703 = arith.constant 80 : index
        %swap3A_704 = tpu.vector_load %arg7[%swap3A_700, %swap3A_701, %swap3A_702, %swap3A_703] {strides = array<i32>} : memref<4x3x8x1024xf32, #tpu.memory_space<vmem>>, vector<1x1x1x16xf32>,
        %swap3A_705 = vector.shape_cast %swap3A_704 : vector<1x1x1x16xf32> to vector<16xf32>
        %swap3A_706 = vector.shape_cast %get3A_481 : vector<16xf32> to vector<1x1x1x16xf32>
        tpu.vector_store %arg7[%swap3A_700, %swap3A_701, %swap3A_702, %swap3A_703], %swap3A_706 {add = true, strides = array<i32>} : memref<4x3x8x1024xf32, #tpu.memory_space<vmem>>, vector<1x1x1x16xf32>,
        %swap3A_707 = arith.constant 1 : i32
        %swap3A_708 = arith.index_cast %swap3A_707 : i32 to index
        %swap3A_709 = arith.index_cast %rem3A_272 : i32 to index
        %swap3A_710 = arith.index_cast %add3A_452 : i32 to index
        %swap3A_711 = arith.constant 96 : index
        %swap3A_712 = tpu.vector_load %arg7[%swap3A_708, %swap3A_709, %swap3A_710, %swap3A_711] {strides = array<i32>} : memref<4x3x8x1024xf32, #tpu.memory_space<vmem>>, vector<1x1x1x16xf32>,
        %swap3A_713 = vector.shape_cast %swap3A_712 : vector<1x1x1x16xf32> to vector<16xf32>
        %swap3A_714 = vector.shape_cast %get3A_486 : vector<16xf32> to vector<1x1x1x16xf32>
        tpu.vector_store %arg7[%swap3A_708, %swap3A_709, %swap3A_710, %swap3A_711], %swap3A_714 {add = true, strides = array<i32>} : memref<4x3x8x1024xf32, #tpu.memory_space<vmem>>, vector<1x1x1x16xf32>,
        %swap3A_715 = arith.constant 1 : i32
        %swap3A_716 = arith.index_cast %swap3A_715 : i32 to index
        %swap3A_717 = arith.index_cast %rem3A_272 : i32 to index
        %swap3A_718 = arith.index_cast %add3A_452 : i32 to index
        %swap3A_719 = arith.constant 112 : index
        %swap3A_720 = tpu.vector_load %arg7[%swap3A_716, %swap3A_717, %swap3A_718, %swap3A_719] {strides = array<i32>} : memref<4x3x8x1024xf32, #tpu.memory_space<vmem>>, vector<1x1x1x16xf32>,
        %swap3A_721 = vector.shape_cast %swap3A_720 : vector<1x1x1x16xf32> to vector<16xf32>
        %swap3A_722 = vector.shape_cast %get3A_491 : vector<16xf32> to vector<1x1x1x16xf32>
        tpu.vector_store %arg7[%swap3A_716, %swap3A_717, %swap3A_718, %swap3A_719], %swap3A_722 {add = true, strides = array<i32>} : memref<4x3x8x1024xf32, #tpu.memory_space<vmem>>, vector<1x1x1x16xf32>,
        %swap3A_723 = arith.constant 1 : i32
        %swap3A_724 = arith.index_cast %swap3A_723 : i32 to index
        %swap3A_725 = arith.index_cast %rem3A_272 : i32 to index
        %swap3A_726 = arith.index_cast %add3A_452 : i32 to index
        %swap3A_727 = arith.constant 128 : index
        %swap3A_728 = tpu.vector_load %arg7[%swap3A_724, %swap3A_725, %swap3A_726, %swap3A_727] {strides = array<i32>} : memref<4x3x8x1024xf32, #tpu.memory_space<vmem>>, vector<1x1x1x16xf32>,
        %swap3A_729 = vector.shape_cast %swap3A_728 : vector<1x1x1x16xf32> to vector<16xf32>
        %swap3A_730 = vector.shape_cast %get3A_496 : vector<16xf32> to vector<1x1x1x16xf32>
        tpu.vector_store %arg7[%swap3A_724, %swap3A_725, %swap3A_726, %swap3A_727], %swap3A_730 {add = true, strides = array<i32>} : memref<4x3x8x1024xf32, #tpu.memory_space<vmem>>, vector<1x1x1x16xf32>,
        %swap3A_731 = arith.constant 1 : i32
        %swap3A_732 = arith.index_cast %swap3A_731 : i32 to index
        %swap3A_733 = arith.index_cast %rem3A_272 : i32 to index
        %swap3A_734 = arith.index_cast %add3A_452 : i32 to index
        %swap3A_735 = arith.constant 144 : index
        %swap3A_736 = tpu.vector_load %arg7[%swap3A_732, %swap3A_733, %swap3A_734, %swap3A_735] {strides = array<i32>} : memref<4x3x8x1024xf32, #tpu.memory_space<vmem>>, vector<1x1x1x16xf32>,
        %swap3A_737 = vector.shape_cast %swap3A_736 : vector<1x1x1x16xf32> to vector<16xf32>
        %swap3A_738 = vector.shape_cast %get3A_501 : vector<16xf32> to vector<1x1x1x16xf32>
        tpu.vector_store %arg7[%swap3A_732, %swap3A_733, %swap3A_734, %swap3A_735], %swap3A_738 {add = true, strides = array<i32>} : memref<4x3x8x1024xf32, #tpu.memory_space<vmem>>, vector<1x1x1x16xf32>,
        %swap3A_739 = arith.constant 1 : i32
        %swap3A_740 = arith.index_cast %swap3A_739 : i32 to index
        %swap3A_741 = arith.index_cast %rem3A_272 : i32 to index
        %swap3A_742 = arith.index_cast %add3A_452 : i32 to index
        %swap3A_743 = arith.constant 160 : index
        %swap3A_744 = tpu.vector_load %arg7[%swap3A_740, %swap3A_741, %swap3A_742, %swap3A_743] {strides = array<i32>} : memref<4x3x8x1024xf32, #tpu.memory_space<vmem>>, vector<1x1x1x16xf32>,
        %swap3A_745 = vector.shape_cast %swap3A_744 : vector<1x1x1x16xf32> to vector<16xf32>
        %swap3A_746 = vector.shape_cast %get3A_506 : vector<16xf32> to vector<1x1x1x16xf32>
        tpu.vector_store %arg7[%swap3A_740, %swap3A_741, %swap3A_742, %swap3A_743], %swap3A_746 {add = true, strides = array<i32>} : memref<4x3x8x1024xf32, #tpu.memory_space<vmem>>, vector<1x1x1x16xf32>,
        %swap3A_747 = arith.constant 1 : i32
        %swap3A_748 = arith.index_cast %swap3A_747 : i32 to index
        %swap3A_749 = arith.index_cast %rem3A_272 : i32 to index
        %swap3A_750 = arith.index_cast %add3A_452 : i32 to index
        %swap3A_751 = arith.constant 176 : index
        %swap3A_752 = tpu.vector_load %arg7[%swap3A_748, %swap3A_749, %swap3A_750, %swap3A_751] {strides = array<i32>} : memref<4x3x8x1024xf32, #tpu.memory_space<vmem>>, vector<1x1x1x16xf32>,
        %swap3A_753 = vector.shape_cast %swap3A_752 : vector<1x1x1x16xf32> to vector<16xf32>
        %swap3A_754 = vector.shape_cast %get3A_511 : vector<16xf32> to vector<1x1x1x16xf32>
        tpu.vector_store %arg7[%swap3A_748, %swap3A_749, %swap3A_750, %swap3A_751], %swap3A_754 {add = true, strides = array<i32>} : memref<4x3x8x1024xf32, #tpu.memory_space<vmem>>, vector<1x1x1x16xf32>,
        %swap3A_755 = arith.constant 1 : i32
        %swap3A_756 = arith.index_cast %swap3A_755 : i32 to index
        %swap3A_757 = arith.index_cast %rem3A_272 : i32 to index
        %swap3A_758 = arith.index_cast %add3A_452 : i32 to index
        %swap3A_759 = arith.constant 192 : index
        %swap3A_760 = tpu.vector_load %arg7[%swap3A_756, %swap3A_757, %swap3A_758, %swap3A_759] {strides = array<i32>} : memref<4x3x8x1024xf32, #tpu.memory_space<vmem>>, vector<1x1x1x16xf32>,
        %swap3A_761 = vector.shape_cast %swap3A_760 : vector<1x1x1x16xf32> to vector<16xf32>
        %swap3A_762 = vector.shape_cast %get3A_516 : vector<16xf32> to vector<1x1x1x16xf32>
        tpu.vector_store %arg7[%swap3A_756, %swap3A_757, %swap3A_758, %swap3A_759], %swap3A_762 {add = true, strides = array<i32>} : memref<4x3x8x1024xf32, #tpu.memory_space<vmem>>, vector<1x1x1x16xf32>,
        %swap3A_763 = arith.constant 1 : i32
        %swap3A_764 = arith.index_cast %swap3A_763 : i32 to index
        %swap3A_765 = arith.index_cast %rem3A_272 : i32 to index
        %swap3A_766 = arith.index_cast %add3A_452 : i32 to index
        %swap3A_767 = arith.constant 208 : index
        %swap3A_768 = tpu.vector_load %arg7[%swap3A_764, %swap3A_765, %swap3A_766, %swap3A_767] {strides = array<i32>} : memref<4x3x8x1024xf32, #tpu.memory_space<vmem>>, vector<1x1x1x16xf32>,
        %swap3A_769 = vector.shape_cast %swap3A_768 : vector<1x1x1x16xf32> to vector<16xf32>
        %swap3A_770 = vector.shape_cast %get3A_521 : vector<16xf32> to vector<1x1x1x16xf32>
        tpu.vector_store %arg7[%swap3A_764, %swap3A_765, %swap3A_766, %swap3A_767], %swap3A_770 {add = true, strides = array<i32>} : memref<4x3x8x1024xf32, #tpu.memory_space<vmem>>, vector<1x1x1x16xf32>,
        %swap3A_771 = arith.constant 1 : i32
        %swap3A_772 = arith.index_cast %swap3A_771 : i32 to index
        %swap3A_773 = arith.index_cast %rem3A_272 : i32 to index
        %swap3A_774 = arith.index_cast %add3A_452 : i32 to index
        %swap3A_775 = arith.constant 224 : index
        %swap3A_776 = tpu.vector_load %arg7[%swap3A_772, %swap3A_773, %swap3A_774, %swap3A_775] {strides = array<i32>} : memref<4x3x8x1024xf32, #tpu.memory_space<vmem>>, vector<1x1x1x16xf32>,
        %swap3A_777 = vector.shape_cast %swap3A_776 : vector<1x1x1x16xf32> to vector<16xf32>
        %swap3A_778 = vector.shape_cast %get3A_526 : vector<16xf32> to vector<1x1x1x16xf32>
        tpu.vector_store %arg7[%swap3A_772, %swap3A_773, %swap3A_774, %swap3A_775], %swap3A_778 {add = true, strides = array<i32>} : memref<4x3x8x1024xf32, #tpu.memory_space<vmem>>, vector<1x1x1x16xf32>,
        %swap3A_779 = arith.constant 1 : i32
        %swap3A_780 = arith.index_cast %swap3A_779 : i32 to index
        %swap3A_781 = arith.index_cast %rem3A_272 : i32 to index
        %swap3A_782 = arith.index_cast %add3A_452 : i32 to index
        %swap3A_783 = arith.constant 240 : index
        %swap3A_784 = tpu.vector_load %arg7[%swap3A_780, %swap3A_781, %swap3A_782, %swap3A_783] {strides = array<i32>} : memref<4x3x8x1024xf32, #tpu.memory_space<vmem>>, vector<1x1x1x16xf32>,
        %swap3A_785 = vector.shape_cast %swap3A_784 : vector<1x1x1x16xf32> to vector<16xf32>
        %swap3A_786 = vector.shape_cast %get3A_531 : vector<16xf32> to vector<1x1x1x16xf32>
        tpu.vector_store %arg7[%swap3A_780, %swap3A_781, %swap3A_782, %swap3A_783], %swap3A_786 {add = true, strides = array<i32>} : memref<4x3x8x1024xf32, #tpu.memory_space<vmem>>, vector<1x1x1x16xf32>,
        %swap3A_787 = arith.constant 2 : i32
        %swap3A_788 = arith.index_cast %swap3A_787 : i32 to index
        %swap3A_789 = arith.index_cast %rem3A_272 : i32 to index
        %swap3A_790 = arith.index_cast %add3A_452 : i32 to index
        %swap3A_791 = arith.constant 0 : index
        %swap3A_792 = tpu.vector_load %arg7[%swap3A_788, %swap3A_789, %swap3A_790, %swap3A_791] {strides = array<i32>} : memref<4x3x8x1024xf32, #tpu.memory_space<vmem>>, vector<1x1x1x16xf32>,
        %swap3A_793 = vector.shape_cast %swap3A_792 : vector<1x1x1x16xf32> to vector<16xf32>
        %swap3A_794 = vector.shape_cast %get3A_456 : vector<16xf32> to vector<1x1x1x16xf32>
        tpu.vector_store %arg7[%swap3A_788, %swap3A_789, %swap3A_790, %swap3A_791], %swap3A_794 {add = true, strides = array<i32>} : memref<4x3x8x1024xf32, #tpu.memory_space<vmem>>, vector<1x1x1x16xf32>,
        %swap3A_795 = arith.constant 2 : i32
        %swap3A_796 = arith.index_cast %swap3A_795 : i32 to index
        %swap3A_797 = arith.index_cast %rem3A_272 : i32 to index
        %swap3A_798 = arith.index_cast %add3A_452 : i32 to index
        %swap3A_799 = arith.constant 16 : index
        %swap3A_800 = tpu.vector_load %arg7[%swap3A_796, %swap3A_797, %swap3A_798, %swap3A_799] {strides = array<i32>} : memref<4x3x8x1024xf32, #tpu.memory_space<vmem>>, vector<1x1x1x16xf32>,
        %swap3A_801 = vector.shape_cast %swap3A_800 : vector<1x1x1x16xf32> to vector<16xf32>
        %swap3A_802 = vector.shape_cast %get3A_461 : vector<16xf32> to vector<1x1x1x16xf32>
        tpu.vector_store %arg7[%swap3A_796, %swap3A_797, %swap3A_798, %swap3A_799], %swap3A_802 {add = true, strides = array<i32>} : memref<4x3x8x1024xf32, #tpu.memory_space<vmem>>, vector<1x1x1x16xf32>,
        %swap3A_803 = arith.constant 2 : i32
        %swap3A_804 = arith.index_cast %swap3A_803 : i32 to index
        %swap3A_805 = arith.index_cast %rem3A_272 : i32 to index
        %swap3A_806 = arith.index_cast %add3A_452 : i32 to index
        %swap3A_807 = arith.constant 32 : index
        %swap3A_808 = tpu.vector_load %arg7[%swap3A_804, %swap3A_805, %swap3A_806, %swap3A_807] {strides = array<i32>} : memref<4x3x8x1024xf32, #tpu.memory_space<vmem>>, vector<1x1x1x16xf32>,
        %swap3A_809 = vector.shape_cast %swap3A_808 : vector<1x1x1x16xf32> to vector<16xf32>
        %swap3A_810 = vector.shape_cast %get3A_466 : vector<16xf32> to vector<1x1x1x16xf32>
        tpu.vector_store %arg7[%swap3A_804, %swap3A_805, %swap3A_806, %swap3A_807], %swap3A_810 {add = true, strides = array<i32>} : memref<4x3x8x1024xf32, #tpu.memory_space<vmem>>, vector<1x1x1x16xf32>,
        %swap3A_811 = arith.constant 2 : i32
        %swap3A_812 = arith.index_cast %swap3A_811 : i32 to index
        %swap3A_813 = arith.index_cast %rem3A_272 : i32 to index
        %swap3A_814 = arith.index_cast %add3A_452 : i32 to index
        %swap3A_815 = arith.constant 48 : index
        %swap3A_816 = tpu.vector_load %arg7[%swap3A_812, %swap3A_813, %swap3A_814, %swap3A_815] {strides = array<i32>} : memref<4x3x8x1024xf32, #tpu.memory_space<vmem>>, vector<1x1x1x16xf32>,
        %swap3A_817 = vector.shape_cast %swap3A_816 : vector<1x1x1x16xf32> to vector<16xf32>
        %swap3A_818 = vector.shape_cast %get3A_471 : vector<16xf32> to vector<1x1x1x16xf32>
        tpu.vector_store %arg7[%swap3A_812, %swap3A_813, %swap3A_814, %swap3A_815], %swap3A_818 {add = true, strides = array<i32>} : memref<4x3x8x1024xf32, #tpu.memory_space<vmem>>, vector<1x1x1x16xf32>,
        %swap3A_819 = arith.constant 2 : i32
        %swap3A_820 = arith.index_cast %swap3A_819 : i32 to index
        %swap3A_821 = arith.index_cast %rem3A_272 : i32 to index
        %swap3A_822 = arith.index_cast %add3A_452 : i32 to index
        %swap3A_823 = arith.constant 64 : index
        %swap3A_824 = tpu.vector_load %arg7[%swap3A_820, %swap3A_821, %swap3A_822, %swap3A_823] {strides = array<i32>} : memref<4x3x8x1024xf32, #tpu.memory_space<vmem>>, vector<1x1x1x16xf32>,
        %swap3A_825 = vector.shape_cast %swap3A_824 : vector<1x1x1x16xf32> to vector<16xf32>
        %swap3A_826 = vector.shape_cast %get3A_476 : vector<16xf32> to vector<1x1x1x16xf32>
        tpu.vector_store %arg7[%swap3A_820, %swap3A_821, %swap3A_822, %swap3A_823], %swap3A_826 {add = true, strides = array<i32>} : memref<4x3x8x1024xf32, #tpu.memory_space<vmem>>, vector<1x1x1x16xf32>,
        %swap3A_827 = arith.constant 2 : i32
        %swap3A_828 = arith.index_cast %swap3A_827 : i32 to index
        %swap3A_829 = arith.index_cast %rem3A_272 : i32 to index
        %swap3A_830 = arith.index_cast %add3A_452 : i32 to index
        %swap3A_831 = arith.constant 80 : index
        %swap3A_832 = tpu.vector_load %arg7[%swap3A_828, %swap3A_829, %swap3A_830, %swap3A_831] {strides = array<i32>} : memref<4x3x8x1024xf32, #tpu.memory_space<vmem>>, vector<1x1x1x16xf32>,
        %swap3A_833 = vector.shape_cast %swap3A_832 : vector<1x1x1x16xf32> to vector<16xf32>
        %swap3A_834 = vector.shape_cast %get3A_481 : vector<16xf32> to vector<1x1x1x16xf32>
        tpu.vector_store %arg7[%swap3A_828, %swap3A_829, %swap3A_830, %swap3A_831], %swap3A_834 {add = true, strides = array<i32>} : memref<4x3x8x1024xf32, #tpu.memory_space<vmem>>, vector<1x1x1x16xf32>,
        %swap3A_835 = arith.constant 2 : i32
        %swap3A_836 = arith.index_cast %swap3A_835 : i32 to index
        %swap3A_837 = arith.index_cast %rem3A_272 : i32 to index
        %swap3A_838 = arith.index_cast %add3A_452 : i32 to index
        %swap3A_839 = arith.constant 96 : index
        %swap3A_840 = tpu.vector_load %arg7[%swap3A_836, %swap3A_837, %swap3A_838, %swap3A_839] {strides = array<i32>} : memref<4x3x8x1024xf32, #tpu.memory_space<vmem>>, vector<1x1x1x16xf32>,
        %swap3A_841 = vector.shape_cast %swap3A_840 : vector<1x1x1x16xf32> to vector<16xf32>
        %swap3A_842 = vector.shape_cast %get3A_486 : vector<16xf32> to vector<1x1x1x16xf32>
        tpu.vector_store %arg7[%swap3A_836, %swap3A_837, %swap3A_838, %swap3A_839], %swap3A_842 {add = true, strides = array<i32>} : memref<4x3x8x1024xf32, #tpu.memory_space<vmem>>, vector<1x1x1x16xf32>,
        %swap3A_843 = arith.constant 2 : i32
        %swap3A_844 = arith.index_cast %swap3A_843 : i32 to index
        %swap3A_845 = arith.index_cast %rem3A_272 : i32 to index
        %swap3A_846 = arith.index_cast %add3A_452 : i32 to index
        %swap3A_847 = arith.constant 112 : index
        %swap3A_848 = tpu.vector_load %arg7[%swap3A_844, %swap3A_845, %swap3A_846, %swap3A_847] {strides = array<i32>} : memref<4x3x8x1024xf32, #tpu.memory_space<vmem>>, vector<1x1x1x16xf32>,
        %swap3A_849 = vector.shape_cast %swap3A_848 : vector<1x1x1x16xf32> to vector<16xf32>
        %swap3A_850 = vector.shape_cast %get3A_491 : vector<16xf32> to vector<1x1x1x16xf32>
        tpu.vector_store %arg7[%swap3A_844, %swap3A_845, %swap3A_846, %swap3A_847], %swap3A_850 {add = true, strides = array<i32>} : memref<4x3x8x1024xf32, #tpu.memory_space<vmem>>, vector<1x1x1x16xf32>,
        %swap3A_851 = arith.constant 2 : i32
        %swap3A_852 = arith.index_cast %swap3A_851 : i32 to index
        %swap3A_853 = arith.index_cast %rem3A_272 : i32 to index
        %swap3A_854 = arith.index_cast %add3A_452 : i32 to index
        %swap3A_855 = arith.constant 128 : index
        %swap3A_856 = tpu.vector_load %arg7[%swap3A_852, %swap3A_853, %swap3A_854, %swap3A_855] {strides = array<i32>} : memref<4x3x8x1024xf32, #tpu.memory_space<vmem>>, vector<1x1x1x16xf32>,
        %swap3A_857 = vector.shape_cast %swap3A_856 : vector<1x1x1x16xf32> to vector<16xf32>
        %swap3A_858 = vector.shape_cast %get3A_496 : vector<16xf32> to vector<1x1x1x16xf32>
        tpu.vector_store %arg7[%swap3A_852, %swap3A_853, %swap3A_854, %swap3A_855], %swap3A_858 {add = true, strides = array<i32>} : memref<4x3x8x1024xf32, #tpu.memory_space<vmem>>, vector<1x1x1x16xf32>,
        %swap3A_859 = arith.constant 2 : i32
        %swap3A_860 = arith.index_cast %swap3A_859 : i32 to index
        %swap3A_861 = arith.index_cast %rem3A_272 : i32 to index
        %swap3A_862 = arith.index_cast %add3A_452 : i32 to index
        %swap3A_863 = arith.constant 144 : index
        %swap3A_864 = tpu.vector_load %arg7[%swap3A_860, %swap3A_861, %swap3A_862, %swap3A_863] {strides = array<i32>} : memref<4x3x8x1024xf32, #tpu.memory_space<vmem>>, vector<1x1x1x16xf32>,
        %swap3A_865 = vector.shape_cast %swap3A_864 : vector<1x1x1x16xf32> to vector<16xf32>
        %swap3A_866 = vector.shape_cast %get3A_501 : vector<16xf32> to vector<1x1x1x16xf32>
        tpu.vector_store %arg7[%swap3A_860, %swap3A_861, %swap3A_862, %swap3A_863], %swap3A_866 {add = true, strides = array<i32>} : memref<4x3x8x1024xf32, #tpu.memory_space<vmem>>, vector<1x1x1x16xf32>,
        %swap3A_867 = arith.constant 2 : i32
        %swap3A_868 = arith.index_cast %swap3A_867 : i32 to index
        %swap3A_869 = arith.index_cast %rem3A_272 : i32 to index
        %swap3A_870 = arith.index_cast %add3A_452 : i32 to index
        %swap3A_871 = arith.constant 160 : index
        %swap3A_872 = tpu.vector_load %arg7[%swap3A_868, %swap3A_869, %swap3A_870, %swap3A_871] {strides = array<i32>} : memref<4x3x8x1024xf32, #tpu.memory_space<vmem>>, vector<1x1x1x16xf32>,
        %swap3A_873 = vector.shape_cast %swap3A_872 : vector<1x1x1x16xf32> to vector<16xf32>
        %swap3A_874 = vector.shape_cast %get3A_506 : vector<16xf32> to vector<1x1x1x16xf32>
        tpu.vector_store %arg7[%swap3A_868, %swap3A_869, %swap3A_870, %swap3A_871], %swap3A_874 {add = true, strides = array<i32>} : memref<4x3x8x1024xf32, #tpu.memory_space<vmem>>, vector<1x1x1x16xf32>,
        %swap3A_875 = arith.constant 2 : i32
        %swap3A_876 = arith.index_cast %swap3A_875 : i32 to index
        %swap3A_877 = arith.index_cast %rem3A_272 : i32 to index
        %swap3A_878 = arith.index_cast %add3A_452 : i32 to index
        %swap3A_879 = arith.constant 176 : index
        %swap3A_880 = tpu.vector_load %arg7[%swap3A_876, %swap3A_877, %swap3A_878, %swap3A_879] {strides = array<i32>} : memref<4x3x8x1024xf32, #tpu.memory_space<vmem>>, vector<1x1x1x16xf32>,
        %swap3A_881 = vector.shape_cast %swap3A_880 : vector<1x1x1x16xf32> to vector<16xf32>
        %swap3A_882 = vector.shape_cast %get3A_511 : vector<16xf32> to vector<1x1x1x16xf32>
        tpu.vector_store %arg7[%swap3A_876, %swap3A_877, %swap3A_878, %swap3A_879], %swap3A_882 {add = true, strides = array<i32>} : memref<4x3x8x1024xf32, #tpu.memory_space<vmem>>, vector<1x1x1x16xf32>,
        %swap3A_883 = arith.constant 2 : i32
        %swap3A_884 = arith.index_cast %swap3A_883 : i32 to index
        %swap3A_885 = arith.index_cast %rem3A_272 : i32 to index
        %swap3A_886 = arith.index_cast %add3A_452 : i32 to index
        %swap3A_887 = arith.constant 192 : index
        %swap3A_888 = tpu.vector_load %arg7[%swap3A_884, %swap3A_885, %swap3A_886, %swap3A_887] {strides = array<i32>} : memref<4x3x8x1024xf32, #tpu.memory_space<vmem>>, vector<1x1x1x16xf32>,
        %swap3A_889 = vector.shape_cast %swap3A_888 : vector<1x1x1x16xf32> to vector<16xf32>
        %swap3A_890 = vector.shape_cast %get3A_516 : vector<16xf32> to vector<1x1x1x16xf32>
        tpu.vector_store %arg7[%swap3A_884, %swap3A_885, %swap3A_886, %swap3A_887], %swap3A_890 {add = true, strides = array<i32>} : memref<4x3x8x1024xf32, #tpu.memory_space<vmem>>, vector<1x1x1x16xf32>,
        %swap3A_891 = arith.constant 2 : i32
        %swap3A_892 = arith.index_cast %swap3A_891 : i32 to index
        %swap3A_893 = arith.index_cast %rem3A_272 : i32 to index
        %swap3A_894 = arith.index_cast %add3A_452 : i32 to index
        %swap3A_895 = arith.constant 208 : index
        %swap3A_896 = tpu.vector_load %arg7[%swap3A_892, %swap3A_893, %swap3A_894, %swap3A_895] {strides = array<i32>} : memref<4x3x8x1024xf32, #tpu.memory_space<vmem>>, vector<1x1x1x16xf32>,
        %swap3A_897 = vector.shape_cast %swap3A_896 : vector<1x1x1x16xf32> to vector<16xf32>
        %swap3A_898 = vector.shape_cast %get3A_521 : vector<16xf32> to vector<1x1x1x16xf32>
        tpu.vector_store %arg7[%swap3A_892, %swap3A_893, %swap3A_894, %swap3A_895], %swap3A_898 {add = true, strides = array<i32>} : memref<4x3x8x1024xf32, #tpu.memory_space<vmem>>, vector<1x1x1x16xf32>,
        %swap3A_899 = arith.constant 2 : i32
        %swap3A_900 = arith.index_cast %swap3A_899 : i32 to index
        %swap3A_901 = arith.index_cast %rem3A_272 : i32 to index
        %swap3A_902 = arith.index_cast %add3A_452 : i32 to index
        %swap3A_903 = arith.constant 224 : index
        %swap3A_904 = tpu.vector_load %arg7[%swap3A_900, %swap3A_901, %swap3A_902, %swap3A_903] {strides = array<i32>} : memref<4x3x8x1024xf32, #tpu.memory_space<vmem>>, vector<1x1x1x16xf32>,
        %swap3A_905 = vector.shape_cast %swap3A_904 : vector<1x1x1x16xf32> to vector<16xf32>
        %swap3A_906 = vector.shape_cast %get3A_526 : vector<16xf32> to vector<1x1x1x16xf32>
        tpu.vector_store %arg7[%swap3A_900, %swap3A_901, %swap3A_902, %swap3A_903], %swap3A_906 {add = true, strides = array<i32>} : memref<4x3x8x1024xf32, #tpu.memory_space<vmem>>, vector<1x1x1x16xf32>,
        %swap3A_907 = arith.constant 2 : i32
        %swap3A_908 = arith.index_cast %swap3A_907 : i32 to index
        %swap3A_909 = arith.index_cast %rem3A_272 : i32 to index
        %swap3A_910 = arith.index_cast %add3A_452 : i32 to index
        %swap3A_911 = arith.constant 240 : index
        %swap3A_912 = tpu.vector_load %arg7[%swap3A_908, %swap3A_909, %swap3A_910, %swap3A_911] {strides = array<i32>} : memref<4x3x8x1024xf32, #tpu.memory_space<vmem>>, vector<1x1x1x16xf32>,
        %swap3A_913 = vector.shape_cast %swap3A_912 : vector<1x1x1x16xf32> to vector<16xf32>
        %swap3A_914 = vector.shape_cast %get3A_531 : vector<16xf32> to vector<1x1x1x16xf32>
        tpu.vector_store %arg7[%swap3A_908, %swap3A_909, %swap3A_910, %swap3A_911], %swap3A_914 {add = true, strides = array<i32>} : memref<4x3x8x1024xf32, #tpu.memory_space<vmem>>, vector<1x1x1x16xf32>,
        %swap3A_915 = arith.constant 3 : i32
        %swap3A_916 = arith.index_cast %swap3A_915 : i32 to index
        %swap3A_917 = arith.index_cast %rem3A_272 : i32 to index
        %swap3A_918 = arith.index_cast %add3A_452 : i32 to index
        %swap3A_919 = arith.constant 0 : index
        %swap3A_920 = tpu.vector_load %arg7[%swap3A_916, %swap3A_917, %swap3A_918, %swap3A_919] {strides = array<i32>} : memref<4x3x8x1024xf32, #tpu.memory_space<vmem>>, vector<1x1x1x16xf32>,
        %swap3A_921 = vector.shape_cast %swap3A_920 : vector<1x1x1x16xf32> to vector<16xf32>
        %swap3A_922 = vector.shape_cast %get3A_456 : vector<16xf32> to vector<1x1x1x16xf32>
        tpu.vector_store %arg7[%swap3A_916, %swap3A_917, %swap3A_918, %swap3A_919], %swap3A_922 {add = true, strides = array<i32>} : memref<4x3x8x1024xf32, #tpu.memory_space<vmem>>, vector<1x1x1x16xf32>,
        %swap3A_923 = arith.constant 3 : i32
        %swap3A_924 = arith.index_cast %swap3A_923 : i32 to index
        %swap3A_925 = arith.index_cast %rem3A_272 : i32 to index
        %swap3A_926 = arith.index_cast %add3A_452 : i32 to index
        %swap3A_927 = arith.constant 16 : index
        %swap3A_928 = tpu.vector_load %arg7[%swap3A_924, %swap3A_925, %swap3A_926, %swap3A_927] {strides = array<i32>} : memref<4x3x8x1024xf32, #tpu.memory_space<vmem>>, vector<1x1x1x16xf32>,
        %swap3A_929 = vector.shape_cast %swap3A_928 : vector<1x1x1x16xf32> to vector<16xf32>
        %swap3A_930 = vector.shape_cast %get3A_461 : vector<16xf32> to vector<1x1x1x16xf32>
        tpu.vector_store %arg7[%swap3A_924, %swap3A_925, %swap3A_926, %swap3A_927], %swap3A_930 {add = true, strides = array<i32>} : memref<4x3x8x1024xf32, #tpu.memory_space<vmem>>, vector<1x1x1x16xf32>,
        %swap3A_931 = arith.constant 3 : i32
        %swap3A_932 = arith.index_cast %swap3A_931 : i32 to index
        %swap3A_933 = arith.index_cast %rem3A_272 : i32 to index
        %swap3A_934 = arith.index_cast %add3A_452 : i32 to index
        %swap3A_935 = arith.constant 32 : index
        %swap3A_936 = tpu.vector_load %arg7[%swap3A_932, %swap3A_933, %swap3A_934, %swap3A_935] {strides = array<i32>} : memref<4x3x8x1024xf32, #tpu.memory_space<vmem>>, vector<1x1x1x16xf32>,
        %swap3A_937 = vector.shape_cast %swap3A_936 : vector<1x1x1x16xf32> to vector<16xf32>
        %swap3A_938 = vector.shape_cast %get3A_466 : vector<16xf32> to vector<1x1x1x16xf32>
        tpu.vector_store %arg7[%swap3A_932, %swap3A_933, %swap3A_934, %swap3A_935], %swap3A_938 {add = true, strides = array<i32>} : memref<4x3x8x1024xf32, #tpu.memory_space<vmem>>, vector<1x1x1x16xf32>,
        %swap3A_939 = arith.constant 3 : i32
        %swap3A_940 = arith.index_cast %swap3A_939 : i32 to index
        %swap3A_941 = arith.index_cast %rem3A_272 : i32 to index
        %swap3A_942 = arith.index_cast %add3A_452 : i32 to index
        %swap3A_943 = arith.constant 48 : index
        %swap3A_944 = tpu.vector_load %arg7[%swap3A_940, %swap3A_941, %swap3A_942, %swap3A_943] {strides = array<i32>} : memref<4x3x8x1024xf32, #tpu.memory_space<vmem>>, vector<1x1x1x16xf32>,
        %swap3A_945 = vector.shape_cast %swap3A_944 : vector<1x1x1x16xf32> to vector<16xf32>
        %swap3A_946 = vector.shape_cast %get3A_471 : vector<16xf32> to vector<1x1x1x16xf32>
        tpu.vector_store %arg7[%swap3A_940, %swap3A_941, %swap3A_942, %swap3A_943], %swap3A_946 {add = true, strides = array<i32>} : memref<4x3x8x1024xf32, #tpu.memory_space<vmem>>, vector<1x1x1x16xf32>,
        %swap3A_947 = arith.constant 3 : i32
        %swap3A_948 = arith.index_cast %swap3A_947 : i32 to index
        %swap3A_949 = arith.index_cast %rem3A_272 : i32 to index
        %swap3A_950 = arith.index_cast %add3A_452 : i32 to index
        %swap3A_951 = arith.constant 64 : index
        %swap3A_952 = tpu.vector_load %arg7[%swap3A_948, %swap3A_949, %swap3A_950, %swap3A_951] {strides = array<i32>} : memref<4x3x8x1024xf32, #tpu.memory_space<vmem>>, vector<1x1x1x16xf32>,
        %swap3A_953 = vector.shape_cast %swap3A_952 : vector<1x1x1x16xf32> to vector<16xf32>
        %swap3A_954 = vector.shape_cast %get3A_476 : vector<16xf32> to vector<1x1x1x16xf32>
        tpu.vector_store %arg7[%swap3A_948, %swap3A_949, %swap3A_950, %swap3A_951], %swap3A_954 {add = true, strides = array<i32>} : memref<4x3x8x1024xf32, #tpu.memory_space<vmem>>, vector<1x1x1x16xf32>,
        %swap3A_955 = arith.constant 3 : i32
        %swap3A_956 = arith.index_cast %swap3A_955 : i32 to index
        %swap3A_957 = arith.index_cast %rem3A_272 : i32 to index
        %swap3A_958 = arith.index_cast %add3A_452 : i32 to index
        %swap3A_959 = arith.constant 80 : index
        %swap3A_960 = tpu.vector_load %arg7[%swap3A_956, %swap3A_957, %swap3A_958, %swap3A_959] {strides = array<i32>} : memref<4x3x8x1024xf32, #tpu.memory_space<vmem>>, vector<1x1x1x16xf32>,
        %swap3A_961 = vector.shape_cast %swap3A_960 : vector<1x1x1x16xf32> to vector<16xf32>
        %swap3A_962 = vector.shape_cast %get3A_481 : vector<16xf32> to vector<1x1x1x16xf32>
        tpu.vector_store %arg7[%swap3A_956, %swap3A_957, %swap3A_958, %swap3A_959], %swap3A_962 {add = true, strides = array<i32>} : memref<4x3x8x1024xf32, #tpu.memory_space<vmem>>, vector<1x1x1x16xf32>,
        %swap3A_963 = arith.constant 3 : i32
        %swap3A_964 = arith.index_cast %swap3A_963 : i32 to index
        %swap3A_965 = arith.index_cast %rem3A_272 : i32 to index
        %swap3A_966 = arith.index_cast %add3A_452 : i32 to index
        %swap3A_967 = arith.constant 96 : index
        %swap3A_968 = tpu.vector_load %arg7[%swap3A_964, %swap3A_965, %swap3A_966, %swap3A_967] {strides = array<i32>} : memref<4x3x8x1024xf32, #tpu.memory_space<vmem>>, vector<1x1x1x16xf32>,
        %swap3A_969 = vector.shape_cast %swap3A_968 : vector<1x1x1x16xf32> to vector<16xf32>
        %swap3A_970 = vector.shape_cast %get3A_486 : vector<16xf32> to vector<1x1x1x16xf32>
        tpu.vector_store %arg7[%swap3A_964, %swap3A_965, %swap3A_966, %swap3A_967], %swap3A_970 {add = true, strides = array<i32>} : memref<4x3x8x1024xf32, #tpu.memory_space<vmem>>, vector<1x1x1x16xf32>,
        %swap3A_971 = arith.constant 3 : i32
        %swap3A_972 = arith.index_cast %swap3A_971 : i32 to index
        %swap3A_973 = arith.index_cast %rem3A_272 : i32 to index
        %swap3A_974 = arith.index_cast %add3A_452 : i32 to index
        %swap3A_975 = arith.constant 112 : index
        %swap3A_976 = tpu.vector_load %arg7[%swap3A_972, %swap3A_973, %swap3A_974, %swap3A_975] {strides = array<i32>} : memref<4x3x8x1024xf32, #tpu.memory_space<vmem>>, vector<1x1x1x16xf32>,
        %swap3A_977 = vector.shape_cast %swap3A_976 : vector<1x1x1x16xf32> to vector<16xf32>
        %swap3A_978 = vector.shape_cast %get3A_491 : vector<16xf32> to vector<1x1x1x16xf32>
        tpu.vector_store %arg7[%swap3A_972, %swap3A_973, %swap3A_974, %swap3A_975], %swap3A_978 {add = true, strides = array<i32>} : memref<4x3x8x1024xf32, #tpu.memory_space<vmem>>, vector<1x1x1x16xf32>,
        %swap3A_979 = arith.constant 3 : i32
        %swap3A_980 = arith.index_cast %swap3A_979 : i32 to index
        %swap3A_981 = arith.index_cast %rem3A_272 : i32 to index
        %swap3A_982 = arith.index_cast %add3A_452 : i32 to index
        %swap3A_983 = arith.constant 128 : index
        %swap3A_984 = tpu.vector_load %arg7[%swap3A_980, %swap3A_981, %swap3A_982, %swap3A_983] {strides = array<i32>} : memref<4x3x8x1024xf32, #tpu.memory_space<vmem>>, vector<1x1x1x16xf32>,
        %swap3A_985 = vector.shape_cast %swap3A_984 : vector<1x1x1x16xf32> to vector<16xf32>
        %swap3A_986 = vector.shape_cast %get3A_496 : vector<16xf32> to vector<1x1x1x16xf32>
        tpu.vector_store %arg7[%swap3A_980, %swap3A_981, %swap3A_982, %swap3A_983], %swap3A_986 {add = true, strides = array<i32>} : memref<4x3x8x1024xf32, #tpu.memory_space<vmem>>, vector<1x1x1x16xf32>,
        %swap3A_987 = arith.constant 3 : i32
        %swap3A_988 = arith.index_cast %swap3A_987 : i32 to index
        %swap3A_989 = arith.index_cast %rem3A_272 : i32 to index
        %swap3A_990 = arith.index_cast %add3A_452 : i32 to index
        %swap3A_991 = arith.constant 144 : index
        %swap3A_992 = tpu.vector_load %arg7[%swap3A_988, %swap3A_989, %swap3A_990, %swap3A_991] {strides = array<i32>} : memref<4x3x8x1024xf32, #tpu.memory_space<vmem>>, vector<1x1x1x16xf32>,
        %swap3A_993 = vector.shape_cast %swap3A_992 : vector<1x1x1x16xf32> to vector<16xf32>
        %swap3A_994 = vector.shape_cast %get3A_501 : vector<16xf32> to vector<1x1x1x16xf32>
        tpu.vector_store %arg7[%swap3A_988, %swap3A_989, %swap3A_990, %swap3A_991], %swap3A_994 {add = true, strides = array<i32>} : memref<4x3x8x1024xf32, #tpu.memory_space<vmem>>, vector<1x1x1x16xf32>,
        %swap3A_995 = arith.constant 3 : i32
        %swap3A_996 = arith.index_cast %swap3A_995 : i32 to index
        %swap3A_997 = arith.index_cast %rem3A_272 : i32 to index
        %swap3A_998 = arith.index_cast %add3A_452 : i32 to index
        %swap3A_999 = arith.constant 160 : index
        %swap3A_1000 = tpu.vector_load %arg7[%swap3A_996, %swap3A_997, %swap3A_998, %swap3A_999] {strides = array<i32>} : memref<4x3x8x1024xf32, #tpu.memory_space<vmem>>, vector<1x1x1x16xf32>,
        %swap3A_1001 = vector.shape_cast %swap3A_1000 : vector<1x1x1x16xf32> to vector<16xf32>
        %swap3A_1002 = vector.shape_cast %get3A_506 : vector<16xf32> to vector<1x1x1x16xf32>
        tpu.vector_store %arg7[%swap3A_996, %swap3A_997, %swap3A_998, %swap3A_999], %swap3A_1002 {add = true, strides = array<i32>} : memref<4x3x8x1024xf32, #tpu.memory_space<vmem>>, vector<1x1x1x16xf32>,
        %swap3A_1003 = arith.constant 3 : i32
        %swap3A_1004 = arith.index_cast %swap3A_1003 : i32 to index
        %swap3A_1005 = arith.index_cast %rem3A_272 : i32 to index
        %swap3A_1006 = arith.index_cast %add3A_452 : i32 to index
        %swap3A_1007 = arith.constant 176 : index
        %swap3A_1008 = tpu.vector_load %arg7[%swap3A_1004, %swap3A_1005, %swap3A_1006, %swap3A_1007] {strides = array<i32>} : memref<4x3x8x1024xf32, #tpu.memory_space<vmem>>, vector<1x1x1x16xf32>,
        %swap3A_1009 = vector.shape_cast %swap3A_1008 : vector<1x1x1x16xf32> to vector<16xf32>
        %swap3A_1010 = vector.shape_cast %get3A_511 : vector<16xf32> to vector<1x1x1x16xf32>
        tpu.vector_store %arg7[%swap3A_1004, %swap3A_1005, %swap3A_1006, %swap3A_1007], %swap3A_1010 {add = true, strides = array<i32>} : memref<4x3x8x1024xf32, #tpu.memory_space<vmem>>, vector<1x1x1x16xf32>,
        %swap3A_1011 = arith.constant 3 : i32
        %swap3A_1012 = arith.index_cast %swap3A_1011 : i32 to index
        %swap3A_1013 = arith.index_cast %rem3A_272 : i32 to index
        %swap3A_1014 = arith.index_cast %add3A_452 : i32 to index
        %swap3A_1015 = arith.constant 192 : index
        %swap3A_1016 = tpu.vector_load %arg7[%swap3A_1012, %swap3A_1013, %swap3A_1014, %swap3A_1015] {strides = array<i32>} : memref<4x3x8x1024xf32, #tpu.memory_space<vmem>>, vector<1x1x1x16xf32>,
        %swap3A_1017 = vector.shape_cast %swap3A_1016 : vector<1x1x1x16xf32> to vector<16xf32>
        %swap3A_1018 = vector.shape_cast %get3A_516 : vector<16xf32> to vector<1x1x1x16xf32>
        tpu.vector_store %arg7[%swap3A_1012, %swap3A_1013, %swap3A_1014, %swap3A_1015], %swap3A_1018 {add = true, strides = array<i32>} : memref<4x3x8x1024xf32, #tpu.memory_space<vmem>>, vector<1x1x1x16xf32>,
        %swap3A_1019 = arith.constant 3 : i32
        %swap3A_1020 = arith.index_cast %swap3A_1019 : i32 to index
        %swap3A_1021 = arith.index_cast %rem3A_272 : i32 to index
        %swap3A_1022 = arith.index_cast %add3A_452 : i32 to index
        %swap3A_1023 = arith.constant 208 : index
        %swap3A_1024 = tpu.vector_load %arg7[%swap3A_1020, %swap3A_1021, %swap3A_1022, %swap3A_1023] {strides = array<i32>} : memref<4x3x8x1024xf32, #tpu.memory_space<vmem>>, vector<1x1x1x16xf32>,
        %swap3A_1025 = vector.shape_cast %swap3A_1024 : vector<1x1x1x16xf32> to vector<16xf32>
        %swap3A_1026 = vector.shape_cast %get3A_521 : vector<16xf32> to vector<1x1x1x16xf32>
        tpu.vector_store %arg7[%swap3A_1020, %swap3A_1021, %swap3A_1022, %swap3A_1023], %swap3A_1026 {add = true, strides = array<i32>} : memref<4x3x8x1024xf32, #tpu.memory_space<vmem>>, vector<1x1x1x16xf32>,
        %swap3A_1027 = arith.constant 3 : i32
        %swap3A_1028 = arith.index_cast %swap3A_1027 : i32 to index
        %swap3A_1029 = arith.index_cast %rem3A_272 : i32 to index
        %swap3A_1030 = arith.index_cast %add3A_452 : i32 to index
        %swap3A_1031 = arith.constant 224 : index
        %swap3A_1032 = tpu.vector_load %arg7[%swap3A_1028, %swap3A_1029, %swap3A_1030, %swap3A_1031] {strides = array<i32>} : memref<4x3x8x1024xf32, #tpu.memory_space<vmem>>, vector<1x1x1x16xf32>,
        %swap3A_1033 = vector.shape_cast %swap3A_1032 : vector<1x1x1x16xf32> to vector<16xf32>
        %swap3A_1034 = vector.shape_cast %get3A_526 : vector<16xf32> to vector<1x1x1x16xf32>
        tpu.vector_store %arg7[%swap3A_1028, %swap3A_1029, %swap3A_1030, %swap3A_1031], %swap3A_1034 {add = true, strides = array<i32>} : memref<4x3x8x1024xf32, #tpu.memory_space<vmem>>, vector<1x1x1x16xf32>,
        %swap3A_1035 = arith.constant 3 : i32
        %swap3A_1036 = arith.index_cast %swap3A_1035 : i32 to index
        %swap3A_1037 = arith.index_cast %rem3A_272 : i32 to index
        %swap3A_1038 = arith.index_cast %add3A_452 : i32 to index
        %swap3A_1039 = arith.constant 240 : index
        %swap3A_1040 = tpu.vector_load %arg7[%swap3A_1036, %swap3A_1037, %swap3A_1038, %swap3A_1039] {strides = array<i32>} : memref<4x3x8x1024xf32, #tpu.memory_space<vmem>>, vector<1x1x1x16xf32>,
        %swap3A_1041 = vector.shape_cast %swap3A_1040 : vector<1x1x1x16xf32> to vector<16xf32>
        %swap3A_1042 = vector.shape_cast %get3A_531 : vector<16xf32> to vector<1x1x1x16xf32>
        tpu.vector_store %arg7[%swap3A_1036, %swap3A_1037, %swap3A_1038, %swap3A_1039], %swap3A_1042 {add = true, strides = array<i32>} : memref<4x3x8x1024xf32, #tpu.memory_space<vmem>>, vector<1x1x1x16xf32>,
        %get3A_1043 = arith.index_cast %rem3A_270 : i32 to index
        %get3A_1044 = arith.index_cast %add3A_452 : i32 to index
        %get3A_1045 = arith.constant 256 : index
        %get3A_1046 = tpu.vector_load %arg8[%get3A_1043, %get3A_1044, %get3A_1045] {strides = array<i32>} : memref<2x8x1024xf32, #tpu.memory_space<vmem>>, vector<1x1x16xf32>,
        %get3A_1047 = vector.shape_cast %get3A_1046 : vector<1x1x16xf32> to vector<16xf32>
        %get3A_1048 = arith.index_cast %rem3A_270 : i32 to index
        %get3A_1049 = arith.index_cast %add3A_452 : i32 to index
        %get3A_1050 = arith.constant 272 : index
        %get3A_1051 = tpu.vector_load %arg8[%get3A_1048, %get3A_1049, %get3A_1050] {strides = array<i32>} : memref<2x8x1024xf32, #tpu.memory_space<vmem>>, vector<1x1x16xf32>,
        %get3A_1052 = vector.shape_cast %get3A_1051 : vector<1x1x16xf32> to vector<16xf32>
        %get3A_1053 = arith.index_cast %rem3A_270 : i32 to index
        %get3A_1054 = arith.index_cast %add3A_452 : i32 to index
        %get3A_1055 = arith.constant 288 : index
        %get3A_1056 = tpu.vector_load %arg8[%get3A_1053, %get3A_1054, %get3A_1055] {strides = array<i32>} : memref<2x8x1024xf32, #tpu.memory_space<vmem>>, vector<1x1x16xf32>,
        %get3A_1057 = vector.shape_cast %get3A_1056 : vector<1x1x16xf32> to vector<16xf32>
        %get3A_1058 = arith.index_cast %rem3A_270 : i32 to index
        %get3A_1059 = arith.index_cast %add3A_452 : i32 to index
        %get3A_1060 = arith.constant 304 : index
        %get3A_1061 = tpu.vector_load %arg8[%get3A_1058, %get3A_1059, %get3A_1060] {strides = array<i32>} : memref<2x8x1024xf32, #tpu.memory_space<vmem>>, vector<1x1x16xf32>,
        %get3A_1062 = vector.shape_cast %get3A_1061 : vector<1x1x16xf32> to vector<16xf32>
        %get3A_1063 = arith.index_cast %rem3A_270 : i32 to index
        %get3A_1064 = arith.index_cast %add3A_452 : i32 to index
        %get3A_1065 = arith.constant 320 : index
        %get3A_1066 = tpu.vector_load %arg8[%get3A_1063, %get3A_1064, %get3A_1065] {strides = array<i32>} : memref<2x8x1024xf32, #tpu.memory_space<vmem>>, vector<1x1x16xf32>,
        %get3A_1067 = vector.shape_cast %get3A_1066 : vector<1x1x16xf32> to vector<16xf32>
        %get3A_1068 = arith.index_cast %rem3A_270 : i32 to index
        %get3A_1069 = arith.index_cast %add3A_452 : i32 to index
        %get3A_1070 = arith.constant 336 : index
        %get3A_1071 = tpu.vector_load %arg8[%get3A_1068, %get3A_1069, %get3A_1070] {strides = array<i32>} : memref<2x8x1024xf32, #tpu.memory_space<vmem>>, vector<1x1x16xf32>,
        %get3A_1072 = vector.shape_cast %get3A_1071 : vector<1x1x16xf32> to vector<16xf32>
        %get3A_1073 = arith.index_cast %rem3A_270 : i32 to index
        %get3A_1074 = arith.index_cast %add3A_452 : i32 to index
        %get3A_1075 = arith.constant 352 : index
        %get3A_1076 = tpu.vector_load %arg8[%get3A_1073, %get3A_1074, %get3A_1075] {strides = array<i32>} : memref<2x8x1024xf32, #tpu.memory_space<vmem>>, vector<1x1x16xf32>,
        %get3A_1077 = vector.shape_cast %get3A_1076 : vector<1x1x16xf32> to vector<16xf32>
        %get3A_1078 = arith.index_cast %rem3A_270 : i32 to index
        %get3A_1079 = arith.index_cast %add3A_452 : i32 to index
        %get3A_1080 = arith.constant 368 : index
        %get3A_1081 = tpu.vector_load %arg8[%get3A_1078, %get3A_1079, %get3A_1080] {strides = array<i32>} : memref<2x8x1024xf32, #tpu.memory_space<vmem>>, vector<1x1x16xf32>,
        %get3A_1082 = vector.shape_cast %get3A_1081 : vector<1x1x16xf32> to vector<16xf32>
        %get3A_1083 = arith.index_cast %rem3A_270 : i32 to index
        %get3A_1084 = arith.index_cast %add3A_452 : i32 to index
        %get3A_1085 = arith.constant 384 : index
        %get3A_1086 = tpu.vector_load %arg8[%get3A_1083, %get3A_1084, %get3A_1085] {strides = array<i32>} : memref<2x8x1024xf32, #tpu.memory_space<vmem>>, vector<1x1x16xf32>,
        %get3A_1087 = vector.shape_cast %get3A_1086 : vector<1x1x16xf32> to vector<16xf32>
        %get3A_1088 = arith.index_cast %rem3A_270 : i32 to index
        %get3A_1089 = arith.index_cast %add3A_452 : i32 to index
        %get3A_1090 = arith.constant 400 : index
        %get3A_1091 = tpu.vector_load %arg8[%get3A_1088, %get3A_1089, %get3A_1090] {strides = array<i32>} : memref<2x8x1024xf32, #tpu.memory_space<vmem>>, vector<1x1x16xf32>,
        %get3A_1092 = vector.shape_cast %get3A_1091 : vector<1x1x16xf32> to vector<16xf32>
        %get3A_1093 = arith.index_cast %rem3A_270 : i32 to index
        %get3A_1094 = arith.index_cast %add3A_452 : i32 to index
        %get3A_1095 = arith.constant 416 : index
        %get3A_1096 = tpu.vector_load %arg8[%get3A_1093, %get3A_1094, %get3A_1095] {strides = array<i32>} : memref<2x8x1024xf32, #tpu.memory_space<vmem>>, vector<1x1x16xf32>,
        %get3A_1097 = vector.shape_cast %get3A_1096 : vector<1x1x16xf32> to vector<16xf32>
        %get3A_1098 = arith.index_cast %rem3A_270 : i32 to index
        %get3A_1099 = arith.index_cast %add3A_452 : i32 to index
        %get3A_1100 = arith.constant 432 : index
        %get3A_1101 = tpu.vector_load %arg8[%get3A_1098, %get3A_1099, %get3A_1100] {strides = array<i32>} : memref<2x8x1024xf32, #tpu.memory_space<vmem>>, vector<1x1x16xf32>,
        %get3A_1102 = vector.shape_cast %get3A_1101 : vector<1x1x16xf32> to vector<16xf32>
        %get3A_1103 = arith.index_cast %rem3A_270 : i32 to index
        %get3A_1104 = arith.index_cast %add3A_452 : i32 to index
        %get3A_1105 = arith.constant 448 : index
        %get3A_1106 = tpu.vector_load %arg8[%get3A_1103, %get3A_1104, %get3A_1105] {strides = array<i32>} : memref<2x8x1024xf32, #tpu.memory_space<vmem>>, vector<1x1x16xf32>,
        %get3A_1107 = vector.shape_cast %get3A_1106 : vector<1x1x16xf32> to vector<16xf32>
        %get3A_1108 = arith.index_cast %rem3A_270 : i32 to index
        %get3A_1109 = arith.index_cast %add3A_452 : i32 to index
        %get3A_1110 = arith.constant 464 : index
        %get3A_1111 = tpu.vector_load %arg8[%get3A_1108, %get3A_1109, %get3A_1110] {strides = array<i32>} : memref<2x8x1024xf32, #tpu.memory_space<vmem>>, vector<1x1x16xf32>,
        %get3A_1112 = vector.shape_cast %get3A_1111 : vector<1x1x16xf32> to vector<16xf32>
        %get3A_1113 = arith.index_cast %rem3A_270 : i32 to index
        %get3A_1114 = arith.index_cast %add3A_452 : i32 to index
        %get3A_1115 = arith.constant 480 : index
        %get3A_1116 = tpu.vector_load %arg8[%get3A_1113, %get3A_1114, %get3A_1115] {strides = array<i32>} : memref<2x8x1024xf32, #tpu.memory_space<vmem>>, vector<1x1x16xf32>,
        %get3A_1117 = vector.shape_cast %get3A_1116 : vector<1x1x16xf32> to vector<16xf32>
        %get3A_1118 = arith.index_cast %rem3A_270 : i32 to index
        %get3A_1119 = arith.index_cast %add3A_452 : i32 to index
        %get3A_1120 = arith.constant 496 : index
        %get3A_1121 = tpu.vector_load %arg8[%get3A_1118, %get3A_1119, %get3A_1120] {strides = array<i32>} : memref<2x8x1024xf32, #tpu.memory_space<vmem>>, vector<1x1x16xf32>,
        %get3A_1122 = vector.shape_cast %get3A_1121 : vector<1x1x16xf32> to vector<16xf32>
        %swap3A_1123 = arith.constant 0 : i32
        %swap3A_1124 = arith.index_cast %swap3A_1123 : i32 to index
        %swap3A_1125 = arith.index_cast %rem3A_272 : i32 to index
        %swap3A_1126 = arith.index_cast %add3A_452 : i32 to index
        %swap3A_1127 = arith.constant 256 : index
        %swap3A_1128 = tpu.vector_load %arg7[%swap3A_1124, %swap3A_1125, %swap3A_1126, %swap3A_1127] {strides = array<i32>} : memref<4x3x8x1024xf32, #tpu.memory_space<vmem>>, vector<1x1x1x16xf32>,
        %swap3A_1129 = vector.shape_cast %swap3A_1128 : vector<1x1x1x16xf32> to vector<16xf32>
        %swap3A_1130 = vector.shape_cast %get3A_1047 : vector<16xf32> to vector<1x1x1x16xf32>
        tpu.vector_store %arg7[%swap3A_1124, %swap3A_1125, %swap3A_1126, %swap3A_1127], %swap3A_1130 {add = true, strides = array<i32>} : memref<4x3x8x1024xf32, #tpu.memory_space<vmem>>, vector<1x1x1x16xf32>,
        %swap3A_1131 = arith.constant 0 : i32
        %swap3A_1132 = arith.index_cast %swap3A_1131 : i32 to index
        %swap3A_1133 = arith.index_cast %rem3A_272 : i32 to index
        %swap3A_1134 = arith.index_cast %add3A_452 : i32 to index
        %swap3A_1135 = arith.constant 272 : index
        %swap3A_1136 = tpu.vector_load %arg7[%swap3A_1132, %swap3A_1133, %swap3A_1134, %swap3A_1135] {strides = array<i32>} : memref<4x3x8x1024xf32, #tpu.memory_space<vmem>>, vector<1x1x1x16xf32>,
        %swap3A_1137 = vector.shape_cast %swap3A_1136 : vector<1x1x1x16xf32> to vector<16xf32>
        %swap3A_1138 = vector.shape_cast %get3A_1052 : vector<16xf32> to vector<1x1x1x16xf32>
        tpu.vector_store %arg7[%swap3A_1132, %swap3A_1133, %swap3A_1134, %swap3A_1135], %swap3A_1138 {add = true, strides = array<i32>} : memref<4x3x8x1024xf32, #tpu.memory_space<vmem>>, vector<1x1x1x16xf32>,
        %swap3A_1139 = arith.constant 0 : i32
        %swap3A_1140 = arith.index_cast %swap3A_1139 : i32 to index
        %swap3A_1141 = arith.index_cast %rem3A_272 : i32 to index
        %swap3A_1142 = arith.index_cast %add3A_452 : i32 to index
        %swap3A_1143 = arith.constant 288 : index
        %swap3A_1144 = tpu.vector_load %arg7[%swap3A_1140, %swap3A_1141, %swap3A_1142, %swap3A_1143] {strides = array<i32>} : memref<4x3x8x1024xf32, #tpu.memory_space<vmem>>, vector<1x1x1x16xf32>,
        %swap3A_1145 = vector.shape_cast %swap3A_1144 : vector<1x1x1x16xf32> to vector<16xf32>
        %swap3A_1146 = vector.shape_cast %get3A_1057 : vector<16xf32> to vector<1x1x1x16xf32>
        tpu.vector_store %arg7[%swap3A_1140, %swap3A_1141, %swap3A_1142, %swap3A_1143], %swap3A_1146 {add = true, strides = array<i32>} : memref<4x3x8x1024xf32, #tpu.memory_space<vmem>>, vector<1x1x1x16xf32>,
        %swap3A_1147 = arith.constant 0 : i32
        %swap3A_1148 = arith.index_cast %swap3A_1147 : i32 to index
        %swap3A_1149 = arith.index_cast %rem3A_272 : i32 to index
        %swap3A_1150 = arith.index_cast %add3A_452 : i32 to index
        %swap3A_1151 = arith.constant 304 : index
        %swap3A_1152 = tpu.vector_load %arg7[%swap3A_1148, %swap3A_1149, %swap3A_1150, %swap3A_1151] {strides = array<i32>} : memref<4x3x8x1024xf32, #tpu.memory_space<vmem>>, vector<1x1x1x16xf32>,
        %swap3A_1153 = vector.shape_cast %swap3A_1152 : vector<1x1x1x16xf32> to vector<16xf32>
        %swap3A_1154 = vector.shape_cast %get3A_1062 : vector<16xf32> to vector<1x1x1x16xf32>
        tpu.vector_store %arg7[%swap3A_1148, %swap3A_1149, %swap3A_1150, %swap3A_1151], %swap3A_1154 {add = true, strides = array<i32>} : memref<4x3x8x1024xf32, #tpu.memory_space<vmem>>, vector<1x1x1x16xf32>,
        %swap3A_1155 = arith.constant 0 : i32
        %swap3A_1156 = arith.index_cast %swap3A_1155 : i32 to index
        %swap3A_1157 = arith.index_cast %rem3A_272 : i32 to index
        %swap3A_1158 = arith.index_cast %add3A_452 : i32 to index
        %swap3A_1159 = arith.constant 320 : index
        %swap3A_1160 = tpu.vector_load %arg7[%swap3A_1156, %swap3A_1157, %swap3A_1158, %swap3A_1159] {strides = array<i32>} : memref<4x3x8x1024xf32, #tpu.memory_space<vmem>>, vector<1x1x1x16xf32>,
        %swap3A_1161 = vector.shape_cast %swap3A_1160 : vector<1x1x1x16xf32> to vector<16xf32>
        %swap3A_1162 = vector.shape_cast %get3A_1067 : vector<16xf32> to vector<1x1x1x16xf32>
        tpu.vector_store %arg7[%swap3A_1156, %swap3A_1157, %swap3A_1158, %swap3A_1159], %swap3A_1162 {add = true, strides = array<i32>} : memref<4x3x8x1024xf32, #tpu.memory_space<vmem>>, vector<1x1x1x16xf32>,
        %swap3A_1163 = arith.constant 0 : i32
        %swap3A_1164 = arith.index_cast %swap3A_1163 : i32 to index
        %swap3A_1165 = arith.index_cast %rem3A_272 : i32 to index
        %swap3A_1166 = arith.index_cast %add3A_452 : i32 to index
        %swap3A_1167 = arith.constant 336 : index
        %swap3A_1168 = tpu.vector_load %arg7[%swap3A_1164, %swap3A_1165, %swap3A_1166, %swap3A_1167] {strides = array<i32>} : memref<4x3x8x1024xf32, #tpu.memory_space<vmem>>, vector<1x1x1x16xf32>,
        %swap3A_1169 = vector.shape_cast %swap3A_1168 : vector<1x1x1x16xf32> to vector<16xf32>
        %swap3A_1170 = vector.shape_cast %get3A_1072 : vector<16xf32> to vector<1x1x1x16xf32>
        tpu.vector_store %arg7[%swap3A_1164, %swap3A_1165, %swap3A_1166, %swap3A_1167], %swap3A_1170 {add = true, strides = array<i32>} : memref<4x3x8x1024xf32, #tpu.memory_space<vmem>>, vector<1x1x1x16xf32>,
        %swap3A_1171 = arith.constant 0 : i32
        %swap3A_1172 = arith.index_cast %swap3A_1171 : i32 to index
        %swap3A_1173 = arith.index_cast %rem3A_272 : i32 to index
        %swap3A_1174 = arith.index_cast %add3A_452 : i32 to index
        %swap3A_1175 = arith.constant 352 : index
        %swap3A_1176 = tpu.vector_load %arg7[%swap3A_1172, %swap3A_1173, %swap3A_1174, %swap3A_1175] {strides = array<i32>} : memref<4x3x8x1024xf32, #tpu.memory_space<vmem>>, vector<1x1x1x16xf32>,
        %swap3A_1177 = vector.shape_cast %swap3A_1176 : vector<1x1x1x16xf32> to vector<16xf32>
        %swap3A_1178 = vector.shape_cast %get3A_1077 : vector<16xf32> to vector<1x1x1x16xf32>
        tpu.vector_store %arg7[%swap3A_1172, %swap3A_1173, %swap3A_1174, %swap3A_1175], %swap3A_1178 {add = true, strides = array<i32>} : memref<4x3x8x1024xf32, #tpu.memory_space<vmem>>, vector<1x1x1x16xf32>,
        %swap3A_1179 = arith.constant 0 : i32
        %swap3A_1180 = arith.index_cast %swap3A_1179 : i32 to index
        %swap3A_1181 = arith.index_cast %rem3A_272 : i32 to index
        %swap3A_1182 = arith.index_cast %add3A_452 : i32 to index
        %swap3A_1183 = arith.constant 368 : index
        %swap3A_1184 = tpu.vector_load %arg7[%swap3A_1180, %swap3A_1181, %swap3A_1182, %swap3A_1183] {strides = array<i32>} : memref<4x3x8x1024xf32, #tpu.memory_space<vmem>>, vector<1x1x1x16xf32>,
        %swap3A_1185 = vector.shape_cast %swap3A_1184 : vector<1x1x1x16xf32> to vector<16xf32>
        %swap3A_1186 = vector.shape_cast %get3A_1082 : vector<16xf32> to vector<1x1x1x16xf32>
        tpu.vector_store %arg7[%swap3A_1180, %swap3A_1181, %swap3A_1182, %swap3A_1183], %swap3A_1186 {add = true, strides = array<i32>} : memref<4x3x8x1024xf32, #tpu.memory_space<vmem>>, vector<1x1x1x16xf32>,
        %swap3A_1187 = arith.constant 0 : i32
        %swap3A_1188 = arith.index_cast %swap3A_1187 : i32 to index
        %swap3A_1189 = arith.index_cast %rem3A_272 : i32 to index
        %swap3A_1190 = arith.index_cast %add3A_452 : i32 to index
        %swap3A_1191 = arith.constant 384 : index
        %swap3A_1192 = tpu.vector_load %arg7[%swap3A_1188, %swap3A_1189, %swap3A_1190, %swap3A_1191] {strides = array<i32>} : memref<4x3x8x1024xf32, #tpu.memory_space<vmem>>, vector<1x1x1x16xf32>,
        %swap3A_1193 = vector.shape_cast %swap3A_1192 : vector<1x1x1x16xf32> to vector<16xf32>
        %swap3A_1194 = vector.shape_cast %get3A_1087 : vector<16xf32> to vector<1x1x1x16xf32>
        tpu.vector_store %arg7[%swap3A_1188, %swap3A_1189, %swap3A_1190, %swap3A_1191], %swap3A_1194 {add = true, strides = array<i32>} : memref<4x3x8x1024xf32, #tpu.memory_space<vmem>>, vector<1x1x1x16xf32>,
        %swap3A_1195 = arith.constant 0 : i32
        %swap3A_1196 = arith.index_cast %swap3A_1195 : i32 to index
        %swap3A_1197 = arith.index_cast %rem3A_272 : i32 to index
        %swap3A_1198 = arith.index_cast %add3A_452 : i32 to index
        %swap3A_1199 = arith.constant 400 : index
        %swap3A_1200 = tpu.vector_load %arg7[%swap3A_1196, %swap3A_1197, %swap3A_1198, %swap3A_1199] {strides = array<i32>} : memref<4x3x8x1024xf32, #tpu.memory_space<vmem>>, vector<1x1x1x16xf32>,
        %swap3A_1201 = vector.shape_cast %swap3A_1200 : vector<1x1x1x16xf32> to vector<16xf32>
        %swap3A_1202 = vector.shape_cast %get3A_1092 : vector<16xf32> to vector<1x1x1x16xf32>
        tpu.vector_store %arg7[%swap3A_1196, %swap3A_1197, %swap3A_1198, %swap3A_1199], %swap3A_1202 {add = true, strides = array<i32>} : memref<4x3x8x1024xf32, #tpu.memory_space<vmem>>, vector<1x1x1x16xf32>,
        %swap3A_1203 = arith.constant 0 : i32
        %swap3A_1204 = arith.index_cast %swap3A_1203 : i32 to index
        %swap3A_1205 = arith.index_cast %rem3A_272 : i32 to index
        %swap3A_1206 = arith.index_cast %add3A_452 : i32 to index
        %swap3A_1207 = arith.constant 416 : index
        %swap3A_1208 = tpu.vector_load %arg7[%swap3A_1204, %swap3A_1205, %swap3A_1206, %swap3A_1207] {strides = array<i32>} : memref<4x3x8x1024xf32, #tpu.memory_space<vmem>>, vector<1x1x1x16xf32>,
        %swap3A_1209 = vector.shape_cast %swap3A_1208 : vector<1x1x1x16xf32> to vector<16xf32>
        %swap3A_1210 = vector.shape_cast %get3A_1097 : vector<16xf32> to vector<1x1x1x16xf32>
        tpu.vector_store %arg7[%swap3A_1204, %swap3A_1205, %swap3A_1206, %swap3A_1207], %swap3A_1210 {add = true, strides = array<i32>} : memref<4x3x8x1024xf32, #tpu.memory_space<vmem>>, vector<1x1x1x16xf32>,
        %swap3A_1211 = arith.constant 0 : i32
        %swap3A_1212 = arith.index_cast %swap3A_1211 : i32 to index
        %swap3A_1213 = arith.index_cast %rem3A_272 : i32 to index
        %swap3A_1214 = arith.index_cast %add3A_452 : i32 to index
        %swap3A_1215 = arith.constant 432 : index
        %swap3A_1216 = tpu.vector_load %arg7[%swap3A_1212, %swap3A_1213, %swap3A_1214, %swap3A_1215] {strides = array<i32>} : memref<4x3x8x1024xf32, #tpu.memory_space<vmem>>, vector<1x1x1x16xf32>,
        %swap3A_1217 = vector.shape_cast %swap3A_1216 : vector<1x1x1x16xf32> to vector<16xf32>
        %swap3A_1218 = vector.shape_cast %get3A_1102 : vector<16xf32> to vector<1x1x1x16xf32>
        tpu.vector_store %arg7[%swap3A_1212, %swap3A_1213, %swap3A_1214, %swap3A_1215], %swap3A_1218 {add = true, strides = array<i32>} : memref<4x3x8x1024xf32, #tpu.memory_space<vmem>>, vector<1x1x1x16xf32>,
        %swap3A_1219 = arith.constant 0 : i32
        %swap3A_1220 = arith.index_cast %swap3A_1219 : i32 to index
        %swap3A_1221 = arith.index_cast %rem3A_272 : i32 to index
        %swap3A_1222 = arith.index_cast %add3A_452 : i32 to index
        %swap3A_1223 = arith.constant 448 : index
        %swap3A_1224 = tpu.vector_load %arg7[%swap3A_1220, %swap3A_1221, %swap3A_1222, %swap3A_1223] {strides = array<i32>} : memref<4x3x8x1024xf32, #tpu.memory_space<vmem>>, vector<1x1x1x16xf32>,
        %swap3A_1225 = vector.shape_cast %swap3A_1224 : vector<1x1x1x16xf32> to vector<16xf32>
        %swap3A_1226 = vector.shape_cast %get3A_1107 : vector<16xf32> to vector<1x1x1x16xf32>
        tpu.vector_store %arg7[%swap3A_1220, %swap3A_1221, %swap3A_1222, %swap3A_1223], %swap3A_1226 {add = true, strides = array<i32>} : memref<4x3x8x1024xf32, #tpu.memory_space<vmem>>, vector<1x1x1x16xf32>,
        %swap3A_1227 = arith.constant 0 : i32
        %swap3A_1228 = arith.index_cast %swap3A_1227 : i32 to index
        %swap3A_1229 = arith.index_cast %rem3A_272 : i32 to index
        %swap3A_1230 = arith.index_cast %add3A_452 : i32 to index
        %swap3A_1231 = arith.constant 464 : index
        %swap3A_1232 = tpu.vector_load %arg7[%swap3A_1228, %swap3A_1229, %swap3A_1230, %swap3A_1231] {strides = array<i32>} : memref<4x3x8x1024xf32, #tpu.memory_space<vmem>>, vector<1x1x1x16xf32>,
        %swap3A_1233 = vector.shape_cast %swap3A_1232 : vector<1x1x1x16xf32> to vector<16xf32>
        %swap3A_1234 = vector.shape_cast %get3A_1112 : vector<16xf32> to vector<1x1x1x16xf32>
        tpu.vector_store %arg7[%swap3A_1228, %swap3A_1229, %swap3A_1230, %swap3A_1231], %swap3A_1234 {add = true, strides = array<i32>} : memref<4x3x8x1024xf32, #tpu.memory_space<vmem>>, vector<1x1x1x16xf32>,
        %swap3A_1235 = arith.constant 0 : i32
        %swap3A_1236 = arith.index_cast %swap3A_1235 : i32 to index
        %swap3A_1237 = arith.index_cast %rem3A_272 : i32 to index
        %swap3A_1238 = arith.index_cast %add3A_452 : i32 to index
        %swap3A_1239 = arith.constant 480 : index
        %swap3A_1240 = tpu.vector_load %arg7[%swap3A_1236, %swap3A_1237, %swap3A_1238, %swap3A_1239] {strides = array<i32>} : memref<4x3x8x1024xf32, #tpu.memory_space<vmem>>, vector<1x1x1x16xf32>,
        %swap3A_1241 = vector.shape_cast %swap3A_1240 : vector<1x1x1x16xf32> to vector<16xf32>
        %swap3A_1242 = vector.shape_cast %get3A_1117 : vector<16xf32> to vector<1x1x1x16xf32>
        tpu.vector_store %arg7[%swap3A_1236, %swap3A_1237, %swap3A_1238, %swap3A_1239], %swap3A_1242 {add = true, strides = array<i32>} : memref<4x3x8x1024xf32, #tpu.memory_space<vmem>>, vector<1x1x1x16xf32>,
        %swap3A_1243 = arith.constant 0 : i32
        %swap3A_1244 = arith.index_cast %swap3A_1243 : i32 to index
        %swap3A_1245 = arith.index_cast %rem3A_272 : i32 to index
        %swap3A_1246 = arith.index_cast %add3A_452 : i32 to index
        %swap3A_1247 = arith.constant 496 : index
        %swap3A_1248 = tpu.vector_load %arg7[%swap3A_1244, %swap3A_1245, %swap3A_1246, %swap3A_1247] {strides = array<i32>} : memref<4x3x8x1024xf32, #tpu.memory_space<vmem>>, vector<1x1x1x16xf32>,
        %swap3A_1249 = vector.shape_cast %swap3A_1248 : vector<1x1x1x16xf32> to vector<16xf32>
        %swap3A_1250 = vector.shape_cast %get3A_1122 : vector<16xf32> to vector<1x1x1x16xf32>
        tpu.vector_store %arg7[%swap3A_1244, %swap3A_1245, %swap3A_1246, %swap3A_1247], %swap3A_1250 {add = true, strides = array<i32>} : memref<4x3x8x1024xf32, #tpu.memory_space<vmem>>, vector<1x1x1x16xf32>,
        %swap3A_1251 = arith.constant 1 : i32
        %swap3A_1252 = arith.index_cast %swap3A_1251 : i32 to index
        %swap3A_1253 = arith.index_cast %rem3A_272 : i32 to index
        %swap3A_1254 = arith.index_cast %add3A_452 : i32 to index
        %swap3A_1255 = arith.constant 256 : index
        %swap3A_1256 = tpu.vector_load %arg7[%swap3A_1252, %swap3A_1253, %swap3A_1254, %swap3A_1255] {strides = array<i32>} : memref<4x3x8x1024xf32, #tpu.memory_space<vmem>>, vector<1x1x1x16xf32>,
        %swap3A_1257 = vector.shape_cast %swap3A_1256 : vector<1x1x1x16xf32> to vector<16xf32>
        %swap3A_1258 = vector.shape_cast %get3A_1047 : vector<16xf32> to vector<1x1x1x16xf32>
        tpu.vector_store %arg7[%swap3A_1252, %swap3A_1253, %swap3A_1254, %swap3A_1255], %swap3A_1258 {add = true, strides = array<i32>} : memref<4x3x8x1024xf32, #tpu.memory_space<vmem>>, vector<1x1x1x16xf32>,
        %swap3A_1259 = arith.constant 1 : i32
        %swap3A_1260 = arith.index_cast %swap3A_1259 : i32 to index
        %swap3A_1261 = arith.index_cast %rem3A_272 : i32 to index
        %swap3A_1262 = arith.index_cast %add3A_452 : i32 to index
        %swap3A_1263 = arith.constant 272 : index
        %swap3A_1264 = tpu.vector_load %arg7[%swap3A_1260, %swap3A_1261, %swap3A_1262, %swap3A_1263] {strides = array<i32>} : memref<4x3x8x1024xf32, #tpu.memory_space<vmem>>, vector<1x1x1x16xf32>,
        %swap3A_1265 = vector.shape_cast %swap3A_1264 : vector<1x1x1x16xf32> to vector<16xf32>
        %swap3A_1266 = vector.shape_cast %get3A_1052 : vector<16xf32> to vector<1x1x1x16xf32>
        tpu.vector_store %arg7[%swap3A_1260, %swap3A_1261, %swap3A_1262, %swap3A_1263], %swap3A_1266 {add = true, strides = array<i32>} : memref<4x3x8x1024xf32, #tpu.memory_space<vmem>>, vector<1x1x1x16xf32>,
        %swap3A_1267 = arith.constant 1 : i32
        %swap3A_1268 = arith.index_cast %swap3A_1267 : i32 to index
        %swap3A_1269 = arith.index_cast %rem3A_272 : i32 to index
        %swap3A_1270 = arith.index_cast %add3A_452 : i32 to index
        %swap3A_1271 = arith.constant 288 : index
        %swap3A_1272 = tpu.vector_load %arg7[%swap3A_1268, %swap3A_1269, %swap3A_1270, %swap3A_1271] {strides = array<i32>} : memref<4x3x8x1024xf32, #tpu.memory_space<vmem>>, vector<1x1x1x16xf32>,
        %swap3A_1273 = vector.shape_cast %swap3A_1272 : vector<1x1x1x16xf32> to vector<16xf32>
        %swap3A_1274 = vector.shape_cast %get3A_1057 : vector<16xf32> to vector<1x1x1x16xf32>
        tpu.vector_store %arg7[%swap3A_1268, %swap3A_1269, %swap3A_1270, %swap3A_1271], %swap3A_1274 {add = true, strides = array<i32>} : memref<4x3x8x1024xf32, #tpu.memory_space<vmem>>, vector<1x1x1x16xf32>,
        %swap3A_1275 = arith.constant 1 : i32
        %swap3A_1276 = arith.index_cast %swap3A_1275 : i32 to index
        %swap3A_1277 = arith.index_cast %rem3A_272 : i32 to index
        %swap3A_1278 = arith.index_cast %add3A_452 : i32 to index
        %swap3A_1279 = arith.constant 304 : index
        %swap3A_1280 = tpu.vector_load %arg7[%swap3A_1276, %swap3A_1277, %swap3A_1278, %swap3A_1279] {strides = array<i32>} : memref<4x3x8x1024xf32, #tpu.memory_space<vmem>>, vector<1x1x1x16xf32>,
        %swap3A_1281 = vector.shape_cast %swap3A_1280 : vector<1x1x1x16xf32> to vector<16xf32>
        %swap3A_1282 = vector.shape_cast %get3A_1062 : vector<16xf32> to vector<1x1x1x16xf32>
        tpu.vector_store %arg7[%swap3A_1276, %swap3A_1277, %swap3A_1278, %swap3A_1279], %swap3A_1282 {add = true, strides = array<i32>} : memref<4x3x8x1024xf32, #tpu.memory_space<vmem>>, vector<1x1x1x16xf32>,
        %swap3A_1283 = arith.constant 1 : i32
        %swap3A_1284 = arith.index_cast %swap3A_1283 : i32 to index
        %swap3A_1285 = arith.index_cast %rem3A_272 : i32 to index
        %swap3A_1286 = arith.index_cast %add3A_452 : i32 to index
        %swap3A_1287 = arith.constant 320 : index
        %swap3A_1288 = tpu.vector_load %arg7[%swap3A_1284, %swap3A_1285, %swap3A_1286, %swap3A_1287] {strides = array<i32>} : memref<4x3x8x1024xf32, #tpu.memory_space<vmem>>, vector<1x1x1x16xf32>,
        %swap3A_1289 = vector.shape_cast %swap3A_1288 : vector<1x1x1x16xf32> to vector<16xf32>
        %swap3A_1290 = vector.shape_cast %get3A_1067 : vector<16xf32> to vector<1x1x1x16xf32>
        tpu.vector_store %arg7[%swap3A_1284, %swap3A_1285, %swap3A_1286, %swap3A_1287], %swap3A_1290 {add = true, strides = array<i32>} : memref<4x3x8x1024xf32, #tpu.memory_space<vmem>>, vector<1x1x1x16xf32>,
        %swap3A_1291 = arith.constant 1 : i32
        %swap3A_1292 = arith.index_cast %swap3A_1291 : i32 to index
        %swap3A_1293 = arith.index_cast %rem3A_272 : i32 to index
        %swap3A_1294 = arith.index_cast %add3A_452 : i32 to index
        %swap3A_1295 = arith.constant 336 : index
        %swap3A_1296 = tpu.vector_load %arg7[%swap3A_1292, %swap3A_1293, %swap3A_1294, %swap3A_1295] {strides = array<i32>} : memref<4x3x8x1024xf32, #tpu.memory_space<vmem>>, vector<1x1x1x16xf32>,
        %swap3A_1297 = vector.shape_cast %swap3A_1296 : vector<1x1x1x16xf32> to vector<16xf32>
        %swap3A_1298 = vector.shape_cast %get3A_1072 : vector<16xf32> to vector<1x1x1x16xf32>
        tpu.vector_store %arg7[%swap3A_1292, %swap3A_1293, %swap3A_1294, %swap3A_1295], %swap3A_1298 {add = true, strides = array<i32>} : memref<4x3x8x1024xf32, #tpu.memory_space<vmem>>, vector<1x1x1x16xf32>,
        %swap3A_1299 = arith.constant 1 : i32
        %swap3A_1300 = arith.index_cast %swap3A_1299 : i32 to index
        %swap3A_1301 = arith.index_cast %rem3A_272 : i32 to index
        %swap3A_1302 = arith.index_cast %add3A_452 : i32 to index
        %swap3A_1303 = arith.constant 352 : index
        %swap3A_1304 = tpu.vector_load %arg7[%swap3A_1300, %swap3A_1301, %swap3A_1302, %swap3A_1303] {strides = array<i32>} : memref<4x3x8x1024xf32, #tpu.memory_space<vmem>>, vector<1x1x1x16xf32>,
        %swap3A_1305 = vector.shape_cast %swap3A_1304 : vector<1x1x1x16xf32> to vector<16xf32>
        %swap3A_1306 = vector.shape_cast %get3A_1077 : vector<16xf32> to vector<1x1x1x16xf32>
        tpu.vector_store %arg7[%swap3A_1300, %swap3A_1301, %swap3A_1302, %swap3A_1303], %swap3A_1306 {add = true, strides = array<i32>} : memref<4x3x8x1024xf32, #tpu.memory_space<vmem>>, vector<1x1x1x16xf32>,
        %swap3A_1307 = arith.constant 1 : i32
        %swap3A_1308 = arith.index_cast %swap3A_1307 : i32 to index
        %swap3A_1309 = arith.index_cast %rem3A_272 : i32 to index
        %swap3A_1310 = arith.index_cast %add3A_452 : i32 to index
        %swap3A_1311 = arith.constant 368 : index
        %swap3A_1312 = tpu.vector_load %arg7[%swap3A_1308, %swap3A_1309, %swap3A_1310, %swap3A_1311] {strides = array<i32>} : memref<4x3x8x1024xf32, #tpu.memory_space<vmem>>, vector<1x1x1x16xf32>,
        %swap3A_1313 = vector.shape_cast %swap3A_1312 : vector<1x1x1x16xf32> to vector<16xf32>
        %swap3A_1314 = vector.shape_cast %get3A_1082 : vector<16xf32> to vector<1x1x1x16xf32>
        tpu.vector_store %arg7[%swap3A_1308, %swap3A_1309, %swap3A_1310, %swap3A_1311], %swap3A_1314 {add = true, strides = array<i32>} : memref<4x3x8x1024xf32, #tpu.memory_space<vmem>>, vector<1x1x1x16xf32>,
        %swap3A_1315 = arith.constant 1 : i32
        %swap3A_1316 = arith.index_cast %swap3A_1315 : i32 to index
        %swap3A_1317 = arith.index_cast %rem3A_272 : i32 to index
        %swap3A_1318 = arith.index_cast %add3A_452 : i32 to index
        %swap3A_1319 = arith.constant 384 : index
        %swap3A_1320 = tpu.vector_load %arg7[%swap3A_1316, %swap3A_1317, %swap3A_1318, %swap3A_1319] {strides = array<i32>} : memref<4x3x8x1024xf32, #tpu.memory_space<vmem>>, vector<1x1x1x16xf32>,
        %swap3A_1321 = vector.shape_cast %swap3A_1320 : vector<1x1x1x16xf32> to vector<16xf32>
        %swap3A_1322 = vector.shape_cast %get3A_1087 : vector<16xf32> to vector<1x1x1x16xf32>
        tpu.vector_store %arg7[%swap3A_1316, %swap3A_1317, %swap3A_1318, %swap3A_1319], %swap3A_1322 {add = true, strides = array<i32>} : memref<4x3x8x1024xf32, #tpu.memory_space<vmem>>, vector<1x1x1x16xf32>,
        %swap3A_1323 = arith.constant 1 : i32
        %swap3A_1324 = arith.index_cast %swap3A_1323 : i32 to index
        %swap3A_1325 = arith.index_cast %rem3A_272 : i32 to index
        %swap3A_1326 = arith.index_cast %add3A_452 : i32 to index
        %swap3A_1327 = arith.constant 400 : index
        %swap3A_1328 = tpu.vector_load %arg7[%swap3A_1324, %swap3A_1325, %swap3A_1326, %swap3A_1327] {strides = array<i32>} : memref<4x3x8x1024xf32, #tpu.memory_space<vmem>>, vector<1x1x1x16xf32>,
        %swap3A_1329 = vector.shape_cast %swap3A_1328 : vector<1x1x1x16xf32> to vector<16xf32>
        %swap3A_1330 = vector.shape_cast %get3A_1092 : vector<16xf32> to vector<1x1x1x16xf32>
        tpu.vector_store %arg7[%swap3A_1324, %swap3A_1325, %swap3A_1326, %swap3A_1327], %swap3A_1330 {add = true, strides = array<i32>} : memref<4x3x8x1024xf32, #tpu.memory_space<vmem>>, vector<1x1x1x16xf32>,
        %swap3A_1331 = arith.constant 1 : i32
        %swap3A_1332 = arith.index_cast %swap3A_1331 : i32 to index
        %swap3A_1333 = arith.index_cast %rem3A_272 : i32 to index
        %swap3A_1334 = arith.index_cast %add3A_452 : i32 to index
        %swap3A_1335 = arith.constant 416 : index
        %swap3A_1336 = tpu.vector_load %arg7[%swap3A_1332, %swap3A_1333, %swap3A_1334, %swap3A_1335] {strides = array<i32>} : memref<4x3x8x1024xf32, #tpu.memory_space<vmem>>, vector<1x1x1x16xf32>,
        %swap3A_1337 = vector.shape_cast %swap3A_1336 : vector<1x1x1x16xf32> to vector<16xf32>
        %swap3A_1338 = vector.shape_cast %get3A_1097 : vector<16xf32> to vector<1x1x1x16xf32>
        tpu.vector_store %arg7[%swap3A_1332, %swap3A_1333, %swap3A_1334, %swap3A_1335], %swap3A_1338 {add = true, strides = array<i32>} : memref<4x3x8x1024xf32, #tpu.memory_space<vmem>>, vector<1x1x1x16xf32>,
        %swap3A_1339 = arith.constant 1 : i32
        %swap3A_1340 = arith.index_cast %swap3A_1339 : i32 to index
        %swap3A_1341 = arith.index_cast %rem3A_272 : i32 to index
        %swap3A_1342 = arith.index_cast %add3A_452 : i32 to index
        %swap3A_1343 = arith.constant 432 : index
        %swap3A_1344 = tpu.vector_load %arg7[%swap3A_1340, %swap3A_1341, %swap3A_1342, %swap3A_1343] {strides = array<i32>} : memref<4x3x8x1024xf32, #tpu.memory_space<vmem>>, vector<1x1x1x16xf32>,
        %swap3A_1345 = vector.shape_cast %swap3A_1344 : vector<1x1x1x16xf32> to vector<16xf32>
        %swap3A_1346 = vector.shape_cast %get3A_1102 : vector<16xf32> to vector<1x1x1x16xf32>
        tpu.vector_store %arg7[%swap3A_1340, %swap3A_1341, %swap3A_1342, %swap3A_1343], %swap3A_1346 {add = true, strides = array<i32>} : memref<4x3x8x1024xf32, #tpu.memory_space<vmem>>, vector<1x1x1x16xf32>,
        %swap3A_1347 = arith.constant 1 : i32
        %swap3A_1348 = arith.index_cast %swap3A_1347 : i32 to index
        %swap3A_1349 = arith.index_cast %rem3A_272 : i32 to index
        %swap3A_1350 = arith.index_cast %add3A_452 : i32 to index
        %swap3A_1351 = arith.constant 448 : index
        %swap3A_1352 = tpu.vector_load %arg7[%swap3A_1348, %swap3A_1349, %swap3A_1350, %swap3A_1351] {strides = array<i32>} : memref<4x3x8x1024xf32, #tpu.memory_space<vmem>>, vector<1x1x1x16xf32>,
        %swap3A_1353 = vector.shape_cast %swap3A_1352 : vector<1x1x1x16xf32> to vector<16xf32>
        %swap3A_1354 = vector.shape_cast %get3A_1107 : vector<16xf32> to vector<1x1x1x16xf32>
        tpu.vector_store %arg7[%swap3A_1348, %swap3A_1349, %swap3A_1350, %swap3A_1351], %swap3A_1354 {add = true, strides = array<i32>} : memref<4x3x8x1024xf32, #tpu.memory_space<vmem>>, vector<1x1x1x16xf32>,
        %swap3A_1355 = arith.constant 1 : i32
        %swap3A_1356 = arith.index_cast %swap3A_1355 : i32 to index
        %swap3A_1357 = arith.index_cast %rem3A_272 : i32 to index
        %swap3A_1358 = arith.index_cast %add3A_452 : i32 to index
        %swap3A_1359 = arith.constant 464 : index
        %swap3A_1360 = tpu.vector_load %arg7[%swap3A_1356, %swap3A_1357, %swap3A_1358, %swap3A_1359] {strides = array<i32>} : memref<4x3x8x1024xf32, #tpu.memory_space<vmem>>, vector<1x1x1x16xf32>,
        %swap3A_1361 = vector.shape_cast %swap3A_1360 : vector<1x1x1x16xf32> to vector<16xf32>
        %swap3A_1362 = vector.shape_cast %get3A_1112 : vector<16xf32> to vector<1x1x1x16xf32>
        tpu.vector_store %arg7[%swap3A_1356, %swap3A_1357, %swap3A_1358, %swap3A_1359], %swap3A_1362 {add = true, strides = array<i32>} : memref<4x3x8x1024xf32, #tpu.memory_space<vmem>>, vector<1x1x1x16xf32>,
        %swap3A_1363 = arith.constant 1 : i32
        %swap3A_1364 = arith.index_cast %swap3A_1363 : i32 to index
        %swap3A_1365 = arith.index_cast %rem3A_272 : i32 to index
        %swap3A_1366 = arith.index_cast %add3A_452 : i32 to index
        %swap3A_1367 = arith.constant 480 : index
        %swap3A_1368 = tpu.vector_load %arg7[%swap3A_1364, %swap3A_1365, %swap3A_1366, %swap3A_1367] {strides = array<i32>} : memref<4x3x8x1024xf32, #tpu.memory_space<vmem>>, vector<1x1x1x16xf32>,
        %swap3A_1369 = vector.shape_cast %swap3A_1368 : vector<1x1x1x16xf32> to vector<16xf32>
        %swap3A_1370 = vector.shape_cast %get3A_1117 : vector<16xf32> to vector<1x1x1x16xf32>
        tpu.vector_store %arg7[%swap3A_1364, %swap3A_1365, %swap3A_1366, %swap3A_1367], %swap3A_1370 {add = true, strides = array<i32>} : memref<4x3x8x1024xf32, #tpu.memory_space<vmem>>, vector<1x1x1x16xf32>,
        %swap3A_1371 = arith.constant 1 : i32
        %swap3A_1372 = arith.index_cast %swap3A_1371 : i32 to index
        %swap3A_1373 = arith.index_cast %rem3A_272 : i32 to index
        %swap3A_1374 = arith.index_cast %add3A_452 : i32 to index
        %swap3A_1375 = arith.constant 496 : index
        %swap3A_1376 = tpu.vector_load %arg7[%swap3A_1372, %swap3A_1373, %swap3A_1374, %swap3A_1375] {strides = array<i32>} : memref<4x3x8x1024xf32, #tpu.memory_space<vmem>>, vector<1x1x1x16xf32>,
        %swap3A_1377 = vector.shape_cast %swap3A_1376 : vector<1x1x1x16xf32> to vector<16xf32>
        %swap3A_1378 = vector.shape_cast %get3A_1122 : vector<16xf32> to vector<1x1x1x16xf32>
        tpu.vector_store %arg7[%swap3A_1372, %swap3A_1373, %swap3A_1374, %swap3A_1375], %swap3A_1378 {add = true, strides = array<i32>} : memref<4x3x8x1024xf32, #tpu.memory_space<vmem>>, vector<1x1x1x16xf32>,
        %swap3A_1379 = arith.constant 2 : i32
        %swap3A_1380 = arith.index_cast %swap3A_1379 : i32 to index
        %swap3A_1381 = arith.index_cast %rem3A_272 : i32 to index
        %swap3A_1382 = arith.index_cast %add3A_452 : i32 to index
        %swap3A_1383 = arith.constant 256 : index
        %swap3A_1384 = tpu.vector_load %arg7[%swap3A_1380, %swap3A_1381, %swap3A_1382, %swap3A_1383] {strides = array<i32>} : memref<4x3x8x1024xf32, #tpu.memory_space<vmem>>, vector<1x1x1x16xf32>,
        %swap3A_1385 = vector.shape_cast %swap3A_1384 : vector<1x1x1x16xf32> to vector<16xf32>
        %swap3A_1386 = vector.shape_cast %get3A_1047 : vector<16xf32> to vector<1x1x1x16xf32>
        tpu.vector_store %arg7[%swap3A_1380, %swap3A_1381, %swap3A_1382, %swap3A_1383], %swap3A_1386 {add = true, strides = array<i32>} : memref<4x3x8x1024xf32, #tpu.memory_space<vmem>>, vector<1x1x1x16xf32>,
        %swap3A_1387 = arith.constant 2 : i32
        %swap3A_1388 = arith.index_cast %swap3A_1387 : i32 to index
        %swap3A_1389 = arith.index_cast %rem3A_272 : i32 to index
        %swap3A_1390 = arith.index_cast %add3A_452 : i32 to index
        %swap3A_1391 = arith.constant 272 : index
        %swap3A_1392 = tpu.vector_load %arg7[%swap3A_1388, %swap3A_1389, %swap3A_1390, %swap3A_1391] {strides = array<i32>} : memref<4x3x8x1024xf32, #tpu.memory_space<vmem>>, vector<1x1x1x16xf32>,
        %swap3A_1393 = vector.shape_cast %swap3A_1392 : vector<1x1x1x16xf32> to vector<16xf32>
        %swap3A_1394 = vector.shape_cast %get3A_1052 : vector<16xf32> to vector<1x1x1x16xf32>
        tpu.vector_store %arg7[%swap3A_1388, %swap3A_1389, %swap3A_1390, %swap3A_1391], %swap3A_1394 {add = true, strides = array<i32>} : memref<4x3x8x1024xf32, #tpu.memory_space<vmem>>, vector<1x1x1x16xf32>,
        %swap3A_1395 = arith.constant 2 : i32
        %swap3A_1396 = arith.index_cast %swap3A_1395 : i32 to index
        %swap3A_1397 = arith.index_cast %rem3A_272 : i32 to index
        %swap3A_1398 = arith.index_cast %add3A_452 : i32 to index
        %swap3A_1399 = arith.constant 288 : index
        %swap3A_1400 = tpu.vector_load %arg7[%swap3A_1396, %swap3A_1397, %swap3A_1398, %swap3A_1399] {strides = array<i32>} : memref<4x3x8x1024xf32, #tpu.memory_space<vmem>>, vector<1x1x1x16xf32>,
        %swap3A_1401 = vector.shape_cast %swap3A_1400 : vector<1x1x1x16xf32> to vector<16xf32>
        %swap3A_1402 = vector.shape_cast %get3A_1057 : vector<16xf32> to vector<1x1x1x16xf32>
        tpu.vector_store %arg7[%swap3A_1396, %swap3A_1397, %swap3A_1398, %swap3A_1399], %swap3A_1402 {add = true, strides = array<i32>} : memref<4x3x8x1024xf32, #tpu.memory_space<vmem>>, vector<1x1x1x16xf32>,
        %swap3A_1403 = arith.constant 2 : i32
        %swap3A_1404 = arith.index_cast %swap3A_1403 : i32 to index
        %swap3A_1405 = arith.index_cast %rem3A_272 : i32 to index
        %swap3A_1406 = arith.index_cast %add3A_452 : i32 to index
        %swap3A_1407 = arith.constant 304 : index
        %swap3A_1408 = tpu.vector_load %arg7[%swap3A_1404, %swap3A_1405, %swap3A_1406, %swap3A_1407] {strides = array<i32>} : memref<4x3x8x1024xf32, #tpu.memory_space<vmem>>, vector<1x1x1x16xf32>,
        %swap3A_1409 = vector.shape_cast %swap3A_1408 : vector<1x1x1x16xf32> to vector<16xf32>
        %swap3A_1410 = vector.shape_cast %get3A_1062 : vector<16xf32> to vector<1x1x1x16xf32>
        tpu.vector_store %arg7[%swap3A_1404, %swap3A_1405, %swap3A_1406, %swap3A_1407], %swap3A_1410 {add = true, strides = array<i32>} : memref<4x3x8x1024xf32, #tpu.memory_space<vmem>>, vector<1x1x1x16xf32>,
        %swap3A_1411 = arith.constant 2 : i32
        %swap3A_1412 = arith.index_cast %swap3A_1411 : i32 to index
        %swap3A_1413 = arith.index_cast %rem3A_272 : i32 to index
        %swap3A_1414 = arith.index_cast %add3A_452 : i32 to index
        %swap3A_1415 = arith.constant 320 : index
        %swap3A_1416 = tpu.vector_load %arg7[%swap3A_1412, %swap3A_1413, %swap3A_1414, %swap3A_1415] {strides = array<i32>} : memref<4x3x8x1024xf32, #tpu.memory_space<vmem>>, vector<1x1x1x16xf32>,
        %swap3A_1417 = vector.shape_cast %swap3A_1416 : vector<1x1x1x16xf32> to vector<16xf32>
        %swap3A_1418 = vector.shape_cast %get3A_1067 : vector<16xf32> to vector<1x1x1x16xf32>
        tpu.vector_store %arg7[%swap3A_1412, %swap3A_1413, %swap3A_1414, %swap3A_1415], %swap3A_1418 {add = true, strides = array<i32>} : memref<4x3x8x1024xf32, #tpu.memory_space<vmem>>, vector<1x1x1x16xf32>,
        %swap3A_1419 = arith.constant 2 : i32
        %swap3A_1420 = arith.index_cast %swap3A_1419 : i32 to index
        %swap3A_1421 = arith.index_cast %rem3A_272 : i32 to index
        %swap3A_1422 = arith.index_cast %add3A_452 : i32 to index
        %swap3A_1423 = arith.constant 336 : index
        %swap3A_1424 = tpu.vector_load %arg7[%swap3A_1420, %swap3A_1421, %swap3A_1422, %swap3A_1423] {strides = array<i32>} : memref<4x3x8x1024xf32, #tpu.memory_space<vmem>>, vector<1x1x1x16xf32>,
        %swap3A_1425 = vector.shape_cast %swap3A_1424 : vector<1x1x1x16xf32> to vector<16xf32>
        %swap3A_1426 = vector.shape_cast %get3A_1072 : vector<16xf32> to vector<1x1x1x16xf32>
        tpu.vector_store %arg7[%swap3A_1420, %swap3A_1421, %swap3A_1422, %swap3A_1423], %swap3A_1426 {add = true, strides = array<i32>} : memref<4x3x8x1024xf32, #tpu.memory_space<vmem>>, vector<1x1x1x16xf32>,
        %swap3A_1427 = arith.constant 2 : i32
        %swap3A_1428 = arith.index_cast %swap3A_1427 : i32 to index
        %swap3A_1429 = arith.index_cast %rem3A_272 : i32 to index
        %swap3A_1430 = arith.index_cast %add3A_452 : i32 to index
        %swap3A_1431 = arith.constant 352 : index
        %swap3A_1432 = tpu.vector_load %arg7[%swap3A_1428, %swap3A_1429, %swap3A_1430, %swap3A_1431] {strides = array<i32>} : memref<4x3x8x1024xf32, #tpu.memory_space<vmem>>, vector<1x1x1x16xf32>,
        %swap3A_1433 = vector.shape_cast %swap3A_1432 : vector<1x1x1x16xf32> to vector<16xf32>
        %swap3A_1434 = vector.shape_cast %get3A_1077 : vector<16xf32> to vector<1x1x1x16xf32>
        tpu.vector_store %arg7[%swap3A_1428, %swap3A_1429, %swap3A_1430, %swap3A_1431], %swap3A_1434 {add = true, strides = array<i32>} : memref<4x3x8x1024xf32, #tpu.memory_space<vmem>>, vector<1x1x1x16xf32>,
        %swap3A_1435 = arith.constant 2 : i32
        %swap3A_1436 = arith.index_cast %swap3A_1435 : i32 to index
        %swap3A_1437 = arith.index_cast %rem3A_272 : i32 to index
        %swap3A_1438 = arith.index_cast %add3A_452 : i32 to index
        %swap3A_1439 = arith.constant 368 : index
        %swap3A_1440 = tpu.vector_load %arg7[%swap3A_1436, %swap3A_1437, %swap3A_1438, %swap3A_1439] {strides = array<i32>} : memref<4x3x8x1024xf32, #tpu.memory_space<vmem>>, vector<1x1x1x16xf32>,
        %swap3A_1441 = vector.shape_cast %swap3A_1440 : vector<1x1x1x16xf32> to vector<16xf32>
        %swap3A_1442 = vector.shape_cast %get3A_1082 : vector<16xf32> to vector<1x1x1x16xf32>
        tpu.vector_store %arg7[%swap3A_1436, %swap3A_1437, %swap3A_1438, %swap3A_1439], %swap3A_1442 {add = true, strides = array<i32>} : memref<4x3x8x1024xf32, #tpu.memory_space<vmem>>, vector<1x1x1x16xf32>,
        %swap3A_1443 = arith.constant 2 : i32
        %swap3A_1444 = arith.index_cast %swap3A_1443 : i32 to index
        %swap3A_1445 = arith.index_cast %rem3A_272 : i32 to index
        %swap3A_1446 = arith.index_cast %add3A_452 : i32 to index
        %swap3A_1447 = arith.constant 384 : index
        %swap3A_1448 = tpu.vector_load %arg7[%swap3A_1444, %swap3A_1445, %swap3A_1446, %swap3A_1447] {strides = array<i32>} : memref<4x3x8x1024xf32, #tpu.memory_space<vmem>>, vector<1x1x1x16xf32>,
        %swap3A_1449 = vector.shape_cast %swap3A_1448 : vector<1x1x1x16xf32> to vector<16xf32>
        %swap3A_1450 = vector.shape_cast %get3A_1087 : vector<16xf32> to vector<1x1x1x16xf32>
        tpu.vector_store %arg7[%swap3A_1444, %swap3A_1445, %swap3A_1446, %swap3A_1447], %swap3A_1450 {add = true, strides = array<i32>} : memref<4x3x8x1024xf32, #tpu.memory_space<vmem>>, vector<1x1x1x16xf32>,
        %swap3A_1451 = arith.constant 2 : i32
        %swap3A_1452 = arith.index_cast %swap3A_1451 : i32 to index
        %swap3A_1453 = arith.index_cast %rem3A_272 : i32 to index
        %swap3A_1454 = arith.index_cast %add3A_452 : i32 to index
        %swap3A_1455 = arith.constant 400 : index
        %swap3A_1456 = tpu.vector_load %arg7[%swap3A_1452, %swap3A_1453, %swap3A_1454, %swap3A_1455] {strides = array<i32>} : memref<4x3x8x1024xf32, #tpu.memory_space<vmem>>, vector<1x1x1x16xf32>,
        %swap3A_1457 = vector.shape_cast %swap3A_1456 : vector<1x1x1x16xf32> to vector<16xf32>
        %swap3A_1458 = vector.shape_cast %get3A_1092 : vector<16xf32> to vector<1x1x1x16xf32>
        tpu.vector_store %arg7[%swap3A_1452, %swap3A_1453, %swap3A_1454, %swap3A_1455], %swap3A_1458 {add = true, strides = array<i32>} : memref<4x3x8x1024xf32, #tpu.memory_space<vmem>>, vector<1x1x1x16xf32>,
        %swap3A_1459 = arith.constant 2 : i32
        %swap3A_1460 = arith.index_cast %swap3A_1459 : i32 to index
        %swap3A_1461 = arith.index_cast %rem3A_272 : i32 to index
        %swap3A_1462 = arith.index_cast %add3A_452 : i32 to index
        %swap3A_1463 = arith.constant 416 : index
        %swap3A_1464 = tpu.vector_load %arg7[%swap3A_1460, %swap3A_1461, %swap3A_1462, %swap3A_1463] {strides = array<i32>} : memref<4x3x8x1024xf32, #tpu.memory_space<vmem>>, vector<1x1x1x16xf32>,
        %swap3A_1465 = vector.shape_cast %swap3A_1464 : vector<1x1x1x16xf32> to vector<16xf32>
        %swap3A_1466 = vector.shape_cast %get3A_1097 : vector<16xf32> to vector<1x1x1x16xf32>
        tpu.vector_store %arg7[%swap3A_1460, %swap3A_1461, %swap3A_1462, %swap3A_1463], %swap3A_1466 {add = true, strides = array<i32>} : memref<4x3x8x1024xf32, #tpu.memory_space<vmem>>, vector<1x1x1x16xf32>,
        %swap3A_1467 = arith.constant 2 : i32
        %swap3A_1468 = arith.index_cast %swap3A_1467 : i32 to index
        %swap3A_1469 = arith.index_cast %rem3A_272 : i32 to index
        %swap3A_1470 = arith.index_cast %add3A_452 : i32 to index
        %swap3A_1471 = arith.constant 432 : index
        %swap3A_1472 = tpu.vector_load %arg7[%swap3A_1468, %swap3A_1469, %swap3A_1470, %swap3A_1471] {strides = array<i32>} : memref<4x3x8x1024xf32, #tpu.memory_space<vmem>>, vector<1x1x1x16xf32>,
        %swap3A_1473 = vector.shape_cast %swap3A_1472 : vector<1x1x1x16xf32> to vector<16xf32>
        %swap3A_1474 = vector.shape_cast %get3A_1102 : vector<16xf32> to vector<1x1x1x16xf32>
        tpu.vector_store %arg7[%swap3A_1468, %swap3A_1469, %swap3A_1470, %swap3A_1471], %swap3A_1474 {add = true, strides = array<i32>} : memref<4x3x8x1024xf32, #tpu.memory_space<vmem>>, vector<1x1x1x16xf32>,
        %swap3A_1475 = arith.constant 2 : i32
        %swap3A_1476 = arith.index_cast %swap3A_1475 : i32 to index
        %swap3A_1477 = arith.index_cast %rem3A_272 : i32 to index
        %swap3A_1478 = arith.index_cast %add3A_452 : i32 to index
        %swap3A_1479 = arith.constant 448 : index
        %swap3A_1480 = tpu.vector_load %arg7[%swap3A_1476, %swap3A_1477, %swap3A_1478, %swap3A_1479] {strides = array<i32>} : memref<4x3x8x1024xf32, #tpu.memory_space<vmem>>, vector<1x1x1x16xf32>,
        %swap3A_1481 = vector.shape_cast %swap3A_1480 : vector<1x1x1x16xf32> to vector<16xf32>
        %swap3A_1482 = vector.shape_cast %get3A_1107 : vector<16xf32> to vector<1x1x1x16xf32>
        tpu.vector_store %arg7[%swap3A_1476, %swap3A_1477, %swap3A_1478, %swap3A_1479], %swap3A_1482 {add = true, strides = array<i32>} : memref<4x3x8x1024xf32, #tpu.memory_space<vmem>>, vector<1x1x1x16xf32>,
        %swap3A_1483 = arith.constant 2 : i32
        %swap3A_1484 = arith.index_cast %swap3A_1483 : i32 to index
        %swap3A_1485 = arith.index_cast %rem3A_272 : i32 to index
        %swap3A_1486 = arith.index_cast %add3A_452 : i32 to index
        %swap3A_1487 = arith.constant 464 : index
        %swap3A_1488 = tpu.vector_load %arg7[%swap3A_1484, %swap3A_1485, %swap3A_1486, %swap3A_1487] {strides = array<i32>} : memref<4x3x8x1024xf32, #tpu.memory_space<vmem>>, vector<1x1x1x16xf32>,
        %swap3A_1489 = vector.shape_cast %swap3A_1488 : vector<1x1x1x16xf32> to vector<16xf32>
        %swap3A_1490 = vector.shape_cast %get3A_1112 : vector<16xf32> to vector<1x1x1x16xf32>
        tpu.vector_store %arg7[%swap3A_1484, %swap3A_1485, %swap3A_1486, %swap3A_1487], %swap3A_1490 {add = true, strides = array<i32>} : memref<4x3x8x1024xf32, #tpu.memory_space<vmem>>, vector<1x1x1x16xf32>,
        %swap3A_1491 = arith.constant 2 : i32
        %swap3A_1492 = arith.index_cast %swap3A_1491 : i32 to index
        %swap3A_1493 = arith.index_cast %rem3A_272 : i32 to index
        %swap3A_1494 = arith.index_cast %add3A_452 : i32 to index
        %swap3A_1495 = arith.constant 480 : index
        %swap3A_1496 = tpu.vector_load %arg7[%swap3A_1492, %swap3A_1493, %swap3A_1494, %swap3A_1495] {strides = array<i32>} : memref<4x3x8x1024xf32, #tpu.memory_space<vmem>>, vector<1x1x1x16xf32>,
        %swap3A_1497 = vector.shape_cast %swap3A_1496 : vector<1x1x1x16xf32> to vector<16xf32>
        %swap3A_1498 = vector.shape_cast %get3A_1117 : vector<16xf32> to vector<1x1x1x16xf32>
        tpu.vector_store %arg7[%swap3A_1492, %swap3A_1493, %swap3A_1494, %swap3A_1495], %swap3A_1498 {add = true, strides = array<i32>} : memref<4x3x8x1024xf32, #tpu.memory_space<vmem>>, vector<1x1x1x16xf32>,
        %swap3A_1499 = arith.constant 2 : i32
        %swap3A_1500 = arith.index_cast %swap3A_1499 : i32 to index
        %swap3A_1501 = arith.index_cast %rem3A_272 : i32 to index
        %swap3A_1502 = arith.index_cast %add3A_452 : i32 to index
        %swap3A_1503 = arith.constant 496 : index
        %swap3A_1504 = tpu.vector_load %arg7[%swap3A_1500, %swap3A_1501, %swap3A_1502, %swap3A_1503] {strides = array<i32>} : memref<4x3x8x1024xf32, #tpu.memory_space<vmem>>, vector<1x1x1x16xf32>,
        %swap3A_1505 = vector.shape_cast %swap3A_1504 : vector<1x1x1x16xf32> to vector<16xf32>
        %swap3A_1506 = vector.shape_cast %get3A_1122 : vector<16xf32> to vector<1x1x1x16xf32>
        tpu.vector_store %arg7[%swap3A_1500, %swap3A_1501, %swap3A_1502, %swap3A_1503], %swap3A_1506 {add = true, strides = array<i32>} : memref<4x3x8x1024xf32, #tpu.memory_space<vmem>>, vector<1x1x1x16xf32>,
        %swap3A_1507 = arith.constant 3 : i32
        %swap3A_1508 = arith.index_cast %swap3A_1507 : i32 to index
        %swap3A_1509 = arith.index_cast %rem3A_272 : i32 to index
        %swap3A_1510 = arith.index_cast %add3A_452 : i32 to index
        %swap3A_1511 = arith.constant 256 : index
        %swap3A_1512 = tpu.vector_load %arg7[%swap3A_1508, %swap3A_1509, %swap3A_1510, %swap3A_1511] {strides = array<i32>} : memref<4x3x8x1024xf32, #tpu.memory_space<vmem>>, vector<1x1x1x16xf32>,
        %swap3A_1513 = vector.shape_cast %swap3A_1512 : vector<1x1x1x16xf32> to vector<16xf32>
        %swap3A_1514 = vector.shape_cast %get3A_1047 : vector<16xf32> to vector<1x1x1x16xf32>
        tpu.vector_store %arg7[%swap3A_1508, %swap3A_1509, %swap3A_1510, %swap3A_1511], %swap3A_1514 {add = true, strides = array<i32>} : memref<4x3x8x1024xf32, #tpu.memory_space<vmem>>, vector<1x1x1x16xf32>,
        %swap3A_1515 = arith.constant 3 : i32
        %swap3A_1516 = arith.index_cast %swap3A_1515 : i32 to index
        %swap3A_1517 = arith.index_cast %rem3A_272 : i32 to index
        %swap3A_1518 = arith.index_cast %add3A_452 : i32 to index
        %swap3A_1519 = arith.constant 272 : index
        %swap3A_1520 = tpu.vector_load %arg7[%swap3A_1516, %swap3A_1517, %swap3A_1518, %swap3A_1519] {strides = array<i32>} : memref<4x3x8x1024xf32, #tpu.memory_space<vmem>>, vector<1x1x1x16xf32>,
        %swap3A_1521 = vector.shape_cast %swap3A_1520 : vector<1x1x1x16xf32> to vector<16xf32>
        %swap3A_1522 = vector.shape_cast %get3A_1052 : vector<16xf32> to vector<1x1x1x16xf32>
        tpu.vector_store %arg7[%swap3A_1516, %swap3A_1517, %swap3A_1518, %swap3A_1519], %swap3A_1522 {add = true, strides = array<i32>} : memref<4x3x8x1024xf32, #tpu.memory_space<vmem>>, vector<1x1x1x16xf32>,
        %swap3A_1523 = arith.constant 3 : i32
        %swap3A_1524 = arith.index_cast %swap3A_1523 : i32 to index
        %swap3A_1525 = arith.index_cast %rem3A_272 : i32 to index
        %swap3A_1526 = arith.index_cast %add3A_452 : i32 to index
        %swap3A_1527 = arith.constant 288 : index
        %swap3A_1528 = tpu.vector_load %arg7[%swap3A_1524, %swap3A_1525, %swap3A_1526, %swap3A_1527] {strides = array<i32>} : memref<4x3x8x1024xf32, #tpu.memory_space<vmem>>, vector<1x1x1x16xf32>,
        %swap3A_1529 = vector.shape_cast %swap3A_1528 : vector<1x1x1x16xf32> to vector<16xf32>
        %swap3A_1530 = vector.shape_cast %get3A_1057 : vector<16xf32> to vector<1x1x1x16xf32>
        tpu.vector_store %arg7[%swap3A_1524, %swap3A_1525, %swap3A_1526, %swap3A_1527], %swap3A_1530 {add = true, strides = array<i32>} : memref<4x3x8x1024xf32, #tpu.memory_space<vmem>>, vector<1x1x1x16xf32>,
        %swap3A_1531 = arith.constant 3 : i32
        %swap3A_1532 = arith.index_cast %swap3A_1531 : i32 to index
        %swap3A_1533 = arith.index_cast %rem3A_272 : i32 to index
        %swap3A_1534 = arith.index_cast %add3A_452 : i32 to index
        %swap3A_1535 = arith.constant 304 : index
        %swap3A_1536 = tpu.vector_load %arg7[%swap3A_1532, %swap3A_1533, %swap3A_1534, %swap3A_1535] {strides = array<i32>} : memref<4x3x8x1024xf32, #tpu.memory_space<vmem>>, vector<1x1x1x16xf32>,
        %swap3A_1537 = vector.shape_cast %swap3A_1536 : vector<1x1x1x16xf32> to vector<16xf32>
        %swap3A_1538 = vector.shape_cast %get3A_1062 : vector<16xf32> to vector<1x1x1x16xf32>
        tpu.vector_store %arg7[%swap3A_1532, %swap3A_1533, %swap3A_1534, %swap3A_1535], %swap3A_1538 {add = true, strides = array<i32>} : memref<4x3x8x1024xf32, #tpu.memory_space<vmem>>, vector<1x1x1x16xf32>,
        %swap3A_1539 = arith.constant 3 : i32
        %swap3A_1540 = arith.index_cast %swap3A_1539 : i32 to index
        %swap3A_1541 = arith.index_cast %rem3A_272 : i32 to index
        %swap3A_1542 = arith.index_cast %add3A_452 : i32 to index
        %swap3A_1543 = arith.constant 320 : index
        %swap3A_1544 = tpu.vector_load %arg7[%swap3A_1540, %swap3A_1541, %swap3A_1542, %swap3A_1543] {strides = array<i32>} : memref<4x3x8x1024xf32, #tpu.memory_space<vmem>>, vector<1x1x1x16xf32>,
        %swap3A_1545 = vector.shape_cast %swap3A_1544 : vector<1x1x1x16xf32> to vector<16xf32>
        %swap3A_1546 = vector.shape_cast %get3A_1067 : vector<16xf32> to vector<1x1x1x16xf32>
        tpu.vector_store %arg7[%swap3A_1540, %swap3A_1541, %swap3A_1542, %swap3A_1543], %swap3A_1546 {add = true, strides = array<i32>} : memref<4x3x8x1024xf32, #tpu.memory_space<vmem>>, vector<1x1x1x16xf32>,
        %swap3A_1547 = arith.constant 3 : i32
        %swap3A_1548 = arith.index_cast %swap3A_1547 : i32 to index
        %swap3A_1549 = arith.index_cast %rem3A_272 : i32 to index
        %swap3A_1550 = arith.index_cast %add3A_452 : i32 to index
        %swap3A_1551 = arith.constant 336 : index
        %swap3A_1552 = tpu.vector_load %arg7[%swap3A_1548, %swap3A_1549, %swap3A_1550, %swap3A_1551] {strides = array<i32>} : memref<4x3x8x1024xf32, #tpu.memory_space<vmem>>, vector<1x1x1x16xf32>,
        %swap3A_1553 = vector.shape_cast %swap3A_1552 : vector<1x1x1x16xf32> to vector<16xf32>
        %swap3A_1554 = vector.shape_cast %get3A_1072 : vector<16xf32> to vector<1x1x1x16xf32>
        tpu.vector_store %arg7[%swap3A_1548, %swap3A_1549, %swap3A_1550, %swap3A_1551], %swap3A_1554 {add = true, strides = array<i32>} : memref<4x3x8x1024xf32, #tpu.memory_space<vmem>>, vector<1x1x1x16xf32>,
        %swap3A_1555 = arith.constant 3 : i32
        %swap3A_1556 = arith.index_cast %swap3A_1555 : i32 to index
        %swap3A_1557 = arith.index_cast %rem3A_272 : i32 to index
        %swap3A_1558 = arith.index_cast %add3A_452 : i32 to index
        %swap3A_1559 = arith.constant 352 : index
        %swap3A_1560 = tpu.vector_load %arg7[%swap3A_1556, %swap3A_1557, %swap3A_1558, %swap3A_1559] {strides = array<i32>} : memref<4x3x8x1024xf32, #tpu.memory_space<vmem>>, vector<1x1x1x16xf32>,
        %swap3A_1561 = vector.shape_cast %swap3A_1560 : vector<1x1x1x16xf32> to vector<16xf32>
        %swap3A_1562 = vector.shape_cast %get3A_1077 : vector<16xf32> to vector<1x1x1x16xf32>
        tpu.vector_store %arg7[%swap3A_1556, %swap3A_1557, %swap3A_1558, %swap3A_1559], %swap3A_1562 {add = true, strides = array<i32>} : memref<4x3x8x1024xf32, #tpu.memory_space<vmem>>, vector<1x1x1x16xf32>,
        %swap3A_1563 = arith.constant 3 : i32
        %swap3A_1564 = arith.index_cast %swap3A_1563 : i32 to index
        %swap3A_1565 = arith.index_cast %rem3A_272 : i32 to index
        %swap3A_1566 = arith.index_cast %add3A_452 : i32 to index
        %swap3A_1567 = arith.constant 368 : index
        %swap3A_1568 = tpu.vector_load %arg7[%swap3A_1564, %swap3A_1565, %swap3A_1566, %swap3A_1567] {strides = array<i32>} : memref<4x3x8x1024xf32, #tpu.memory_space<vmem>>, vector<1x1x1x16xf32>,
        %swap3A_1569 = vector.shape_cast %swap3A_1568 : vector<1x1x1x16xf32> to vector<16xf32>
        %swap3A_1570 = vector.shape_cast %get3A_1082 : vector<16xf32> to vector<1x1x1x16xf32>
        tpu.vector_store %arg7[%swap3A_1564, %swap3A_1565, %swap3A_1566, %swap3A_1567], %swap3A_1570 {add = true, strides = array<i32>} : memref<4x3x8x1024xf32, #tpu.memory_space<vmem>>, vector<1x1x1x16xf32>,
        %swap3A_1571 = arith.constant 3 : i32
        %swap3A_1572 = arith.index_cast %swap3A_1571 : i32 to index
        %swap3A_1573 = arith.index_cast %rem3A_272 : i32 to index
        %swap3A_1574 = arith.index_cast %add3A_452 : i32 to index
        %swap3A_1575 = arith.constant 384 : index
        %swap3A_1576 = tpu.vector_load %arg7[%swap3A_1572, %swap3A_1573, %swap3A_1574, %swap3A_1575] {strides = array<i32>} : memref<4x3x8x1024xf32, #tpu.memory_space<vmem>>, vector<1x1x1x16xf32>,
        %swap3A_1577 = vector.shape_cast %swap3A_1576 : vector<1x1x1x16xf32> to vector<16xf32>
        %swap3A_1578 = vector.shape_cast %get3A_1087 : vector<16xf32> to vector<1x1x1x16xf32>
        tpu.vector_store %arg7[%swap3A_1572, %swap3A_1573, %swap3A_1574, %swap3A_1575], %swap3A_1578 {add = true, strides = array<i32>} : memref<4x3x8x1024xf32, #tpu.memory_space<vmem>>, vector<1x1x1x16xf32>,
        %swap3A_1579 = arith.constant 3 : i32
        %swap3A_1580 = arith.index_cast %swap3A_1579 : i32 to index
        %swap3A_1581 = arith.index_cast %rem3A_272 : i32 to index
        %swap3A_1582 = arith.index_cast %add3A_452 : i32 to index
        %swap3A_1583 = arith.constant 400 : index
        %swap3A_1584 = tpu.vector_load %arg7[%swap3A_1580, %swap3A_1581, %swap3A_1582, %swap3A_1583] {strides = array<i32>} : memref<4x3x8x1024xf32, #tpu.memory_space<vmem>>, vector<1x1x1x16xf32>,
        %swap3A_1585 = vector.shape_cast %swap3A_1584 : vector<1x1x1x16xf32> to vector<16xf32>
        %swap3A_1586 = vector.shape_cast %get3A_1092 : vector<16xf32> to vector<1x1x1x16xf32>
        tpu.vector_store %arg7[%swap3A_1580, %swap3A_1581, %swap3A_1582, %swap3A_1583], %swap3A_1586 {add = true, strides = array<i32>} : memref<4x3x8x1024xf32, #tpu.memory_space<vmem>>, vector<1x1x1x16xf32>,
        %swap3A_1587 = arith.constant 3 : i32
        %swap3A_1588 = arith.index_cast %swap3A_1587 : i32 to index
        %swap3A_1589 = arith.index_cast %rem3A_272 : i32 to index
        %swap3A_1590 = arith.index_cast %add3A_452 : i32 to index
        %swap3A_1591 = arith.constant 416 : index
        %swap3A_1592 = tpu.vector_load %arg7[%swap3A_1588, %swap3A_1589, %swap3A_1590, %swap3A_1591] {strides = array<i32>} : memref<4x3x8x1024xf32, #tpu.memory_space<vmem>>, vector<1x1x1x16xf32>,
        %swap3A_1593 = vector.shape_cast %swap3A_1592 : vector<1x1x1x16xf32> to vector<16xf32>
        %swap3A_1594 = vector.shape_cast %get3A_1097 : vector<16xf32> to vector<1x1x1x16xf32>
        tpu.vector_store %arg7[%swap3A_1588, %swap3A_1589, %swap3A_1590, %swap3A_1591], %swap3A_1594 {add = true, strides = array<i32>} : memref<4x3x8x1024xf32, #tpu.memory_space<vmem>>, vector<1x1x1x16xf32>,
        %swap3A_1595 = arith.constant 3 : i32
        %swap3A_1596 = arith.index_cast %swap3A_1595 : i32 to index
        %swap3A_1597 = arith.index_cast %rem3A_272 : i32 to index
        %swap3A_1598 = arith.index_cast %add3A_452 : i32 to index
        %swap3A_1599 = arith.constant 432 : index
        %swap3A_1600 = tpu.vector_load %arg7[%swap3A_1596, %swap3A_1597, %swap3A_1598, %swap3A_1599] {strides = array<i32>} : memref<4x3x8x1024xf32, #tpu.memory_space<vmem>>, vector<1x1x1x16xf32>,
        %swap3A_1601 = vector.shape_cast %swap3A_1600 : vector<1x1x1x16xf32> to vector<16xf32>
        %swap3A_1602 = vector.shape_cast %get3A_1102 : vector<16xf32> to vector<1x1x1x16xf32>
        tpu.vector_store %arg7[%swap3A_1596, %swap3A_1597, %swap3A_1598, %swap3A_1599], %swap3A_1602 {add = true, strides = array<i32>} : memref<4x3x8x1024xf32, #tpu.memory_space<vmem>>, vector<1x1x1x16xf32>,
        %swap3A_1603 = arith.constant 3 : i32
        %swap3A_1604 = arith.index_cast %swap3A_1603 : i32 to index
        %swap3A_1605 = arith.index_cast %rem3A_272 : i32 to index
        %swap3A_1606 = arith.index_cast %add3A_452 : i32 to index
        %swap3A_1607 = arith.constant 448 : index
        %swap3A_1608 = tpu.vector_load %arg7[%swap3A_1604, %swap3A_1605, %swap3A_1606, %swap3A_1607] {strides = array<i32>} : memref<4x3x8x1024xf32, #tpu.memory_space<vmem>>, vector<1x1x1x16xf32>,
        %swap3A_1609 = vector.shape_cast %swap3A_1608 : vector<1x1x1x16xf32> to vector<16xf32>
        %swap3A_1610 = vector.shape_cast %get3A_1107 : vector<16xf32> to vector<1x1x1x16xf32>
        tpu.vector_store %arg7[%swap3A_1604, %swap3A_1605, %swap3A_1606, %swap3A_1607], %swap3A_1610 {add = true, strides = array<i32>} : memref<4x3x8x1024xf32, #tpu.memory_space<vmem>>, vector<1x1x1x16xf32>,
        %swap3A_1611 = arith.constant 3 : i32
        %swap3A_1612 = arith.index_cast %swap3A_1611 : i32 to index
        %swap3A_1613 = arith.index_cast %rem3A_272 : i32 to index
        %swap3A_1614 = arith.index_cast %add3A_452 : i32 to index
        %swap3A_1615 = arith.constant 464 : index
        %swap3A_1616 = tpu.vector_load %arg7[%swap3A_1612, %swap3A_1613, %swap3A_1614, %swap3A_1615] {strides = array<i32>} : memref<4x3x8x1024xf32, #tpu.memory_space<vmem>>, vector<1x1x1x16xf32>,
        %swap3A_1617 = vector.shape_cast %swap3A_1616 : vector<1x1x1x16xf32> to vector<16xf32>
        %swap3A_1618 = vector.shape_cast %get3A_1112 : vector<16xf32> to vector<1x1x1x16xf32>
        tpu.vector_store %arg7[%swap3A_1612, %swap3A_1613, %swap3A_1614, %swap3A_1615], %swap3A_1618 {add = true, strides = array<i32>} : memref<4x3x8x1024xf32, #tpu.memory_space<vmem>>, vector<1x1x1x16xf32>,
        %swap3A_1619 = arith.constant 3 : i32
        %swap3A_1620 = arith.index_cast %swap3A_1619 : i32 to index
        %swap3A_1621 = arith.index_cast %rem3A_272 : i32 to index
        %swap3A_1622 = arith.index_cast %add3A_452 : i32 to index
        %swap3A_1623 = arith.constant 480 : index
        %swap3A_1624 = tpu.vector_load %arg7[%swap3A_1620, %swap3A_1621, %swap3A_1622, %swap3A_1623] {strides = array<i32>} : memref<4x3x8x1024xf32, #tpu.memory_space<vmem>>, vector<1x1x1x16xf32>,
        %swap3A_1625 = vector.shape_cast %swap3A_1624 : vector<1x1x1x16xf32> to vector<16xf32>
        %swap3A_1626 = vector.shape_cast %get3A_1117 : vector<16xf32> to vector<1x1x1x16xf32>
        tpu.vector_store %arg7[%swap3A_1620, %swap3A_1621, %swap3A_1622, %swap3A_1623], %swap3A_1626 {add = true, strides = array<i32>} : memref<4x3x8x1024xf32, #tpu.memory_space<vmem>>, vector<1x1x1x16xf32>,
        %swap3A_1627 = arith.constant 3 : i32
        %swap3A_1628 = arith.index_cast %swap3A_1627 : i32 to index
        %swap3A_1629 = arith.index_cast %rem3A_272 : i32 to index
        %swap3A_1630 = arith.index_cast %add3A_452 : i32 to index
        %swap3A_1631 = arith.constant 496 : index
        %swap3A_1632 = tpu.vector_load %arg7[%swap3A_1628, %swap3A_1629, %swap3A_1630, %swap3A_1631] {strides = array<i32>} : memref<4x3x8x1024xf32, #tpu.memory_space<vmem>>, vector<1x1x1x16xf32>,
        %swap3A_1633 = vector.shape_cast %swap3A_1632 : vector<1x1x1x16xf32> to vector<16xf32>
        %swap3A_1634 = vector.shape_cast %get3A_1122 : vector<16xf32> to vector<1x1x1x16xf32>
        tpu.vector_store %arg7[%swap3A_1628, %swap3A_1629, %swap3A_1630, %swap3A_1631], %swap3A_1634 {add = true, strides = array<i32>} : memref<4x3x8x1024xf32, #tpu.memory_space<vmem>>, vector<1x1x1x16xf32>,
        %get3A_1635 = arith.index_cast %rem3A_270 : i32 to index
        %get3A_1636 = arith.index_cast %add3A_452 : i32 to index
        %get3A_1637 = arith.constant 512 : index
        %get3A_1638 = tpu.vector_load %arg8[%get3A_1635, %get3A_1636, %get3A_1637] {strides = array<i32>} : memref<2x8x1024xf32, #tpu.memory_space<vmem>>, vector<1x1x16xf32>,
        %get3A_1639 = vector.shape_cast %get3A_1638 : vector<1x1x16xf32> to vector<16xf32>
        %get3A_1640 = arith.index_cast %rem3A_270 : i32 to index
        %get3A_1641 = arith.index_cast %add3A_452 : i32 to index
        %get3A_1642 = arith.constant 528 : index
        %get3A_1643 = tpu.vector_load %arg8[%get3A_1640, %get3A_1641, %get3A_1642] {strides = array<i32>} : memref<2x8x1024xf32, #tpu.memory_space<vmem>>, vector<1x1x16xf32>,
        %get3A_1644 = vector.shape_cast %get3A_1643 : vector<1x1x16xf32> to vector<16xf32>
        %get3A_1645 = arith.index_cast %rem3A_270 : i32 to index
        %get3A_1646 = arith.index_cast %add3A_452 : i32 to index
        %get3A_1647 = arith.constant 544 : index
        %get3A_1648 = tpu.vector_load %arg8[%get3A_1645, %get3A_1646, %get3A_1647] {strides = array<i32>} : memref<2x8x1024xf32, #tpu.memory_space<vmem>>, vector<1x1x16xf32>,
        %get3A_1649 = vector.shape_cast %get3A_1648 : vector<1x1x16xf32> to vector<16xf32>
        %get3A_1650 = arith.index_cast %rem3A_270 : i32 to index
        %get3A_1651 = arith.index_cast %add3A_452 : i32 to index
        %get3A_1652 = arith.constant 560 : index
        %get3A_1653 = tpu.vector_load %arg8[%get3A_1650, %get3A_1651, %get3A_1652] {strides = array<i32>} : memref<2x8x1024xf32, #tpu.memory_space<vmem>>, vector<1x1x16xf32>,
        %get3A_1654 = vector.shape_cast %get3A_1653 : vector<1x1x16xf32> to vector<16xf32>
        %get3A_1655 = arith.index_cast %rem3A_270 : i32 to index
        %get3A_1656 = arith.index_cast %add3A_452 : i32 to index
        %get3A_1657 = arith.constant 576 : index
        %get3A_1658 = tpu.vector_load %arg8[%get3A_1655, %get3A_1656, %get3A_1657] {strides = array<i32>} : memref<2x8x1024xf32, #tpu.memory_space<vmem>>, vector<1x1x16xf32>,
        %get3A_1659 = vector.shape_cast %get3A_1658 : vector<1x1x16xf32> to vector<16xf32>
        %get3A_1660 = arith.index_cast %rem3A_270 : i32 to index
        %get3A_1661 = arith.index_cast %add3A_452 : i32 to index
        %get3A_1662 = arith.constant 592 : index
        %get3A_1663 = tpu.vector_load %arg8[%get3A_1660, %get3A_1661, %get3A_1662] {strides = array<i32>} : memref<2x8x1024xf32, #tpu.memory_space<vmem>>, vector<1x1x16xf32>,
        %get3A_1664 = vector.shape_cast %get3A_1663 : vector<1x1x16xf32> to vector<16xf32>
        %get3A_1665 = arith.index_cast %rem3A_270 : i32 to index
        %get3A_1666 = arith.index_cast %add3A_452 : i32 to index
        %get3A_1667 = arith.constant 608 : index
        %get3A_1668 = tpu.vector_load %arg8[%get3A_1665, %get3A_1666, %get3A_1667] {strides = array<i32>} : memref<2x8x1024xf32, #tpu.memory_space<vmem>>, vector<1x1x16xf32>,
        %get3A_1669 = vector.shape_cast %get3A_1668 : vector<1x1x16xf32> to vector<16xf32>
        %get3A_1670 = arith.index_cast %rem3A_270 : i32 to index
        %get3A_1671 = arith.index_cast %add3A_452 : i32 to index
        %get3A_1672 = arith.constant 624 : index
        %get3A_1673 = tpu.vector_load %arg8[%get3A_1670, %get3A_1671, %get3A_1672] {strides = array<i32>} : memref<2x8x1024xf32, #tpu.memory_space<vmem>>, vector<1x1x16xf32>,
        %get3A_1674 = vector.shape_cast %get3A_1673 : vector<1x1x16xf32> to vector<16xf32>
        %get3A_1675 = arith.index_cast %rem3A_270 : i32 to index
        %get3A_1676 = arith.index_cast %add3A_452 : i32 to index
        %get3A_1677 = arith.constant 640 : index
        %get3A_1678 = tpu.vector_load %arg8[%get3A_1675, %get3A_1676, %get3A_1677] {strides = array<i32>} : memref<2x8x1024xf32, #tpu.memory_space<vmem>>, vector<1x1x16xf32>,
        %get3A_1679 = vector.shape_cast %get3A_1678 : vector<1x1x16xf32> to vector<16xf32>
        %get3A_1680 = arith.index_cast %rem3A_270 : i32 to index
        %get3A_1681 = arith.index_cast %add3A_452 : i32 to index
        %get3A_1682 = arith.constant 656 : index
        %get3A_1683 = tpu.vector_load %arg8[%get3A_1680, %get3A_1681, %get3A_1682] {strides = array<i32>} : memref<2x8x1024xf32, #tpu.memory_space<vmem>>, vector<1x1x16xf32>,
        %get3A_1684 = vector.shape_cast %get3A_1683 : vector<1x1x16xf32> to vector<16xf32>
        %get3A_1685 = arith.index_cast %rem3A_270 : i32 to index
        %get3A_1686 = arith.index_cast %add3A_452 : i32 to index
        %get3A_1687 = arith.constant 672 : index
        %get3A_1688 = tpu.vector_load %arg8[%get3A_1685, %get3A_1686, %get3A_1687] {strides = array<i32>} : memref<2x8x1024xf32, #tpu.memory_space<vmem>>, vector<1x1x16xf32>,
        %get3A_1689 = vector.shape_cast %get3A_1688 : vector<1x1x16xf32> to vector<16xf32>
        %get3A_1690 = arith.index_cast %rem3A_270 : i32 to index
        %get3A_1691 = arith.index_cast %add3A_452 : i32 to index
        %get3A_1692 = arith.constant 688 : index
        %get3A_1693 = tpu.vector_load %arg8[%get3A_1690, %get3A_1691, %get3A_1692] {strides = array<i32>} : memref<2x8x1024xf32, #tpu.memory_space<vmem>>, vector<1x1x16xf32>,
        %get3A_1694 = vector.shape_cast %get3A_1693 : vector<1x1x16xf32> to vector<16xf32>
        %get3A_1695 = arith.index_cast %rem3A_270 : i32 to index
        %get3A_1696 = arith.index_cast %add3A_452 : i32 to index
        %get3A_1697 = arith.constant 704 : index
        %get3A_1698 = tpu.vector_load %arg8[%get3A_1695, %get3A_1696, %get3A_1697] {strides = array<i32>} : memref<2x8x1024xf32, #tpu.memory_space<vmem>>, vector<1x1x16xf32>,
        %get3A_1699 = vector.shape_cast %get3A_1698 : vector<1x1x16xf32> to vector<16xf32>
        %get3A_1700 = arith.index_cast %rem3A_270 : i32 to index
        %get3A_1701 = arith.index_cast %add3A_452 : i32 to index
        %get3A_1702 = arith.constant 720 : index
        %get3A_1703 = tpu.vector_load %arg8[%get3A_1700, %get3A_1701, %get3A_1702] {strides = array<i32>} : memref<2x8x1024xf32, #tpu.memory_space<vmem>>, vector<1x1x16xf32>,
        %get3A_1704 = vector.shape_cast %get3A_1703 : vector<1x1x16xf32> to vector<16xf32>
        %get3A_1705 = arith.index_cast %rem3A_270 : i32 to index
        %get3A_1706 = arith.index_cast %add3A_452 : i32 to index
        %get3A_1707 = arith.constant 736 : index
        %get3A_1708 = tpu.vector_load %arg8[%get3A_1705, %get3A_1706, %get3A_1707] {strides = array<i32>} : memref<2x8x1024xf32, #tpu.memory_space<vmem>>, vector<1x1x16xf32>,
        %get3A_1709 = vector.shape_cast %get3A_1708 : vector<1x1x16xf32> to vector<16xf32>
        %get3A_1710 = arith.index_cast %rem3A_270 : i32 to index
        %get3A_1711 = arith.index_cast %add3A_452 : i32 to index
        %get3A_1712 = arith.constant 752 : index
        %get3A_1713 = tpu.vector_load %arg8[%get3A_1710, %get3A_1711, %get3A_1712] {strides = array<i32>} : memref<2x8x1024xf32, #tpu.memory_space<vmem>>, vector<1x1x16xf32>,
        %get3A_1714 = vector.shape_cast %get3A_1713 : vector<1x1x16xf32> to vector<16xf32>
        %swap3A_1715 = arith.constant 0 : i32
        %swap3A_1716 = arith.index_cast %swap3A_1715 : i32 to index
        %swap3A_1717 = arith.index_cast %rem3A_272 : i32 to index
        %swap3A_1718 = arith.index_cast %add3A_452 : i32 to index
        %swap3A_1719 = arith.constant 512 : index
        %swap3A_1720 = tpu.vector_load %arg7[%swap3A_1716, %swap3A_1717, %swap3A_1718, %swap3A_1719] {strides = array<i32>} : memref<4x3x8x1024xf32, #tpu.memory_space<vmem>>, vector<1x1x1x16xf32>,
        %swap3A_1721 = vector.shape_cast %swap3A_1720 : vector<1x1x1x16xf32> to vector<16xf32>
        %swap3A_1722 = vector.shape_cast %get3A_1639 : vector<16xf32> to vector<1x1x1x16xf32>
        tpu.vector_store %arg7[%swap3A_1716, %swap3A_1717, %swap3A_1718, %swap3A_1719], %swap3A_1722 {add = true, strides = array<i32>} : memref<4x3x8x1024xf32, #tpu.memory_space<vmem>>, vector<1x1x1x16xf32>,
        %swap3A_1723 = arith.constant 0 : i32
        %swap3A_1724 = arith.index_cast %swap3A_1723 : i32 to index
        %swap3A_1725 = arith.index_cast %rem3A_272 : i32 to index
        %swap3A_1726 = arith.index_cast %add3A_452 : i32 to index
        %swap3A_1727 = arith.constant 528 : index
        %swap3A_1728 = tpu.vector_load %arg7[%swap3A_1724, %swap3A_1725, %swap3A_1726, %swap3A_1727] {strides = array<i32>} : memref<4x3x8x1024xf32, #tpu.memory_space<vmem>>, vector<1x1x1x16xf32>,
        %swap3A_1729 = vector.shape_cast %swap3A_1728 : vector<1x1x1x16xf32> to vector<16xf32>
        %swap3A_1730 = vector.shape_cast %get3A_1644 : vector<16xf32> to vector<1x1x1x16xf32>
        tpu.vector_store %arg7[%swap3A_1724, %swap3A_1725, %swap3A_1726, %swap3A_1727], %swap3A_1730 {add = true, strides = array<i32>} : memref<4x3x8x1024xf32, #tpu.memory_space<vmem>>, vector<1x1x1x16xf32>,
        %swap3A_1731 = arith.constant 0 : i32
        %swap3A_1732 = arith.index_cast %swap3A_1731 : i32 to index
        %swap3A_1733 = arith.index_cast %rem3A_272 : i32 to index
        %swap3A_1734 = arith.index_cast %add3A_452 : i32 to index
        %swap3A_1735 = arith.constant 544 : index
        %swap3A_1736 = tpu.vector_load %arg7[%swap3A_1732, %swap3A_1733, %swap3A_1734, %swap3A_1735] {strides = array<i32>} : memref<4x3x8x1024xf32, #tpu.memory_space<vmem>>, vector<1x1x1x16xf32>,
        %swap3A_1737 = vector.shape_cast %swap3A_1736 : vector<1x1x1x16xf32> to vector<16xf32>
        %swap3A_1738 = vector.shape_cast %get3A_1649 : vector<16xf32> to vector<1x1x1x16xf32>
        tpu.vector_store %arg7[%swap3A_1732, %swap3A_1733, %swap3A_1734, %swap3A_1735], %swap3A_1738 {add = true, strides = array<i32>} : memref<4x3x8x1024xf32, #tpu.memory_space<vmem>>, vector<1x1x1x16xf32>,
        %swap3A_1739 = arith.constant 0 : i32
        %swap3A_1740 = arith.index_cast %swap3A_1739 : i32 to index
        %swap3A_1741 = arith.index_cast %rem3A_272 : i32 to index
        %swap3A_1742 = arith.index_cast %add3A_452 : i32 to index
        %swap3A_1743 = arith.constant 560 : index
        %swap3A_1744 = tpu.vector_load %arg7[%swap3A_1740, %swap3A_1741, %swap3A_1742, %swap3A_1743] {strides = array<i32>} : memref<4x3x8x1024xf32, #tpu.memory_space<vmem>>, vector<1x1x1x16xf32>,
        %swap3A_1745 = vector.shape_cast %swap3A_1744 : vector<1x1x1x16xf32> to vector<16xf32>
        %swap3A_1746 = vector.shape_cast %get3A_1654 : vector<16xf32> to vector<1x1x1x16xf32>
        tpu.vector_store %arg7[%swap3A_1740, %swap3A_1741, %swap3A_1742, %swap3A_1743], %swap3A_1746 {add = true, strides = array<i32>} : memref<4x3x8x1024xf32, #tpu.memory_space<vmem>>, vector<1x1x1x16xf32>,
        %swap3A_1747 = arith.constant 0 : i32
        %swap3A_1748 = arith.index_cast %swap3A_1747 : i32 to index
        %swap3A_1749 = arith.index_cast %rem3A_272 : i32 to index
        %swap3A_1750 = arith.index_cast %add3A_452 : i32 to index
        %swap3A_1751 = arith.constant 576 : index
        %swap3A_1752 = tpu.vector_load %arg7[%swap3A_1748, %swap3A_1749, %swap3A_1750, %swap3A_1751] {strides = array<i32>} : memref<4x3x8x1024xf32, #tpu.memory_space<vmem>>, vector<1x1x1x16xf32>,
        %swap3A_1753 = vector.shape_cast %swap3A_1752 : vector<1x1x1x16xf32> to vector<16xf32>
        %swap3A_1754 = vector.shape_cast %get3A_1659 : vector<16xf32> to vector<1x1x1x16xf32>
        tpu.vector_store %arg7[%swap3A_1748, %swap3A_1749, %swap3A_1750, %swap3A_1751], %swap3A_1754 {add = true, strides = array<i32>} : memref<4x3x8x1024xf32, #tpu.memory_space<vmem>>, vector<1x1x1x16xf32>,
        %swap3A_1755 = arith.constant 0 : i32
        %swap3A_1756 = arith.index_cast %swap3A_1755 : i32 to index
        %swap3A_1757 = arith.index_cast %rem3A_272 : i32 to index
        %swap3A_1758 = arith.index_cast %add3A_452 : i32 to index
        %swap3A_1759 = arith.constant 592 : index
        %swap3A_1760 = tpu.vector_load %arg7[%swap3A_1756, %swap3A_1757, %swap3A_1758, %swap3A_1759] {strides = array<i32>} : memref<4x3x8x1024xf32, #tpu.memory_space<vmem>>, vector<1x1x1x16xf32>,
        %swap3A_1761 = vector.shape_cast %swap3A_1760 : vector<1x1x1x16xf32> to vector<16xf32>
        %swap3A_1762 = vector.shape_cast %get3A_1664 : vector<16xf32> to vector<1x1x1x16xf32>
        tpu.vector_store %arg7[%swap3A_1756, %swap3A_1757, %swap3A_1758, %swap3A_1759], %swap3A_1762 {add = true, strides = array<i32>} : memref<4x3x8x1024xf32, #tpu.memory_space<vmem>>, vector<1x1x1x16xf32>,
        %swap3A_1763 = arith.constant 0 : i32
        %swap3A_1764 = arith.index_cast %swap3A_1763 : i32 to index
        %swap3A_1765 = arith.index_cast %rem3A_272 : i32 to index
        %swap3A_1766 = arith.index_cast %add3A_452 : i32 to index
        %swap3A_1767 = arith.constant 608 : index
        %swap3A_1768 = tpu.vector_load %arg7[%swap3A_1764, %swap3A_1765, %swap3A_1766, %swap3A_1767] {strides = array<i32>} : memref<4x3x8x1024xf32, #tpu.memory_space<vmem>>, vector<1x1x1x16xf32>,
        %swap3A_1769 = vector.shape_cast %swap3A_1768 : vector<1x1x1x16xf32> to vector<16xf32>
        %swap3A_1770 = vector.shape_cast %get3A_1669 : vector<16xf32> to vector<1x1x1x16xf32>
        tpu.vector_store %arg7[%swap3A_1764, %swap3A_1765, %swap3A_1766, %swap3A_1767], %swap3A_1770 {add = true, strides = array<i32>} : memref<4x3x8x1024xf32, #tpu.memory_space<vmem>>, vector<1x1x1x16xf32>,
        %swap3A_1771 = arith.constant 0 : i32
        %swap3A_1772 = arith.index_cast %swap3A_1771 : i32 to index
        %swap3A_1773 = arith.index_cast %rem3A_272 : i32 to index
        %swap3A_1774 = arith.index_cast %add3A_452 : i32 to index
        %swap3A_1775 = arith.constant 624 : index
        %swap3A_1776 = tpu.vector_load %arg7[%swap3A_1772, %swap3A_1773, %swap3A_1774, %swap3A_1775] {strides = array<i32>} : memref<4x3x8x1024xf32, #tpu.memory_space<vmem>>, vector<1x1x1x16xf32>,
        %swap3A_1777 = vector.shape_cast %swap3A_1776 : vector<1x1x1x16xf32> to vector<16xf32>
        %swap3A_1778 = vector.shape_cast %get3A_1674 : vector<16xf32> to vector<1x1x1x16xf32>
        tpu.vector_store %arg7[%swap3A_1772, %swap3A_1773, %swap3A_1774, %swap3A_1775], %swap3A_1778 {add = true, strides = array<i32>} : memref<4x3x8x1024xf32, #tpu.memory_space<vmem>>, vector<1x1x1x16xf32>,
        %swap3A_1779 = arith.constant 0 : i32
        %swap3A_1780 = arith.index_cast %swap3A_1779 : i32 to index
        %swap3A_1781 = arith.index_cast %rem3A_272 : i32 to index
        %swap3A_1782 = arith.index_cast %add3A_452 : i32 to index
        %swap3A_1783 = arith.constant 640 : index
        %swap3A_1784 = tpu.vector_load %arg7[%swap3A_1780, %swap3A_1781, %swap3A_1782, %swap3A_1783] {strides = array<i32>} : memref<4x3x8x1024xf32, #tpu.memory_space<vmem>>, vector<1x1x1x16xf32>,
        %swap3A_1785 = vector.shape_cast %swap3A_1784 : vector<1x1x1x16xf32> to vector<16xf32>
        %swap3A_1786 = vector.shape_cast %get3A_1679 : vector<16xf32> to vector<1x1x1x16xf32>
        tpu.vector_store %arg7[%swap3A_1780, %swap3A_1781, %swap3A_1782, %swap3A_1783], %swap3A_1786 {add = true, strides = array<i32>} : memref<4x3x8x1024xf32, #tpu.memory_space<vmem>>, vector<1x1x1x16xf32>,
        %swap3A_1787 = arith.constant 0 : i32
        %swap3A_1788 = arith.index_cast %swap3A_1787 : i32 to index
        %swap3A_1789 = arith.index_cast %rem3A_272 : i32 to index
        %swap3A_1790 = arith.index_cast %add3A_452 : i32 to index
        %swap3A_1791 = arith.constant 656 : index
        %swap3A_1792 = tpu.vector_load %arg7[%swap3A_1788, %swap3A_1789, %swap3A_1790, %swap3A_1791] {strides = array<i32>} : memref<4x3x8x1024xf32, #tpu.memory_space<vmem>>, vector<1x1x1x16xf32>,
        %swap3A_1793 = vector.shape_cast %swap3A_1792 : vector<1x1x1x16xf32> to vector<16xf32>
        %swap3A_1794 = vector.shape_cast %get3A_1684 : vector<16xf32> to vector<1x1x1x16xf32>
        tpu.vector_store %arg7[%swap3A_1788, %swap3A_1789, %swap3A_1790, %swap3A_1791], %swap3A_1794 {add = true, strides = array<i32>} : memref<4x3x8x1024xf32, #tpu.memory_space<vmem>>, vector<1x1x1x16xf32>,
        %swap3A_1795 = arith.constant 0 : i32
        %swap3A_1796 = arith.index_cast %swap3A_1795 : i32 to index
        %swap3A_1797 = arith.index_cast %rem3A_272 : i32 to index
        %swap3A_1798 = arith.index_cast %add3A_452 : i32 to index
        %swap3A_1799 = arith.constant 672 : index
        %swap3A_1800 = tpu.vector_load %arg7[%swap3A_1796, %swap3A_1797, %swap3A_1798, %swap3A_1799] {strides = array<i32>} : memref<4x3x8x1024xf32, #tpu.memory_space<vmem>>, vector<1x1x1x16xf32>,
        %swap3A_1801 = vector.shape_cast %swap3A_1800 : vector<1x1x1x16xf32> to vector<16xf32>
        %swap3A_1802 = vector.shape_cast %get3A_1689 : vector<16xf32> to vector<1x1x1x16xf32>
        tpu.vector_store %arg7[%swap3A_1796, %swap3A_1797, %swap3A_1798, %swap3A_1799], %swap3A_1802 {add = true, strides = array<i32>} : memref<4x3x8x1024xf32, #tpu.memory_space<vmem>>, vector<1x1x1x16xf32>,
        %swap3A_1803 = arith.constant 0 : i32
        %swap3A_1804 = arith.index_cast %swap3A_1803 : i32 to index
        %swap3A_1805 = arith.index_cast %rem3A_272 : i32 to index
        %swap3A_1806 = arith.index_cast %add3A_452 : i32 to index
        %swap3A_1807 = arith.constant 688 : index
        %swap3A_1808 = tpu.vector_load %arg7[%swap3A_1804, %swap3A_1805, %swap3A_1806, %swap3A_1807] {strides = array<i32>} : memref<4x3x8x1024xf32, #tpu.memory_space<vmem>>, vector<1x1x1x16xf32>,
        %swap3A_1809 = vector.shape_cast %swap3A_1808 : vector<1x1x1x16xf32> to vector<16xf32>
        %swap3A_1810 = vector.shape_cast %get3A_1694 : vector<16xf32> to vector<1x1x1x16xf32>
        tpu.vector_store %arg7[%swap3A_1804, %swap3A_1805, %swap3A_1806, %swap3A_1807], %swap3A_1810 {add = true, strides = array<i32>} : memref<4x3x8x1024xf32, #tpu.memory_space<vmem>>, vector<1x1x1x16xf32>,
        %swap3A_1811 = arith.constant 0 : i32
        %swap3A_1812 = arith.index_cast %swap3A_1811 : i32 to index
        %swap3A_1813 = arith.index_cast %rem3A_272 : i32 to index
        %swap3A_1814 = arith.index_cast %add3A_452 : i32 to index
        %swap3A_1815 = arith.constant 704 : index
        %swap3A_1816 = tpu.vector_load %arg7[%swap3A_1812, %swap3A_1813, %swap3A_1814, %swap3A_1815] {strides = array<i32>} : memref<4x3x8x1024xf32, #tpu.memory_space<vmem>>, vector<1x1x1x16xf32>,
        %swap3A_1817 = vector.shape_cast %swap3A_1816 : vector<1x1x1x16xf32> to vector<16xf32>
        %swap3A_1818 = vector.shape_cast %get3A_1699 : vector<16xf32> to vector<1x1x1x16xf32>
        tpu.vector_store %arg7[%swap3A_1812, %swap3A_1813, %swap3A_1814, %swap3A_1815], %swap3A_1818 {add = true, strides = array<i32>} : memref<4x3x8x1024xf32, #tpu.memory_space<vmem>>, vector<1x1x1x16xf32>,
        %swap3A_1819 = arith.constant 0 : i32
        %swap3A_1820 = arith.index_cast %swap3A_1819 : i32 to index
        %swap3A_1821 = arith.index_cast %rem3A_272 : i32 to index
        %swap3A_1822 = arith.index_cast %add3A_452 : i32 to index
        %swap3A_1823 = arith.constant 720 : index
        %swap3A_1824 = tpu.vector_load %arg7[%swap3A_1820, %swap3A_1821, %swap3A_1822, %swap3A_1823] {strides = array<i32>} : memref<4x3x8x1024xf32, #tpu.memory_space<vmem>>, vector<1x1x1x16xf32>,
        %swap3A_1825 = vector.shape_cast %swap3A_1824 : vector<1x1x1x16xf32> to vector<16xf32>
        %swap3A_1826 = vector.shape_cast %get3A_1704 : vector<16xf32> to vector<1x1x1x16xf32>
        tpu.vector_store %arg7[%swap3A_1820, %swap3A_1821, %swap3A_1822, %swap3A_1823], %swap3A_1826 {add = true, strides = array<i32>} : memref<4x3x8x1024xf32, #tpu.memory_space<vmem>>, vector<1x1x1x16xf32>,
        %swap3A_1827 = arith.constant 0 : i32
        %swap3A_1828 = arith.index_cast %swap3A_1827 : i32 to index
        %swap3A_1829 = arith.index_cast %rem3A_272 : i32 to index
        %swap3A_1830 = arith.index_cast %add3A_452 : i32 to index
        %swap3A_1831 = arith.constant 736 : index
        %swap3A_1832 = tpu.vector_load %arg7[%swap3A_1828, %swap3A_1829, %swap3A_1830, %swap3A_1831] {strides = array<i32>} : memref<4x3x8x1024xf32, #tpu.memory_space<vmem>>, vector<1x1x1x16xf32>,
        %swap3A_1833 = vector.shape_cast %swap3A_1832 : vector<1x1x1x16xf32> to vector<16xf32>
        %swap3A_1834 = vector.shape_cast %get3A_1709 : vector<16xf32> to vector<1x1x1x16xf32>
        tpu.vector_store %arg7[%swap3A_1828, %swap3A_1829, %swap3A_1830, %swap3A_1831], %swap3A_1834 {add = true, strides = array<i32>} : memref<4x3x8x1024xf32, #tpu.memory_space<vmem>>, vector<1x1x1x16xf32>,
        %swap3A_1835 = arith.constant 0 : i32
        %swap3A_1836 = arith.index_cast %swap3A_1835 : i32 to index
        %swap3A_1837 = arith.index_cast %rem3A_272 : i32 to index
        %swap3A_1838 = arith.index_cast %add3A_452 : i32 to index
        %swap3A_1839 = arith.constant 752 : index
        %swap3A_1840 = tpu.vector_load %arg7[%swap3A_1836, %swap3A_1837, %swap3A_1838, %swap3A_1839] {strides = array<i32>} : memref<4x3x8x1024xf32, #tpu.memory_space<vmem>>, vector<1x1x1x16xf32>,
        %swap3A_1841 = vector.shape_cast %swap3A_1840 : vector<1x1x1x16xf32> to vector<16xf32>
        %swap3A_1842 = vector.shape_cast %get3A_1714 : vector<16xf32> to vector<1x1x1x16xf32>
        tpu.vector_store %arg7[%swap3A_1836, %swap3A_1837, %swap3A_1838, %swap3A_1839], %swap3A_1842 {add = true, strides = array<i32>} : memref<4x3x8x1024xf32, #tpu.memory_space<vmem>>, vector<1x1x1x16xf32>,
        %swap3A_1843 = arith.constant 1 : i32
        %swap3A_1844 = arith.index_cast %swap3A_1843 : i32 to index
        %swap3A_1845 = arith.index_cast %rem3A_272 : i32 to index
        %swap3A_1846 = arith.index_cast %add3A_452 : i32 to index
        %swap3A_1847 = arith.constant 512 : index
        %swap3A_1848 = tpu.vector_load %arg7[%swap3A_1844, %swap3A_1845, %swap3A_1846, %swap3A_1847] {strides = array<i32>} : memref<4x3x8x1024xf32, #tpu.memory_space<vmem>>, vector<1x1x1x16xf32>,
        %swap3A_1849 = vector.shape_cast %swap3A_1848 : vector<1x1x1x16xf32> to vector<16xf32>
        %swap3A_1850 = vector.shape_cast %get3A_1639 : vector<16xf32> to vector<1x1x1x16xf32>
        tpu.vector_store %arg7[%swap3A_1844, %swap3A_1845, %swap3A_1846, %swap3A_1847], %swap3A_1850 {add = true, strides = array<i32>} : memref<4x3x8x1024xf32, #tpu.memory_space<vmem>>, vector<1x1x1x16xf32>,
        %swap3A_1851 = arith.constant 1 : i32
        %swap3A_1852 = arith.index_cast %swap3A_1851 : i32 to index
        %swap3A_1853 = arith.index_cast %rem3A_272 : i32 to index
        %swap3A_1854 = arith.index_cast %add3A_452 : i32 to index
        %swap3A_1855 = arith.constant 528 : index
        %swap3A_1856 = tpu.vector_load %arg7[%swap3A_1852, %swap3A_1853, %swap3A_1854, %swap3A_1855] {strides = array<i32>} : memref<4x3x8x1024xf32, #tpu.memory_space<vmem>>, vector<1x1x1x16xf32>,
        %swap3A_1857 = vector.shape_cast %swap3A_1856 : vector<1x1x1x16xf32> to vector<16xf32>
        %swap3A_1858 = vector.shape_cast %get3A_1644 : vector<16xf32> to vector<1x1x1x16xf32>
        tpu.vector_store %arg7[%swap3A_1852, %swap3A_1853, %swap3A_1854, %swap3A_1855], %swap3A_1858 {add = true, strides = array<i32>} : memref<4x3x8x1024xf32, #tpu.memory_space<vmem>>, vector<1x1x1x16xf32>,
        %swap3A_1859 = arith.constant 1 : i32
        %swap3A_1860 = arith.index_cast %swap3A_1859 : i32 to index
        %swap3A_1861 = arith.index_cast %rem3A_272 : i32 to index
        %swap3A_1862 = arith.index_cast %add3A_452 : i32 to index
        %swap3A_1863 = arith.constant 544 : index
        %swap3A_1864 = tpu.vector_load %arg7[%swap3A_1860, %swap3A_1861, %swap3A_1862, %swap3A_1863] {strides = array<i32>} : memref<4x3x8x1024xf32, #tpu.memory_space<vmem>>, vector<1x1x1x16xf32>,
        %swap3A_1865 = vector.shape_cast %swap3A_1864 : vector<1x1x1x16xf32> to vector<16xf32>
        %swap3A_1866 = vector.shape_cast %get3A_1649 : vector<16xf32> to vector<1x1x1x16xf32>
        tpu.vector_store %arg7[%swap3A_1860, %swap3A_1861, %swap3A_1862, %swap3A_1863], %swap3A_1866 {add = true, strides = array<i32>} : memref<4x3x8x1024xf32, #tpu.memory_space<vmem>>, vector<1x1x1x16xf32>,
        %swap3A_1867 = arith.constant 1 : i32
        %swap3A_1868 = arith.index_cast %swap3A_1867 : i32 to index
        %swap3A_1869 = arith.index_cast %rem3A_272 : i32 to index
        %swap3A_1870 = arith.index_cast %add3A_452 : i32 to index
        %swap3A_1871 = arith.constant 560 : index
        %swap3A_1872 = tpu.vector_load %arg7[%swap3A_1868, %swap3A_1869, %swap3A_1870, %swap3A_1871] {strides = array<i32>} : memref<4x3x8x1024xf32, #tpu.memory_space<vmem>>, vector<1x1x1x16xf32>,
        %swap3A_1873 = vector.shape_cast %swap3A_1872 : vector<1x1x1x16xf32> to vector<16xf32>
        %swap3A_1874 = vector.shape_cast %get3A_1654 : vector<16xf32> to vector<1x1x1x16xf32>
        tpu.vector_store %arg7[%swap3A_1868, %swap3A_1869, %swap3A_1870, %swap3A_1871], %swap3A_1874 {add = true, strides = array<i32>} : memref<4x3x8x1024xf32, #tpu.memory_space<vmem>>, vector<1x1x1x16xf32>,
        %swap3A_1875 = arith.constant 1 : i32
        %swap3A_1876 = arith.index_cast %swap3A_1875 : i32 to index
        %swap3A_1877 = arith.index_cast %rem3A_272 : i32 to index
        %swap3A_1878 = arith.index_cast %add3A_452 : i32 to index
        %swap3A_1879 = arith.constant 576 : index
        %swap3A_1880 = tpu.vector_load %arg7[%swap3A_1876, %swap3A_1877, %swap3A_1878, %swap3A_1879] {strides = array<i32>} : memref<4x3x8x1024xf32, #tpu.memory_space<vmem>>, vector<1x1x1x16xf32>,
        %swap3A_1881 = vector.shape_cast %swap3A_1880 : vector<1x1x1x16xf32> to vector<16xf32>
        %swap3A_1882 = vector.shape_cast %get3A_1659 : vector<16xf32> to vector<1x1x1x16xf32>
        tpu.vector_store %arg7[%swap3A_1876, %swap3A_1877, %swap3A_1878, %swap3A_1879], %swap3A_1882 {add = true, strides = array<i32>} : memref<4x3x8x1024xf32, #tpu.memory_space<vmem>>, vector<1x1x1x16xf32>,
        %swap3A_1883 = arith.constant 1 : i32
        %swap3A_1884 = arith.index_cast %swap3A_1883 : i32 to index
        %swap3A_1885 = arith.index_cast %rem3A_272 : i32 to index
        %swap3A_1886 = arith.index_cast %add3A_452 : i32 to index
        %swap3A_1887 = arith.constant 592 : index
        %swap3A_1888 = tpu.vector_load %arg7[%swap3A_1884, %swap3A_1885, %swap3A_1886, %swap3A_1887] {strides = array<i32>} : memref<4x3x8x1024xf32, #tpu.memory_space<vmem>>, vector<1x1x1x16xf32>,
        %swap3A_1889 = vector.shape_cast %swap3A_1888 : vector<1x1x1x16xf32> to vector<16xf32>
        %swap3A_1890 = vector.shape_cast %get3A_1664 : vector<16xf32> to vector<1x1x1x16xf32>
        tpu.vector_store %arg7[%swap3A_1884, %swap3A_1885, %swap3A_1886, %swap3A_1887], %swap3A_1890 {add = true, strides = array<i32>} : memref<4x3x8x1024xf32, #tpu.memory_space<vmem>>, vector<1x1x1x16xf32>,
        %swap3A_1891 = arith.constant 1 : i32
        %swap3A_1892 = arith.index_cast %swap3A_1891 : i32 to index
        %swap3A_1893 = arith.index_cast %rem3A_272 : i32 to index
        %swap3A_1894 = arith.index_cast %add3A_452 : i32 to index
        %swap3A_1895 = arith.constant 608 : index
        %swap3A_1896 = tpu.vector_load %arg7[%swap3A_1892, %swap3A_1893, %swap3A_1894, %swap3A_1895] {strides = array<i32>} : memref<4x3x8x1024xf32, #tpu.memory_space<vmem>>, vector<1x1x1x16xf32>,
        %swap3A_1897 = vector.shape_cast %swap3A_1896 : vector<1x1x1x16xf32> to vector<16xf32>
        %swap3A_1898 = vector.shape_cast %get3A_1669 : vector<16xf32> to vector<1x1x1x16xf32>
        tpu.vector_store %arg7[%swap3A_1892, %swap3A_1893, %swap3A_1894, %swap3A_1895], %swap3A_1898 {add = true, strides = array<i32>} : memref<4x3x8x1024xf32, #tpu.memory_space<vmem>>, vector<1x1x1x16xf32>,
        %swap3A_1899 = arith.constant 1 : i32
        %swap3A_1900 = arith.index_cast %swap3A_1899 : i32 to index
        %swap3A_1901 = arith.index_cast %rem3A_272 : i32 to index
        %swap3A_1902 = arith.index_cast %add3A_452 : i32 to index
        %swap3A_1903 = arith.constant 624 : index
        %swap3A_1904 = tpu.vector_load %arg7[%swap3A_1900, %swap3A_1901, %swap3A_1902, %swap3A_1903] {strides = array<i32>} : memref<4x3x8x1024xf32, #tpu.memory_space<vmem>>, vector<1x1x1x16xf32>,
        %swap3A_1905 = vector.shape_cast %swap3A_1904 : vector<1x1x1x16xf32> to vector<16xf32>
        %swap3A_1906 = vector.shape_cast %get3A_1674 : vector<16xf32> to vector<1x1x1x16xf32>
        tpu.vector_store %arg7[%swap3A_1900, %swap3A_1901, %swap3A_1902, %swap3A_1903], %swap3A_1906 {add = true, strides = array<i32>} : memref<4x3x8x1024xf32, #tpu.memory_space<vmem>>, vector<1x1x1x16xf32>,
        %swap3A_1907 = arith.constant 1 : i32
        %swap3A_1908 = arith.index_cast %swap3A_1907 : i32 to index
        %swap3A_1909 = arith.index_cast %rem3A_272 : i32 to index
        %swap3A_1910 = arith.index_cast %add3A_452 : i32 to index
        %swap3A_1911 = arith.constant 640 : index
        %swap3A_1912 = tpu.vector_load %arg7[%swap3A_1908, %swap3A_1909, %swap3A_1910, %swap3A_1911] {strides = array<i32>} : memref<4x3x8x1024xf32, #tpu.memory_space<vmem>>, vector<1x1x1x16xf32>,
        %swap3A_1913 = vector.shape_cast %swap3A_1912 : vector<1x1x1x16xf32> to vector<16xf32>
        %swap3A_1914 = vector.shape_cast %get3A_1679 : vector<16xf32> to vector<1x1x1x16xf32>
        tpu.vector_store %arg7[%swap3A_1908, %swap3A_1909, %swap3A_1910, %swap3A_1911], %swap3A_1914 {add = true, strides = array<i32>} : memref<4x3x8x1024xf32, #tpu.memory_space<vmem>>, vector<1x1x1x16xf32>,
        %swap3A_1915 = arith.constant 1 : i32
        %swap3A_1916 = arith.index_cast %swap3A_1915 : i32 to index
        %swap3A_1917 = arith.index_cast %rem3A_272 : i32 to index
        %swap3A_1918 = arith.index_cast %add3A_452 : i32 to index
        %swap3A_1919 = arith.constant 656 : index
        %swap3A_1920 = tpu.vector_load %arg7[%swap3A_1916, %swap3A_1917, %swap3A_1918, %swap3A_1919] {strides = array<i32>} : memref<4x3x8x1024xf32, #tpu.memory_space<vmem>>, vector<1x1x1x16xf32>,
        %swap3A_1921 = vector.shape_cast %swap3A_1920 : vector<1x1x1x16xf32> to vector<16xf32>
        %swap3A_1922 = vector.shape_cast %get3A_1684 : vector<16xf32> to vector<1x1x1x16xf32>
        tpu.vector_store %arg7[%swap3A_1916, %swap3A_1917, %swap3A_1918, %swap3A_1919], %swap3A_1922 {add = true, strides = array<i32>} : memref<4x3x8x1024xf32, #tpu.memory_space<vmem>>, vector<1x1x1x16xf32>,
        %swap3A_1923 = arith.constant 1 : i32
        %swap3A_1924 = arith.index_cast %swap3A_1923 : i32 to index
        %swap3A_1925 = arith.index_cast %rem3A_272 : i32 to index
        %swap3A_1926 = arith.index_cast %add3A_452 : i32 to index
        %swap3A_1927 = arith.constant 672 : index
        %swap3A_1928 = tpu.vector_load %arg7[%swap3A_1924, %swap3A_1925, %swap3A_1926, %swap3A_1927] {strides = array<i32>} : memref<4x3x8x1024xf32, #tpu.memory_space<vmem>>, vector<1x1x1x16xf32>,
        %swap3A_1929 = vector.shape_cast %swap3A_1928 : vector<1x1x1x16xf32> to vector<16xf32>
        %swap3A_1930 = vector.shape_cast %get3A_1689 : vector<16xf32> to vector<1x1x1x16xf32>
        tpu.vector_store %arg7[%swap3A_1924, %swap3A_1925, %swap3A_1926, %swap3A_1927], %swap3A_1930 {add = true, strides = array<i32>} : memref<4x3x8x1024xf32, #tpu.memory_space<vmem>>, vector<1x1x1x16xf32>,
        %swap3A_1931 = arith.constant 1 : i32
        %swap3A_1932 = arith.index_cast %swap3A_1931 : i32 to index
        %swap3A_1933 = arith.index_cast %rem3A_272 : i32 to index
        %swap3A_1934 = arith.index_cast %add3A_452 : i32 to index
        %swap3A_1935 = arith.constant 688 : index
        %swap3A_1936 = tpu.vector_load %arg7[%swap3A_1932, %swap3A_1933, %swap3A_1934, %swap3A_1935] {strides = array<i32>} : memref<4x3x8x1024xf32, #tpu.memory_space<vmem>>, vector<1x1x1x16xf32>,
        %swap3A_1937 = vector.shape_cast %swap3A_1936 : vector<1x1x1x16xf32> to vector<16xf32>
        %swap3A_1938 = vector.shape_cast %get3A_1694 : vector<16xf32> to vector<1x1x1x16xf32>
        tpu.vector_store %arg7[%swap3A_1932, %swap3A_1933, %swap3A_1934, %swap3A_1935], %swap3A_1938 {add = true, strides = array<i32>} : memref<4x3x8x1024xf32, #tpu.memory_space<vmem>>, vector<1x1x1x16xf32>,
        %swap3A_1939 = arith.constant 1 : i32
        %swap3A_1940 = arith.index_cast %swap3A_1939 : i32 to index
        %swap3A_1941 = arith.index_cast %rem3A_272 : i32 to index
        %swap3A_1942 = arith.index_cast %add3A_452 : i32 to index
        %swap3A_1943 = arith.constant 704 : index
        %swap3A_1944 = tpu.vector_load %arg7[%swap3A_1940, %swap3A_1941, %swap3A_1942, %swap3A_1943] {strides = array<i32>} : memref<4x3x8x1024xf32, #tpu.memory_space<vmem>>, vector<1x1x1x16xf32>,
        %swap3A_1945 = vector.shape_cast %swap3A_1944 : vector<1x1x1x16xf32> to vector<16xf32>
        %swap3A_1946 = vector.shape_cast %get3A_1699 : vector<16xf32> to vector<1x1x1x16xf32>
        tpu.vector_store %arg7[%swap3A_1940, %swap3A_1941, %swap3A_1942, %swap3A_1943], %swap3A_1946 {add = true, strides = array<i32>} : memref<4x3x8x1024xf32, #tpu.memory_space<vmem>>, vector<1x1x1x16xf32>,
        %swap3A_1947 = arith.constant 1 : i32
        %swap3A_1948 = arith.index_cast %swap3A_1947 : i32 to index
        %swap3A_1949 = arith.index_cast %rem3A_272 : i32 to index
        %swap3A_1950 = arith.index_cast %add3A_452 : i32 to index
        %swap3A_1951 = arith.constant 720 : index
        %swap3A_1952 = tpu.vector_load %arg7[%swap3A_1948, %swap3A_1949, %swap3A_1950, %swap3A_1951] {strides = array<i32>} : memref<4x3x8x1024xf32, #tpu.memory_space<vmem>>, vector<1x1x1x16xf32>,
        %swap3A_1953 = vector.shape_cast %swap3A_1952 : vector<1x1x1x16xf32> to vector<16xf32>
        %swap3A_1954 = vector.shape_cast %get3A_1704 : vector<16xf32> to vector<1x1x1x16xf32>
        tpu.vector_store %arg7[%swap3A_1948, %swap3A_1949, %swap3A_1950, %swap3A_1951], %swap3A_1954 {add = true, strides = array<i32>} : memref<4x3x8x1024xf32, #tpu.memory_space<vmem>>, vector<1x1x1x16xf32>,
        %swap3A_1955 = arith.constant 1 : i32
        %swap3A_1956 = arith.index_cast %swap3A_1955 : i32 to index
        %swap3A_1957 = arith.index_cast %rem3A_272 : i32 to index
        %swap3A_1958 = arith.index_cast %add3A_452 : i32 to index
        %swap3A_1959 = arith.constant 736 : index
        %swap3A_1960 = tpu.vector_load %arg7[%swap3A_1956, %swap3A_1957, %swap3A_1958, %swap3A_1959] {strides = array<i32>} : memref<4x3x8x1024xf32, #tpu.memory_space<vmem>>, vector<1x1x1x16xf32>,
        %swap3A_1961 = vector.shape_cast %swap3A_1960 : vector<1x1x1x16xf32> to vector<16xf32>
        %swap3A_1962 = vector.shape_cast %get3A_1709 : vector<16xf32> to vector<1x1x1x16xf32>
        tpu.vector_store %arg7[%swap3A_1956, %swap3A_1957, %swap3A_1958, %swap3A_1959], %swap3A_1962 {add = true, strides = array<i32>} : memref<4x3x8x1024xf32, #tpu.memory_space<vmem>>, vector<1x1x1x16xf32>,
        %swap3A_1963 = arith.constant 1 : i32
        %swap3A_1964 = arith.index_cast %swap3A_1963 : i32 to index
        %swap3A_1965 = arith.index_cast %rem3A_272 : i32 to index
        %swap3A_1966 = arith.index_cast %add3A_452 : i32 to index
        %swap3A_1967 = arith.constant 752 : index
        %swap3A_1968 = tpu.vector_load %arg7[%swap3A_1964, %swap3A_1965, %swap3A_1966, %swap3A_1967] {strides = array<i32>} : memref<4x3x8x1024xf32, #tpu.memory_space<vmem>>, vector<1x1x1x16xf32>,
        %swap3A_1969 = vector.shape_cast %swap3A_1968 : vector<1x1x1x16xf32> to vector<16xf32>
        %swap3A_1970 = vector.shape_cast %get3A_1714 : vector<16xf32> to vector<1x1x1x16xf32>
        tpu.vector_store %arg7[%swap3A_1964, %swap3A_1965, %swap3A_1966, %swap3A_1967], %swap3A_1970 {add = true, strides = array<i32>} : memref<4x3x8x1024xf32, #tpu.memory_space<vmem>>, vector<1x1x1x16xf32>,
        %swap3A_1971 = arith.constant 2 : i32
        %swap3A_1972 = arith.index_cast %swap3A_1971 : i32 to index
        %swap3A_1973 = arith.index_cast %rem3A_272 : i32 to index
        %swap3A_1974 = arith.index_cast %add3A_452 : i32 to index
        %swap3A_1975 = arith.constant 512 : index
        %swap3A_1976 = tpu.vector_load %arg7[%swap3A_1972, %swap3A_1973, %swap3A_1974, %swap3A_1975] {strides = array<i32>} : memref<4x3x8x1024xf32, #tpu.memory_space<vmem>>, vector<1x1x1x16xf32>,
        %swap3A_1977 = vector.shape_cast %swap3A_1976 : vector<1x1x1x16xf32> to vector<16xf32>
        %swap3A_1978 = vector.shape_cast %get3A_1639 : vector<16xf32> to vector<1x1x1x16xf32>
        tpu.vector_store %arg7[%swap3A_1972, %swap3A_1973, %swap3A_1974, %swap3A_1975], %swap3A_1978 {add = true, strides = array<i32>} : memref<4x3x8x1024xf32, #tpu.memory_space<vmem>>, vector<1x1x1x16xf32>,
        %swap3A_1979 = arith.constant 2 : i32
        %swap3A_1980 = arith.index_cast %swap3A_1979 : i32 to index
        %swap3A_1981 = arith.index_cast %rem3A_272 : i32 to index
        %swap3A_1982 = arith.index_cast %add3A_452 : i32 to index
        %swap3A_1983 = arith.constant 528 : index
        %swap3A_1984 = tpu.vector_load %arg7[%swap3A_1980, %swap3A_1981, %swap3A_1982, %swap3A_1983] {strides = array<i32>} : memref<4x3x8x1024xf32, #tpu.memory_space<vmem>>, vector<1x1x1x16xf32>,
        %swap3A_1985 = vector.shape_cast %swap3A_1984 : vector<1x1x1x16xf32> to vector<16xf32>
        %swap3A_1986 = vector.shape_cast %get3A_1644 : vector<16xf32> to vector<1x1x1x16xf32>
        tpu.vector_store %arg7[%swap3A_1980, %swap3A_1981, %swap3A_1982, %swap3A_1983], %swap3A_1986 {add = true, strides = array<i32>} : memref<4x3x8x1024xf32, #tpu.memory_space<vmem>>, vector<1x1x1x16xf32>,
        %swap3A_1987 = arith.constant 2 : i32
        %swap3A_1988 = arith.index_cast %swap3A_1987 : i32 to index
        %swap3A_1989 = arith.index_cast %rem3A_272 : i32 to index
        %swap3A_1990 = arith.index_cast %add3A_452 : i32 to index
        %swap3A_1991 = arith.constant 544 : index
        %swap3A_1992 = tpu.vector_load %arg7[%swap3A_1988, %swap3A_1989, %swap3A_1990, %swap3A_1991] {strides = array<i32>} : memref<4x3x8x1024xf32, #tpu.memory_space<vmem>>, vector<1x1x1x16xf32>,
        %swap3A_1993 = vector.shape_cast %swap3A_1992 : vector<1x1x1x16xf32> to vector<16xf32>
        %swap3A_1994 = vector.shape_cast %get3A_1649 : vector<16xf32> to vector<1x1x1x16xf32>
        tpu.vector_store %arg7[%swap3A_1988, %swap3A_1989, %swap3A_1990, %swap3A_1991], %swap3A_1994 {add = true, strides = array<i32>} : memref<4x3x8x1024xf32, #tpu.memory_space<vmem>>, vector<1x1x1x16xf32>,
        %swap3A_1995 = arith.constant 2 : i32
        %swap3A_1996 = arith.index_cast %swap3A_1995 : i32 to index
        %swap3A_1997 = arith.index_cast %rem3A_272 : i32 to index
        %swap3A_1998 = arith.index_cast %add3A_452 : i32 to index
        %swap3A_1999 = arith.constant 560 : index
        %swap3A_2000 = tpu.vector_load %arg7[%swap3A_1996, %swap3A_1997, %swap3A_1998, %swap3A_1999] {strides = array<i32>} : memref<4x3x8x1024xf32, #tpu.memory_space<vmem>>, vector<1x1x1x16xf32>,
        %swap3A_2001 = vector.shape_cast %swap3A_2000 : vector<1x1x1x16xf32> to vector<16xf32>
        %swap3A_2002 = vector.shape_cast %get3A_1654 : vector<16xf32> to vector<1x1x1x16xf32>
        tpu.vector_store %arg7[%swap3A_1996, %swap3A_1997, %swap3A_1998, %swap3A_1999], %swap3A_2002 {add = true, strides = array<i32>} : memref<4x3x8x1024xf32, #tpu.memory_space<vmem>>, vector<1x1x1x16xf32>,
        %swap3A_2003 = arith.constant 2 : i32
        %swap3A_2004 = arith.index_cast %swap3A_2003 : i32 to index
        %swap3A_2005 = arith.index_cast %rem3A_272 : i32 to index
        %swap3A_2006 = arith.index_cast %add3A_452 : i32 to index
        %swap3A_2007 = arith.constant 576 : index
        %swap3A_2008 = tpu.vector_load %arg7[%swap3A_2004, %swap3A_2005, %swap3A_2006, %swap3A_2007] {strides = array<i32>} : memref<4x3x8x1024xf32, #tpu.memory_space<vmem>>, vector<1x1x1x16xf32>,
        %swap3A_2009 = vector.shape_cast %swap3A_2008 : vector<1x1x1x16xf32> to vector<16xf32>
        %swap3A_2010 = vector.shape_cast %get3A_1659 : vector<16xf32> to vector<1x1x1x16xf32>
        tpu.vector_store %arg7[%swap3A_2004, %swap3A_2005, %swap3A_2006, %swap3A_2007], %swap3A_2010 {add = true, strides = array<i32>} : memref<4x3x8x1024xf32, #tpu.memory_space<vmem>>, vector<1x1x1x16xf32>,
        %swap3A_2011 = arith.constant 2 : i32
        %swap3A_2012 = arith.index_cast %swap3A_2011 : i32 to index
        %swap3A_2013 = arith.index_cast %rem3A_272 : i32 to index
        %swap3A_2014 = arith.index_cast %add3A_452 : i32 to index
        %swap3A_2015 = arith.constant 592 : index
        %swap3A_2016 = tpu.vector_load %arg7[%swap3A_2012, %swap3A_2013, %swap3A_2014, %swap3A_2015] {strides = array<i32>} : memref<4x3x8x1024xf32, #tpu.memory_space<vmem>>, vector<1x1x1x16xf32>,
        %swap3A_2017 = vector.shape_cast %swap3A_2016 : vector<1x1x1x16xf32> to vector<16xf32>
        %swap3A_2018 = vector.shape_cast %get3A_1664 : vector<16xf32> to vector<1x1x1x16xf32>
        tpu.vector_store %arg7[%swap3A_2012, %swap3A_2013, %swap3A_2014, %swap3A_2015], %swap3A_2018 {add = true, strides = array<i32>} : memref<4x3x8x1024xf32, #tpu.memory_space<vmem>>, vector<1x1x1x16xf32>,
        %swap3A_2019 = arith.constant 2 : i32
        %swap3A_2020 = arith.index_cast %swap3A_2019 : i32 to index
        %swap3A_2021 = arith.index_cast %rem3A_272 : i32 to index
        %swap3A_2022 = arith.index_cast %add3A_452 : i32 to index
        %swap3A_2023 = arith.constant 608 : index
        %swap3A_2024 = tpu.vector_load %arg7[%swap3A_2020, %swap3A_2021, %swap3A_2022, %swap3A_2023] {strides = array<i32>} : memref<4x3x8x1024xf32, #tpu.memory_space<vmem>>, vector<1x1x1x16xf32>,
        %swap3A_2025 = vector.shape_cast %swap3A_2024 : vector<1x1x1x16xf32> to vector<16xf32>
        %swap3A_2026 = vector.shape_cast %get3A_1669 : vector<16xf32> to vector<1x1x1x16xf32>
        tpu.vector_store %arg7[%swap3A_2020, %swap3A_2021, %swap3A_2022, %swap3A_2023], %swap3A_2026 {add = true, strides = array<i32>} : memref<4x3x8x1024xf32, #tpu.memory_space<vmem>>, vector<1x1x1x16xf32>,
        %swap3A_2027 = arith.constant 2 : i32
        %swap3A_2028 = arith.index_cast %swap3A_2027 : i32 to index
        %swap3A_2029 = arith.index_cast %rem3A_272 : i32 to index
        %swap3A_2030 = arith.index_cast %add3A_452 : i32 to index
        %swap3A_2031 = arith.constant 624 : index
        %swap3A_2032 = tpu.vector_load %arg7[%swap3A_2028, %swap3A_2029, %swap3A_2030, %swap3A_2031] {strides = array<i32>} : memref<4x3x8x1024xf32, #tpu.memory_space<vmem>>, vector<1x1x1x16xf32>,
        %swap3A_2033 = vector.shape_cast %swap3A_2032 : vector<1x1x1x16xf32> to vector<16xf32>
        %swap3A_2034 = vector.shape_cast %get3A_1674 : vector<16xf32> to vector<1x1x1x16xf32>
        tpu.vector_store %arg7[%swap3A_2028, %swap3A_2029, %swap3A_2030, %swap3A_2031], %swap3A_2034 {add = true, strides = array<i32>} : memref<4x3x8x1024xf32, #tpu.memory_space<vmem>>, vector<1x1x1x16xf32>,
        %swap3A_2035 = arith.constant 2 : i32
        %swap3A_2036 = arith.index_cast %swap3A_2035 : i32 to index
        %swap3A_2037 = arith.index_cast %rem3A_272 : i32 to index
        %swap3A_2038 = arith.index_cast %add3A_452 : i32 to index
        %swap3A_2039 = arith.constant 640 : index
        %swap3A_2040 = tpu.vector_load %arg7[%swap3A_2036, %swap3A_2037, %swap3A_2038, %swap3A_2039] {strides = array<i32>} : memref<4x3x8x1024xf32, #tpu.memory_space<vmem>>, vector<1x1x1x16xf32>,
        %swap3A_2041 = vector.shape_cast %swap3A_2040 : vector<1x1x1x16xf32> to vector<16xf32>
        %swap3A_2042 = vector.shape_cast %get3A_1679 : vector<16xf32> to vector<1x1x1x16xf32>
        tpu.vector_store %arg7[%swap3A_2036, %swap3A_2037, %swap3A_2038, %swap3A_2039], %swap3A_2042 {add = true, strides = array<i32>} : memref<4x3x8x1024xf32, #tpu.memory_space<vmem>>, vector<1x1x1x16xf32>,
        %swap3A_2043 = arith.constant 2 : i32
        %swap3A_2044 = arith.index_cast %swap3A_2043 : i32 to index
        %swap3A_2045 = arith.index_cast %rem3A_272 : i32 to index
        %swap3A_2046 = arith.index_cast %add3A_452 : i32 to index
        %swap3A_2047 = arith.constant 656 : index
        %swap3A_2048 = tpu.vector_load %arg7[%swap3A_2044, %swap3A_2045, %swap3A_2046, %swap3A_2047] {strides = array<i32>} : memref<4x3x8x1024xf32, #tpu.memory_space<vmem>>, vector<1x1x1x16xf32>,
        %swap3A_2049 = vector.shape_cast %swap3A_2048 : vector<1x1x1x16xf32> to vector<16xf32>
        %swap3A_2050 = vector.shape_cast %get3A_1684 : vector<16xf32> to vector<1x1x1x16xf32>
        tpu.vector_store %arg7[%swap3A_2044, %swap3A_2045, %swap3A_2046, %swap3A_2047], %swap3A_2050 {add = true, strides = array<i32>} : memref<4x3x8x1024xf32, #tpu.memory_space<vmem>>, vector<1x1x1x16xf32>,
        %swap3A_2051 = arith.constant 2 : i32
        %swap3A_2052 = arith.index_cast %swap3A_2051 : i32 to index
        %swap3A_2053 = arith.index_cast %rem3A_272 : i32 to index
        %swap3A_2054 = arith.index_cast %add3A_452 : i32 to index
        %swap3A_2055 = arith.constant 672 : index
        %swap3A_2056 = tpu.vector_load %arg7[%swap3A_2052, %swap3A_2053, %swap3A_2054, %swap3A_2055] {strides = array<i32>} : memref<4x3x8x1024xf32, #tpu.memory_space<vmem>>, vector<1x1x1x16xf32>,
        %swap3A_2057 = vector.shape_cast %swap3A_2056 : vector<1x1x1x16xf32> to vector<16xf32>
        %swap3A_2058 = vector.shape_cast %get3A_1689 : vector<16xf32> to vector<1x1x1x16xf32>
        tpu.vector_store %arg7[%swap3A_2052, %swap3A_2053, %swap3A_2054, %swap3A_2055], %swap3A_2058 {add = true, strides = array<i32>} : memref<4x3x8x1024xf32, #tpu.memory_space<vmem>>, vector<1x1x1x16xf32>,
        %swap3A_2059 = arith.constant 2 : i32
        %swap3A_2060 = arith.index_cast %swap3A_2059 : i32 to index
        %swap3A_2061 = arith.index_cast %rem3A_272 : i32 to index
        %swap3A_2062 = arith.index_cast %add3A_452 : i32 to index
        %swap3A_2063 = arith.constant 688 : index
        %swap3A_2064 = tpu.vector_load %arg7[%swap3A_2060, %swap3A_2061, %swap3A_2062, %swap3A_2063] {strides = array<i32>} : memref<4x3x8x1024xf32, #tpu.memory_space<vmem>>, vector<1x1x1x16xf32>,
        %swap3A_2065 = vector.shape_cast %swap3A_2064 : vector<1x1x1x16xf32> to vector<16xf32>
        %swap3A_2066 = vector.shape_cast %get3A_1694 : vector<16xf32> to vector<1x1x1x16xf32>
        tpu.vector_store %arg7[%swap3A_2060, %swap3A_2061, %swap3A_2062, %swap3A_2063], %swap3A_2066 {add = true, strides = array<i32>} : memref<4x3x8x1024xf32, #tpu.memory_space<vmem>>, vector<1x1x1x16xf32>,
        %swap3A_2067 = arith.constant 2 : i32
        %swap3A_2068 = arith.index_cast %swap3A_2067 : i32 to index
        %swap3A_2069 = arith.index_cast %rem3A_272 : i32 to index
        %swap3A_2070 = arith.index_cast %add3A_452 : i32 to index
        %swap3A_2071 = arith.constant 704 : index
        %swap3A_2072 = tpu.vector_load %arg7[%swap3A_2068, %swap3A_2069, %swap3A_2070, %swap3A_2071] {strides = array<i32>} : memref<4x3x8x1024xf32, #tpu.memory_space<vmem>>, vector<1x1x1x16xf32>,
        %swap3A_2073 = vector.shape_cast %swap3A_2072 : vector<1x1x1x16xf32> to vector<16xf32>
        %swap3A_2074 = vector.shape_cast %get3A_1699 : vector<16xf32> to vector<1x1x1x16xf32>
        tpu.vector_store %arg7[%swap3A_2068, %swap3A_2069, %swap3A_2070, %swap3A_2071], %swap3A_2074 {add = true, strides = array<i32>} : memref<4x3x8x1024xf32, #tpu.memory_space<vmem>>, vector<1x1x1x16xf32>,
        %swap3A_2075 = arith.constant 2 : i32
        %swap3A_2076 = arith.index_cast %swap3A_2075 : i32 to index
        %swap3A_2077 = arith.index_cast %rem3A_272 : i32 to index
        %swap3A_2078 = arith.index_cast %add3A_452 : i32 to index
        %swap3A_2079 = arith.constant 720 : index
        %swap3A_2080 = tpu.vector_load %arg7[%swap3A_2076, %swap3A_2077, %swap3A_2078, %swap3A_2079] {strides = array<i32>} : memref<4x3x8x1024xf32, #tpu.memory_space<vmem>>, vector<1x1x1x16xf32>,
        %swap3A_2081 = vector.shape_cast %swap3A_2080 : vector<1x1x1x16xf32> to vector<16xf32>
        %swap3A_2082 = vector.shape_cast %get3A_1704 : vector<16xf32> to vector<1x1x1x16xf32>
        tpu.vector_store %arg7[%swap3A_2076, %swap3A_2077, %swap3A_2078, %swap3A_2079], %swap3A_2082 {add = true, strides = array<i32>} : memref<4x3x8x1024xf32, #tpu.memory_space<vmem>>, vector<1x1x1x16xf32>,
        %swap3A_2083 = arith.constant 2 : i32
        %swap3A_2084 = arith.index_cast %swap3A_2083 : i32 to index
        %swap3A_2085 = arith.index_cast %rem3A_272 : i32 to index
        %swap3A_2086 = arith.index_cast %add3A_452 : i32 to index
        %swap3A_2087 = arith.constant 736 : index
        %swap3A_2088 = tpu.vector_load %arg7[%swap3A_2084, %swap3A_2085, %swap3A_2086, %swap3A_2087] {strides = array<i32>} : memref<4x3x8x1024xf32, #tpu.memory_space<vmem>>, vector<1x1x1x16xf32>,
        %swap3A_2089 = vector.shape_cast %swap3A_2088 : vector<1x1x1x16xf32> to vector<16xf32>
        %swap3A_2090 = vector.shape_cast %get3A_1709 : vector<16xf32> to vector<1x1x1x16xf32>
        tpu.vector_store %arg7[%swap3A_2084, %swap3A_2085, %swap3A_2086, %swap3A_2087], %swap3A_2090 {add = true, strides = array<i32>} : memref<4x3x8x1024xf32, #tpu.memory_space<vmem>>, vector<1x1x1x16xf32>,
        %swap3A_2091 = arith.constant 2 : i32
        %swap3A_2092 = arith.index_cast %swap3A_2091 : i32 to index
        %swap3A_2093 = arith.index_cast %rem3A_272 : i32 to index
        %swap3A_2094 = arith.index_cast %add3A_452 : i32 to index
        %swap3A_2095 = arith.constant 752 : index
        %swap3A_2096 = tpu.vector_load %arg7[%swap3A_2092, %swap3A_2093, %swap3A_2094, %swap3A_2095] {strides = array<i32>} : memref<4x3x8x1024xf32, #tpu.memory_space<vmem>>, vector<1x1x1x16xf32>,
        %swap3A_2097 = vector.shape_cast %swap3A_2096 : vector<1x1x1x16xf32> to vector<16xf32>
        %swap3A_2098 = vector.shape_cast %get3A_1714 : vector<16xf32> to vector<1x1x1x16xf32>
        tpu.vector_store %arg7[%swap3A_2092, %swap3A_2093, %swap3A_2094, %swap3A_2095], %swap3A_2098 {add = true, strides = array<i32>} : memref<4x3x8x1024xf32, #tpu.memory_space<vmem>>, vector<1x1x1x16xf32>,
        %swap3A_2099 = arith.constant 3 : i32
        %swap3A_2100 = arith.index_cast %swap3A_2099 : i32 to index
        %swap3A_2101 = arith.index_cast %rem3A_272 : i32 to index
        %swap3A_2102 = arith.index_cast %add3A_452 : i32 to index
        %swap3A_2103 = arith.constant 512 : index
        %swap3A_2104 = tpu.vector_load %arg7[%swap3A_2100, %swap3A_2101, %swap3A_2102, %swap3A_2103] {strides = array<i32>} : memref<4x3x8x1024xf32, #tpu.memory_space<vmem>>, vector<1x1x1x16xf32>,
        %swap3A_2105 = vector.shape_cast %swap3A_2104 : vector<1x1x1x16xf32> to vector<16xf32>
        %swap3A_2106 = vector.shape_cast %get3A_1639 : vector<16xf32> to vector<1x1x1x16xf32>
        tpu.vector_store %arg7[%swap3A_2100, %swap3A_2101, %swap3A_2102, %swap3A_2103], %swap3A_2106 {add = true, strides = array<i32>} : memref<4x3x8x1024xf32, #tpu.memory_space<vmem>>, vector<1x1x1x16xf32>,
        %swap3A_2107 = arith.constant 3 : i32
        %swap3A_2108 = arith.index_cast %swap3A_2107 : i32 to index
        %swap3A_2109 = arith.index_cast %rem3A_272 : i32 to index
        %swap3A_2110 = arith.index_cast %add3A_452 : i32 to index
        %swap3A_2111 = arith.constant 528 : index
        %swap3A_2112 = tpu.vector_load %arg7[%swap3A_2108, %swap3A_2109, %swap3A_2110, %swap3A_2111] {strides = array<i32>} : memref<4x3x8x1024xf32, #tpu.memory_space<vmem>>, vector<1x1x1x16xf32>,
        %swap3A_2113 = vector.shape_cast %swap3A_2112 : vector<1x1x1x16xf32> to vector<16xf32>
        %swap3A_2114 = vector.shape_cast %get3A_1644 : vector<16xf32> to vector<1x1x1x16xf32>
        tpu.vector_store %arg7[%swap3A_2108, %swap3A_2109, %swap3A_2110, %swap3A_2111], %swap3A_2114 {add = true, strides = array<i32>} : memref<4x3x8x1024xf32, #tpu.memory_space<vmem>>, vector<1x1x1x16xf32>,
        %swap3A_2115 = arith.constant 3 : i32
        %swap3A_2116 = arith.index_cast %swap3A_2115 : i32 to index
        %swap3A_2117 = arith.index_cast %rem3A_272 : i32 to index
        %swap3A_2118 = arith.index_cast %add3A_452 : i32 to index
        %swap3A_2119 = arith.constant 544 : index
        %swap3A_2120 = tpu.vector_load %arg7[%swap3A_2116, %swap3A_2117, %swap3A_2118, %swap3A_2119] {strides = array<i32>} : memref<4x3x8x1024xf32, #tpu.memory_space<vmem>>, vector<1x1x1x16xf32>,
        %swap3A_2121 = vector.shape_cast %swap3A_2120 : vector<1x1x1x16xf32> to vector<16xf32>
        %swap3A_2122 = vector.shape_cast %get3A_1649 : vector<16xf32> to vector<1x1x1x16xf32>
        tpu.vector_store %arg7[%swap3A_2116, %swap3A_2117, %swap3A_2118, %swap3A_2119], %swap3A_2122 {add = true, strides = array<i32>} : memref<4x3x8x1024xf32, #tpu.memory_space<vmem>>, vector<1x1x1x16xf32>,
        %swap3A_2123 = arith.constant 3 : i32
        %swap3A_2124 = arith.index_cast %swap3A_2123 : i32 to index
        %swap3A_2125 = arith.index_cast %rem3A_272 : i32 to index
        %swap3A_2126 = arith.index_cast %add3A_452 : i32 to index
        %swap3A_2127 = arith.constant 560 : index
        %swap3A_2128 = tpu.vector_load %arg7[%swap3A_2124, %swap3A_2125, %swap3A_2126, %swap3A_2127] {strides = array<i32>} : memref<4x3x8x1024xf32, #tpu.memory_space<vmem>>, vector<1x1x1x16xf32>,
        %swap3A_2129 = vector.shape_cast %swap3A_2128 : vector<1x1x1x16xf32> to vector<16xf32>
        %swap3A_2130 = vector.shape_cast %get3A_1654 : vector<16xf32> to vector<1x1x1x16xf32>
        tpu.vector_store %arg7[%swap3A_2124, %swap3A_2125, %swap3A_2126, %swap3A_2127], %swap3A_2130 {add = true, strides = array<i32>} : memref<4x3x8x1024xf32, #tpu.memory_space<vmem>>, vector<1x1x1x16xf32>,
        %swap3A_2131 = arith.constant 3 : i32
        %swap3A_2132 = arith.index_cast %swap3A_2131 : i32 to index
        %swap3A_2133 = arith.index_cast %rem3A_272 : i32 to index
        %swap3A_2134 = arith.index_cast %add3A_452 : i32 to index
        %swap3A_2135 = arith.constant 576 : index
        %swap3A_2136 = tpu.vector_load %arg7[%swap3A_2132, %swap3A_2133, %swap3A_2134, %swap3A_2135] {strides = array<i32>} : memref<4x3x8x1024xf32, #tpu.memory_space<vmem>>, vector<1x1x1x16xf32>,
        %swap3A_2137 = vector.shape_cast %swap3A_2136 : vector<1x1x1x16xf32> to vector<16xf32>
        %swap3A_2138 = vector.shape_cast %get3A_1659 : vector<16xf32> to vector<1x1x1x16xf32>
        tpu.vector_store %arg7[%swap3A_2132, %swap3A_2133, %swap3A_2134, %swap3A_2135], %swap3A_2138 {add = true, strides = array<i32>} : memref<4x3x8x1024xf32, #tpu.memory_space<vmem>>, vector<1x1x1x16xf32>,
        %swap3A_2139 = arith.constant 3 : i32
        %swap3A_2140 = arith.index_cast %swap3A_2139 : i32 to index
        %swap3A_2141 = arith.index_cast %rem3A_272 : i32 to index
        %swap3A_2142 = arith.index_cast %add3A_452 : i32 to index
        %swap3A_2143 = arith.constant 592 : index
        %swap3A_2144 = tpu.vector_load %arg7[%swap3A_2140, %swap3A_2141, %swap3A_2142, %swap3A_2143] {strides = array<i32>} : memref<4x3x8x1024xf32, #tpu.memory_space<vmem>>, vector<1x1x1x16xf32>,
        %swap3A_2145 = vector.shape_cast %swap3A_2144 : vector<1x1x1x16xf32> to vector<16xf32>
        %swap3A_2146 = vector.shape_cast %get3A_1664 : vector<16xf32> to vector<1x1x1x16xf32>
        tpu.vector_store %arg7[%swap3A_2140, %swap3A_2141, %swap3A_2142, %swap3A_2143], %swap3A_2146 {add = true, strides = array<i32>} : memref<4x3x8x1024xf32, #tpu.memory_space<vmem>>, vector<1x1x1x16xf32>,
        %swap3A_2147 = arith.constant 3 : i32
        %swap3A_2148 = arith.index_cast %swap3A_2147 : i32 to index
        %swap3A_2149 = arith.index_cast %rem3A_272 : i32 to index
        %swap3A_2150 = arith.index_cast %add3A_452 : i32 to index
        %swap3A_2151 = arith.constant 608 : index
        %swap3A_2152 = tpu.vector_load %arg7[%swap3A_2148, %swap3A_2149, %swap3A_2150, %swap3A_2151] {strides = array<i32>} : memref<4x3x8x1024xf32, #tpu.memory_space<vmem>>, vector<1x1x1x16xf32>,
        %swap3A_2153 = vector.shape_cast %swap3A_2152 : vector<1x1x1x16xf32> to vector<16xf32>
        %swap3A_2154 = vector.shape_cast %get3A_1669 : vector<16xf32> to vector<1x1x1x16xf32>
        tpu.vector_store %arg7[%swap3A_2148, %swap3A_2149, %swap3A_2150, %swap3A_2151], %swap3A_2154 {add = true, strides = array<i32>} : memref<4x3x8x1024xf32, #tpu.memory_space<vmem>>, vector<1x1x1x16xf32>,
        %swap3A_2155 = arith.constant 3 : i32
        %swap3A_2156 = arith.index_cast %swap3A_2155 : i32 to index
        %swap3A_2157 = arith.index_cast %rem3A_272 : i32 to index
        %swap3A_2158 = arith.index_cast %add3A_452 : i32 to index
        %swap3A_2159 = arith.constant 624 : index
        %swap3A_2160 = tpu.vector_load %arg7[%swap3A_2156, %swap3A_2157, %swap3A_2158, %swap3A_2159] {strides = array<i32>} : memref<4x3x8x1024xf32, #tpu.memory_space<vmem>>, vector<1x1x1x16xf32>,
        %swap3A_2161 = vector.shape_cast %swap3A_2160 : vector<1x1x1x16xf32> to vector<16xf32>
        %swap3A_2162 = vector.shape_cast %get3A_1674 : vector<16xf32> to vector<1x1x1x16xf32>
        tpu.vector_store %arg7[%swap3A_2156, %swap3A_2157, %swap3A_2158, %swap3A_2159], %swap3A_2162 {add = true, strides = array<i32>} : memref<4x3x8x1024xf32, #tpu.memory_space<vmem>>, vector<1x1x1x16xf32>,
        %swap3A_2163 = arith.constant 3 : i32
        %swap3A_2164 = arith.index_cast %swap3A_2163 : i32 to index
        %swap3A_2165 = arith.index_cast %rem3A_272 : i32 to index
        %swap3A_2166 = arith.index_cast %add3A_452 : i32 to index
        %swap3A_2167 = arith.constant 640 : index
        %swap3A_2168 = tpu.vector_load %arg7[%swap3A_2164, %swap3A_2165, %swap3A_2166, %swap3A_2167] {strides = array<i32>} : memref<4x3x8x1024xf32, #tpu.memory_space<vmem>>, vector<1x1x1x16xf32>,
        %swap3A_2169 = vector.shape_cast %swap3A_2168 : vector<1x1x1x16xf32> to vector<16xf32>
        %swap3A_2170 = vector.shape_cast %get3A_1679 : vector<16xf32> to vector<1x1x1x16xf32>
        tpu.vector_store %arg7[%swap3A_2164, %swap3A_2165, %swap3A_2166, %swap3A_2167], %swap3A_2170 {add = true, strides = array<i32>} : memref<4x3x8x1024xf32, #tpu.memory_space<vmem>>, vector<1x1x1x16xf32>,
        %swap3A_2171 = arith.constant 3 : i32
        %swap3A_2172 = arith.index_cast %swap3A_2171 : i32 to index
        %swap3A_2173 = arith.index_cast %rem3A_272 : i32 to index
        %swap3A_2174 = arith.index_cast %add3A_452 : i32 to index
        %swap3A_2175 = arith.constant 656 : index
        %swap3A_2176 = tpu.vector_load %arg7[%swap3A_2172, %swap3A_2173, %swap3A_2174, %swap3A_2175] {strides = array<i32>} : memref<4x3x8x1024xf32, #tpu.memory_space<vmem>>, vector<1x1x1x16xf32>,
        %swap3A_2177 = vector.shape_cast %swap3A_2176 : vector<1x1x1x16xf32> to vector<16xf32>
        %swap3A_2178 = vector.shape_cast %get3A_1684 : vector<16xf32> to vector<1x1x1x16xf32>
        tpu.vector_store %arg7[%swap3A_2172, %swap3A_2173, %swap3A_2174, %swap3A_2175], %swap3A_2178 {add = true, strides = array<i32>} : memref<4x3x8x1024xf32, #tpu.memory_space<vmem>>, vector<1x1x1x16xf32>,
        %swap3A_2179 = arith.constant 3 : i32
        %swap3A_2180 = arith.index_cast %swap3A_2179 : i32 to index
        %swap3A_2181 = arith.index_cast %rem3A_272 : i32 to index
        %swap3A_2182 = arith.index_cast %add3A_452 : i32 to index
        %swap3A_2183 = arith.constant 672 : index
        %swap3A_2184 = tpu.vector_load %arg7[%swap3A_2180, %swap3A_2181, %swap3A_2182, %swap3A_2183] {strides = array<i32>} : memref<4x3x8x1024xf32, #tpu.memory_space<vmem>>, vector<1x1x1x16xf32>,
        %swap3A_2185 = vector.shape_cast %swap3A_2184 : vector<1x1x1x16xf32> to vector<16xf32>
        %swap3A_2186 = vector.shape_cast %get3A_1689 : vector<16xf32> to vector<1x1x1x16xf32>
        tpu.vector_store %arg7[%swap3A_2180, %swap3A_2181, %swap3A_2182, %swap3A_2183], %swap3A_2186 {add = true, strides = array<i32>} : memref<4x3x8x1024xf32, #tpu.memory_space<vmem>>, vector<1x1x1x16xf32>,
        %swap3A_2187 = arith.constant 3 : i32
        %swap3A_2188 = arith.index_cast %swap3A_2187 : i32 to index
        %swap3A_2189 = arith.index_cast %rem3A_272 : i32 to index
        %swap3A_2190 = arith.index_cast %add3A_452 : i32 to index
        %swap3A_2191 = arith.constant 688 : index
        %swap3A_2192 = tpu.vector_load %arg7[%swap3A_2188, %swap3A_2189, %swap3A_2190, %swap3A_2191] {strides = array<i32>} : memref<4x3x8x1024xf32, #tpu.memory_space<vmem>>, vector<1x1x1x16xf32>,
        %swap3A_2193 = vector.shape_cast %swap3A_2192 : vector<1x1x1x16xf32> to vector<16xf32>
        %swap3A_2194 = vector.shape_cast %get3A_1694 : vector<16xf32> to vector<1x1x1x16xf32>
        tpu.vector_store %arg7[%swap3A_2188, %swap3A_2189, %swap3A_2190, %swap3A_2191], %swap3A_2194 {add = true, strides = array<i32>} : memref<4x3x8x1024xf32, #tpu.memory_space<vmem>>, vector<1x1x1x16xf32>,
        %swap3A_2195 = arith.constant 3 : i32
        %swap3A_2196 = arith.index_cast %swap3A_2195 : i32 to index
        %swap3A_2197 = arith.index_cast %rem3A_272 : i32 to index
        %swap3A_2198 = arith.index_cast %add3A_452 : i32 to index
        %swap3A_2199 = arith.constant 704 : index
        %swap3A_2200 = tpu.vector_load %arg7[%swap3A_2196, %swap3A_2197, %swap3A_2198, %swap3A_2199] {strides = array<i32>} : memref<4x3x8x1024xf32, #tpu.memory_space<vmem>>, vector<1x1x1x16xf32>,
        %swap3A_2201 = vector.shape_cast %swap3A_2200 : vector<1x1x1x16xf32> to vector<16xf32>
        %swap3A_2202 = vector.shape_cast %get3A_1699 : vector<16xf32> to vector<1x1x1x16xf32>
        tpu.vector_store %arg7[%swap3A_2196, %swap3A_2197, %swap3A_2198, %swap3A_2199], %swap3A_2202 {add = true, strides = array<i32>} : memref<4x3x8x1024xf32, #tpu.memory_space<vmem>>, vector<1x1x1x16xf32>,
        %swap3A_2203 = arith.constant 3 : i32
        %swap3A_2204 = arith.index_cast %swap3A_2203 : i32 to index
        %swap3A_2205 = arith.index_cast %rem3A_272 : i32 to index
        %swap3A_2206 = arith.index_cast %add3A_452 : i32 to index
        %swap3A_2207 = arith.constant 720 : index
        %swap3A_2208 = tpu.vector_load %arg7[%swap3A_2204, %swap3A_2205, %swap3A_2206, %swap3A_2207] {strides = array<i32>} : memref<4x3x8x1024xf32, #tpu.memory_space<vmem>>, vector<1x1x1x16xf32>,
        %swap3A_2209 = vector.shape_cast %swap3A_2208 : vector<1x1x1x16xf32> to vector<16xf32>
        %swap3A_2210 = vector.shape_cast %get3A_1704 : vector<16xf32> to vector<1x1x1x16xf32>
        tpu.vector_store %arg7[%swap3A_2204, %swap3A_2205, %swap3A_2206, %swap3A_2207], %swap3A_2210 {add = true, strides = array<i32>} : memref<4x3x8x1024xf32, #tpu.memory_space<vmem>>, vector<1x1x1x16xf32>,
        %swap3A_2211 = arith.constant 3 : i32
        %swap3A_2212 = arith.index_cast %swap3A_2211 : i32 to index
        %swap3A_2213 = arith.index_cast %rem3A_272 : i32 to index
        %swap3A_2214 = arith.index_cast %add3A_452 : i32 to index
        %swap3A_2215 = arith.constant 736 : index
        %swap3A_2216 = tpu.vector_load %arg7[%swap3A_2212, %swap3A_2213, %swap3A_2214, %swap3A_2215] {strides = array<i32>} : memref<4x3x8x1024xf32, #tpu.memory_space<vmem>>, vector<1x1x1x16xf32>,
        %swap3A_2217 = vector.shape_cast %swap3A_2216 : vector<1x1x1x16xf32> to vector<16xf32>
        %swap3A_2218 = vector.shape_cast %get3A_1709 : vector<16xf32> to vector<1x1x1x16xf32>
        tpu.vector_store %arg7[%swap3A_2212, %swap3A_2213, %swap3A_2214, %swap3A_2215], %swap3A_2218 {add = true, strides = array<i32>} : memref<4x3x8x1024xf32, #tpu.memory_space<vmem>>, vector<1x1x1x16xf32>,
        %swap3A_2219 = arith.constant 3 : i32
        %swap3A_2220 = arith.index_cast %swap3A_2219 : i32 to index
        %swap3A_2221 = arith.index_cast %rem3A_272 : i32 to index
        %swap3A_2222 = arith.index_cast %add3A_452 : i32 to index
        %swap3A_2223 = arith.constant 752 : index
        %swap3A_2224 = tpu.vector_load %arg7[%swap3A_2220, %swap3A_2221, %swap3A_2222, %swap3A_2223] {strides = array<i32>} : memref<4x3x8x1024xf32, #tpu.memory_space<vmem>>, vector<1x1x1x16xf32>,
        %swap3A_2225 = vector.shape_cast %swap3A_2224 : vector<1x1x1x16xf32> to vector<16xf32>
        %swap3A_2226 = vector.shape_cast %get3A_1714 : vector<16xf32> to vector<1x1x1x16xf32>
        tpu.vector_store %arg7[%swap3A_2220, %swap3A_2221, %swap3A_2222, %swap3A_2223], %swap3A_2226 {add = true, strides = array<i32>} : memref<4x3x8x1024xf32, #tpu.memory_space<vmem>>, vector<1x1x1x16xf32>,
        %get3A_2227 = arith.index_cast %rem3A_270 : i32 to index
        %get3A_2228 = arith.index_cast %add3A_452 : i32 to index
        %get3A_2229 = arith.constant 768 : index
        %get3A_2230 = tpu.vector_load %arg8[%get3A_2227, %get3A_2228, %get3A_2229] {strides = array<i32>} : memref<2x8x1024xf32, #tpu.memory_space<vmem>>, vector<1x1x16xf32>,
        %get3A_2231 = vector.shape_cast %get3A_2230 : vector<1x1x16xf32> to vector<16xf32>
        %get3A_2232 = arith.index_cast %rem3A_270 : i32 to index
        %get3A_2233 = arith.index_cast %add3A_452 : i32 to index
        %get3A_2234 = arith.constant 784 : index
        %get3A_2235 = tpu.vector_load %arg8[%get3A_2232, %get3A_2233, %get3A_2234] {strides = array<i32>} : memref<2x8x1024xf32, #tpu.memory_space<vmem>>, vector<1x1x16xf32>,
        %get3A_2236 = vector.shape_cast %get3A_2235 : vector<1x1x16xf32> to vector<16xf32>
        %get3A_2237 = arith.index_cast %rem3A_270 : i32 to index
        %get3A_2238 = arith.index_cast %add3A_452 : i32 to index
        %get3A_2239 = arith.constant 800 : index
        %get3A_2240 = tpu.vector_load %arg8[%get3A_2237, %get3A_2238, %get3A_2239] {strides = array<i32>} : memref<2x8x1024xf32, #tpu.memory_space<vmem>>, vector<1x1x16xf32>,
        %get3A_2241 = vector.shape_cast %get3A_2240 : vector<1x1x16xf32> to vector<16xf32>
        %get3A_2242 = arith.index_cast %rem3A_270 : i32 to index
        %get3A_2243 = arith.index_cast %add3A_452 : i32 to index
        %get3A_2244 = arith.constant 816 : index
        %get3A_2245 = tpu.vector_load %arg8[%get3A_2242, %get3A_2243, %get3A_2244] {strides = array<i32>} : memref<2x8x1024xf32, #tpu.memory_space<vmem>>, vector<1x1x16xf32>,
        %get3A_2246 = vector.shape_cast %get3A_2245 : vector<1x1x16xf32> to vector<16xf32>
        %get3A_2247 = arith.index_cast %rem3A_270 : i32 to index
        %get3A_2248 = arith.index_cast %add3A_452 : i32 to index
        %get3A_2249 = arith.constant 832 : index
        %get3A_2250 = tpu.vector_load %arg8[%get3A_2247, %get3A_2248, %get3A_2249] {strides = array<i32>} : memref<2x8x1024xf32, #tpu.memory_space<vmem>>, vector<1x1x16xf32>,
        %get3A_2251 = vector.shape_cast %get3A_2250 : vector<1x1x16xf32> to vector<16xf32>
        %get3A_2252 = arith.index_cast %rem3A_270 : i32 to index
        %get3A_2253 = arith.index_cast %add3A_452 : i32 to index
        %get3A_2254 = arith.constant 848 : index
        %get3A_2255 = tpu.vector_load %arg8[%get3A_2252, %get3A_2253, %get3A_2254] {strides = array<i32>} : memref<2x8x1024xf32, #tpu.memory_space<vmem>>, vector<1x1x16xf32>,
        %get3A_2256 = vector.shape_cast %get3A_2255 : vector<1x1x16xf32> to vector<16xf32>
        %get3A_2257 = arith.index_cast %rem3A_270 : i32 to index
        %get3A_2258 = arith.index_cast %add3A_452 : i32 to index
        %get3A_2259 = arith.constant 864 : index
        %get3A_2260 = tpu.vector_load %arg8[%get3A_2257, %get3A_2258, %get3A_2259] {strides = array<i32>} : memref<2x8x1024xf32, #tpu.memory_space<vmem>>, vector<1x1x16xf32>,
        %get3A_2261 = vector.shape_cast %get3A_2260 : vector<1x1x16xf32> to vector<16xf32>
        %get3A_2262 = arith.index_cast %rem3A_270 : i32 to index
        %get3A_2263 = arith.index_cast %add3A_452 : i32 to index
        %get3A_2264 = arith.constant 880 : index
        %get3A_2265 = tpu.vector_load %arg8[%get3A_2262, %get3A_2263, %get3A_2264] {strides = array<i32>} : memref<2x8x1024xf32, #tpu.memory_space<vmem>>, vector<1x1x16xf32>,
        %get3A_2266 = vector.shape_cast %get3A_2265 : vector<1x1x16xf32> to vector<16xf32>
        %get3A_2267 = arith.index_cast %rem3A_270 : i32 to index
        %get3A_2268 = arith.index_cast %add3A_452 : i32 to index
        %get3A_2269 = arith.constant 896 : index
        %get3A_2270 = tpu.vector_load %arg8[%get3A_2267, %get3A_2268, %get3A_2269] {strides = array<i32>} : memref<2x8x1024xf32, #tpu.memory_space<vmem>>, vector<1x1x16xf32>,
        %get3A_2271 = vector.shape_cast %get3A_2270 : vector<1x1x16xf32> to vector<16xf32>
        %get3A_2272 = arith.index_cast %rem3A_270 : i32 to index
        %get3A_2273 = arith.index_cast %add3A_452 : i32 to index
        %get3A_2274 = arith.constant 912 : index
        %get3A_2275 = tpu.vector_load %arg8[%get3A_2272, %get3A_2273, %get3A_2274] {strides = array<i32>} : memref<2x8x1024xf32, #tpu.memory_space<vmem>>, vector<1x1x16xf32>,
        %get3A_2276 = vector.shape_cast %get3A_2275 : vector<1x1x16xf32> to vector<16xf32>
        %get3A_2277 = arith.index_cast %rem3A_270 : i32 to index
        %get3A_2278 = arith.index_cast %add3A_452 : i32 to index
        %get3A_2279 = arith.constant 928 : index
        %get3A_2280 = tpu.vector_load %arg8[%get3A_2277, %get3A_2278, %get3A_2279] {strides = array<i32>} : memref<2x8x1024xf32, #tpu.memory_space<vmem>>, vector<1x1x16xf32>,
        %get3A_2281 = vector.shape_cast %get3A_2280 : vector<1x1x16xf32> to vector<16xf32>
        %get3A_2282 = arith.index_cast %rem3A_270 : i32 to index
        %get3A_2283 = arith.index_cast %add3A_452 : i32 to index
        %get3A_2284 = arith.constant 944 : index
        %get3A_2285 = tpu.vector_load %arg8[%get3A_2282, %get3A_2283, %get3A_2284] {strides = array<i32>} : memref<2x8x1024xf32, #tpu.memory_space<vmem>>, vector<1x1x16xf32>,
        %get3A_2286 = vector.shape_cast %get3A_2285 : vector<1x1x16xf32> to vector<16xf32>
        %get3A_2287 = arith.index_cast %rem3A_270 : i32 to index
        %get3A_2288 = arith.index_cast %add3A_452 : i32 to index
        %get3A_2289 = arith.constant 960 : index
        %get3A_2290 = tpu.vector_load %arg8[%get3A_2287, %get3A_2288, %get3A_2289] {strides = array<i32>} : memref<2x8x1024xf32, #tpu.memory_space<vmem>>, vector<1x1x16xf32>,
        %get3A_2291 = vector.shape_cast %get3A_2290 : vector<1x1x16xf32> to vector<16xf32>
        %get3A_2292 = arith.index_cast %rem3A_270 : i32 to index
        %get3A_2293 = arith.index_cast %add3A_452 : i32 to index
        %get3A_2294 = arith.constant 976 : index
        %get3A_2295 = tpu.vector_load %arg8[%get3A_2292, %get3A_2293, %get3A_2294] {strides = array<i32>} : memref<2x8x1024xf32, #tpu.memory_space<vmem>>, vector<1x1x16xf32>,
        %get3A_2296 = vector.shape_cast %get3A_2295 : vector<1x1x16xf32> to vector<16xf32>
        %get3A_2297 = arith.index_cast %rem3A_270 : i32 to index
        %get3A_2298 = arith.index_cast %add3A_452 : i32 to index
        %get3A_2299 = arith.constant 992 : index
        %get3A_2300 = tpu.vector_load %arg8[%get3A_2297, %get3A_2298, %get3A_2299] {strides = array<i32>} : memref<2x8x1024xf32, #tpu.memory_space<vmem>>, vector<1x1x16xf32>,
        %get3A_2301 = vector.shape_cast %get3A_2300 : vector<1x1x16xf32> to vector<16xf32>
        %get3A_2302 = arith.index_cast %rem3A_270 : i32 to index
        %get3A_2303 = arith.index_cast %add3A_452 : i32 to index
        %get3A_2304 = arith.constant 1008 : index
        %get3A_2305 = tpu.vector_load %arg8[%get3A_2302, %get3A_2303, %get3A_2304] {strides = array<i32>} : memref<2x8x1024xf32, #tpu.memory_space<vmem>>, vector<1x1x16xf32>,
        %get3A_2306 = vector.shape_cast %get3A_2305 : vector<1x1x16xf32> to vector<16xf32>
        %swap3A_2307 = arith.constant 0 : i32
        %swap3A_2308 = arith.index_cast %swap3A_2307 : i32 to index
        %swap3A_2309 = arith.index_cast %rem3A_272 : i32 to index
        %swap3A_2310 = arith.index_cast %add3A_452 : i32 to index
        %swap3A_2311 = arith.constant 768 : index
        %swap3A_2312 = tpu.vector_load %arg7[%swap3A_2308, %swap3A_2309, %swap3A_2310, %swap3A_2311] {strides = array<i32>} : memref<4x3x8x1024xf32, #tpu.memory_space<vmem>>, vector<1x1x1x16xf32>,
        %swap3A_2313 = vector.shape_cast %swap3A_2312 : vector<1x1x1x16xf32> to vector<16xf32>
        %swap3A_2314 = vector.shape_cast %get3A_2231 : vector<16xf32> to vector<1x1x1x16xf32>
        tpu.vector_store %arg7[%swap3A_2308, %swap3A_2309, %swap3A_2310, %swap3A_2311], %swap3A_2314 {add = true, strides = array<i32>} : memref<4x3x8x1024xf32, #tpu.memory_space<vmem>>, vector<1x1x1x16xf32>,
        %swap3A_2315 = arith.constant 0 : i32
        %swap3A_2316 = arith.index_cast %swap3A_2315 : i32 to index
        %swap3A_2317 = arith.index_cast %rem3A_272 : i32 to index
        %swap3A_2318 = arith.index_cast %add3A_452 : i32 to index
        %swap3A_2319 = arith.constant 784 : index
        %swap3A_2320 = tpu.vector_load %arg7[%swap3A_2316, %swap3A_2317, %swap3A_2318, %swap3A_2319] {strides = array<i32>} : memref<4x3x8x1024xf32, #tpu.memory_space<vmem>>, vector<1x1x1x16xf32>,
        %swap3A_2321 = vector.shape_cast %swap3A_2320 : vector<1x1x1x16xf32> to vector<16xf32>
        %swap3A_2322 = vector.shape_cast %get3A_2236 : vector<16xf32> to vector<1x1x1x16xf32>
        tpu.vector_store %arg7[%swap3A_2316, %swap3A_2317, %swap3A_2318, %swap3A_2319], %swap3A_2322 {add = true, strides = array<i32>} : memref<4x3x8x1024xf32, #tpu.memory_space<vmem>>, vector<1x1x1x16xf32>,
        %swap3A_2323 = arith.constant 0 : i32
        %swap3A_2324 = arith.index_cast %swap3A_2323 : i32 to index
        %swap3A_2325 = arith.index_cast %rem3A_272 : i32 to index
        %swap3A_2326 = arith.index_cast %add3A_452 : i32 to index
        %swap3A_2327 = arith.constant 800 : index
        %swap3A_2328 = tpu.vector_load %arg7[%swap3A_2324, %swap3A_2325, %swap3A_2326, %swap3A_2327] {strides = array<i32>} : memref<4x3x8x1024xf32, #tpu.memory_space<vmem>>, vector<1x1x1x16xf32>,
        %swap3A_2329 = vector.shape_cast %swap3A_2328 : vector<1x1x1x16xf32> to vector<16xf32>
        %swap3A_2330 = vector.shape_cast %get3A_2241 : vector<16xf32> to vector<1x1x1x16xf32>
        tpu.vector_store %arg7[%swap3A_2324, %swap3A_2325, %swap3A_2326, %swap3A_2327], %swap3A_2330 {add = true, strides = array<i32>} : memref<4x3x8x1024xf32, #tpu.memory_space<vmem>>, vector<1x1x1x16xf32>,
        %swap3A_2331 = arith.constant 0 : i32
        %swap3A_2332 = arith.index_cast %swap3A_2331 : i32 to index
        %swap3A_2333 = arith.index_cast %rem3A_272 : i32 to index
        %swap3A_2334 = arith.index_cast %add3A_452 : i32 to index
        %swap3A_2335 = arith.constant 816 : index
        %swap3A_2336 = tpu.vector_load %arg7[%swap3A_2332, %swap3A_2333, %swap3A_2334, %swap3A_2335] {strides = array<i32>} : memref<4x3x8x1024xf32, #tpu.memory_space<vmem>>, vector<1x1x1x16xf32>,
        %swap3A_2337 = vector.shape_cast %swap3A_2336 : vector<1x1x1x16xf32> to vector<16xf32>
        %swap3A_2338 = vector.shape_cast %get3A_2246 : vector<16xf32> to vector<1x1x1x16xf32>
        tpu.vector_store %arg7[%swap3A_2332, %swap3A_2333, %swap3A_2334, %swap3A_2335], %swap3A_2338 {add = true, strides = array<i32>} : memref<4x3x8x1024xf32, #tpu.memory_space<vmem>>, vector<1x1x1x16xf32>,
        %swap3A_2339 = arith.constant 0 : i32
        %swap3A_2340 = arith.index_cast %swap3A_2339 : i32 to index
        %swap3A_2341 = arith.index_cast %rem3A_272 : i32 to index
        %swap3A_2342 = arith.index_cast %add3A_452 : i32 to index
        %swap3A_2343 = arith.constant 832 : index
        %swap3A_2344 = tpu.vector_load %arg7[%swap3A_2340, %swap3A_2341, %swap3A_2342, %swap3A_2343] {strides = array<i32>} : memref<4x3x8x1024xf32, #tpu.memory_space<vmem>>, vector<1x1x1x16xf32>,
        %swap3A_2345 = vector.shape_cast %swap3A_2344 : vector<1x1x1x16xf32> to vector<16xf32>
        %swap3A_2346 = vector.shape_cast %get3A_2251 : vector<16xf32> to vector<1x1x1x16xf32>
        tpu.vector_store %arg7[%swap3A_2340, %swap3A_2341, %swap3A_2342, %swap3A_2343], %swap3A_2346 {add = true, strides = array<i32>} : memref<4x3x8x1024xf32, #tpu.memory_space<vmem>>, vector<1x1x1x16xf32>,
        %swap3A_2347 = arith.constant 0 : i32
        %swap3A_2348 = arith.index_cast %swap3A_2347 : i32 to index
        %swap3A_2349 = arith.index_cast %rem3A_272 : i32 to index
        %swap3A_2350 = arith.index_cast %add3A_452 : i32 to index
        %swap3A_2351 = arith.constant 848 : index
        %swap3A_2352 = tpu.vector_load %arg7[%swap3A_2348, %swap3A_2349, %swap3A_2350, %swap3A_2351] {strides = array<i32>} : memref<4x3x8x1024xf32, #tpu.memory_space<vmem>>, vector<1x1x1x16xf32>,
        %swap3A_2353 = vector.shape_cast %swap3A_2352 : vector<1x1x1x16xf32> to vector<16xf32>
        %swap3A_2354 = vector.shape_cast %get3A_2256 : vector<16xf32> to vector<1x1x1x16xf32>
        tpu.vector_store %arg7[%swap3A_2348, %swap3A_2349, %swap3A_2350, %swap3A_2351], %swap3A_2354 {add = true, strides = array<i32>} : memref<4x3x8x1024xf32, #tpu.memory_space<vmem>>, vector<1x1x1x16xf32>,
        %swap3A_2355 = arith.constant 0 : i32
        %swap3A_2356 = arith.index_cast %swap3A_2355 : i32 to index
        %swap3A_2357 = arith.index_cast %rem3A_272 : i32 to index
        %swap3A_2358 = arith.index_cast %add3A_452 : i32 to index
        %swap3A_2359 = arith.constant 864 : index
        %swap3A_2360 = tpu.vector_load %arg7[%swap3A_2356, %swap3A_2357, %swap3A_2358, %swap3A_2359] {strides = array<i32>} : memref<4x3x8x1024xf32, #tpu.memory_space<vmem>>, vector<1x1x1x16xf32>,
        %swap3A_2361 = vector.shape_cast %swap3A_2360 : vector<1x1x1x16xf32> to vector<16xf32>
        %swap3A_2362 = vector.shape_cast %get3A_2261 : vector<16xf32> to vector<1x1x1x16xf32>
        tpu.vector_store %arg7[%swap3A_2356, %swap3A_2357, %swap3A_2358, %swap3A_2359], %swap3A_2362 {add = true, strides = array<i32>} : memref<4x3x8x1024xf32, #tpu.memory_space<vmem>>, vector<1x1x1x16xf32>,
        %swap3A_2363 = arith.constant 0 : i32
        %swap3A_2364 = arith.index_cast %swap3A_2363 : i32 to index
        %swap3A_2365 = arith.index_cast %rem3A_272 : i32 to index
        %swap3A_2366 = arith.index_cast %add3A_452 : i32 to index
        %swap3A_2367 = arith.constant 880 : index
        %swap3A_2368 = tpu.vector_load %arg7[%swap3A_2364, %swap3A_2365, %swap3A_2366, %swap3A_2367] {strides = array<i32>} : memref<4x3x8x1024xf32, #tpu.memory_space<vmem>>, vector<1x1x1x16xf32>,
        %swap3A_2369 = vector.shape_cast %swap3A_2368 : vector<1x1x1x16xf32> to vector<16xf32>
        %swap3A_2370 = vector.shape_cast %get3A_2266 : vector<16xf32> to vector<1x1x1x16xf32>
        tpu.vector_store %arg7[%swap3A_2364, %swap3A_2365, %swap3A_2366, %swap3A_2367], %swap3A_2370 {add = true, strides = array<i32>} : memref<4x3x8x1024xf32, #tpu.memory_space<vmem>>, vector<1x1x1x16xf32>,
        %swap3A_2371 = arith.constant 0 : i32
        %swap3A_2372 = arith.index_cast %swap3A_2371 : i32 to index
        %swap3A_2373 = arith.index_cast %rem3A_272 : i32 to index
        %swap3A_2374 = arith.index_cast %add3A_452 : i32 to index
        %swap3A_2375 = arith.constant 896 : index
        %swap3A_2376 = tpu.vector_load %arg7[%swap3A_2372, %swap3A_2373, %swap3A_2374, %swap3A_2375] {strides = array<i32>} : memref<4x3x8x1024xf32, #tpu.memory_space<vmem>>, vector<1x1x1x16xf32>,
        %swap3A_2377 = vector.shape_cast %swap3A_2376 : vector<1x1x1x16xf32> to vector<16xf32>
        %swap3A_2378 = vector.shape_cast %get3A_2271 : vector<16xf32> to vector<1x1x1x16xf32>
        tpu.vector_store %arg7[%swap3A_2372, %swap3A_2373, %swap3A_2374, %swap3A_2375], %swap3A_2378 {add = true, strides = array<i32>} : memref<4x3x8x1024xf32, #tpu.memory_space<vmem>>, vector<1x1x1x16xf32>,
        %swap3A_2379 = arith.constant 0 : i32
        %swap3A_2380 = arith.index_cast %swap3A_2379 : i32 to index
        %swap3A_2381 = arith.index_cast %rem3A_272 : i32 to index
        %swap3A_2382 = arith.index_cast %add3A_452 : i32 to index
        %swap3A_2383 = arith.constant 912 : index
        %swap3A_2384 = tpu.vector_load %arg7[%swap3A_2380, %swap3A_2381, %swap3A_2382, %swap3A_2383] {strides = array<i32>} : memref<4x3x8x1024xf32, #tpu.memory_space<vmem>>, vector<1x1x1x16xf32>,
        %swap3A_2385 = vector.shape_cast %swap3A_2384 : vector<1x1x1x16xf32> to vector<16xf32>
        %swap3A_2386 = vector.shape_cast %get3A_2276 : vector<16xf32> to vector<1x1x1x16xf32>
        tpu.vector_store %arg7[%swap3A_2380, %swap3A_2381, %swap3A_2382, %swap3A_2383], %swap3A_2386 {add = true, strides = array<i32>} : memref<4x3x8x1024xf32, #tpu.memory_space<vmem>>, vector<1x1x1x16xf32>,
        %swap3A_2387 = arith.constant 0 : i32
        %swap3A_2388 = arith.index_cast %swap3A_2387 : i32 to index
        %swap3A_2389 = arith.index_cast %rem3A_272 : i32 to index
        %swap3A_2390 = arith.index_cast %add3A_452 : i32 to index
        %swap3A_2391 = arith.constant 928 : index
        %swap3A_2392 = tpu.vector_load %arg7[%swap3A_2388, %swap3A_2389, %swap3A_2390, %swap3A_2391] {strides = array<i32>} : memref<4x3x8x1024xf32, #tpu.memory_space<vmem>>, vector<1x1x1x16xf32>,
        %swap3A_2393 = vector.shape_cast %swap3A_2392 : vector<1x1x1x16xf32> to vector<16xf32>
        %swap3A_2394 = vector.shape_cast %get3A_2281 : vector<16xf32> to vector<1x1x1x16xf32>
        tpu.vector_store %arg7[%swap3A_2388, %swap3A_2389, %swap3A_2390, %swap3A_2391], %swap3A_2394 {add = true, strides = array<i32>} : memref<4x3x8x1024xf32, #tpu.memory_space<vmem>>, vector<1x1x1x16xf32>,
        %swap3A_2395 = arith.constant 0 : i32
        %swap3A_2396 = arith.index_cast %swap3A_2395 : i32 to index
        %swap3A_2397 = arith.index_cast %rem3A_272 : i32 to index
        %swap3A_2398 = arith.index_cast %add3A_452 : i32 to index
        %swap3A_2399 = arith.constant 944 : index
        %swap3A_2400 = tpu.vector_load %arg7[%swap3A_2396, %swap3A_2397, %swap3A_2398, %swap3A_2399] {strides = array<i32>} : memref<4x3x8x1024xf32, #tpu.memory_space<vmem>>, vector<1x1x1x16xf32>,
        %swap3A_2401 = vector.shape_cast %swap3A_2400 : vector<1x1x1x16xf32> to vector<16xf32>
        %swap3A_2402 = vector.shape_cast %get3A_2286 : vector<16xf32> to vector<1x1x1x16xf32>
        tpu.vector_store %arg7[%swap3A_2396, %swap3A_2397, %swap3A_2398, %swap3A_2399], %swap3A_2402 {add = true, strides = array<i32>} : memref<4x3x8x1024xf32, #tpu.memory_space<vmem>>, vector<1x1x1x16xf32>,
        %swap3A_2403 = arith.constant 0 : i32
        %swap3A_2404 = arith.index_cast %swap3A_2403 : i32 to index
        %swap3A_2405 = arith.index_cast %rem3A_272 : i32 to index
        %swap3A_2406 = arith.index_cast %add3A_452 : i32 to index
        %swap3A_2407 = arith.constant 960 : index
        %swap3A_2408 = tpu.vector_load %arg7[%swap3A_2404, %swap3A_2405, %swap3A_2406, %swap3A_2407] {strides = array<i32>} : memref<4x3x8x1024xf32, #tpu.memory_space<vmem>>, vector<1x1x1x16xf32>,
        %swap3A_2409 = vector.shape_cast %swap3A_2408 : vector<1x1x1x16xf32> to vector<16xf32>
        %swap3A_2410 = vector.shape_cast %get3A_2291 : vector<16xf32> to vector<1x1x1x16xf32>
        tpu.vector_store %arg7[%swap3A_2404, %swap3A_2405, %swap3A_2406, %swap3A_2407], %swap3A_2410 {add = true, strides = array<i32>} : memref<4x3x8x1024xf32, #tpu.memory_space<vmem>>, vector<1x1x1x16xf32>,
        %swap3A_2411 = arith.constant 0 : i32
        %swap3A_2412 = arith.index_cast %swap3A_2411 : i32 to index
        %swap3A_2413 = arith.index_cast %rem3A_272 : i32 to index
        %swap3A_2414 = arith.index_cast %add3A_452 : i32 to index
        %swap3A_2415 = arith.constant 976 : index
        %swap3A_2416 = tpu.vector_load %arg7[%swap3A_2412, %swap3A_2413, %swap3A_2414, %swap3A_2415] {strides = array<i32>} : memref<4x3x8x1024xf32, #tpu.memory_space<vmem>>, vector<1x1x1x16xf32>,
        %swap3A_2417 = vector.shape_cast %swap3A_2416 : vector<1x1x1x16xf32> to vector<16xf32>
        %swap3A_2418 = vector.shape_cast %get3A_2296 : vector<16xf32> to vector<1x1x1x16xf32>
        tpu.vector_store %arg7[%swap3A_2412, %swap3A_2413, %swap3A_2414, %swap3A_2415], %swap3A_2418 {add = true, strides = array<i32>} : memref<4x3x8x1024xf32, #tpu.memory_space<vmem>>, vector<1x1x1x16xf32>,
        %swap3A_2419 = arith.constant 0 : i32
        %swap3A_2420 = arith.index_cast %swap3A_2419 : i32 to index
        %swap3A_2421 = arith.index_cast %rem3A_272 : i32 to index
        %swap3A_2422 = arith.index_cast %add3A_452 : i32 to index
        %swap3A_2423 = arith.constant 992 : index
        %swap3A_2424 = tpu.vector_load %arg7[%swap3A_2420, %swap3A_2421, %swap3A_2422, %swap3A_2423] {strides = array<i32>} : memref<4x3x8x1024xf32, #tpu.memory_space<vmem>>, vector<1x1x1x16xf32>,
        %swap3A_2425 = vector.shape_cast %swap3A_2424 : vector<1x1x1x16xf32> to vector<16xf32>
        %swap3A_2426 = vector.shape_cast %get3A_2301 : vector<16xf32> to vector<1x1x1x16xf32>
        tpu.vector_store %arg7[%swap3A_2420, %swap3A_2421, %swap3A_2422, %swap3A_2423], %swap3A_2426 {add = true, strides = array<i32>} : memref<4x3x8x1024xf32, #tpu.memory_space<vmem>>, vector<1x1x1x16xf32>,
        %swap3A_2427 = arith.constant 0 : i32
        %swap3A_2428 = arith.index_cast %swap3A_2427 : i32 to index
        %swap3A_2429 = arith.index_cast %rem3A_272 : i32 to index
        %swap3A_2430 = arith.index_cast %add3A_452 : i32 to index
        %swap3A_2431 = arith.constant 1008 : index
        %swap3A_2432 = tpu.vector_load %arg7[%swap3A_2428, %swap3A_2429, %swap3A_2430, %swap3A_2431] {strides = array<i32>} : memref<4x3x8x1024xf32, #tpu.memory_space<vmem>>, vector<1x1x1x16xf32>,
        %swap3A_2433 = vector.shape_cast %swap3A_2432 : vector<1x1x1x16xf32> to vector<16xf32>
        %swap3A_2434 = vector.shape_cast %get3A_2306 : vector<16xf32> to vector<1x1x1x16xf32>
        tpu.vector_store %arg7[%swap3A_2428, %swap3A_2429, %swap3A_2430, %swap3A_2431], %swap3A_2434 {add = true, strides = array<i32>} : memref<4x3x8x1024xf32, #tpu.memory_space<vmem>>, vector<1x1x1x16xf32>,
        %swap3A_2435 = arith.constant 1 : i32
        %swap3A_2436 = arith.index_cast %swap3A_2435 : i32 to index
        %swap3A_2437 = arith.index_cast %rem3A_272 : i32 to index
        %swap3A_2438 = arith.index_cast %add3A_452 : i32 to index
        %swap3A_2439 = arith.constant 768 : index
        %swap3A_2440 = tpu.vector_load %arg7[%swap3A_2436, %swap3A_2437, %swap3A_2438, %swap3A_2439] {strides = array<i32>} : memref<4x3x8x1024xf32, #tpu.memory_space<vmem>>, vector<1x1x1x16xf32>,
        %swap3A_2441 = vector.shape_cast %swap3A_2440 : vector<1x1x1x16xf32> to vector<16xf32>
        %swap3A_2442 = vector.shape_cast %get3A_2231 : vector<16xf32> to vector<1x1x1x16xf32>
        tpu.vector_store %arg7[%swap3A_2436, %swap3A_2437, %swap3A_2438, %swap3A_2439], %swap3A_2442 {add = true, strides = array<i32>} : memref<4x3x8x1024xf32, #tpu.memory_space<vmem>>, vector<1x1x1x16xf32>,
        %swap3A_2443 = arith.constant 1 : i32
        %swap3A_2444 = arith.index_cast %swap3A_2443 : i32 to index
        %swap3A_2445 = arith.index_cast %rem3A_272 : i32 to index
        %swap3A_2446 = arith.index_cast %add3A_452 : i32 to index
        %swap3A_2447 = arith.constant 784 : index
        %swap3A_2448 = tpu.vector_load %arg7[%swap3A_2444, %swap3A_2445, %swap3A_2446, %swap3A_2447] {strides = array<i32>} : memref<4x3x8x1024xf32, #tpu.memory_space<vmem>>, vector<1x1x1x16xf32>,
        %swap3A_2449 = vector.shape_cast %swap3A_2448 : vector<1x1x1x16xf32> to vector<16xf32>
        %swap3A_2450 = vector.shape_cast %get3A_2236 : vector<16xf32> to vector<1x1x1x16xf32>
        tpu.vector_store %arg7[%swap3A_2444, %swap3A_2445, %swap3A_2446, %swap3A_2447], %swap3A_2450 {add = true, strides = array<i32>} : memref<4x3x8x1024xf32, #tpu.memory_space<vmem>>, vector<1x1x1x16xf32>,
        %swap3A_2451 = arith.constant 1 : i32
        %swap3A_2452 = arith.index_cast %swap3A_2451 : i32 to index
        %swap3A_2453 = arith.index_cast %rem3A_272 : i32 to index
        %swap3A_2454 = arith.index_cast %add3A_452 : i32 to index
        %swap3A_2455 = arith.constant 800 : index
        %swap3A_2456 = tpu.vector_load %arg7[%swap3A_2452, %swap3A_2453, %swap3A_2454, %swap3A_2455] {strides = array<i32>} : memref<4x3x8x1024xf32, #tpu.memory_space<vmem>>, vector<1x1x1x16xf32>,
        %swap3A_2457 = vector.shape_cast %swap3A_2456 : vector<1x1x1x16xf32> to vector<16xf32>
        %swap3A_2458 = vector.shape_cast %get3A_2241 : vector<16xf32> to vector<1x1x1x16xf32>
        tpu.vector_store %arg7[%swap3A_2452, %swap3A_2453, %swap3A_2454, %swap3A_2455], %swap3A_2458 {add = true, strides = array<i32>} : memref<4x3x8x1024xf32, #tpu.memory_space<vmem>>, vector<1x1x1x16xf32>,
        %swap3A_2459 = arith.constant 1 : i32
        %swap3A_2460 = arith.index_cast %swap3A_2459 : i32 to index
        %swap3A_2461 = arith.index_cast %rem3A_272 : i32 to index
        %swap3A_2462 = arith.index_cast %add3A_452 : i32 to index
        %swap3A_2463 = arith.constant 816 : index
        %swap3A_2464 = tpu.vector_load %arg7[%swap3A_2460, %swap3A_2461, %swap3A_2462, %swap3A_2463] {strides = array<i32>} : memref<4x3x8x1024xf32, #tpu.memory_space<vmem>>, vector<1x1x1x16xf32>,
        %swap3A_2465 = vector.shape_cast %swap3A_2464 : vector<1x1x1x16xf32> to vector<16xf32>
        %swap3A_2466 = vector.shape_cast %get3A_2246 : vector<16xf32> to vector<1x1x1x16xf32>
        tpu.vector_store %arg7[%swap3A_2460, %swap3A_2461, %swap3A_2462, %swap3A_2463], %swap3A_2466 {add = true, strides = array<i32>} : memref<4x3x8x1024xf32, #tpu.memory_space<vmem>>, vector<1x1x1x16xf32>,
        %swap3A_2467 = arith.constant 1 : i32
        %swap3A_2468 = arith.index_cast %swap3A_2467 : i32 to index
        %swap3A_2469 = arith.index_cast %rem3A_272 : i32 to index
        %swap3A_2470 = arith.index_cast %add3A_452 : i32 to index
        %swap3A_2471 = arith.constant 832 : index
        %swap3A_2472 = tpu.vector_load %arg7[%swap3A_2468, %swap3A_2469, %swap3A_2470, %swap3A_2471] {strides = array<i32>} : memref<4x3x8x1024xf32, #tpu.memory_space<vmem>>, vector<1x1x1x16xf32>,
        %swap3A_2473 = vector.shape_cast %swap3A_2472 : vector<1x1x1x16xf32> to vector<16xf32>
        %swap3A_2474 = vector.shape_cast %get3A_2251 : vector<16xf32> to vector<1x1x1x16xf32>
        tpu.vector_store %arg7[%swap3A_2468, %swap3A_2469, %swap3A_2470, %swap3A_2471], %swap3A_2474 {add = true, strides = array<i32>} : memref<4x3x8x1024xf32, #tpu.memory_space<vmem>>, vector<1x1x1x16xf32>,
        %swap3A_2475 = arith.constant 1 : i32
        %swap3A_2476 = arith.index_cast %swap3A_2475 : i32 to index
        %swap3A_2477 = arith.index_cast %rem3A_272 : i32 to index
        %swap3A_2478 = arith.index_cast %add3A_452 : i32 to index
        %swap3A_2479 = arith.constant 848 : index
        %swap3A_2480 = tpu.vector_load %arg7[%swap3A_2476, %swap3A_2477, %swap3A_2478, %swap3A_2479] {strides = array<i32>} : memref<4x3x8x1024xf32, #tpu.memory_space<vmem>>, vector<1x1x1x16xf32>,
        %swap3A_2481 = vector.shape_cast %swap3A_2480 : vector<1x1x1x16xf32> to vector<16xf32>
        %swap3A_2482 = vector.shape_cast %get3A_2256 : vector<16xf32> to vector<1x1x1x16xf32>
        tpu.vector_store %arg7[%swap3A_2476, %swap3A_2477, %swap3A_2478, %swap3A_2479], %swap3A_2482 {add = true, strides = array<i32>} : memref<4x3x8x1024xf32, #tpu.memory_space<vmem>>, vector<1x1x1x16xf32>,
        %swap3A_2483 = arith.constant 1 : i32
        %swap3A_2484 = arith.index_cast %swap3A_2483 : i32 to index
        %swap3A_2485 = arith.index_cast %rem3A_272 : i32 to index
        %swap3A_2486 = arith.index_cast %add3A_452 : i32 to index
        %swap3A_2487 = arith.constant 864 : index
        %swap3A_2488 = tpu.vector_load %arg7[%swap3A_2484, %swap3A_2485, %swap3A_2486, %swap3A_2487] {strides = array<i32>} : memref<4x3x8x1024xf32, #tpu.memory_space<vmem>>, vector<1x1x1x16xf32>,
        %swap3A_2489 = vector.shape_cast %swap3A_2488 : vector<1x1x1x16xf32> to vector<16xf32>
        %swap3A_2490 = vector.shape_cast %get3A_2261 : vector<16xf32> to vector<1x1x1x16xf32>
        tpu.vector_store %arg7[%swap3A_2484, %swap3A_2485, %swap3A_2486, %swap3A_2487], %swap3A_2490 {add = true, strides = array<i32>} : memref<4x3x8x1024xf32, #tpu.memory_space<vmem>>, vector<1x1x1x16xf32>,
        %swap3A_2491 = arith.constant 1 : i32
        %swap3A_2492 = arith.index_cast %swap3A_2491 : i32 to index
        %swap3A_2493 = arith.index_cast %rem3A_272 : i32 to index
        %swap3A_2494 = arith.index_cast %add3A_452 : i32 to index
        %swap3A_2495 = arith.constant 880 : index
        %swap3A_2496 = tpu.vector_load %arg7[%swap3A_2492, %swap3A_2493, %swap3A_2494, %swap3A_2495] {strides = array<i32>} : memref<4x3x8x1024xf32, #tpu.memory_space<vmem>>, vector<1x1x1x16xf32>,
        %swap3A_2497 = vector.shape_cast %swap3A_2496 : vector<1x1x1x16xf32> to vector<16xf32>
        %swap3A_2498 = vector.shape_cast %get3A_2266 : vector<16xf32> to vector<1x1x1x16xf32>
        tpu.vector_store %arg7[%swap3A_2492, %swap3A_2493, %swap3A_2494, %swap3A_2495], %swap3A_2498 {add = true, strides = array<i32>} : memref<4x3x8x1024xf32, #tpu.memory_space<vmem>>, vector<1x1x1x16xf32>,
        %swap3A_2499 = arith.constant 1 : i32
        %swap3A_2500 = arith.index_cast %swap3A_2499 : i32 to index
        %swap3A_2501 = arith.index_cast %rem3A_272 : i32 to index
        %swap3A_2502 = arith.index_cast %add3A_452 : i32 to index
        %swap3A_2503 = arith.constant 896 : index
        %swap3A_2504 = tpu.vector_load %arg7[%swap3A_2500, %swap3A_2501, %swap3A_2502, %swap3A_2503] {strides = array<i32>} : memref<4x3x8x1024xf32, #tpu.memory_space<vmem>>, vector<1x1x1x16xf32>,
        %swap3A_2505 = vector.shape_cast %swap3A_2504 : vector<1x1x1x16xf32> to vector<16xf32>
        %swap3A_2506 = vector.shape_cast %get3A_2271 : vector<16xf32> to vector<1x1x1x16xf32>
        tpu.vector_store %arg7[%swap3A_2500, %swap3A_2501, %swap3A_2502, %swap3A_2503], %swap3A_2506 {add = true, strides = array<i32>} : memref<4x3x8x1024xf32, #tpu.memory_space<vmem>>, vector<1x1x1x16xf32>,
        %swap3A_2507 = arith.constant 1 : i32
        %swap3A_2508 = arith.index_cast %swap3A_2507 : i32 to index
        %swap3A_2509 = arith.index_cast %rem3A_272 : i32 to index
        %swap3A_2510 = arith.index_cast %add3A_452 : i32 to index
        %swap3A_2511 = arith.constant 912 : index
        %swap3A_2512 = tpu.vector_load %arg7[%swap3A_2508, %swap3A_2509, %swap3A_2510, %swap3A_2511] {strides = array<i32>} : memref<4x3x8x1024xf32, #tpu.memory_space<vmem>>, vector<1x1x1x16xf32>,
        %swap3A_2513 = vector.shape_cast %swap3A_2512 : vector<1x1x1x16xf32> to vector<16xf32>
        %swap3A_2514 = vector.shape_cast %get3A_2276 : vector<16xf32> to vector<1x1x1x16xf32>
        tpu.vector_store %arg7[%swap3A_2508, %swap3A_2509, %swap3A_2510, %swap3A_2511], %swap3A_2514 {add = true, strides = array<i32>} : memref<4x3x8x1024xf32, #tpu.memory_space<vmem>>, vector<1x1x1x16xf32>,
        %swap3A_2515 = arith.constant 1 : i32
        %swap3A_2516 = arith.index_cast %swap3A_2515 : i32 to index
        %swap3A_2517 = arith.index_cast %rem3A_272 : i32 to index
        %swap3A_2518 = arith.index_cast %add3A_452 : i32 to index
        %swap3A_2519 = arith.constant 928 : index
        %swap3A_2520 = tpu.vector_load %arg7[%swap3A_2516, %swap3A_2517, %swap3A_2518, %swap3A_2519] {strides = array<i32>} : memref<4x3x8x1024xf32, #tpu.memory_space<vmem>>, vector<1x1x1x16xf32>,
        %swap3A_2521 = vector.shape_cast %swap3A_2520 : vector<1x1x1x16xf32> to vector<16xf32>
        %swap3A_2522 = vector.shape_cast %get3A_2281 : vector<16xf32> to vector<1x1x1x16xf32>
        tpu.vector_store %arg7[%swap3A_2516, %swap3A_2517, %swap3A_2518, %swap3A_2519], %swap3A_2522 {add = true, strides = array<i32>} : memref<4x3x8x1024xf32, #tpu.memory_space<vmem>>, vector<1x1x1x16xf32>,
        %swap3A_2523 = arith.constant 1 : i32
        %swap3A_2524 = arith.index_cast %swap3A_2523 : i32 to index
        %swap3A_2525 = arith.index_cast %rem3A_272 : i32 to index
        %swap3A_2526 = arith.index_cast %add3A_452 : i32 to index
        %swap3A_2527 = arith.constant 944 : index
        %swap3A_2528 = tpu.vector_load %arg7[%swap3A_2524, %swap3A_2525, %swap3A_2526, %swap3A_2527] {strides = array<i32>} : memref<4x3x8x1024xf32, #tpu.memory_space<vmem>>, vector<1x1x1x16xf32>,
        %swap3A_2529 = vector.shape_cast %swap3A_2528 : vector<1x1x1x16xf32> to vector<16xf32>
        %swap3A_2530 = vector.shape_cast %get3A_2286 : vector<16xf32> to vector<1x1x1x16xf32>
        tpu.vector_store %arg7[%swap3A_2524, %swap3A_2525, %swap3A_2526, %swap3A_2527], %swap3A_2530 {add = true, strides = array<i32>} : memref<4x3x8x1024xf32, #tpu.memory_space<vmem>>, vector<1x1x1x16xf32>,
        %swap3A_2531 = arith.constant 1 : i32
        %swap3A_2532 = arith.index_cast %swap3A_2531 : i32 to index
        %swap3A_2533 = arith.index_cast %rem3A_272 : i32 to index
        %swap3A_2534 = arith.index_cast %add3A_452 : i32 to index
        %swap3A_2535 = arith.constant 960 : index
        %swap3A_2536 = tpu.vector_load %arg7[%swap3A_2532, %swap3A_2533, %swap3A_2534, %swap3A_2535] {strides = array<i32>} : memref<4x3x8x1024xf32, #tpu.memory_space<vmem>>, vector<1x1x1x16xf32>,
        %swap3A_2537 = vector.shape_cast %swap3A_2536 : vector<1x1x1x16xf32> to vector<16xf32>
        %swap3A_2538 = vector.shape_cast %get3A_2291 : vector<16xf32> to vector<1x1x1x16xf32>
        tpu.vector_store %arg7[%swap3A_2532, %swap3A_2533, %swap3A_2534, %swap3A_2535], %swap3A_2538 {add = true, strides = array<i32>} : memref<4x3x8x1024xf32, #tpu.memory_space<vmem>>, vector<1x1x1x16xf32>,
        %swap3A_2539 = arith.constant 1 : i32
        %swap3A_2540 = arith.index_cast %swap3A_2539 : i32 to index
        %swap3A_2541 = arith.index_cast %rem3A_272 : i32 to index
        %swap3A_2542 = arith.index_cast %add3A_452 : i32 to index
        %swap3A_2543 = arith.constant 976 : index
        %swap3A_2544 = tpu.vector_load %arg7[%swap3A_2540, %swap3A_2541, %swap3A_2542, %swap3A_2543] {strides = array<i32>} : memref<4x3x8x1024xf32, #tpu.memory_space<vmem>>, vector<1x1x1x16xf32>,
        %swap3A_2545 = vector.shape_cast %swap3A_2544 : vector<1x1x1x16xf32> to vector<16xf32>
        %swap3A_2546 = vector.shape_cast %get3A_2296 : vector<16xf32> to vector<1x1x1x16xf32>
        tpu.vector_store %arg7[%swap3A_2540, %swap3A_2541, %swap3A_2542, %swap3A_2543], %swap3A_2546 {add = true, strides = array<i32>} : memref<4x3x8x1024xf32, #tpu.memory_space<vmem>>, vector<1x1x1x16xf32>,
        %swap3A_2547 = arith.constant 1 : i32
        %swap3A_2548 = arith.index_cast %swap3A_2547 : i32 to index
        %swap3A_2549 = arith.index_cast %rem3A_272 : i32 to index
        %swap3A_2550 = arith.index_cast %add3A_452 : i32 to index
        %swap3A_2551 = arith.constant 992 : index
        %swap3A_2552 = tpu.vector_load %arg7[%swap3A_2548, %swap3A_2549, %swap3A_2550, %swap3A_2551] {strides = array<i32>} : memref<4x3x8x1024xf32, #tpu.memory_space<vmem>>, vector<1x1x1x16xf32>,
        %swap3A_2553 = vector.shape_cast %swap3A_2552 : vector<1x1x1x16xf32> to vector<16xf32>
        %swap3A_2554 = vector.shape_cast %get3A_2301 : vector<16xf32> to vector<1x1x1x16xf32>
        tpu.vector_store %arg7[%swap3A_2548, %swap3A_2549, %swap3A_2550, %swap3A_2551], %swap3A_2554 {add = true, strides = array<i32>} : memref<4x3x8x1024xf32, #tpu.memory_space<vmem>>, vector<1x1x1x16xf32>,
        %swap3A_2555 = arith.constant 1 : i32
        %swap3A_2556 = arith.index_cast %swap3A_2555 : i32 to index
        %swap3A_2557 = arith.index_cast %rem3A_272 : i32 to index
        %swap3A_2558 = arith.index_cast %add3A_452 : i32 to index
        %swap3A_2559 = arith.constant 1008 : index
        %swap3A_2560 = tpu.vector_load %arg7[%swap3A_2556, %swap3A_2557, %swap3A_2558, %swap3A_2559] {strides = array<i32>} : memref<4x3x8x1024xf32, #tpu.memory_space<vmem>>, vector<1x1x1x16xf32>,
        %swap3A_2561 = vector.shape_cast %swap3A_2560 : vector<1x1x1x16xf32> to vector<16xf32>
        %swap3A_2562 = vector.shape_cast %get3A_2306 : vector<16xf32> to vector<1x1x1x16xf32>
        tpu.vector_store %arg7[%swap3A_2556, %swap3A_2557, %swap3A_2558, %swap3A_2559], %swap3A_2562 {add = true, strides = array<i32>} : memref<4x3x8x1024xf32, #tpu.memory_space<vmem>>, vector<1x1x1x16xf32>,
        %swap3A_2563 = arith.constant 2 : i32
        %swap3A_2564 = arith.index_cast %swap3A_2563 : i32 to index
        %swap3A_2565 = arith.index_cast %rem3A_272 : i32 to index
        %swap3A_2566 = arith.index_cast %add3A_452 : i32 to index
        %swap3A_2567 = arith.constant 768 : index
        %swap3A_2568 = tpu.vector_load %arg7[%swap3A_2564, %swap3A_2565, %swap3A_2566, %swap3A_2567] {strides = array<i32>} : memref<4x3x8x1024xf32, #tpu.memory_space<vmem>>, vector<1x1x1x16xf32>,
        %swap3A_2569 = vector.shape_cast %swap3A_2568 : vector<1x1x1x16xf32> to vector<16xf32>
        %swap3A_2570 = vector.shape_cast %get3A_2231 : vector<16xf32> to vector<1x1x1x16xf32>
        tpu.vector_store %arg7[%swap3A_2564, %swap3A_2565, %swap3A_2566, %swap3A_2567], %swap3A_2570 {add = true, strides = array<i32>} : memref<4x3x8x1024xf32, #tpu.memory_space<vmem>>, vector<1x1x1x16xf32>,
        %swap3A_2571 = arith.constant 2 : i32
        %swap3A_2572 = arith.index_cast %swap3A_2571 : i32 to index
        %swap3A_2573 = arith.index_cast %rem3A_272 : i32 to index
        %swap3A_2574 = arith.index_cast %add3A_452 : i32 to index
        %swap3A_2575 = arith.constant 784 : index
        %swap3A_2576 = tpu.vector_load %arg7[%swap3A_2572, %swap3A_2573, %swap3A_2574, %swap3A_2575] {strides = array<i32>} : memref<4x3x8x1024xf32, #tpu.memory_space<vmem>>, vector<1x1x1x16xf32>,
        %swap3A_2577 = vector.shape_cast %swap3A_2576 : vector<1x1x1x16xf32> to vector<16xf32>
        %swap3A_2578 = vector.shape_cast %get3A_2236 : vector<16xf32> to vector<1x1x1x16xf32>
        tpu.vector_store %arg7[%swap3A_2572, %swap3A_2573, %swap3A_2574, %swap3A_2575], %swap3A_2578 {add = true, strides = array<i32>} : memref<4x3x8x1024xf32, #tpu.memory_space<vmem>>, vector<1x1x1x16xf32>,
        %swap3A_2579 = arith.constant 2 : i32
        %swap3A_2580 = arith.index_cast %swap3A_2579 : i32 to index
        %swap3A_2581 = arith.index_cast %rem3A_272 : i32 to index
        %swap3A_2582 = arith.index_cast %add3A_452 : i32 to index
        %swap3A_2583 = arith.constant 800 : index
        %swap3A_2584 = tpu.vector_load %arg7[%swap3A_2580, %swap3A_2581, %swap3A_2582, %swap3A_2583] {strides = array<i32>} : memref<4x3x8x1024xf32, #tpu.memory_space<vmem>>, vector<1x1x1x16xf32>,
        %swap3A_2585 = vector.shape_cast %swap3A_2584 : vector<1x1x1x16xf32> to vector<16xf32>
        %swap3A_2586 = vector.shape_cast %get3A_2241 : vector<16xf32> to vector<1x1x1x16xf32>
        tpu.vector_store %arg7[%swap3A_2580, %swap3A_2581, %swap3A_2582, %swap3A_2583], %swap3A_2586 {add = true, strides = array<i32>} : memref<4x3x8x1024xf32, #tpu.memory_space<vmem>>, vector<1x1x1x16xf32>,
        %swap3A_2587 = arith.constant 2 : i32
        %swap3A_2588 = arith.index_cast %swap3A_2587 : i32 to index
        %swap3A_2589 = arith.index_cast %rem3A_272 : i32 to index
        %swap3A_2590 = arith.index_cast %add3A_452 : i32 to index
        %swap3A_2591 = arith.constant 816 : index
        %swap3A_2592 = tpu.vector_load %arg7[%swap3A_2588, %swap3A_2589, %swap3A_2590, %swap3A_2591] {strides = array<i32>} : memref<4x3x8x1024xf32, #tpu.memory_space<vmem>>, vector<1x1x1x16xf32>,
        %swap3A_2593 = vector.shape_cast %swap3A_2592 : vector<1x1x1x16xf32> to vector<16xf32>
        %swap3A_2594 = vector.shape_cast %get3A_2246 : vector<16xf32> to vector<1x1x1x16xf32>
        tpu.vector_store %arg7[%swap3A_2588, %swap3A_2589, %swap3A_2590, %swap3A_2591], %swap3A_2594 {add = true, strides = array<i32>} : memref<4x3x8x1024xf32, #tpu.memory_space<vmem>>, vector<1x1x1x16xf32>,
        %swap3A_2595 = arith.constant 2 : i32
        %swap3A_2596 = arith.index_cast %swap3A_2595 : i32 to index
        %swap3A_2597 = arith.index_cast %rem3A_272 : i32 to index
        %swap3A_2598 = arith.index_cast %add3A_452 : i32 to index
        %swap3A_2599 = arith.constant 832 : index
        %swap3A_2600 = tpu.vector_load %arg7[%swap3A_2596, %swap3A_2597, %swap3A_2598, %swap3A_2599] {strides = array<i32>} : memref<4x3x8x1024xf32, #tpu.memory_space<vmem>>, vector<1x1x1x16xf32>,
        %swap3A_2601 = vector.shape_cast %swap3A_2600 : vector<1x1x1x16xf32> to vector<16xf32>
        %swap3A_2602 = vector.shape_cast %get3A_2251 : vector<16xf32> to vector<1x1x1x16xf32>
        tpu.vector_store %arg7[%swap3A_2596, %swap3A_2597, %swap3A_2598, %swap3A_2599], %swap3A_2602 {add = true, strides = array<i32>} : memref<4x3x8x1024xf32, #tpu.memory_space<vmem>>, vector<1x1x1x16xf32>,
        %swap3A_2603 = arith.constant 2 : i32
        %swap3A_2604 = arith.index_cast %swap3A_2603 : i32 to index
        %swap3A_2605 = arith.index_cast %rem3A_272 : i32 to index
        %swap3A_2606 = arith.index_cast %add3A_452 : i32 to index
        %swap3A_2607 = arith.constant 848 : index
        %swap3A_2608 = tpu.vector_load %arg7[%swap3A_2604, %swap3A_2605, %swap3A_2606, %swap3A_2607] {strides = array<i32>} : memref<4x3x8x1024xf32, #tpu.memory_space<vmem>>, vector<1x1x1x16xf32>,
        %swap3A_2609 = vector.shape_cast %swap3A_2608 : vector<1x1x1x16xf32> to vector<16xf32>
        %swap3A_2610 = vector.shape_cast %get3A_2256 : vector<16xf32> to vector<1x1x1x16xf32>
        tpu.vector_store %arg7[%swap3A_2604, %swap3A_2605, %swap3A_2606, %swap3A_2607], %swap3A_2610 {add = true, strides = array<i32>} : memref<4x3x8x1024xf32, #tpu.memory_space<vmem>>, vector<1x1x1x16xf32>,
        %swap3A_2611 = arith.constant 2 : i32
        %swap3A_2612 = arith.index_cast %swap3A_2611 : i32 to index
        %swap3A_2613 = arith.index_cast %rem3A_272 : i32 to index
        %swap3A_2614 = arith.index_cast %add3A_452 : i32 to index
        %swap3A_2615 = arith.constant 864 : index
        %swap3A_2616 = tpu.vector_load %arg7[%swap3A_2612, %swap3A_2613, %swap3A_2614, %swap3A_2615] {strides = array<i32>} : memref<4x3x8x1024xf32, #tpu.memory_space<vmem>>, vector<1x1x1x16xf32>,
        %swap3A_2617 = vector.shape_cast %swap3A_2616 : vector<1x1x1x16xf32> to vector<16xf32>
        %swap3A_2618 = vector.shape_cast %get3A_2261 : vector<16xf32> to vector<1x1x1x16xf32>
        tpu.vector_store %arg7[%swap3A_2612, %swap3A_2613, %swap3A_2614, %swap3A_2615], %swap3A_2618 {add = true, strides = array<i32>} : memref<4x3x8x1024xf32, #tpu.memory_space<vmem>>, vector<1x1x1x16xf32>,
        %swap3A_2619 = arith.constant 2 : i32
        %swap3A_2620 = arith.index_cast %swap3A_2619 : i32 to index
        %swap3A_2621 = arith.index_cast %rem3A_272 : i32 to index
        %swap3A_2622 = arith.index_cast %add3A_452 : i32 to index
        %swap3A_2623 = arith.constant 880 : index
        %swap3A_2624 = tpu.vector_load %arg7[%swap3A_2620, %swap3A_2621, %swap3A_2622, %swap3A_2623] {strides = array<i32>} : memref<4x3x8x1024xf32, #tpu.memory_space<vmem>>, vector<1x1x1x16xf32>,
        %swap3A_2625 = vector.shape_cast %swap3A_2624 : vector<1x1x1x16xf32> to vector<16xf32>
        %swap3A_2626 = vector.shape_cast %get3A_2266 : vector<16xf32> to vector<1x1x1x16xf32>
        tpu.vector_store %arg7[%swap3A_2620, %swap3A_2621, %swap3A_2622, %swap3A_2623], %swap3A_2626 {add = true, strides = array<i32>} : memref<4x3x8x1024xf32, #tpu.memory_space<vmem>>, vector<1x1x1x16xf32>,
        %swap3A_2627 = arith.constant 2 : i32
        %swap3A_2628 = arith.index_cast %swap3A_2627 : i32 to index
        %swap3A_2629 = arith.index_cast %rem3A_272 : i32 to index
        %swap3A_2630 = arith.index_cast %add3A_452 : i32 to index
        %swap3A_2631 = arith.constant 896 : index
        %swap3A_2632 = tpu.vector_load %arg7[%swap3A_2628, %swap3A_2629, %swap3A_2630, %swap3A_2631] {strides = array<i32>} : memref<4x3x8x1024xf32, #tpu.memory_space<vmem>>, vector<1x1x1x16xf32>,
        %swap3A_2633 = vector.shape_cast %swap3A_2632 : vector<1x1x1x16xf32> to vector<16xf32>
        %swap3A_2634 = vector.shape_cast %get3A_2271 : vector<16xf32> to vector<1x1x1x16xf32>
        tpu.vector_store %arg7[%swap3A_2628, %swap3A_2629, %swap3A_2630, %swap3A_2631], %swap3A_2634 {add = true, strides = array<i32>} : memref<4x3x8x1024xf32, #tpu.memory_space<vmem>>, vector<1x1x1x16xf32>,
        %swap3A_2635 = arith.constant 2 : i32
        %swap3A_2636 = arith.index_cast %swap3A_2635 : i32 to index
        %swap3A_2637 = arith.index_cast %rem3A_272 : i32 to index
        %swap3A_2638 = arith.index_cast %add3A_452 : i32 to index
        %swap3A_2639 = arith.constant 912 : index
        %swap3A_2640 = tpu.vector_load %arg7[%swap3A_2636, %swap3A_2637, %swap3A_2638, %swap3A_2639] {strides = array<i32>} : memref<4x3x8x1024xf32, #tpu.memory_space<vmem>>, vector<1x1x1x16xf32>,
        %swap3A_2641 = vector.shape_cast %swap3A_2640 : vector<1x1x1x16xf32> to vector<16xf32>
        %swap3A_2642 = vector.shape_cast %get3A_2276 : vector<16xf32> to vector<1x1x1x16xf32>
        tpu.vector_store %arg7[%swap3A_2636, %swap3A_2637, %swap3A_2638, %swap3A_2639], %swap3A_2642 {add = true, strides = array<i32>} : memref<4x3x8x1024xf32, #tpu.memory_space<vmem>>, vector<1x1x1x16xf32>,
        %swap3A_2643 = arith.constant 2 : i32
        %swap3A_2644 = arith.index_cast %swap3A_2643 : i32 to index
        %swap3A_2645 = arith.index_cast %rem3A_272 : i32 to index
        %swap3A_2646 = arith.index_cast %add3A_452 : i32 to index
        %swap3A_2647 = arith.constant 928 : index
        %swap3A_2648 = tpu.vector_load %arg7[%swap3A_2644, %swap3A_2645, %swap3A_2646, %swap3A_2647] {strides = array<i32>} : memref<4x3x8x1024xf32, #tpu.memory_space<vmem>>, vector<1x1x1x16xf32>,
        %swap3A_2649 = vector.shape_cast %swap3A_2648 : vector<1x1x1x16xf32> to vector<16xf32>
        %swap3A_2650 = vector.shape_cast %get3A_2281 : vector<16xf32> to vector<1x1x1x16xf32>
        tpu.vector_store %arg7[%swap3A_2644, %swap3A_2645, %swap3A_2646, %swap3A_2647], %swap3A_2650 {add = true, strides = array<i32>} : memref<4x3x8x1024xf32, #tpu.memory_space<vmem>>, vector<1x1x1x16xf32>,
        %swap3A_2651 = arith.constant 2 : i32
        %swap3A_2652 = arith.index_cast %swap3A_2651 : i32 to index
        %swap3A_2653 = arith.index_cast %rem3A_272 : i32 to index
        %swap3A_2654 = arith.index_cast %add3A_452 : i32 to index
        %swap3A_2655 = arith.constant 944 : index
        %swap3A_2656 = tpu.vector_load %arg7[%swap3A_2652, %swap3A_2653, %swap3A_2654, %swap3A_2655] {strides = array<i32>} : memref<4x3x8x1024xf32, #tpu.memory_space<vmem>>, vector<1x1x1x16xf32>,
        %swap3A_2657 = vector.shape_cast %swap3A_2656 : vector<1x1x1x16xf32> to vector<16xf32>
        %swap3A_2658 = vector.shape_cast %get3A_2286 : vector<16xf32> to vector<1x1x1x16xf32>
        tpu.vector_store %arg7[%swap3A_2652, %swap3A_2653, %swap3A_2654, %swap3A_2655], %swap3A_2658 {add = true, strides = array<i32>} : memref<4x3x8x1024xf32, #tpu.memory_space<vmem>>, vector<1x1x1x16xf32>,
        %swap3A_2659 = arith.constant 2 : i32
        %swap3A_2660 = arith.index_cast %swap3A_2659 : i32 to index
        %swap3A_2661 = arith.index_cast %rem3A_272 : i32 to index
        %swap3A_2662 = arith.index_cast %add3A_452 : i32 to index
        %swap3A_2663 = arith.constant 960 : index
        %swap3A_2664 = tpu.vector_load %arg7[%swap3A_2660, %swap3A_2661, %swap3A_2662, %swap3A_2663] {strides = array<i32>} : memref<4x3x8x1024xf32, #tpu.memory_space<vmem>>, vector<1x1x1x16xf32>,
        %swap3A_2665 = vector.shape_cast %swap3A_2664 : vector<1x1x1x16xf32> to vector<16xf32>
        %swap3A_2666 = vector.shape_cast %get3A_2291 : vector<16xf32> to vector<1x1x1x16xf32>
        tpu.vector_store %arg7[%swap3A_2660, %swap3A_2661, %swap3A_2662, %swap3A_2663], %swap3A_2666 {add = true, strides = array<i32>} : memref<4x3x8x1024xf32, #tpu.memory_space<vmem>>, vector<1x1x1x16xf32>,
        %swap3A_2667 = arith.constant 2 : i32
        %swap3A_2668 = arith.index_cast %swap3A_2667 : i32 to index
        %swap3A_2669 = arith.index_cast %rem3A_272 : i32 to index
        %swap3A_2670 = arith.index_cast %add3A_452 : i32 to index
        %swap3A_2671 = arith.constant 976 : index
        %swap3A_2672 = tpu.vector_load %arg7[%swap3A_2668, %swap3A_2669, %swap3A_2670, %swap3A_2671] {strides = array<i32>} : memref<4x3x8x1024xf32, #tpu.memory_space<vmem>>, vector<1x1x1x16xf32>,
        %swap3A_2673 = vector.shape_cast %swap3A_2672 : vector<1x1x1x16xf32> to vector<16xf32>
        %swap3A_2674 = vector.shape_cast %get3A_2296 : vector<16xf32> to vector<1x1x1x16xf32>
        tpu.vector_store %arg7[%swap3A_2668, %swap3A_2669, %swap3A_2670, %swap3A_2671], %swap3A_2674 {add = true, strides = array<i32>} : memref<4x3x8x1024xf32, #tpu.memory_space<vmem>>, vector<1x1x1x16xf32>,
        %swap3A_2675 = arith.constant 2 : i32
        %swap3A_2676 = arith.index_cast %swap3A_2675 : i32 to index
        %swap3A_2677 = arith.index_cast %rem3A_272 : i32 to index
        %swap3A_2678 = arith.index_cast %add3A_452 : i32 to index
        %swap3A_2679 = arith.constant 992 : index
        %swap3A_2680 = tpu.vector_load %arg7[%swap3A_2676, %swap3A_2677, %swap3A_2678, %swap3A_2679] {strides = array<i32>} : memref<4x3x8x1024xf32, #tpu.memory_space<vmem>>, vector<1x1x1x16xf32>,
        %swap3A_2681 = vector.shape_cast %swap3A_2680 : vector<1x1x1x16xf32> to vector<16xf32>
        %swap3A_2682 = vector.shape_cast %get3A_2301 : vector<16xf32> to vector<1x1x1x16xf32>
        tpu.vector_store %arg7[%swap3A_2676, %swap3A_2677, %swap3A_2678, %swap3A_2679], %swap3A_2682 {add = true, strides = array<i32>} : memref<4x3x8x1024xf32, #tpu.memory_space<vmem>>, vector<1x1x1x16xf32>,
        %swap3A_2683 = arith.constant 2 : i32
        %swap3A_2684 = arith.index_cast %swap3A_2683 : i32 to index
        %swap3A_2685 = arith.index_cast %rem3A_272 : i32 to index
        %swap3A_2686 = arith.index_cast %add3A_452 : i32 to index
        %swap3A_2687 = arith.constant 1008 : index
        %swap3A_2688 = tpu.vector_load %arg7[%swap3A_2684, %swap3A_2685, %swap3A_2686, %swap3A_2687] {strides = array<i32>} : memref<4x3x8x1024xf32, #tpu.memory_space<vmem>>, vector<1x1x1x16xf32>,
        %swap3A_2689 = vector.shape_cast %swap3A_2688 : vector<1x1x1x16xf32> to vector<16xf32>
        %swap3A_2690 = vector.shape_cast %get3A_2306 : vector<16xf32> to vector<1x1x1x16xf32>
        tpu.vector_store %arg7[%swap3A_2684, %swap3A_2685, %swap3A_2686, %swap3A_2687], %swap3A_2690 {add = true, strides = array<i32>} : memref<4x3x8x1024xf32, #tpu.memory_space<vmem>>, vector<1x1x1x16xf32>,
        %swap3A_2691 = arith.constant 3 : i32
        %swap3A_2692 = arith.index_cast %swap3A_2691 : i32 to index
        %swap3A_2693 = arith.index_cast %rem3A_272 : i32 to index
        %swap3A_2694 = arith.index_cast %add3A_452 : i32 to index
        %swap3A_2695 = arith.constant 768 : index
        %swap3A_2696 = tpu.vector_load %arg7[%swap3A_2692, %swap3A_2693, %swap3A_2694, %swap3A_2695] {strides = array<i32>} : memref<4x3x8x1024xf32, #tpu.memory_space<vmem>>, vector<1x1x1x16xf32>,
        %swap3A_2697 = vector.shape_cast %swap3A_2696 : vector<1x1x1x16xf32> to vector<16xf32>
        %swap3A_2698 = vector.shape_cast %get3A_2231 : vector<16xf32> to vector<1x1x1x16xf32>
        tpu.vector_store %arg7[%swap3A_2692, %swap3A_2693, %swap3A_2694, %swap3A_2695], %swap3A_2698 {add = true, strides = array<i32>} : memref<4x3x8x1024xf32, #tpu.memory_space<vmem>>, vector<1x1x1x16xf32>,
        %swap3A_2699 = arith.constant 3 : i32
        %swap3A_2700 = arith.index_cast %swap3A_2699 : i32 to index
        %swap3A_2701 = arith.index_cast %rem3A_272 : i32 to index
        %swap3A_2702 = arith.index_cast %add3A_452 : i32 to index
        %swap3A_2703 = arith.constant 784 : index
        %swap3A_2704 = tpu.vector_load %arg7[%swap3A_2700, %swap3A_2701, %swap3A_2702, %swap3A_2703] {strides = array<i32>} : memref<4x3x8x1024xf32, #tpu.memory_space<vmem>>, vector<1x1x1x16xf32>,
        %swap3A_2705 = vector.shape_cast %swap3A_2704 : vector<1x1x1x16xf32> to vector<16xf32>
        %swap3A_2706 = vector.shape_cast %get3A_2236 : vector<16xf32> to vector<1x1x1x16xf32>
        tpu.vector_store %arg7[%swap3A_2700, %swap3A_2701, %swap3A_2702, %swap3A_2703], %swap3A_2706 {add = true, strides = array<i32>} : memref<4x3x8x1024xf32, #tpu.memory_space<vmem>>, vector<1x1x1x16xf32>,
        %swap3A_2707 = arith.constant 3 : i32
        %swap3A_2708 = arith.index_cast %swap3A_2707 : i32 to index
        %swap3A_2709 = arith.index_cast %rem3A_272 : i32 to index
        %swap3A_2710 = arith.index_cast %add3A_452 : i32 to index
        %swap3A_2711 = arith.constant 800 : index
        %swap3A_2712 = tpu.vector_load %arg7[%swap3A_2708, %swap3A_2709, %swap3A_2710, %swap3A_2711] {strides = array<i32>} : memref<4x3x8x1024xf32, #tpu.memory_space<vmem>>, vector<1x1x1x16xf32>,
        %swap3A_2713 = vector.shape_cast %swap3A_2712 : vector<1x1x1x16xf32> to vector<16xf32>
        %swap3A_2714 = vector.shape_cast %get3A_2241 : vector<16xf32> to vector<1x1x1x16xf32>
        tpu.vector_store %arg7[%swap3A_2708, %swap3A_2709, %swap3A_2710, %swap3A_2711], %swap3A_2714 {add = true, strides = array<i32>} : memref<4x3x8x1024xf32, #tpu.memory_space<vmem>>, vector<1x1x1x16xf32>,
        %swap3A_2715 = arith.constant 3 : i32
        %swap3A_2716 = arith.index_cast %swap3A_2715 : i32 to index
        %swap3A_2717 = arith.index_cast %rem3A_272 : i32 to index
        %swap3A_2718 = arith.index_cast %add3A_452 : i32 to index
        %swap3A_2719 = arith.constant 816 : index
        %swap3A_2720 = tpu.vector_load %arg7[%swap3A_2716, %swap3A_2717, %swap3A_2718, %swap3A_2719] {strides = array<i32>} : memref<4x3x8x1024xf32, #tpu.memory_space<vmem>>, vector<1x1x1x16xf32>,
        %swap3A_2721 = vector.shape_cast %swap3A_2720 : vector<1x1x1x16xf32> to vector<16xf32>
        %swap3A_2722 = vector.shape_cast %get3A_2246 : vector<16xf32> to vector<1x1x1x16xf32>
        tpu.vector_store %arg7[%swap3A_2716, %swap3A_2717, %swap3A_2718, %swap3A_2719], %swap3A_2722 {add = true, strides = array<i32>} : memref<4x3x8x1024xf32, #tpu.memory_space<vmem>>, vector<1x1x1x16xf32>,
        %swap3A_2723 = arith.constant 3 : i32
        %swap3A_2724 = arith.index_cast %swap3A_2723 : i32 to index
        %swap3A_2725 = arith.index_cast %rem3A_272 : i32 to index
        %swap3A_2726 = arith.index_cast %add3A_452 : i32 to index
        %swap3A_2727 = arith.constant 832 : index
        %swap3A_2728 = tpu.vector_load %arg7[%swap3A_2724, %swap3A_2725, %swap3A_2726, %swap3A_2727] {strides = array<i32>} : memref<4x3x8x1024xf32, #tpu.memory_space<vmem>>, vector<1x1x1x16xf32>,
        %swap3A_2729 = vector.shape_cast %swap3A_2728 : vector<1x1x1x16xf32> to vector<16xf32>
        %swap3A_2730 = vector.shape_cast %get3A_2251 : vector<16xf32> to vector<1x1x1x16xf32>
        tpu.vector_store %arg7[%swap3A_2724, %swap3A_2725, %swap3A_2726, %swap3A_2727], %swap3A_2730 {add = true, strides = array<i32>} : memref<4x3x8x1024xf32, #tpu.memory_space<vmem>>, vector<1x1x1x16xf32>,
        %swap3A_2731 = arith.constant 3 : i32
        %swap3A_2732 = arith.index_cast %swap3A_2731 : i32 to index
        %swap3A_2733 = arith.index_cast %rem3A_272 : i32 to index
        %swap3A_2734 = arith.index_cast %add3A_452 : i32 to index
        %swap3A_2735 = arith.constant 848 : index
        %swap3A_2736 = tpu.vector_load %arg7[%swap3A_2732, %swap3A_2733, %swap3A_2734, %swap3A_2735] {strides = array<i32>} : memref<4x3x8x1024xf32, #tpu.memory_space<vmem>>, vector<1x1x1x16xf32>,
        %swap3A_2737 = vector.shape_cast %swap3A_2736 : vector<1x1x1x16xf32> to vector<16xf32>
        %swap3A_2738 = vector.shape_cast %get3A_2256 : vector<16xf32> to vector<1x1x1x16xf32>
        tpu.vector_store %arg7[%swap3A_2732, %swap3A_2733, %swap3A_2734, %swap3A_2735], %swap3A_2738 {add = true, strides = array<i32>} : memref<4x3x8x1024xf32, #tpu.memory_space<vmem>>, vector<1x1x1x16xf32>,
        %swap3A_2739 = arith.constant 3 : i32
        %swap3A_2740 = arith.index_cast %swap3A_2739 : i32 to index
        %swap3A_2741 = arith.index_cast %rem3A_272 : i32 to index
        %swap3A_2742 = arith.index_cast %add3A_452 : i32 to index
        %swap3A_2743 = arith.constant 864 : index
        %swap3A_2744 = tpu.vector_load %arg7[%swap3A_2740, %swap3A_2741, %swap3A_2742, %swap3A_2743] {strides = array<i32>} : memref<4x3x8x1024xf32, #tpu.memory_space<vmem>>, vector<1x1x1x16xf32>,
        %swap3A_2745 = vector.shape_cast %swap3A_2744 : vector<1x1x1x16xf32> to vector<16xf32>
        %swap3A_2746 = vector.shape_cast %get3A_2261 : vector<16xf32> to vector<1x1x1x16xf32>
        tpu.vector_store %arg7[%swap3A_2740, %swap3A_2741, %swap3A_2742, %swap3A_2743], %swap3A_2746 {add = true, strides = array<i32>} : memref<4x3x8x1024xf32, #tpu.memory_space<vmem>>, vector<1x1x1x16xf32>,
        %swap3A_2747 = arith.constant 3 : i32
        %swap3A_2748 = arith.index_cast %swap3A_2747 : i32 to index
        %swap3A_2749 = arith.index_cast %rem3A_272 : i32 to index
        %swap3A_2750 = arith.index_cast %add3A_452 : i32 to index
        %swap3A_2751 = arith.constant 880 : index
        %swap3A_2752 = tpu.vector_load %arg7[%swap3A_2748, %swap3A_2749, %swap3A_2750, %swap3A_2751] {strides = array<i32>} : memref<4x3x8x1024xf32, #tpu.memory_space<vmem>>, vector<1x1x1x16xf32>,
        %swap3A_2753 = vector.shape_cast %swap3A_2752 : vector<1x1x1x16xf32> to vector<16xf32>
        %swap3A_2754 = vector.shape_cast %get3A_2266 : vector<16xf32> to vector<1x1x1x16xf32>
        tpu.vector_store %arg7[%swap3A_2748, %swap3A_2749, %swap3A_2750, %swap3A_2751], %swap3A_2754 {add = true, strides = array<i32>} : memref<4x3x8x1024xf32, #tpu.memory_space<vmem>>, vector<1x1x1x16xf32>,
        %swap3A_2755 = arith.constant 3 : i32
        %swap3A_2756 = arith.index_cast %swap3A_2755 : i32 to index
        %swap3A_2757 = arith.index_cast %rem3A_272 : i32 to index
        %swap3A_2758 = arith.index_cast %add3A_452 : i32 to index
        %swap3A_2759 = arith.constant 896 : index
        %swap3A_2760 = tpu.vector_load %arg7[%swap3A_2756, %swap3A_2757, %swap3A_2758, %swap3A_2759] {strides = array<i32>} : memref<4x3x8x1024xf32, #tpu.memory_space<vmem>>, vector<1x1x1x16xf32>,
        %swap3A_2761 = vector.shape_cast %swap3A_2760 : vector<1x1x1x16xf32> to vector<16xf32>
        %swap3A_2762 = vector.shape_cast %get3A_2271 : vector<16xf32> to vector<1x1x1x16xf32>
        tpu.vector_store %arg7[%swap3A_2756, %swap3A_2757, %swap3A_2758, %swap3A_2759], %swap3A_2762 {add = true, strides = array<i32>} : memref<4x3x8x1024xf32, #tpu.memory_space<vmem>>, vector<1x1x1x16xf32>,
        %swap3A_2763 = arith.constant 3 : i32
        %swap3A_2764 = arith.index_cast %swap3A_2763 : i32 to index
        %swap3A_2765 = arith.index_cast %rem3A_272 : i32 to index
        %swap3A_2766 = arith.index_cast %add3A_452 : i32 to index
        %swap3A_2767 = arith.constant 912 : index
        %swap3A_2768 = tpu.vector_load %arg7[%swap3A_2764, %swap3A_2765, %swap3A_2766, %swap3A_2767] {strides = array<i32>} : memref<4x3x8x1024xf32, #tpu.memory_space<vmem>>, vector<1x1x1x16xf32>,
        %swap3A_2769 = vector.shape_cast %swap3A_2768 : vector<1x1x1x16xf32> to vector<16xf32>
        %swap3A_2770 = vector.shape_cast %get3A_2276 : vector<16xf32> to vector<1x1x1x16xf32>
        tpu.vector_store %arg7[%swap3A_2764, %swap3A_2765, %swap3A_2766, %swap3A_2767], %swap3A_2770 {add = true, strides = array<i32>} : memref<4x3x8x1024xf32, #tpu.memory_space<vmem>>, vector<1x1x1x16xf32>,
        %swap3A_2771 = arith.constant 3 : i32
        %swap3A_2772 = arith.index_cast %swap3A_2771 : i32 to index
        %swap3A_2773 = arith.index_cast %rem3A_272 : i32 to index
        %swap3A_2774 = arith.index_cast %add3A_452 : i32 to index
        %swap3A_2775 = arith.constant 928 : index
        %swap3A_2776 = tpu.vector_load %arg7[%swap3A_2772, %swap3A_2773, %swap3A_2774, %swap3A_2775] {strides = array<i32>} : memref<4x3x8x1024xf32, #tpu.memory_space<vmem>>, vector<1x1x1x16xf32>,
        %swap3A_2777 = vector.shape_cast %swap3A_2776 : vector<1x1x1x16xf32> to vector<16xf32>
        %swap3A_2778 = vector.shape_cast %get3A_2281 : vector<16xf32> to vector<1x1x1x16xf32>
        tpu.vector_store %arg7[%swap3A_2772, %swap3A_2773, %swap3A_2774, %swap3A_2775], %swap3A_2778 {add = true, strides = array<i32>} : memref<4x3x8x1024xf32, #tpu.memory_space<vmem>>, vector<1x1x1x16xf32>,
        %swap3A_2779 = arith.constant 3 : i32
        %swap3A_2780 = arith.index_cast %swap3A_2779 : i32 to index
        %swap3A_2781 = arith.index_cast %rem3A_272 : i32 to index
        %swap3A_2782 = arith.index_cast %add3A_452 : i32 to index
        %swap3A_2783 = arith.constant 944 : index
        %swap3A_2784 = tpu.vector_load %arg7[%swap3A_2780, %swap3A_2781, %swap3A_2782, %swap3A_2783] {strides = array<i32>} : memref<4x3x8x1024xf32, #tpu.memory_space<vmem>>, vector<1x1x1x16xf32>,
        %swap3A_2785 = vector.shape_cast %swap3A_2784 : vector<1x1x1x16xf32> to vector<16xf32>
        %swap3A_2786 = vector.shape_cast %get3A_2286 : vector<16xf32> to vector<1x1x1x16xf32>
        tpu.vector_store %arg7[%swap3A_2780, %swap3A_2781, %swap3A_2782, %swap3A_2783], %swap3A_2786 {add = true, strides = array<i32>} : memref<4x3x8x1024xf32, #tpu.memory_space<vmem>>, vector<1x1x1x16xf32>,
        %swap3A_2787 = arith.constant 3 : i32
        %swap3A_2788 = arith.index_cast %swap3A_2787 : i32 to index
        %swap3A_2789 = arith.index_cast %rem3A_272 : i32 to index
        %swap3A_2790 = arith.index_cast %add3A_452 : i32 to index
        %swap3A_2791 = arith.constant 960 : index
        %swap3A_2792 = tpu.vector_load %arg7[%swap3A_2788, %swap3A_2789, %swap3A_2790, %swap3A_2791] {strides = array<i32>} : memref<4x3x8x1024xf32, #tpu.memory_space<vmem>>, vector<1x1x1x16xf32>,
        %swap3A_2793 = vector.shape_cast %swap3A_2792 : vector<1x1x1x16xf32> to vector<16xf32>
        %swap3A_2794 = vector.shape_cast %get3A_2291 : vector<16xf32> to vector<1x1x1x16xf32>
        tpu.vector_store %arg7[%swap3A_2788, %swap3A_2789, %swap3A_2790, %swap3A_2791], %swap3A_2794 {add = true, strides = array<i32>} : memref<4x3x8x1024xf32, #tpu.memory_space<vmem>>, vector<1x1x1x16xf32>,
        %swap3A_2795 = arith.constant 3 : i32
        %swap3A_2796 = arith.index_cast %swap3A_2795 : i32 to index
        %swap3A_2797 = arith.index_cast %rem3A_272 : i32 to index
        %swap3A_2798 = arith.index_cast %add3A_452 : i32 to index
        %swap3A_2799 = arith.constant 976 : index
        %swap3A_2800 = tpu.vector_load %arg7[%swap3A_2796, %swap3A_2797, %swap3A_2798, %swap3A_2799] {strides = array<i32>} : memref<4x3x8x1024xf32, #tpu.memory_space<vmem>>, vector<1x1x1x16xf32>,
        %swap3A_2801 = vector.shape_cast %swap3A_2800 : vector<1x1x1x16xf32> to vector<16xf32>
        %swap3A_2802 = vector.shape_cast %get3A_2296 : vector<16xf32> to vector<1x1x1x16xf32>
        tpu.vector_store %arg7[%swap3A_2796, %swap3A_2797, %swap3A_2798, %swap3A_2799], %swap3A_2802 {add = true, strides = array<i32>} : memref<4x3x8x1024xf32, #tpu.memory_space<vmem>>, vector<1x1x1x16xf32>,
        %swap3A_2803 = arith.constant 3 : i32
        %swap3A_2804 = arith.index_cast %swap3A_2803 : i32 to index
        %swap3A_2805 = arith.index_cast %rem3A_272 : i32 to index
        %swap3A_2806 = arith.index_cast %add3A_452 : i32 to index
        %swap3A_2807 = arith.constant 992 : index
        %swap3A_2808 = tpu.vector_load %arg7[%swap3A_2804, %swap3A_2805, %swap3A_2806, %swap3A_2807] {strides = array<i32>} : memref<4x3x8x1024xf32, #tpu.memory_space<vmem>>, vector<1x1x1x16xf32>,
        %swap3A_2809 = vector.shape_cast %swap3A_2808 : vector<1x1x1x16xf32> to vector<16xf32>
        %swap3A_2810 = vector.shape_cast %get3A_2301 : vector<16xf32> to vector<1x1x1x16xf32>
        tpu.vector_store %arg7[%swap3A_2804, %swap3A_2805, %swap3A_2806, %swap3A_2807], %swap3A_2810 {add = true, strides = array<i32>} : memref<4x3x8x1024xf32, #tpu.memory_space<vmem>>, vector<1x1x1x16xf32>,
        %swap3A_2811 = arith.constant 3 : i32
        %swap3A_2812 = arith.index_cast %swap3A_2811 : i32 to index
        %swap3A_2813 = arith.index_cast %rem3A_272 : i32 to index
        %swap3A_2814 = arith.index_cast %add3A_452 : i32 to index
        %swap3A_2815 = arith.constant 1008 : index
        %swap3A_2816 = tpu.vector_load %arg7[%swap3A_2812, %swap3A_2813, %swap3A_2814, %swap3A_2815] {strides = array<i32>} : memref<4x3x8x1024xf32, #tpu.memory_space<vmem>>, vector<1x1x1x16xf32>,
        %swap3A_2817 = vector.shape_cast %swap3A_2816 : vector<1x1x1x16xf32> to vector<16xf32>
        %swap3A_2818 = vector.shape_cast %get3A_2306 : vector<16xf32> to vector<1x1x1x16xf32>
        tpu.vector_store %arg7[%swap3A_2812, %swap3A_2813, %swap3A_2814, %swap3A_2815], %swap3A_2818 {add = true, strides = array<i32>} : memref<4x3x8x1024xf32, #tpu.memory_space<vmem>>, vector<1x1x1x16xf32>,
      }
      %scan3A_359 = arith.constant 8 : i32
      %mul3A_360 = arith.constant 8 : i32
      %mul3A_361 = arith.muli %add3A_268, %mul3A_360 : i32
      %add3A_362 = arith.addi %mul3A_2, %mul3A_361 : i32
      %dma_start3A_363 = arith.constant 0 : i32
      %dma_start3A_364 = arith.constant 0 : i32
      %dma_start3A_365 = arith.constant 0 : i32
      %dma_start3A_366 = arith.constant 0 : i32
      %dma_start3A_367 = arith.constant 0 : i32
      %dma_start3A_368 = tpu.memref_slice %arg7[%dma_start3A_363, %rem3A_272, %dma_start3A_366, %dma_start3A_367] : memref<4x3x8x1024xf32, #tpu.memory_space<vmem>> -> memref<1x1x8x1024xf32, #tpu.memory_space<vmem>>
      %dma_start3A_369 = tpu.memref_squeeze %dma_start3A_368 : memref<1x1x8x1024xf32, #tpu.memory_space<vmem>> -> memref<8x1024xf32, #tpu.memory_space<vmem>>
      %dma_start3A_370 = arith.constant 0 : i32
      %dma_start3A_371 = tpu.memref_slice %arg5[%dma_start3A_364, %add3A_362, %dma_start3A_370] : memref<4x4096x1024xf32, #tpu.memory_space<hbm>> -> memref<1x8x1024xf32, #tpu.memory_space<hbm>>
      %dma_start3A_372 = tpu.memref_squeeze %dma_start3A_371 : memref<1x8x1024xf32, #tpu.memory_space<hbm>> -> memref<8x1024xf32, #tpu.memory_space<hbm>>
      %dma_start3A_373 = tpu.memref_slice %arg10[%dma_start3A_365, %rem3A_272] : memref<4x3x!tpu.dma_semaphore, #tpu.memory_space<semaphore_mem>> -> memref<1x1x!tpu.dma_semaphore, #tpu.memory_space<semaphore_mem>>
      %dma_start3A_374 = tpu.memref_squeeze %dma_start3A_373 : memref<1x1x!tpu.dma_semaphore, #tpu.memory_space<semaphore_mem>> -> memref<!tpu.dma_semaphore, #tpu.memory_space<semaphore_mem>>
      %dma_start3A_375 = arith.constant 0 : i32
      %dma_start3A_376 = tpu.memref_slice %arg5[%dma_start3A_364, %add3A_362, %dma_start3A_375] : memref<4x4096x1024xf32, #tpu.memory_space<hbm>> -> memref<1x8x1024xf32, #tpu.memory_space<hbm>>
      %dma_start3A_377 = tpu.memref_squeeze %dma_start3A_376 : memref<1x8x1024xf32, #tpu.memory_space<hbm>> -> memref<8x1024xf32, #tpu.memory_space<hbm>>
      %dma_start3A_378 = arith.constant 0 : i32
      %dma_start3A_379 = arith.constant 0 : i32
      %dma_start3A_380 = tpu.memref_slice %arg7[%dma_start3A_363, %rem3A_272, %dma_start3A_378, %dma_start3A_379] : memref<4x3x8x1024xf32, #tpu.memory_space<vmem>> -> memref<1x1x8x1024xf32, #tpu.memory_space<vmem>>
      %dma_start3A_381 = tpu.memref_squeeze %dma_start3A_380 : memref<1x1x8x1024xf32, #tpu.memory_space<vmem>> -> memref<8x1024xf32, #tpu.memory_space<vmem>>
      tpu.enqueue_dma source(%dma_start3A_381 : memref<8x1024xf32, #tpu.memory_space<vmem>>) target(%dma_start3A_377 : memref<8x1024xf32, #tpu.memory_space<hbm>>) target_semaphore(%dma_start3A_374 : memref<!tpu.dma_semaphore, #tpu.memory_space<semaphore_mem>>)
      %mul3A_382 = arith.constant 8 : i32
      %mul3A_383 = arith.muli %add3A_268, %mul3A_382 : i32
      %add3A_384 = arith.addi %mul3A_2, %mul3A_383 : i32
      %dma_start3A_385 = arith.constant 1 : i32
      %dma_start3A_386 = arith.constant 1 : i32
      %dma_start3A_387 = arith.constant 1 : i32
      %dma_start3A_388 = arith.constant 0 : i32
      %dma_start3A_389 = arith.constant 0 : i32
      %dma_start3A_390 = tpu.memref_slice %arg7[%dma_start3A_385, %rem3A_272, %dma_start3A_388, %dma_start3A_389] : memref<4x3x8x1024xf32, #tpu.memory_space<vmem>> -> memref<1x1x8x1024xf32, #tpu.memory_space<vmem>>
      %dma_start3A_391 = tpu.memref_squeeze %dma_start3A_390 : memref<1x1x8x1024xf32, #tpu.memory_space<vmem>> -> memref<8x1024xf32, #tpu.memory_space<vmem>>
      %dma_start3A_392 = arith.constant 0 : i32
      %dma_start3A_393 = tpu.memref_slice %arg5[%dma_start3A_386, %add3A_384, %dma_start3A_392] : memref<4x4096x1024xf32, #tpu.memory_space<hbm>> -> memref<1x8x1024xf32, #tpu.memory_space<hbm>>
      %dma_start3A_394 = tpu.memref_squeeze %dma_start3A_393 : memref<1x8x1024xf32, #tpu.memory_space<hbm>> -> memref<8x1024xf32, #tpu.memory_space<hbm>>
      %dma_start3A_395 = tpu.memref_slice %arg10[%dma_start3A_387, %rem3A_272] : memref<4x3x!tpu.dma_semaphore, #tpu.memory_space<semaphore_mem>> -> memref<1x1x!tpu.dma_semaphore, #tpu.memory_space<semaphore_mem>>
      %dma_start3A_396 = tpu.memref_squeeze %dma_start3A_395 : memref<1x1x!tpu.dma_semaphore, #tpu.memory_space<semaphore_mem>> -> memref<!tpu.dma_semaphore, #tpu.memory_space<semaphore_mem>>
      %dma_start3A_397 = arith.constant 0 : i32
      %dma_start3A_398 = tpu.memref_slice %arg5[%dma_start3A_386, %add3A_384, %dma_start3A_397] : memref<4x4096x1024xf32, #tpu.memory_space<hbm>> -> memref<1x8x1024xf32, #tpu.memory_space<hbm>>
      %dma_start3A_399 = tpu.memref_squeeze %dma_start3A_398 : memref<1x8x1024xf32, #tpu.memory_space<hbm>> -> memref<8x1024xf32, #tpu.memory_space<hbm>>
      %dma_start3A_400 = arith.constant 0 : i32
      %dma_start3A_401 = arith.constant 0 : i32
      %dma_start3A_402 = tpu.memref_slice %arg7[%dma_start3A_385, %rem3A_272, %dma_start3A_400, %dma_start3A_401] : memref<4x3x8x1024xf32, #tpu.memory_space<vmem>> -> memref<1x1x8x1024xf32, #tpu.memory_space<vmem>>
      %dma_start3A_403 = tpu.memref_squeeze %dma_start3A_402 : memref<1x1x8x1024xf32, #tpu.memory_space<vmem>> -> memref<8x1024xf32, #tpu.memory_space<vmem>>
      tpu.enqueue_dma source(%dma_start3A_403 : memref<8x1024xf32, #tpu.memory_space<vmem>>) target(%dma_start3A_399 : memref<8x1024xf32, #tpu.memory_space<hbm>>) target_semaphore(%dma_start3A_396 : memref<!tpu.dma_semaphore, #tpu.memory_space<semaphore_mem>>)
      %mul3A_404 = arith.constant 8 : i32
      %mul3A_405 = arith.muli %add3A_268, %mul3A_404 : i32
      %add3A_406 = arith.addi %mul3A_2, %mul3A_405 : i32
      %dma_start3A_407 = arith.constant 2 : i32
      %dma_start3A_408 = arith.constant 2 : i32
      %dma_start3A_409 = arith.constant 2 : i32
      %dma_start3A_410 = arith.constant 0 : i32
      %dma_start3A_411 = arith.constant 0 : i32
      %dma_start3A_412 = tpu.memref_slice %arg7[%dma_start3A_407, %rem3A_272, %dma_start3A_410, %dma_start3A_411] : memref<4x3x8x1024xf32, #tpu.memory_space<vmem>> -> memref<1x1x8x1024xf32, #tpu.memory_space<vmem>>
      %dma_start3A_413 = tpu.memref_squeeze %dma_start3A_412 : memref<1x1x8x1024xf32, #tpu.memory_space<vmem>> -> memref<8x1024xf32, #tpu.memory_space<vmem>>
      %dma_start3A_414 = arith.constant 0 : i32
      %dma_start3A_415 = tpu.memref_slice %arg5[%dma_start3A_408, %add3A_406, %dma_start3A_414] : memref<4x4096x1024xf32, #tpu.memory_space<hbm>> -> memref<1x8x1024xf32, #tpu.memory_space<hbm>>
      %dma_start3A_416 = tpu.memref_squeeze %dma_start3A_415 : memref<1x8x1024xf32, #tpu.memory_space<hbm>> -> memref<8x1024xf32, #tpu.memory_space<hbm>>
      %dma_start3A_417 = tpu.memref_slice %arg10[%dma_start3A_409, %rem3A_272] : memref<4x3x!tpu.dma_semaphore, #tpu.memory_space<semaphore_mem>> -> memref<1x1x!tpu.dma_semaphore, #tpu.memory_space<semaphore_mem>>
      %dma_start3A_418 = tpu.memref_squeeze %dma_start3A_417 : memref<1x1x!tpu.dma_semaphore, #tpu.memory_space<semaphore_mem>> -> memref<!tpu.dma_semaphore, #tpu.memory_space<semaphore_mem>>
      %dma_start3A_419 = arith.constant 0 : i32
      %dma_start3A_420 = tpu.memref_slice %arg5[%dma_start3A_408, %add3A_406, %dma_start3A_419] : memref<4x4096x1024xf32, #tpu.memory_space<hbm>> -> memref<1x8x1024xf32, #tpu.memory_space<hbm>>
      %dma_start3A_421 = tpu.memref_squeeze %dma_start3A_420 : memref<1x8x1024xf32, #tpu.memory_space<hbm>> -> memref<8x1024xf32, #tpu.memory_space<hbm>>
      %dma_start3A_422 = arith.constant 0 : i32
      %dma_start3A_423 = arith.constant 0 : i32
      %dma_start3A_424 = tpu.memref_slice %arg7[%dma_start3A_407, %rem3A_272, %dma_start3A_422, %dma_start3A_423] : memref<4x3x8x1024xf32, #tpu.memory_space<vmem>> -> memref<1x1x8x1024xf32, #tpu.memory_space<vmem>>
      %dma_start3A_425 = tpu.memref_squeeze %dma_start3A_424 : memref<1x1x8x1024xf32, #tpu.memory_space<vmem>> -> memref<8x1024xf32, #tpu.memory_space<vmem>>
      tpu.enqueue_dma source(%dma_start3A_425 : memref<8x1024xf32, #tpu.memory_space<vmem>>) target(%dma_start3A_421 : memref<8x1024xf32, #tpu.memory_space<hbm>>) target_semaphore(%dma_start3A_418 : memref<!tpu.dma_semaphore, #tpu.memory_space<semaphore_mem>>)
      %mul3A_426 = arith.constant 8 : i32
      %mul3A_427 = arith.muli %add3A_268, %mul3A_426 : i32
      %add3A_428 = arith.addi %mul3A_2, %mul3A_427 : i32
      %dma_start3A_429 = arith.constant 3 : i32
      %dma_start3A_430 = arith.constant 3 : i32
      %dma_start3A_431 = arith.constant 3 : i32
      %dma_start3A_432 = arith.constant 0 : i32
      %dma_start3A_433 = arith.constant 0 : i32
      %dma_start3A_434 = tpu.memref_slice %arg7[%dma_start3A_429, %rem3A_272, %dma_start3A_432, %dma_start3A_433] : memref<4x3x8x1024xf32, #tpu.memory_space<vmem>> -> memref<1x1x8x1024xf32, #tpu.memory_space<vmem>>
      %dma_start3A_435 = tpu.memref_squeeze %dma_start3A_434 : memref<1x1x8x1024xf32, #tpu.memory_space<vmem>> -> memref<8x1024xf32, #tpu.memory_space<vmem>>
      %dma_start3A_436 = arith.constant 0 : i32
      %dma_start3A_437 = tpu.memref_slice %arg5[%dma_start3A_430, %add3A_428, %dma_start3A_436] : memref<4x4096x1024xf32, #tpu.memory_space<hbm>> -> memref<1x8x1024xf32, #tpu.memory_space<hbm>>
      %dma_start3A_438 = tpu.memref_squeeze %dma_start3A_437 : memref<1x8x1024xf32, #tpu.memory_space<hbm>> -> memref<8x1024xf32, #tpu.memory_space<hbm>>
      %dma_start3A_439 = tpu.memref_slice %arg10[%dma_start3A_431, %rem3A_272] : memref<4x3x!tpu.dma_semaphore, #tpu.memory_space<semaphore_mem>> -> memref<1x1x!tpu.dma_semaphore, #tpu.memory_space<semaphore_mem>>
      %dma_start3A_440 = tpu.memref_squeeze %dma_start3A_439 : memref<1x1x!tpu.dma_semaphore, #tpu.memory_space<semaphore_mem>> -> memref<!tpu.dma_semaphore, #tpu.memory_space<semaphore_mem>>
      %dma_start3A_441 = arith.constant 0 : i32
      %dma_start3A_442 = tpu.memref_slice %arg5[%dma_start3A_430, %add3A_428, %dma_start3A_441] : memref<4x4096x1024xf32, #tpu.memory_space<hbm>> -> memref<1x8x1024xf32, #tpu.memory_space<hbm>>
      %dma_start3A_443 = tpu.memref_squeeze %dma_start3A_442 : memref<1x8x1024xf32, #tpu.memory_space<hbm>> -> memref<8x1024xf32, #tpu.memory_space<hbm>>
      %dma_start3A_444 = arith.constant 0 : i32
      %dma_start3A_445 = arith.constant 0 : i32
      %dma_start3A_446 = tpu.memref_slice %arg7[%dma_start3A_429, %rem3A_272, %dma_start3A_444, %dma_start3A_445] : memref<4x3x8x1024xf32, #tpu.memory_space<vmem>> -> memref<1x1x8x1024xf32, #tpu.memory_space<vmem>>
      %dma_start3A_447 = tpu.memref_squeeze %dma_start3A_446 : memref<1x1x8x1024xf32, #tpu.memory_space<vmem>> -> memref<8x1024xf32, #tpu.memory_space<vmem>>
      tpu.enqueue_dma source(%dma_start3A_447 : memref<8x1024xf32, #tpu.memory_space<vmem>>) target(%dma_start3A_443 : memref<8x1024xf32, #tpu.memory_space<hbm>>) target_semaphore(%dma_start3A_440 : memref<!tpu.dma_semaphore, #tpu.memory_space<semaphore_mem>>)
    }
    %scan3A_89 = arith.constant 16 : i32
    %rem3A = arith.constant 14 : i32
    %rem3A_90 = arith.constant 3 : i32
    %rem3A_91 = arith.remsi %rem3A, %rem3A_90 : i32
    %dma_wait3A = arith.constant 0 : i32
    %dma_wait3A_92 = arith.constant 0 : i32
    %dma_wait3A_93 = arith.constant 0 : i32
    %dma_wait3A_94 = arith.constant 0 : i32
    %dma_wait3A_95 = arith.constant 0 : i32
    %dma_wait3A_96 = tpu.memref_slice %arg7[%dma_wait3A, %rem3A_91, %dma_wait3A_94, %dma_wait3A_95] : memref<4x3x8x1024xf32, #tpu.memory_space<vmem>> -> memref<1x1x8x1024xf32, #tpu.memory_space<vmem>>
    %dma_wait3A_97 = tpu.memref_squeeze %dma_wait3A_96 : memref<1x1x8x1024xf32, #tpu.memory_space<vmem>> -> memref<8x1024xf32, #tpu.memory_space<vmem>>
    %dma_wait3A_98 = arith.constant 0 : i32
    %dma_wait3A_99 = tpu.memref_slice %arg5[%dma_wait3A_92, %mul3A_2, %dma_wait3A_98] : memref<4x4096x1024xf32, #tpu.memory_space<hbm>> -> memref<1x8x1024xf32, #tpu.memory_space<hbm>>
    %dma_wait3A_100 = tpu.memref_squeeze %dma_wait3A_99 : memref<1x8x1024xf32, #tpu.memory_space<hbm>> -> memref<8x1024xf32, #tpu.memory_space<hbm>>
    %dma_wait3A_101 = tpu.memref_slice %arg10[%dma_wait3A_93, %rem3A_91] : memref<4x3x!tpu.dma_semaphore, #tpu.memory_space<semaphore_mem>> -> memref<1x1x!tpu.dma_semaphore, #tpu.memory_space<semaphore_mem>>
    %dma_wait3A_102 = tpu.memref_squeeze %dma_wait3A_101 : memref<1x1x!tpu.dma_semaphore, #tpu.memory_space<semaphore_mem>> -> memref<!tpu.dma_semaphore, #tpu.memory_space<semaphore_mem>>
    %dma_wait3A_103 = arith.constant 0 : i32
    %dma_wait3A_104 = tpu.memref_slice %arg5[%dma_wait3A_92, %mul3A_2, %dma_wait3A_103] : memref<4x4096x1024xf32, #tpu.memory_space<hbm>> -> memref<1x8x1024xf32, #tpu.memory_space<hbm>>
    %dma_wait3A_105 = tpu.memref_squeeze %dma_wait3A_104 : memref<1x8x1024xf32, #tpu.memory_space<hbm>> -> memref<8x1024xf32, #tpu.memory_space<hbm>>
    %dma_wait3A_106 = arith.constant 0 : i32
    %dma_wait3A_107 = arith.constant 0 : i32
    %dma_wait3A_108 = tpu.memref_slice %arg7[%dma_wait3A, %rem3A_91, %dma_wait3A_106, %dma_wait3A_107] : memref<4x3x8x1024xf32, #tpu.memory_space<vmem>> -> memref<1x1x8x1024xf32, #tpu.memory_space<vmem>>
    %dma_wait3A_109 = tpu.memref_squeeze %dma_wait3A_108 : memref<1x1x8x1024xf32, #tpu.memory_space<vmem>> -> memref<8x1024xf32, #tpu.memory_space<vmem>>
    tpu.wait_dma2 semaphore(%dma_wait3A_102 : memref<!tpu.dma_semaphore, #tpu.memory_space<semaphore_mem>>) src(%dma_wait3A_109 : memref<8x1024xf32, #tpu.memory_space<vmem>>) dst(%dma_wait3A_105 : memref<8x1024xf32, #tpu.memory_space<hbm>>)
    %rem3A_110 = arith.constant 15 : i32
    %rem3A_111 = arith.constant 3 : i32
    %rem3A_112 = arith.remsi %rem3A_110, %rem3A_111 : i32
    %dma_wait3A_113 = arith.constant 0 : i32
    %dma_wait3A_114 = arith.constant 0 : i32
    %dma_wait3A_115 = arith.constant 0 : i32
    %dma_wait3A_116 = arith.constant 0 : i32
    %dma_wait3A_117 = arith.constant 0 : i32
    %dma_wait3A_118 = tpu.memref_slice %arg7[%dma_wait3A_113, %rem3A_112, %dma_wait3A_116, %dma_wait3A_117] : memref<4x3x8x1024xf32, #tpu.memory_space<vmem>> -> memref<1x1x8x1024xf32, #tpu.memory_space<vmem>>
    %dma_wait3A_119 = tpu.memref_squeeze %dma_wait3A_118 : memref<1x1x8x1024xf32, #tpu.memory_space<vmem>> -> memref<8x1024xf32, #tpu.memory_space<vmem>>
    %dma_wait3A_120 = arith.constant 0 : i32
    %dma_wait3A_121 = tpu.memref_slice %arg5[%dma_wait3A_114, %mul3A_2, %dma_wait3A_120] : memref<4x4096x1024xf32, #tpu.memory_space<hbm>> -> memref<1x8x1024xf32, #tpu.memory_space<hbm>>
    %dma_wait3A_122 = tpu.memref_squeeze %dma_wait3A_121 : memref<1x8x1024xf32, #tpu.memory_space<hbm>> -> memref<8x1024xf32, #tpu.memory_space<hbm>>
    %dma_wait3A_123 = tpu.memref_slice %arg10[%dma_wait3A_115, %rem3A_112] : memref<4x3x!tpu.dma_semaphore, #tpu.memory_space<semaphore_mem>> -> memref<1x1x!tpu.dma_semaphore, #tpu.memory_space<semaphore_mem>>
    %dma_wait3A_124 = tpu.memref_squeeze %dma_wait3A_123 : memref<1x1x!tpu.dma_semaphore, #tpu.memory_space<semaphore_mem>> -> memref<!tpu.dma_semaphore, #tpu.memory_space<semaphore_mem>>
    %dma_wait3A_125 = arith.constant 0 : i32
    %dma_wait3A_126 = tpu.memref_slice %arg5[%dma_wait3A_114, %mul3A_2, %dma_wait3A_125] : memref<4x4096x1024xf32, #tpu.memory_space<hbm>> -> memref<1x8x1024xf32, #tpu.memory_space<hbm>>
    %dma_wait3A_127 = tpu.memref_squeeze %dma_wait3A_126 : memref<1x8x1024xf32, #tpu.memory_space<hbm>> -> memref<8x1024xf32, #tpu.memory_space<hbm>>
    %dma_wait3A_128 = arith.constant 0 : i32
    %dma_wait3A_129 = arith.constant 0 : i32
    %dma_wait3A_130 = tpu.memref_slice %arg7[%dma_wait3A_113, %rem3A_112, %dma_wait3A_128, %dma_wait3A_129] : memref<4x3x8x1024xf32, #tpu.memory_space<vmem>> -> memref<1x1x8x1024xf32, #tpu.memory_space<vmem>>
    %dma_wait3A_131 = tpu.memref_squeeze %dma_wait3A_130 : memref<1x1x8x1024xf32, #tpu.memory_space<vmem>> -> memref<8x1024xf32, #tpu.memory_space<vmem>>
    tpu.wait_dma2 semaphore(%dma_wait3A_124 : memref<!tpu.dma_semaphore, #tpu.memory_space<semaphore_mem>>) src(%dma_wait3A_131 : memref<8x1024xf32, #tpu.memory_space<vmem>>) dst(%dma_wait3A_127 : memref<8x1024xf32, #tpu.memory_space<hbm>>)
    %rem3A_132 = arith.constant 14 : i32
    %rem3A_133 = arith.constant 3 : i32
    %rem3A_134 = arith.remsi %rem3A_132, %rem3A_133 : i32
    %dma_wait3A_135 = arith.constant 1 : i32
    %dma_wait3A_136 = arith.constant 1 : i32
    %dma_wait3A_137 = arith.constant 1 : i32
    %dma_wait3A_138 = arith.constant 0 : i32
    %dma_wait3A_139 = arith.constant 0 : i32
    %dma_wait3A_140 = tpu.memref_slice %arg7[%dma_wait3A_135, %rem3A_134, %dma_wait3A_138, %dma_wait3A_139] : memref<4x3x8x1024xf32, #tpu.memory_space<vmem>> -> memref<1x1x8x1024xf32, #tpu.memory_space<vmem>>
    %dma_wait3A_141 = tpu.memref_squeeze %dma_wait3A_140 : memref<1x1x8x1024xf32, #tpu.memory_space<vmem>> -> memref<8x1024xf32, #tpu.memory_space<vmem>>
    %dma_wait3A_142 = arith.constant 0 : i32
    %dma_wait3A_143 = tpu.memref_slice %arg5[%dma_wait3A_136, %mul3A_2, %dma_wait3A_142] : memref<4x4096x1024xf32, #tpu.memory_space<hbm>> -> memref<1x8x1024xf32, #tpu.memory_space<hbm>>
    %dma_wait3A_144 = tpu.memref_squeeze %dma_wait3A_143 : memref<1x8x1024xf32, #tpu.memory_space<hbm>> -> memref<8x1024xf32, #tpu.memory_space<hbm>>
    %dma_wait3A_145 = tpu.memref_slice %arg10[%dma_wait3A_137, %rem3A_134] : memref<4x3x!tpu.dma_semaphore, #tpu.memory_space<semaphore_mem>> -> memref<1x1x!tpu.dma_semaphore, #tpu.memory_space<semaphore_mem>>
    %dma_wait3A_146 = tpu.memref_squeeze %dma_wait3A_145 : memref<1x1x!tpu.dma_semaphore, #tpu.memory_space<semaphore_mem>> -> memref<!tpu.dma_semaphore, #tpu.memory_space<semaphore_mem>>
    %dma_wait3A_147 = arith.constant 0 : i32
    %dma_wait3A_148 = tpu.memref_slice %arg5[%dma_wait3A_136, %mul3A_2, %dma_wait3A_147] : memref<4x4096x1024xf32, #tpu.memory_space<hbm>> -> memref<1x8x1024xf32, #tpu.memory_space<hbm>>
    %dma_wait3A_149 = tpu.memref_squeeze %dma_wait3A_148 : memref<1x8x1024xf32, #tpu.memory_space<hbm>> -> memref<8x1024xf32, #tpu.memory_space<hbm>>
    %dma_wait3A_150 = arith.constant 0 : i32
    %dma_wait3A_151 = arith.constant 0 : i32
    %dma_wait3A_152 = tpu.memref_slice %arg7[%dma_wait3A_135, %rem3A_134, %dma_wait3A_150, %dma_wait3A_151] : memref<4x3x8x1024xf32, #tpu.memory_space<vmem>> -> memref<1x1x8x1024xf32, #tpu.memory_space<vmem>>
    %dma_wait3A_153 = tpu.memref_squeeze %dma_wait3A_152 : memref<1x1x8x1024xf32, #tpu.memory_space<vmem>> -> memref<8x1024xf32, #tpu.memory_space<vmem>>
    tpu.wait_dma2 semaphore(%dma_wait3A_146 : memref<!tpu.dma_semaphore, #tpu.memory_space<semaphore_mem>>) src(%dma_wait3A_153 : memref<8x1024xf32, #tpu.memory_space<vmem>>) dst(%dma_wait3A_149 : memref<8x1024xf32, #tpu.memory_space<hbm>>)
    %rem3A_154 = arith.constant 15 : i32
    %rem3A_155 = arith.constant 3 : i32
    %rem3A_156 = arith.remsi %rem3A_154, %rem3A_155 : i32
    %dma_wait3A_157 = arith.constant 1 : i32
    %dma_wait3A_158 = arith.constant 1 : i32
    %dma_wait3A_159 = arith.constant 1 : i32
    %dma_wait3A_160 = arith.constant 0 : i32
    %dma_wait3A_161 = arith.constant 0 : i32
    %dma_wait3A_162 = tpu.memref_slice %arg7[%dma_wait3A_157, %rem3A_156, %dma_wait3A_160, %dma_wait3A_161] : memref<4x3x8x1024xf32, #tpu.memory_space<vmem>> -> memref<1x1x8x1024xf32, #tpu.memory_space<vmem>>
    %dma_wait3A_163 = tpu.memref_squeeze %dma_wait3A_162 : memref<1x1x8x1024xf32, #tpu.memory_space<vmem>> -> memref<8x1024xf32, #tpu.memory_space<vmem>>
    %dma_wait3A_164 = arith.constant 0 : i32
    %dma_wait3A_165 = tpu.memref_slice %arg5[%dma_wait3A_158, %mul3A_2, %dma_wait3A_164] : memref<4x4096x1024xf32, #tpu.memory_space<hbm>> -> memref<1x8x1024xf32, #tpu.memory_space<hbm>>
    %dma_wait3A_166 = tpu.memref_squeeze %dma_wait3A_165 : memref<1x8x1024xf32, #tpu.memory_space<hbm>> -> memref<8x1024xf32, #tpu.memory_space<hbm>>
    %dma_wait3A_167 = tpu.memref_slice %arg10[%dma_wait3A_159, %rem3A_156] : memref<4x3x!tpu.dma_semaphore, #tpu.memory_space<semaphore_mem>> -> memref<1x1x!tpu.dma_semaphore, #tpu.memory_space<semaphore_mem>>
    %dma_wait3A_168 = tpu.memref_squeeze %dma_wait3A_167 : memref<1x1x!tpu.dma_semaphore, #tpu.memory_space<semaphore_mem>> -> memref<!tpu.dma_semaphore, #tpu.memory_space<semaphore_mem>>
    %dma_wait3A_169 = arith.constant 0 : i32
    %dma_wait3A_170 = tpu.memref_slice %arg5[%dma_wait3A_158, %mul3A_2, %dma_wait3A_169] : memref<4x4096x1024xf32, #tpu.memory_space<hbm>> -> memref<1x8x1024xf32, #tpu.memory_space<hbm>>
    %dma_wait3A_171 = tpu.memref_squeeze %dma_wait3A_170 : memref<1x8x1024xf32, #tpu.memory_space<hbm>> -> memref<8x1024xf32, #tpu.memory_space<hbm>>
    %dma_wait3A_172 = arith.constant 0 : i32
    %dma_wait3A_173 = arith.constant 0 : i32
    %dma_wait3A_174 = tpu.memref_slice %arg7[%dma_wait3A_157, %rem3A_156, %dma_wait3A_172, %dma_wait3A_173] : memref<4x3x8x1024xf32, #tpu.memory_space<vmem>> -> memref<1x1x8x1024xf32, #tpu.memory_space<vmem>>
    %dma_wait3A_175 = tpu.memref_squeeze %dma_wait3A_174 : memref<1x1x8x1024xf32, #tpu.memory_space<vmem>> -> memref<8x1024xf32, #tpu.memory_space<vmem>>
    tpu.wait_dma2 semaphore(%dma_wait3A_168 : memref<!tpu.dma_semaphore, #tpu.memory_space<semaphore_mem>>) src(%dma_wait3A_175 : memref<8x1024xf32, #tpu.memory_space<vmem>>) dst(%dma_wait3A_171 : memref<8x1024xf32, #tpu.memory_space<hbm>>)
    %rem3A_176 = arith.constant 14 : i32
    %rem3A_177 = arith.constant 3 : i32
    %rem3A_178 = arith.remsi %rem3A_176, %rem3A_177 : i32
    %dma_wait3A_179 = arith.constant 2 : i32
    %dma_wait3A_180 = arith.constant 2 : i32
    %dma_wait3A_181 = arith.constant 2 : i32
    %dma_wait3A_182 = arith.constant 0 : i32
    %dma_wait3A_183 = arith.constant 0 : i32
    %dma_wait3A_184 = tpu.memref_slice %arg7[%dma_wait3A_179, %rem3A_178, %dma_wait3A_182, %dma_wait3A_183] : memref<4x3x8x1024xf32, #tpu.memory_space<vmem>> -> memref<1x1x8x1024xf32, #tpu.memory_space<vmem>>
    %dma_wait3A_185 = tpu.memref_squeeze %dma_wait3A_184 : memref<1x1x8x1024xf32, #tpu.memory_space<vmem>> -> memref<8x1024xf32, #tpu.memory_space<vmem>>
    %dma_wait3A_186 = arith.constant 0 : i32
    %dma_wait3A_187 = tpu.memref_slice %arg5[%dma_wait3A_180, %mul3A_2, %dma_wait3A_186] : memref<4x4096x1024xf32, #tpu.memory_space<hbm>> -> memref<1x8x1024xf32, #tpu.memory_space<hbm>>
    %dma_wait3A_188 = tpu.memref_squeeze %dma_wait3A_187 : memref<1x8x1024xf32, #tpu.memory_space<hbm>> -> memref<8x1024xf32, #tpu.memory_space<hbm>>
    %dma_wait3A_189 = tpu.memref_slice %arg10[%dma_wait3A_181, %rem3A_178] : memref<4x3x!tpu.dma_semaphore, #tpu.memory_space<semaphore_mem>> -> memref<1x1x!tpu.dma_semaphore, #tpu.memory_space<semaphore_mem>>
    %dma_wait3A_190 = tpu.memref_squeeze %dma_wait3A_189 : memref<1x1x!tpu.dma_semaphore, #tpu.memory_space<semaphore_mem>> -> memref<!tpu.dma_semaphore, #tpu.memory_space<semaphore_mem>>
    %dma_wait3A_191 = arith.constant 0 : i32
    %dma_wait3A_192 = tpu.memref_slice %arg5[%dma_wait3A_180, %mul3A_2, %dma_wait3A_191] : memref<4x4096x1024xf32, #tpu.memory_space<hbm>> -> memref<1x8x1024xf32, #tpu.memory_space<hbm>>
    %dma_wait3A_193 = tpu.memref_squeeze %dma_wait3A_192 : memref<1x8x1024xf32, #tpu.memory_space<hbm>> -> memref<8x1024xf32, #tpu.memory_space<hbm>>
    %dma_wait3A_194 = arith.constant 0 : i32
    %dma_wait3A_195 = arith.constant 0 : i32
    %dma_wait3A_196 = tpu.memref_slice %arg7[%dma_wait3A_179, %rem3A_178, %dma_wait3A_194, %dma_wait3A_195] : memref<4x3x8x1024xf32, #tpu.memory_space<vmem>> -> memref<1x1x8x1024xf32, #tpu.memory_space<vmem>>
    %dma_wait3A_197 = tpu.memref_squeeze %dma_wait3A_196 : memref<1x1x8x1024xf32, #tpu.memory_space<vmem>> -> memref<8x1024xf32, #tpu.memory_space<vmem>>
    tpu.wait_dma2 semaphore(%dma_wait3A_190 : memref<!tpu.dma_semaphore, #tpu.memory_space<semaphore_mem>>) src(%dma_wait3A_197 : memref<8x1024xf32, #tpu.memory_space<vmem>>) dst(%dma_wait3A_193 : memref<8x1024xf32, #tpu.memory_space<hbm>>)
    %rem3A_198 = arith.constant 15 : i32
    %rem3A_199 = arith.constant 3 : i32
    %rem3A_200 = arith.remsi %rem3A_198, %rem3A_199 : i32
    %dma_wait3A_201 = arith.constant 2 : i32
    %dma_wait3A_202 = arith.constant 2 : i32
    %dma_wait3A_203 = arith.constant 2 : i32
    %dma_wait3A_204 = arith.constant 0 : i32
    %dma_wait3A_205 = arith.constant 0 : i32
    %dma_wait3A_206 = tpu.memref_slice %arg7[%dma_wait3A_201, %rem3A_200, %dma_wait3A_204, %dma_wait3A_205] : memref<4x3x8x1024xf32, #tpu.memory_space<vmem>> -> memref<1x1x8x1024xf32, #tpu.memory_space<vmem>>
    %dma_wait3A_207 = tpu.memref_squeeze %dma_wait3A_206 : memref<1x1x8x1024xf32, #tpu.memory_space<vmem>> -> memref<8x1024xf32, #tpu.memory_space<vmem>>
    %dma_wait3A_208 = arith.constant 0 : i32
    %dma_wait3A_209 = tpu.memref_slice %arg5[%dma_wait3A_202, %mul3A_2, %dma_wait3A_208] : memref<4x4096x1024xf32, #tpu.memory_space<hbm>> -> memref<1x8x1024xf32, #tpu.memory_space<hbm>>
    %dma_wait3A_210 = tpu.memref_squeeze %dma_wait3A_209 : memref<1x8x1024xf32, #tpu.memory_space<hbm>> -> memref<8x1024xf32, #tpu.memory_space<hbm>>
    %dma_wait3A_211 = tpu.memref_slice %arg10[%dma_wait3A_203, %rem3A_200] : memref<4x3x!tpu.dma_semaphore, #tpu.memory_space<semaphore_mem>> -> memref<1x1x!tpu.dma_semaphore, #tpu.memory_space<semaphore_mem>>
    %dma_wait3A_212 = tpu.memref_squeeze %dma_wait3A_211 : memref<1x1x!tpu.dma_semaphore, #tpu.memory_space<semaphore_mem>> -> memref<!tpu.dma_semaphore, #tpu.memory_space<semaphore_mem>>
    %dma_wait3A_213 = arith.constant 0 : i32
    %dma_wait3A_214 = tpu.memref_slice %arg5[%dma_wait3A_202, %mul3A_2, %dma_wait3A_213] : memref<4x4096x1024xf32, #tpu.memory_space<hbm>> -> memref<1x8x1024xf32, #tpu.memory_space<hbm>>
    %dma_wait3A_215 = tpu.memref_squeeze %dma_wait3A_214 : memref<1x8x1024xf32, #tpu.memory_space<hbm>> -> memref<8x1024xf32, #tpu.memory_space<hbm>>
    %dma_wait3A_216 = arith.constant 0 : i32
    %dma_wait3A_217 = arith.constant 0 : i32
    %dma_wait3A_218 = tpu.memref_slice %arg7[%dma_wait3A_201, %rem3A_200, %dma_wait3A_216, %dma_wait3A_217] : memref<4x3x8x1024xf32, #tpu.memory_space<vmem>> -> memref<1x1x8x1024xf32, #tpu.memory_space<vmem>>
    %dma_wait3A_219 = tpu.memref_squeeze %dma_wait3A_218 : memref<1x1x8x1024xf32, #tpu.memory_space<vmem>> -> memref<8x1024xf32, #tpu.memory_space<vmem>>
    tpu.wait_dma2 semaphore(%dma_wait3A_212 : memref<!tpu.dma_semaphore, #tpu.memory_space<semaphore_mem>>) src(%dma_wait3A_219 : memref<8x1024xf32, #tpu.memory_space<vmem>>) dst(%dma_wait3A_215 : memref<8x1024xf32, #tpu.memory_space<hbm>>)
    %rem3A_220 = arith.constant 14 : i32
    %rem3A_221 = arith.constant 3 : i32
    %rem3A_222 = arith.remsi %rem3A_220, %rem3A_221 : i32
    %dma_wait3A_223 = arith.constant 3 : i32
    %dma_wait3A_224 = arith.constant 3 : i32
    %dma_wait3A_225 = arith.constant 3 : i32
    %dma_wait3A_226 = arith.constant 0 : i32
    %dma_wait3A_227 = arith.constant 0 : i32
    %dma_wait3A_228 = tpu.memref_slice %arg7[%dma_wait3A_223, %rem3A_222, %dma_wait3A_226, %dma_wait3A_227] : memref<4x3x8x1024xf32, #tpu.memory_space<vmem>> -> memref<1x1x8x1024xf32, #tpu.memory_space<vmem>>
    %dma_wait3A_229 = tpu.memref_squeeze %dma_wait3A_228 : memref<1x1x8x1024xf32, #tpu.memory_space<vmem>> -> memref<8x1024xf32, #tpu.memory_space<vmem>>
    %dma_wait3A_230 = arith.constant 0 : i32
    %dma_wait3A_231 = tpu.memref_slice %arg5[%dma_wait3A_224, %mul3A_2, %dma_wait3A_230] : memref<4x4096x1024xf32, #tpu.memory_space<hbm>> -> memref<1x8x1024xf32, #tpu.memory_space<hbm>>
    %dma_wait3A_232 = tpu.memref_squeeze %dma_wait3A_231 : memref<1x8x1024xf32, #tpu.memory_space<hbm>> -> memref<8x1024xf32, #tpu.memory_space<hbm>>
    %dma_wait3A_233 = tpu.memref_slice %arg10[%dma_wait3A_225, %rem3A_222] : memref<4x3x!tpu.dma_semaphore, #tpu.memory_space<semaphore_mem>> -> memref<1x1x!tpu.dma_semaphore, #tpu.memory_space<semaphore_mem>>
    %dma_wait3A_234 = tpu.memref_squeeze %dma_wait3A_233 : memref<1x1x!tpu.dma_semaphore, #tpu.memory_space<semaphore_mem>> -> memref<!tpu.dma_semaphore, #tpu.memory_space<semaphore_mem>>
    %dma_wait3A_235 = arith.constant 0 : i32
    %dma_wait3A_236 = tpu.memref_slice %arg5[%dma_wait3A_224, %mul3A_2, %dma_wait3A_235] : memref<4x4096x1024xf32, #tpu.memory_space<hbm>> -> memref<1x8x1024xf32, #tpu.memory_space<hbm>>
    %dma_wait3A_237 = tpu.memref_squeeze %dma_wait3A_236 : memref<1x8x1024xf32, #tpu.memory_space<hbm>> -> memref<8x1024xf32, #tpu.memory_space<hbm>>
    %dma_wait3A_238 = arith.constant 0 : i32
    %dma_wait3A_239 = arith.constant 0 : i32
    %dma_wait3A_240 = tpu.memref_slice %arg7[%dma_wait3A_223, %rem3A_222, %dma_wait3A_238, %dma_wait3A_239] : memref<4x3x8x1024xf32, #tpu.memory_space<vmem>> -> memref<1x1x8x1024xf32, #tpu.memory_space<vmem>>
    %dma_wait3A_241 = tpu.memref_squeeze %dma_wait3A_240 : memref<1x1x8x1024xf32, #tpu.memory_space<vmem>> -> memref<8x1024xf32, #tpu.memory_space<vmem>>
    tpu.wait_dma2 semaphore(%dma_wait3A_234 : memref<!tpu.dma_semaphore, #tpu.memory_space<semaphore_mem>>) src(%dma_wait3A_241 : memref<8x1024xf32, #tpu.memory_space<vmem>>) dst(%dma_wait3A_237 : memref<8x1024xf32, #tpu.memory_space<hbm>>)
    %rem3A_242 = arith.constant 15 : i32
    %rem3A_243 = arith.constant 3 : i32
    %rem3A_244 = arith.remsi %rem3A_242, %rem3A_243 : i32
    %dma_wait3A_245 = arith.constant 3 : i32
    %dma_wait3A_246 = arith.constant 3 : i32
    %dma_wait3A_247 = arith.constant 3 : i32
    %dma_wait3A_248 = arith.constant 0 : i32
    %dma_wait3A_249 = arith.constant 0 : i32
    %dma_wait3A_250 = tpu.memref_slice %arg7[%dma_wait3A_245, %rem3A_244, %dma_wait3A_248, %dma_wait3A_249] : memref<4x3x8x1024xf32, #tpu.memory_space<vmem>> -> memref<1x1x8x1024xf32, #tpu.memory_space<vmem>>
    %dma_wait3A_251 = tpu.memref_squeeze %dma_wait3A_250 : memref<1x1x8x1024xf32, #tpu.memory_space<vmem>> -> memref<8x1024xf32, #tpu.memory_space<vmem>>
    %dma_wait3A_252 = arith.constant 0 : i32
    %dma_wait3A_253 = tpu.memref_slice %arg5[%dma_wait3A_246, %mul3A_2, %dma_wait3A_252] : memref<4x4096x1024xf32, #tpu.memory_space<hbm>> -> memref<1x8x1024xf32, #tpu.memory_space<hbm>>
    %dma_wait3A_254 = tpu.memref_squeeze %dma_wait3A_253 : memref<1x8x1024xf32, #tpu.memory_space<hbm>> -> memref<8x1024xf32, #tpu.memory_space<hbm>>
    %dma_wait3A_255 = tpu.memref_slice %arg10[%dma_wait3A_247, %rem3A_244] : memref<4x3x!tpu.dma_semaphore, #tpu.memory_space<semaphore_mem>> -> memref<1x1x!tpu.dma_semaphore, #tpu.memory_space<semaphore_mem>>
    %dma_wait3A_256 = tpu.memref_squeeze %dma_wait3A_255 : memref<1x1x!tpu.dma_semaphore, #tpu.memory_space<semaphore_mem>> -> memref<!tpu.dma_semaphore, #tpu.memory_space<semaphore_mem>>
    %dma_wait3A_257 = arith.constant 0 : i32
    %dma_wait3A_258 = tpu.memref_slice %arg5[%dma_wait3A_246, %mul3A_2, %dma_wait3A_257] : memref<4x4096x1024xf32, #tpu.memory_space<hbm>> -> memref<1x8x1024xf32, #tpu.memory_space<hbm>>
    %dma_wait3A_259 = tpu.memref_squeeze %dma_wait3A_258 : memref<1x8x1024xf32, #tpu.memory_space<hbm>> -> memref<8x1024xf32, #tpu.memory_space<hbm>>
    %dma_wait3A_260 = arith.constant 0 : i32
    %dma_wait3A_261 = arith.constant 0 : i32
    %dma_wait3A_262 = tpu.memref_slice %arg7[%dma_wait3A_245, %rem3A_244, %dma_wait3A_260, %dma_wait3A_261] : memref<4x3x8x1024xf32, #tpu.memory_space<vmem>> -> memref<1x1x8x1024xf32, #tpu.memory_space<vmem>>
    %dma_wait3A_263 = tpu.memref_squeeze %dma_wait3A_262 : memref<1x1x8x1024xf32, #tpu.memory_space<vmem>> -> memref<8x1024xf32, #tpu.memory_space<vmem>>
    tpu.wait_dma2 semaphore(%dma_wait3A_256 : memref<!tpu.dma_semaphore, #tpu.memory_space<semaphore_mem>>) src(%dma_wait3A_263 : memref<8x1024xf32, #tpu.memory_space<vmem>>) dst(%dma_wait3A_259 : memref<8x1024xf32, #tpu.memory_space<hbm>>)
    return
  }
}

</mosaic_0001>

<sc_bundles>
// kernel: kernel.3.cloned.1.call-start
scs
__scs_entry_jumppad:
0x0: {  	(pc) =	sbr.rel $0x88, $3  }
0x1: {  	(tag) =	ssettag $0x0;
	lr =	simm.s32 $0x1  }
0x2: {  	[smem:$0x3F9E] =	sst lr;
	_ =	strace $0xD0000000  }
0x3: {  	_ = 	snop  }
0x4: {  	_ = 	snop  }
0x5: {  	_ = 	snop  }
0x6: {  	_ = 	snop  }
0x7: {  	_ = 	snop  }
__scs_overlays_trampoline_lowered:
0x8: {  	[smem:$0x3FAD] =	sst s0  }
0x9: {  	[smem:$0x3FAE] =	sst s1  }
0xa: {  	[smem:$0x3FAF] =	sst s2  }
0xb: {  	[smem:$0x3FB0] =	sst s3  }
0xc: {  	[smem:$0x3FB1] =	sst s4  }
0xd: {  	[smem:$0x3FB2] =	sst s5  }
0xe: {  	[smem:$0x3FB3] =	sst s6  }
0xf: {  	[smem:$0x3FB4] =	sst s7  }
0x10: {  	[smem:$0x3FB5] =	sst s8  }
0x11: {  	[smem:$0x3FB6] =	sst s9;
	s0 =	simm.s32 @!p0 $0x0  }
0x12: {  	s1 =	sld [smem:$0x3F9C];
	s0 =	simm.s32 @p0 $0x1  }
0x13: {  	[smem:$0x3FB7] =	sst s0;
	s0 =	simm.s32 @!p1 $0x0  }
0x14: {  	s2 =	sld [smem:$0x3F9B];
	s0 =	simm.s32 @p1 $0x1  }
0x15: {  	[smem:$0x3FB8] =	sst s0;
	s0 =	simm.s32 @!p2 $0x0  }
0x16: {  	s3 =	sld [smem:$0x3FDB];
	s0 =	simm.s32 @p2 $0x1  }
0x17: {  	s4 =	simm.s32 $0x1BF5;
	[smem:$0x3FBA] =	sst s0  }
0x18: {  	s0 =	sld [smem:$0x3F9D];
	_ =	swait.ge [sflag:s4], $0x0  }
0x19: {  	s7 =	sld [smem:$0x3F9E]  }
0x1a: {  	s8 =	sadd.s32 $0xFFFFE003, lr  }
0x1b: {  	s9 =	sadd.s32 $0xFFFFFEF7, lr;
	s5 =	simm.s32 $0xFFFFFFFF;
	p2 =	slt.u32 s8, $0xFFFFF086  }
0x1c: {  	p1 =	slt.u32 s9, $0xF7A;
	s5 =	simm.s32 @!p2 $0x0  }
0x1d: {  	s5 =	simm.s32 @p1 $0x1;
	p0 =	seq.s32 s7, s2  }
0x1e: {  	s7 =	smul.u32 @!p0 $0xF7A, s2;
	p2 =	seq.s32 @!p0 s5, $0x0  }
0x1f: {  	s9 =	smul.u32 $0xF7A, s1;
	s8 =	simm.s32 @!p0 $0x1BF5;
	p2 =	por !p2, p0  }
0x20: {  	[sflag:s8] =	ssyncset.s32 @!p0 $0xFFFFF086;
	s6 =	sadd.s32 @!p0 s3, s7;
	s7 =	simm.s32 @!p0 $0x108  }
0x21: {  	s3 =	sadd.s32 s3, s9;
	s6 =	sadd.s32 @!p0 $0x88, s6;
	s7 =	simm.s32 @p2 $0x1082  }
0x22: {  	[simem:s7], [sflag:s8] =	dma.local @!p0 [hbm:s6], $0xF7A  }
0x23: {  	s9 =	sor.u32 $0xD0000000, s2;
	s6 =	simm.s32 $0x108;
	_ =	swait.ge @!p0 [sflag:s8], $0x0  }
0x24: {  	s3 =	sadd.s32 $0x88, s3;
	s6 =	simm.s32 @!p1 $0x1082;
	[sflag:s4] =	ssyncset.s32 $0xFFFFF086  }
0x25: {  	[simem:s6], [sflag:s4] =	dma.local [hbm:s3], $0xF7A  }
0x26: {  	[smem:$0x3F9E] =	sst s1;
	(tag) =	ssettag s2;
	_ =	strace s9  }
0x27: {  	s1 =	sld [smem:$0x3FAE]  }
0x28: {  	s2 =	sld [smem:$0x3FAF]  }
0x29: {  	s4 =	sld [smem:$0x3FB1]  }
0x2a: {  	p0 =	seq.s32 s5, $0x0;
	s5 =	sld [smem:$0x3FB2]  }
0x2b: {  	s6 =	sld [smem:$0x3FB3]  }
0x2c: {  	s7 =	sld [smem:$0x3FB4]  }
0x2d: {  	s3 =	simm.s32 $0x108;
	s8 =	sld [smem:$0x3FB5]  }
0x2e: {  	s3 =	simm.s32 @!p0 $0x1082;
	s9 =	sld [smem:$0x3FB6]  }
0x2f: {  	lr =	sadd.s32 s0, s3;
	s0 =	sld [smem:$0x3FAD]  }
0x30: {  	s3 =	sld [smem:$0x3FB0]  }
0x31: {  	[smem:$0x3FB9] =	sst s10  }
0x32: {  	s10 =	sld [smem:$0x3FB7];
	_ =	sdelay $0x3  }
0x33: {  	p0 =	seq.s32 s10, $0x1;
	s10 =	sld [smem:$0x3FB9];
	_ =	sdelay $0x3  }
0x34: {  	[smem:$0x3FB9] =	sst s10  }
0x35: {  	s10 =	sld [smem:$0x3FB8];
	_ =	sdelay $0x3  }
0x36: {  	p1 =	seq.s32 s10, $0x1;
	s10 =	sld [smem:$0x3FB9];
	_ =	sdelay $0x3  }
0x37: {  	[smem:$0x3FB9] =	sst s10  }
0x38: {  	s10 =	sld [smem:$0x3FBA]  }
0x39: {  	_ = 	snop;
	(pc) =	sbr.ind lr, $3  }
0x3a: {  	_ = 	snop  }
0x3b: {  	_ = 	snop  }
0x3c: {  	p2 =	seq.s32 s10, $0x1;
	s10 =	sld [smem:$0x3FB9]  }
0x3d: {  	_ =	shalt  }
0x3e: {  	_ =	shalt  }
0x3f: {  	_ =	shalt  }
0x40: {  	_ =	shalt  }
0x41: {  	_ =	shalt  }
0x42: {  	_ =	shalt  }
0x43: {  	_ =	shalt  }
0x44: {  	_ =	shalt  }
0x45: {  	_ =	shalt  }
0x46: {  	_ =	shalt  }
0x47: {  	_ =	shalt  }
0x48: {  	_ =	shalt  }
0x49: {  	_ =	shalt  }
0x4a: {  	_ =	shalt  }
0x4b: {  	_ =	shalt  }
0x4c: {  	_ =	shalt  }
0x4d: {  	_ =	shalt  }
0x4e: {  	_ =	shalt  }
0x4f: {  	_ =	shalt  }
0x50: {  	_ =	shalt  }
0x51: {  	_ =	shalt  }
0x52: {  	_ =	shalt  }
0x53: {  	_ =	shalt  }
0x54: {  	_ =	shalt  }
0x55: {  	_ =	shalt  }
0x56: {  	_ =	shalt  }
0x57: {  	_ =	shalt  }
0x58: {  	_ =	shalt  }
0x59: {  	_ =	shalt  }
0x5a: {  	_ =	shalt  }
0x5b: {  	_ =	shalt  }
0x5c: {  	_ =	shalt  }
0x5d: {  	_ =	shalt  }
0x5e: {  	_ =	shalt  }
0x5f: {  	_ =	shalt  }
0x60: {  	_ =	shalt  }
0x61: {  	_ =	shalt  }
0x62: {  	_ =	shalt  }
0x63: {  	_ =	shalt  }
0x64: {  	_ =	shalt  }
0x65: {  	_ =	shalt  }
0x66: {  	_ =	shalt  }
0x67: {  	_ =	shalt  }
0x68: {  	_ =	shalt  }
0x69: {  	_ =	shalt  }
0x6a: {  	_ =	shalt  }
0x6b: {  	_ =	shalt  }
0x6c: {  	_ =	shalt  }
0x6d: {  	_ =	shalt  }
0x6e: {  	_ =	shalt  }
0x6f: {  	_ =	shalt  }
0x70: {  	_ =	shalt  }
0x71: {  	_ =	shalt  }
0x72: {  	_ =	shalt  }
0x73: {  	_ =	shalt  }
0x74: {  	_ =	shalt  }
0x75: {  	_ =	shalt  }
0x76: {  	_ =	shalt  }
0x77: {  	_ =	shalt  }
0x78: {  	_ =	shalt  }
0x79: {  	_ =	shalt  }
0x7a: {  	_ =	shalt  }
0x7b: {  	_ =	shalt  }
0x7c: {  	_ =	shalt  }
0x7d: {  	_ =	shalt  }
0x7e: {  	_ =	shalt  }
0x7f: {  	_ =	shalt  }
0x80: {  	_ =	shalt  }
0x81: {  	_ =	shalt  }
0x82: {  	_ =	shalt  }
0x83: {  	_ =	shalt  }
0x84: {  	_ =	shalt  }
0x85: {  	_ =	shalt  }
0x86: {  	_ =	shalt  }
0x87: {  	_ =	shalt  }
.Lfunc_end0:
.L_simem_size_0:
called_computation_lowered:
.L_overlay_start_0:
0x88: {  	s2 =	sld [smem:$0x3FD9]  }
0x89: {  	s3 =	sld [smem:$0x3FFE];
	_ =	sdelay $0x1  }
0x8a: {  	s1 =	srdreg.scid  }
0x8b: {  	s0 =	sand.u32 $0x1, s1  }
0x8c: {  	s18 =	sshll.u32 s0, $0xA;
	s2 =	sadd.s32 s3, s2  }
0x8d: {  	s2 =	sadd.s32 s2, s18  }
0x8e: {  	[smem:$0x3FC5] =	sst s2  }
0x8f: {  	_ = 	snop  }
0x90: {  	s2 =	sld [smem:$0x3FC9]  }
0x91: {  	s19 =	sld [smem:$0x3FC8]  }
0x92: {  	s4 =	sld [smem:$0x3FC7]  }
0x93: {  	s5 =	sld [smem:$0x3FD0];
	(tm) =	ssettm $0x1  }
0x94: {  	s6 =	sld [smem:$0x3FFB];
	_ =	sdelay $0x3  }
0x95: {  	_ =	strace s6  }
0x96: {  	s6 =	sld [smem:$0x3FFC];
	_ =	sdelay $0x3  }
0x97: {  	_ =	strace s6  }
0x98: {  	s6 =	sld [smem:$0x3FFD];
	_ =	sdelay $0x3  }
0x99: {  	_ =	strace s6  }
0x9a: {  	_ =	strace $0x8FFFFFFF  }
0x9b: {  	s20 =	sld [smem:$0x3FDB];
	_ =	sdelay $0x1  }
0x9c: {  	s7 =	simm.s32 $_scs_section_size  }
0x9d: {  	s8 =	simm.s32 $_size__tile_overlayer_lowered;
	s9 =	simm.s32 $_tile_overlayer_lowered  }
0x9e: {  	s23 =	simm.s32 $0x1BFF;
	s22 =	sshll.u32 s9, $0x1;
	s6 =	sadd.s32 s7, s20  }
0x9f: {  	s10 =	simm.s32 $0x0;
	s21 =	sshll.u32 s8, $0x1;
	s8 =	sadd.s32 s22, s6  }
0xa0: {  	[timem:s10], [sflag:s23] =	dma.local [hbm:s8], s21  }
0xa1: {  	_ =	swait.ge [sflag:s23], s21  }
0xa2: {  	s7 =	ssub.s32 $0x0, s21;
	[sflag:s23] =	ssyncset.done $0x0  }
0xa3: {  	[sflag:s23] =	ssyncadd.s32 s7;
	_ =	sdelay $0x1  }
0xa4: {  	s24 =	simm.s32 $0x1B8B  }
0xa5: {  	_ =	swait.ge [sflag:s24], $0x1  }
0xa6: {  	[sflag:s24] =	ssyncset.done $0x0  }
0xa7: {  	s25 =	simm.s32 $0x1B8E;
	[sflag:s24] =	ssyncadd.s32 $0xFFFFFFFF  }
0xa8: {  	s26 =	simm.s32 $execute0_lowered;
	[smem:$0x3FD2] =	sst s25  }
0xa9: {  	s7 =	sshll.u32 s26, $0x1;
	_ =	strace $0x80000046;
	[dreg:$0x1] =	wrdreg $0xFFFFFFFF  }
0xaa: {  	s28 =	simm.s32 $_size_execute0_lowered;
	s6 =	sadd.s32 s6, s7;
	[dreg:$0x0] =	wrdreg $0x0  }
0xab: {  	s7 =	sshll.u32 s28, $0x1;
	[dreg:$0x2] =	wrdreg s6  }
0xac: {  	[dreg:$0x3] =	wrdreg s7  }
0xad: {  	[dreg:$0x4] =	wrdreg $0xC0  }
0xae: {  	_ =	task [dreg:s10], $0x5FFFF  }
0xaf: {  	[dreg:$0x1] =	wrdreg $0xFFFFFFFF  }
0xb0: {  	[dreg:$0x0] =	wrdreg $0x60  }
0xb1: {  	[dreg:$0x2] =	wrdreg s19  }
0xb2: {  	[dreg:$0x3] =	wrdreg s4  }
0xb3: {  	[dreg:$0x4] =	wrdreg s2  }
0xb4: {  	[dreg:$0x5] =	wrdreg s5  }
0xb5: {  	[dreg:$0x6] =	wrdreg $0x9  }
0xb6: {  	_ =	task.clear_ibuf [dreg:s10], $0x7FFFF;
	_ =	strace $0x90000046  }
0xb7: {  	s29 =	simm.s32 $0x9;
	_ =	strace $0x80000048  }
0xb8: {  	_ =	swait.ge [sflag:s29], $0x1  }
0xb9: {  	[sflag:s29] =	ssyncadd.s32 $0xFFFFFFFF  }
0xba: {  	_ =	strace $0x90000048  }
0xbb: {  	_ =	sfence  }
0xbc: {  	s30 =	sld [smem:$0x0];
	_ =	sdelay $0x2  }
0xbd: {  	s31 =	sshll.u32 s1, $0xD;
	s1 =	sshrl.u32 s1, $0x2  }
0xbe: {  	s3 =	sand.u32 $0x4000, s31;
	s1 =	sadd.s32 s1, s30  }
0xbf: {  	s0 =	sor.u32 s3, s0;
	s1 =	sshll.u32 s1, $0x11  }
0xc0: {  	s0 =	sor.u32 s1, s0  }
0xc1: {  	s0 =	sadd.s32 $0x8F2B, s0  }
0xc2: {  	[sflag:s0] =	ssyncadd.remote.s32 $0x1  }
0xc3: {  	_ =	sfence.sel $0xFFFF  }
0xc4: {  	[dreg:$0x0] =	wrdreg $0xFFFFFFFF;
	(pc) =	sbr.abs _section_cstart, $3  }
0xc5: {  	[dreg:$0x1] =	wrdreg $0xFFFFFFFF  }
0xc6: {  	_ =	task.clear_ibuf [dreg:s10], $0x2FFFF;
	_ =	strace $0x9FFFFFFF  }
0xc7: {  	(tm) =	ssettm $0x7FFFFFFF  }
tec
execute0_lowered:
.L_overlay_start_1:
0x0: {  	(tag) =	ssettag $0x1  }
0x1: {  	s1 =	rddreg [dreg:$0x0]  }
0x2: {  	s2 =	rddreg [dreg:$0x1]  }
0x3: {  	s0 =	rddreg [dreg:$0x2]  }
0x4: {  	s4 =	rddreg [dreg:$0x3]  }
0x5: {  	s3 =	srdreg.scid;
	s5 =	simm.s32 $0x0;
	s6 =	stileid.u32  }
0x6: {  	s20 =	simm.s32 $0x15;
	s21 =	simm.s32 $0x13;
	s22 =	simm.s32 $0x18  }
0x7: {  	s23 =	simm.s32 $0x16;
	s24 =	simm.s32 $0x0;
	s3 =	sand.u32 $0x1, s3  }
0x8: {  	[smem:$0x7FF] =	sst s5;
	s6 =	sshll.u32 s6, $0x8;
	s7 =	sshll.u32 s3, $0x7  }
0x9: {  	s10 =	sadd.s32 $0x200, s1;
	s11 =	sadd.s32 $0x300, s1;
	s6 =	sor.u32 s7, s6  }
0xa: {  	_ =	strace $0x80000047;
	s3 =	ssub.s32 $0x2, s3;
	s8 =	sshll.u32 s6, $0x7  }
0xb: {  	s29 =	sshrl.u32 s3, $0x1;
	s9 =	sshrl.u32 s6, $0x1;
	s30 =	sadd.s32 s2, s8  }
0xc: {  	v0 =	vlaneseq.u32;
	s3 =	ssub.s32 s3, s29;
	s0 =	sadd.s32 s0, s9;
	[dreg:$0x5] =	wrdreg s30  }
0xd: {  	s13 =	sadd.s32 $0x180000, s4;
	v1 =	vshrl.u32 v0, $0x3;
	s31 =	smax.u32 s3, $0x1;
	[dreg:$0x6] =	wrdreg s0  }
0xe: {  	vm0 =	vmmov $0xffff;
	v0 =	vand.u32 $0x7, v0;
	v1 =	vmul.u32 $0x8, v1;
	s12 =	sshrl.u32 s6, $0x3;
	s9 =	sadd.s32 $0x100, s1;
	[dreg:$0x7] =	wrdreg s31  }
.LBB2_1:
0xf: {  	s0 =	rddreg [dreg:$0x5];
	s3 =	simm.s32 $0x18200  }
0x10: {  	[tilespmem:s3], [sflag:$0x19] =	stream.linear.gather [hbm4b:s0+s5], $0x2000, $0x38;
	[tilespmem:$0x1C200] =	vst v63  }
0x11: {  	s29 =	rddreg [dreg:$0x6];
	s30 =	simm.s32 $0x1B  }
0x12: {  	[tilespmem:s5], [sflag:$0x1B] =	stream.linear.gather [hbm4b:s29+s5], $0x200, $0x38;
	[tilespmem:$0x1C200] =	vst v63  }
0x13: {  	_ =	swait.ge [sflag:s30], $0x200  }
0x14: {  	[sflag:s30] =	ssyncset.done $0x0  }
0x15: {  	[sflag:s30] =	ssyncadd.s32 $0xFFFFFE00  }
0x16: {  	v2 =	vld.msk [tilespmem:$0x0], $0xff;
	_ =	sdelay $0x4  }
0x17: {  	v3 =	vshll.u32 v2, $0x3  }
0x18: {  	v2 =	vand.u32 $0x7, v2;
	v3 =	vand.u32 $0xFFFFFFC0, v3  }
0x19: {  	v2 =	vor.u32 v2, v3  }
0x1a: {  	v2 =	vperm.xlane v2, v0;
	_ =	sdelay $0x1  }
0x1b: {  	v2 =	vadd.s32 v1, v2;
	_ =	sdelay $0x3  }
0x1c: {  	s31 =	simm.s32 $0x200  }
0x1d: {  	[tilespmem:s31], [sflag:$0x1] =	stream.indirect_vreg.gather [hbm4b:s1+s5], $0x80, v2, vm0, $0xb8;
	[tilespmem:$0x1C200] =	vst v63  }
0x1e: {  	s3 =	simm.s32 $0xA00  }
0x1f: {  	[tilespmem:s3], [sflag:$0x1] =	stream.indirect_vreg.gather [hbm4b:s9+s5], $0x80, v2, vm0, $0xb8;
	[tilespmem:$0x1C200] =	vst v63  }
0x20: {  	s7 =	simm.s32 $0x1200  }
0x21: {  	[tilespmem:s7], [sflag:$0x1] =	stream.indirect_vreg.gather [hbm4b:s10+s5], $0x80, v2, vm0, $0xb8;
	[tilespmem:$0x1C200] =	vst v63  }
0x22: {  	s8 =	simm.s32 $0x1A00  }
0x23: {  	[tilespmem:s8], [sflag:$0x1] =	stream.indirect_vreg.gather [hbm4b:s11+s5], $0x80, v2, vm0, $0xb8;
	[tilespmem:$0x1C200] =	vst v63  }
0x24: {  	v2 =	vld.msk [tilespmem:$0x80], $0xff;
	_ =	sdelay $0x4  }
0x25: {  	v3 =	vshll.u32 v2, $0x3  }
0x26: {  	v2 =	vand.u32 $0x7, v2;
	v3 =	vand.u32 $0xFFFFFFC0, v3  }
0x27: {  	v2 =	vor.u32 v2, v3  }
0x28: {  	v2 =	vperm.xlane v2, v0;
	_ =	sdelay $0x1  }
0x29: {  	v2 =	vadd.s32 v1, v2;
	_ =	sdelay $0x3  }
0x2a: {  	s14 =	simm.s32 $0x6200  }
0x2b: {  	[tilespmem:s14], [sflag:$0x4] =	stream.indirect_vreg.gather [hbm4b:s1+s5], $0x80, v2, vm0, $0xb8;
	[tilespmem:$0x1C200] =	vst v63  }
0x2c: {  	s15 =	simm.s32 $0x6A00  }
0x2d: {  	[tilespmem:s15], [sflag:$0x4] =	stream.indirect_vreg.gather [hbm4b:s9+s5], $0x80, v2, vm0, $0xb8;
	[tilespmem:$0x1C200] =	vst v63  }
0x2e: {  	s16 =	simm.s32 $0x7200  }
0x2f: {  	[tilespmem:s16], [sflag:$0x4] =	stream.indirect_vreg.gather [hbm4b:s10+s5], $0x80, v2, vm0, $0xb8;
	[tilespmem:$0x1C200] =	vst v63  }
0x30: {  	s17 =	simm.s32 $0x7A00  }
0x31: {  	[tilespmem:s17], [sflag:$0x4] =	stream.indirect_vreg.gather [hbm4b:s11+s5], $0x80, v2, vm0, $0xb8;
	[tilespmem:$0x1C200] =	vst v63  }
0x32: {  	v2 =	vld.msk [tilespmem:$0x100], $0xff;
	_ =	sdelay $0x4  }
0x33: {  	v3 =	vshll.u32 v2, $0x3  }
0x34: {  	v2 =	vand.u32 $0x7, v2;
	v3 =	vand.u32 $0xFFFFFFC0, v3  }
0x35: {  	v2 =	vor.u32 v2, v3  }
0x36: {  	v2 =	vperm.xlane v2, v0;
	_ =	sdelay $0x1  }
0x37: {  	v2 =	vadd.s32 v1, v2;
	_ =	sdelay $0x3  }
0x38: {  	s18 =	simm.s32 $0xC200  }
0x39: {  	[tilespmem:s18], [sflag:$0x7] =	stream.indirect_vreg.gather [hbm4b:s1+s5], $0x80, v2, vm0, $0xb8;
	[tilespmem:$0x1C200] =	vst v63  }
0x3a: {  	s19 =	simm.s32 $0xCA00  }
0x3b: {  	[tilespmem:s19], [sflag:$0x7] =	stream.indirect_vreg.gather [hbm4b:s9+s5], $0x80, v2, vm0, $0xb8;
	[tilespmem:$0x1C200] =	vst v63  }
0x3c: {  	s25 =	simm.s32 $0xD200  }
0x3d: {  	[tilespmem:s25], [sflag:$0x7] =	stream.indirect_vreg.gather [hbm4b:s10+s5], $0x80, v2, vm0, $0xb8;
	[tilespmem:$0x1C200] =	vst v63  }
0x3e: {  	s26 =	simm.s32 $0xDA00  }
0x3f: {  	[tilespmem:s26], [sflag:$0x7] =	stream.indirect_vreg.gather [hbm4b:s11+s5], $0x80, v2, vm0, $0xb8;
	[tilespmem:$0x1C200] =	vst v63  }
0x40: {  	v2 =	vld.msk [tilespmem:$0x180], $0xff;
	_ =	sdelay $0x4  }
0x41: {  	v3 =	vshll.u32 v2, $0x3  }
0x42: {  	v2 =	vand.u32 $0x7, v2;
	v3 =	vand.u32 $0xFFFFFFC0, v3  }
0x43: {  	v2 =	vor.u32 v2, v3  }
0x44: {  	v2 =	vperm.xlane v2, v0;
	_ =	sdelay $0x1  }
0x45: {  	v2 =	vadd.s32 v1, v2;
	_ =	sdelay $0x3  }
0x46: {  	s28 =	simm.s32 $0x12200  }
0x47: {  	[tilespmem:s28], [sflag:$0xA] =	stream.indirect_vreg.gather [hbm4b:s1+s5], $0x80, v2, vm0, $0xb8;
	[tilespmem:$0x1C200] =	vst v63  }
0x48: {  	s29 =	simm.s32 $0x12A00  }
0x49: {  	[tilespmem:s29], [sflag:$0xA] =	stream.indirect_vreg.gather [hbm4b:s9+s5], $0x80, v2, vm0, $0xb8;
	[tilespmem:$0x1C200] =	vst v63  }
0x4a: {  	s30 =	simm.s32 $0x13200  }
0x4b: {  	[tilespmem:s30], [sflag:$0xA] =	stream.indirect_vreg.gather [hbm4b:s10+s5], $0x80, v2, vm0, $0xb8;
	[tilespmem:$0x1C200] =	vst v63  }
0x4c: {  	s31 =	simm.s32 $0x13A00;
	s25 =	simm.s32 $0x0  }
0x4d: {  	[tilespmem:s31], [sflag:$0xA] =	stream.indirect_vreg.gather [hbm4b:s11+s5], $0x80, v2, vm0, $0xb8;
	[tilespmem:$0x1C200] =	vst v63  }
.LBB2_2:
0x4e: {  	p0 =	seq.s32 s25, $0xF  }
.Ltmp0:
0x4f: {  	s0 =	sand.u32 $0x1, s25;
	(pc) =	sbr.rel @p0 .LBB2_4-.Ltmp0, $4  }
0x50: {  	s7 =	sadd.s32 $0x19, s0  }
0x51: {  	_ =	swait.ge [sflag:s7], $0x2000  }
0x52: {  	[sflag:s7] =	ssyncset.done $0x0  }
0x53: {  	s3 =	smul.u32 $0xAB, s25;
	s26 =	sadd.s32 $0x1, s25;
	[sflag:s7] =	ssyncadd.s32 $0xFFFFE000  }
0x54: {  	_ = 	snop  }
0x55: {  	s8 =	sshll.u32 s26, $0x3;
	s14 =	sxor.u32 $0x1, s0;
	s7 =	sadd.s32 $0xAB, s3  }
0x56: {  	s15 =	sadd.s32 s6, s8;
	s16 =	sshll.u32 s14, $0xD;
	s7 =	sshrl.u32 s7, $0x9  }
0x57: {  	s14 =	sadd.s32 $0x19, s14;
	s15 =	sshll.u32 s15, $0x7;
	s7 =	sand.u32 $0x7F, s7  }
0x58: {  	s16 =	sor.u32 $0x18200, s16;
	s15 =	sadd.s32 s2, s15;
	s7 =	smul.u32 $0x3, s7  }
0x59: {  	[tilespmem:s16], [sflag:s14] =	stream.linear.gather [hbm4b:s15+s5], $0x2000, $0x38;
	[tilespmem:$0x1C200] =	vst v63  }
0x5a: {  	s7 =	ssub.s32 s26, s7  }
0x5b: {  	p0 =	slt.u32 s25, $0x2;
	s7 =	sand.u32 $0xFF, s7  }
0x5c: {  	s14 =	sadd.s32 @!p0 $0xD, s7  }
0x5d: {  	_ =	swait.ge @!p0 [sflag:s14], $0x2000  }
0x5e: {  	[sflag:s14] =	ssyncset.done @!p0 $0x0  }
0x5f: {  	[sflag:s14] =	ssyncadd.s32 @!p0 $0xFFFFE000;
	s14 =	sadd.s32 @!p0 $0x10, s7  }
0x60: {  	_ =	swait.ge @!p0 [sflag:s14], $0x2000  }
0x61: {  	[sflag:s14] =	ssyncset.done @!p0 $0x0  }
0x62: {  	[sflag:s14] =	ssyncadd.s32 @!p0 $0xFFFFE000;
	s14 =	sadd.s32 @!p0 $0x13, s7  }
0x63: {  	_ =	swait.ge @!p0 [sflag:s14], $0x2000  }
0x64: {  	[sflag:s14] =	ssyncset.done @!p0 $0x0  }
0x65: {  	[sflag:s14] =	ssyncadd.s32 @!p0 $0xFFFFE000;
	s14 =	sadd.s32 @!p0 $0x16, s7  }
0x66: {  	_ =	swait.ge @!p0 [sflag:s14], $0x2000  }
0x67: {  	[sflag:s14] =	ssyncset.done @!p0 $0x0  }
0x68: {  	[sflag:s14] =	ssyncadd.s32 @!p0 $0xFFFFE000  }
0x69: {  	v2 =	vld.msk [tilespmem:s8+$0x0], $0xff;
	_ =	sdelay $0x4  }
0x6a: {  	v3 =	vshll.u32 v2, $0x3  }
0x6b: {  	v2 =	vand.u32 $0x7, v2;
	v3 =	vand.u32 $0xFFFFFFC0, v3  }
0x6c: {  	v2 =	vor.u32 v2, v3  }
0x6d: {  	v2 =	vperm.xlane v2, v0;
	_ =	sdelay $0x1  }
0x6e: {  	v2 =	vadd.s32 v1, v2;
	_ =	sdelay $0x2  }
0x6f: {  	s14 =	sshll.u32 s7, $0xD  }
0x70: {  	s28 =	sadd.s32 $0x1, s7;
	s19 =	sor.u32 $0x200, s14  }
0x71: {  	[tilespmem:s19], [sflag:s28] =	stream.indirect_vreg.gather [hbm4b:s1+s5], $0x80, v2, vm0, $0xb8;
	[tilespmem:$0x1C200] =	vst v63  }
0x72: {  	s29 =	sor.u32 $0xA00, s14  }
0x73: {  	[tilespmem:s29], [sflag:s28] =	stream.indirect_vreg.gather [hbm4b:s9+s5], $0x80, v2, vm0, $0xb8;
	[tilespmem:$0x1C200] =	vst v63  }
0x74: {  	s30 =	sor.u32 $0x1200, s14  }
0x75: {  	[tilespmem:s30], [sflag:s28] =	stream.indirect_vreg.gather [hbm4b:s10+s5], $0x80, v2, vm0, $0xb8;
	[tilespmem:$0x1C200] =	vst v63  }
0x76: {  	s31 =	sor.u32 $0x1A00, s14;
	s8 =	sand.u32 $0xF8, s8  }
0x77: {  	[tilespmem:s31], [sflag:s28] =	stream.indirect_vreg.gather [hbm4b:s11+s5], $0x80, v2, vm0, $0xb8;
	[tilespmem:$0x1C200] =	vst v63  }
0x78: {  	v2 =	vld.msk [tilespmem:s8+$0x80], $0xff;
	_ =	sdelay $0x4  }
0x79: {  	v3 =	vshll.u32 v2, $0x3  }
0x7a: {  	v2 =	vand.u32 $0x7, v2;
	v3 =	vand.u32 $0xFFFFFFC0, v3  }
0x7b: {  	v2 =	vor.u32 v2, v3  }
0x7c: {  	v2 =	vperm.xlane v2, v0;
	_ =	sdelay $0x1  }
0x7d: {  	v2 =	vadd.s32 v1, v2;
	_ =	sdelay $0x3  }
0x7e: {  	s17 =	sadd.s32 $0x4, s7;
	s16 =	sadd.s32 $0x6200, s14  }
0x7f: {  	[tilespmem:s16], [sflag:s17] =	stream.indirect_vreg.gather [hbm4b:s1+s5], $0x80, v2, vm0, $0xb8;
	[tilespmem:$0x1C200] =	vst v63  }
0x80: {  	s18 =	sadd.s32 $0x6A00, s14  }
0x81: {  	[tilespmem:s18], [sflag:s17] =	stream.indirect_vreg.gather [hbm4b:s9+s5], $0x80, v2, vm0, $0xb8;
	[tilespmem:$0x1C200] =	vst v63  }
0x82: {  	s19 =	sadd.s32 $0x7200, s14  }
0x83: {  	[tilespmem:s19], [sflag:s17] =	stream.indirect_vreg.gather [hbm4b:s10+s5], $0x80, v2, vm0, $0xb8;
	[tilespmem:$0x1C200] =	vst v63  }
0x84: {  	s29 =	sor.u32 $0x100, s8;
	s28 =	sadd.s32 $0x7A00, s14  }
0x85: {  	[tilespmem:s28], [sflag:s17] =	stream.indirect_vreg.gather [hbm4b:s11+s5], $0x80, v2, vm0, $0xb8;
	[tilespmem:$0x1C200] =	vst v63  }
0x86: {  	v2 =	vld.msk [tilespmem:s29+$0x0], $0xff;
	_ =	sdelay $0x4  }
0x87: {  	v3 =	vshll.u32 v2, $0x3  }
0x88: {  	v2 =	vand.u32 $0x7, v2;
	v3 =	vand.u32 $0xFFFFFFC0, v3  }
0x89: {  	v2 =	vor.u32 v2, v3  }
0x8a: {  	v2 =	vperm.xlane v2, v0;
	_ =	sdelay $0x1  }
0x8b: {  	v2 =	vadd.s32 v1, v2;
	_ =	sdelay $0x3  }
0x8c: {  	s30 =	sadd.s32 $0xC200, s14;
	s31 =	sadd.s32 $0x7, s7  }
0x8d: {  	[tilespmem:s30], [sflag:s31] =	stream.indirect_vreg.gather [hbm4b:s1+s5], $0x80, v2, vm0, $0xb8;
	[tilespmem:$0x1C200] =	vst v63  }
0x8e: {  	s17 =	sadd.s32 $0xCA00, s14  }
0x8f: {  	[tilespmem:s17], [sflag:s31] =	stream.indirect_vreg.gather [hbm4b:s9+s5], $0x80, v2, vm0, $0xb8;
	[tilespmem:$0x1C200] =	vst v63  }
0x90: {  	s18 =	sadd.s32 $0xD200, s14  }
0x91: {  	[tilespmem:s18], [sflag:s31] =	stream.indirect_vreg.gather [hbm4b:s10+s5], $0x80, v2, vm0, $0xb8;
	[tilespmem:$0x1C200] =	vst v63  }
0x92: {  	s19 =	sadd.s32 $0xDA00, s14  }
0x93: {  	[tilespmem:s19], [sflag:s31] =	stream.indirect_vreg.gather [hbm4b:s11+s5], $0x80, v2, vm0, $0xb8;
	[tilespmem:$0x1C200] =	vst v63  }
0x94: {  	v2 =	vld.msk [tilespmem:s8+$0x180], $0xff;
	_ =	sdelay $0x4  }
0x95: {  	v3 =	vshll.u32 v2, $0x3  }
0x96: {  	v2 =	vand.u32 $0x7, v2;
	v3 =	vand.u32 $0xFFFFFFC0, v3  }
0x97: {  	v2 =	vor.u32 v2, v3  }
0x98: {  	v2 =	vperm.xlane v2, v0;
	_ =	sdelay $0x1  }
0x99: {  	v2 =	vadd.s32 v1, v2;
	_ =	sdelay $0x3  }
0x9a: {  	s7 =	sadd.s32 $0xA, s7;
	s28 =	sadd.s32 $0x12200, s14  }
0x9b: {  	[tilespmem:s28], [sflag:s7] =	stream.indirect_vreg.gather [hbm4b:s1+s5], $0x80, v2, vm0, $0xb8;
	[tilespmem:$0x1C200] =	vst v63  }
0x9c: {  	s29 =	sadd.s32 $0x12A00, s14  }
0x9d: {  	[tilespmem:s29], [sflag:s7] =	stream.indirect_vreg.gather [hbm4b:s9+s5], $0x80, v2, vm0, $0xb8;
	[tilespmem:$0x1C200] =	vst v63  }
0x9e: {  	s30 =	sadd.s32 $0x13200, s14  }
0x9f: {  	[tilespmem:s30], [sflag:s7] =	stream.indirect_vreg.gather [hbm4b:s10+s5], $0x80, v2, vm0, $0xb8;
	[tilespmem:$0x1C200] =	vst v63  }
0xa0: {  	s31 =	sadd.s32 $0x13A00, s14  }
0xa1: {  	[tilespmem:s31], [sflag:s7] =	stream.indirect_vreg.gather [hbm4b:s11+s5], $0x80, v2, vm0, $0xb8;
	[tilespmem:$0x1C200] =	vst v63  }
.LBB2_4:
0xa2: {  	_ = 	snop  }
0xa3: {  	s3 =	sshrl.u32 s3, $0x9  }
0xa4: {  	s3 =	sand.u32 $0x7F, s3  }
0xa5: {  	s3 =	smul.u32 $0x3, s3;
	_ =	sdelay $0x1  }
0xa6: {  	s3 =	ssub.s32 s25, s3  }
0xa7: {  	s28 =	sand.u32 $0xFF, s3  }
0xa8: {  	s3 =	sadd.s32 $0x1, s28  }
0xa9: {  	_ =	swait.ge [sflag:s3], $0x2000  }
0xaa: {  	[sflag:s3] =	ssyncset.done $0x0  }
0xab: {  	s17 =	sadd.s32 $0x4, s28;
	[sflag:s3] =	ssyncadd.s32 $0xFFFFE000  }
0xac: {  	_ =	swait.ge [sflag:s17], $0x2000  }
0xad: {  	[sflag:s17] =	ssyncset.done $0x0  }
0xae: {  	s0 =	sshll.u32 s0, $0xD;
	s18 =	sadd.s32 $0x7, s28;
	[sflag:s17] =	ssyncadd.s32 $0xFFFFE000  }
0xaf: {  	s15 =	sor.u32 $0x18200, s0;
	_ =	swait.ge [sflag:s18], $0x2000  }
0xb0: {  	s19 =	sadd.s32 $0xA, s28;
	s31 =	sadd.s32 $0x3, s28;
	[sflag:s18] =	ssyncset.done $0x0  }
0xb1: {  	v2 =	vmov s15;
	s30 =	sadd.s32 $0x6, s28;
	s14 =	sshll.u32 s28, $0xD;
	[sflag:s18] =	ssyncadd.s32 $0xFFFFE000  }
0xb2: {  	s29 =	sadd.s32 $0x9, s28;
	s8 =	sor.u32 $0x200, s14;
	_ =	swait.ge [sflag:s19], $0x2000  }
0xb3: {  	s7 =	sadd.s32 $0x6200, s14;
	s0 =	sadd.s32 $0x12200, s14;
	[sflag:s19] =	ssyncset.done $0x0  }
0xb4: {  	s3 =	sadd.s32 $0xC200, s14;
	s14 =	simm.s32 $0x0;
	[sflag:s19] =	ssyncadd.s32 $0xFFFFE000  }
.LBB2_5:
0xb5: {  	s16 =	sshll.u32 s14, $0x7  }
0xb6: {  	v3 =	vld.idx.msk [tilespmem:v2+s16+$0x0 ss:$0x1], $0xffff  }
0xb7: {  	v4 =	vld.idx.msk [tilespmem:v2+s16+$0x10 ss:$0x1], $0xffff  }
0xb8: {  	v5 =	vld.idx.msk [tilespmem:v2+s16+$0x20 ss:$0x1], $0xffff  }
0xb9: {  	v6 =	vld.idx.msk [tilespmem:v2+s16+$0x30 ss:$0x1], $0xffff  }
0xba: {  	v7 =	vld.idx.msk [tilespmem:v2+s16+$0x40 ss:$0x1], $0xffff  }
0xbb: {  	v8 =	vld.idx.msk [tilespmem:v2+s16+$0x50 ss:$0x1], $0xffff  }
0xbc: {  	v9 =	vld.idx.msk [tilespmem:v2+s16+$0x60 ss:$0x1], $0xffff  }
0xbd: {  	v10 =	vld.idx.msk [tilespmem:v2+s16+$0x70 ss:$0x1], $0xffff  }
0xbe: {  	v11 =	vld.idx.msk [tilespmem:v2+s16+$0x400 ss:$0x1], $0xffff  }
0xbf: {  	v12 =	vld.idx.msk [tilespmem:v2+s16+$0x410 ss:$0x1], $0xffff  }
0xc0: {  	v13 =	vld.idx.msk [tilespmem:v2+s16+$0x420 ss:$0x1], $0xffff  }
0xc1: {  	v14 =	vld.idx.msk [tilespmem:v2+s16+$0x430 ss:$0x1], $0xffff  }
0xc2: {  	v15 =	vld.idx.msk [tilespmem:v2+s16+$0x440 ss:$0x1], $0xffff  }
0xc3: {  	v16 =	vld.idx.msk [tilespmem:v2+s16+$0x450 ss:$0x1], $0xffff  }
0xc4: {  	v17 =	vld.idx.msk [tilespmem:v2+s16+$0x460 ss:$0x1], $0xffff  }
0xc5: {  	v18 =	vld.idx.msk [tilespmem:v2+s16+$0x470 ss:$0x1], $0xffff;
	s15 =	sadd.s32 s16, s8  }
0xc6: {  	[tilespmem:s15+$0x0] =	vst.add.f32.msk $0xffff, v3  }
0xc7: {  	[tilespmem:s15+$0x10] =	vst.add.f32.msk $0xffff, v4  }
0xc8: {  	[tilespmem:s15+$0x20] =	vst.add.f32.msk $0xffff, v5  }
0xc9: {  	[tilespmem:s15+$0x30] =	vst.add.f32.msk $0xffff, v6  }
0xca: {  	[tilespmem:s15+$0x40] =	vst.add.f32.msk $0xffff, v7  }
0xcb: {  	[tilespmem:s15+$0x50] =	vst.add.f32.msk $0xffff, v8  }
0xcc: {  	[tilespmem:s15+$0x60] =	vst.add.f32.msk $0xffff, v9  }
0xcd: {  	[tilespmem:s15+$0x70] =	vst.add.f32.msk $0xffff, v10  }
0xce: {  	[tilespmem:s15+$0x400] =	vst.add.f32.msk $0xffff, v11  }
0xcf: {  	[tilespmem:s15+$0x410] =	vst.add.f32.msk $0xffff, v12  }
0xd0: {  	[tilespmem:s15+$0x420] =	vst.add.f32.msk $0xffff, v13  }
0xd1: {  	[tilespmem:s15+$0x430] =	vst.add.f32.msk $0xffff, v14  }
0xd2: {  	[tilespmem:s15+$0x440] =	vst.add.f32.msk $0xffff, v15  }
0xd3: {  	[tilespmem:s15+$0x450] =	vst.add.f32.msk $0xffff, v16  }
0xd4: {  	[tilespmem:s15+$0x460] =	vst.add.f32.msk $0xffff, v17  }
0xd5: {  	s17 =	sadd.s32 s16, s7;
	[tilespmem:s15+$0x470] =	vst.add.f32.msk $0xffff, v18  }
0xd6: {  	[tilespmem:s17+$0x0] =	vst.add.f32.msk $0xffff, v3  }
0xd7: {  	[tilespmem:s17+$0x10] =	vst.add.f32.msk $0xffff, v4  }
0xd8: {  	[tilespmem:s17+$0x20] =	vst.add.f32.msk $0xffff, v5  }
0xd9: {  	[tilespmem:s17+$0x30] =	vst.add.f32.msk $0xffff, v6  }
0xda: {  	[tilespmem:s17+$0x40] =	vst.add.f32.msk $0xffff, v7  }
0xdb: {  	[tilespmem:s17+$0x50] =	vst.add.f32.msk $0xffff, v8  }
0xdc: {  	[tilespmem:s17+$0x60] =	vst.add.f32.msk $0xffff, v9  }
0xdd: {  	[tilespmem:s17+$0x70] =	vst.add.f32.msk $0xffff, v10  }
0xde: {  	[tilespmem:s17+$0x400] =	vst.add.f32.msk $0xffff, v11  }
0xdf: {  	[tilespmem:s17+$0x410] =	vst.add.f32.msk $0xffff, v12  }
0xe0: {  	[tilespmem:s17+$0x420] =	vst.add.f32.msk $0xffff, v13  }
0xe1: {  	[tilespmem:s17+$0x430] =	vst.add.f32.msk $0xffff, v14  }
0xe2: {  	[tilespmem:s17+$0x440] =	vst.add.f32.msk $0xffff, v15  }
0xe3: {  	[tilespmem:s17+$0x450] =	vst.add.f32.msk $0xffff, v16  }
0xe4: {  	[tilespmem:s17+$0x460] =	vst.add.f32.msk $0xffff, v17  }
0xe5: {  	s18 =	sadd.s32 s16, s3;
	[tilespmem:s17+$0x470] =	vst.add.f32.msk $0xffff, v18  }
0xe6: {  	[tilespmem:s18+$0x0] =	vst.add.f32.msk $0xffff, v3  }
0xe7: {  	[tilespmem:s18+$0x10] =	vst.add.f32.msk $0xffff, v4  }
0xe8: {  	[tilespmem:s18+$0x20] =	vst.add.f32.msk $0xffff, v5  }
0xe9: {  	[tilespmem:s18+$0x30] =	vst.add.f32.msk $0xffff, v6  }
0xea: {  	[tilespmem:s18+$0x40] =	vst.add.f32.msk $0xffff, v7  }
0xeb: {  	[tilespmem:s18+$0x50] =	vst.add.f32.msk $0xffff, v8  }
0xec: {  	[tilespmem:s18+$0x60] =	vst.add.f32.msk $0xffff, v9  }
0xed: {  	[tilespmem:s18+$0x70] =	vst.add.f32.msk $0xffff, v10  }
0xee: {  	[tilespmem:s18+$0x400] =	vst.add.f32.msk $0xffff, v11  }
0xef: {  	[tilespmem:s18+$0x410] =	vst.add.f32.msk $0xffff, v12  }
0xf0: {  	[tilespmem:s18+$0x420] =	vst.add.f32.msk $0xffff, v13  }
0xf1: {  	[tilespmem:s18+$0x430] =	vst.add.f32.msk $0xffff, v14  }
0xf2: {  	[tilespmem:s18+$0x440] =	vst.add.f32.msk $0xffff, v15  }
0xf3: {  	[tilespmem:s18+$0x450] =	vst.add.f32.msk $0xffff, v16  }
0xf4: {  	[tilespmem:s18+$0x460] =	vst.add.f32.msk $0xffff, v17  }
0xf5: {  	s19 =	sadd.s32 s16, s0;
	[tilespmem:s18+$0x470] =	vst.add.f32.msk $0xffff, v18  }
0xf6: {  	[tilespmem:s19+$0x0] =	vst.add.f32.msk $0xffff, v3  }
0xf7: {  	[tilespmem:s19+$0x10] =	vst.add.f32.msk $0xffff, v4  }
0xf8: {  	[tilespmem:s19+$0x20] =	vst.add.f32.msk $0xffff, v5  }
0xf9: {  	[tilespmem:s19+$0x30] =	vst.add.f32.msk $0xffff, v6  }
0xfa: {  	[tilespmem:s19+$0x40] =	vst.add.f32.msk $0xffff, v7  }
0xfb: {  	[tilespmem:s19+$0x50] =	vst.add.f32.msk $0xffff, v8  }
0xfc: {  	[tilespmem:s19+$0x60] =	vst.add.f32.msk $0xffff, v9  }
0xfd: {  	[tilespmem:s19+$0x70] =	vst.add.f32.msk $0xffff, v10  }
0xfe: {  	[tilespmem:s19+$0x400] =	vst.add.f32.msk $0xffff, v11  }
0xff: {  	[tilespmem:s19+$0x410] =	vst.add.f32.msk $0xffff, v12  }
0x100: {  	[tilespmem:s19+$0x420] =	vst.add.f32.msk $0xffff, v13  }
0x101: {  	[tilespmem:s19+$0x430] =	vst.add.f32.msk $0xffff, v14  }
0x102: {  	[tilespmem:s19+$0x440] =	vst.add.f32.msk $0xffff, v15  }
0x103: {  	[tilespmem:s19+$0x450] =	vst.add.f32.msk $0xffff, v16  }
0x104: {  	[tilespmem:s19+$0x460] =	vst.add.f32.msk $0xffff, v17  }
0x105: {  	[tilespmem:s19+$0x470] =	vst.add.f32.msk $0xffff, v18  }
0x106: {  	v3 =	vld.idx.msk [tilespmem:v2+s16+$0x800 ss:$0x1], $0xffff  }
0x107: {  	v4 =	vld.idx.msk [tilespmem:v2+s16+$0x810 ss:$0x1], $0xffff  }
0x108: {  	v5 =	vld.idx.msk [tilespmem:v2+s16+$0x820 ss:$0x1], $0xffff  }
0x109: {  	v6 =	vld.idx.msk [tilespmem:v2+s16+$0x830 ss:$0x1], $0xffff  }
0x10a: {  	v7 =	vld.idx.msk [tilespmem:v2+s16+$0x840 ss:$0x1], $0xffff  }
0x10b: {  	v8 =	vld.idx.msk [tilespmem:v2+s16+$0x850 ss:$0x1], $0xffff  }
0x10c: {  	v9 =	vld.idx.msk [tilespmem:v2+s16+$0x860 ss:$0x1], $0xffff  }
0x10d: {  	v10 =	vld.idx.msk [tilespmem:v2+s16+$0x870 ss:$0x1], $0xffff  }
0x10e: {  	v11 =	vld.idx.msk [tilespmem:v2+s16+$0xC00 ss:$0x1], $0xffff  }
0x10f: {  	v12 =	vld.idx.msk [tilespmem:v2+s16+$0xC10 ss:$0x1], $0xffff  }
0x110: {  	v13 =	vld.idx.msk [tilespmem:v2+s16+$0xC20 ss:$0x1], $0xffff  }
0x111: {  	v14 =	vld.idx.msk [tilespmem:v2+s16+$0xC30 ss:$0x1], $0xffff  }
0x112: {  	v15 =	vld.idx.msk [tilespmem:v2+s16+$0xC40 ss:$0x1], $0xffff  }
0x113: {  	v16 =	vld.idx.msk [tilespmem:v2+s16+$0xC50 ss:$0x1], $0xffff  }
0x114: {  	v17 =	vld.idx.msk [tilespmem:v2+s16+$0xC60 ss:$0x1], $0xffff  }
0x115: {  	v18 =	vld.idx.msk [tilespmem:v2+s16+$0xC70 ss:$0x1], $0xffff  }
0x116: {  	[tilespmem:s15+$0x800] =	vst.add.f32.msk $0xffff, v3  }
0x117: {  	[tilespmem:s15+$0x810] =	vst.add.f32.msk $0xffff, v4  }
0x118: {  	[tilespmem:s15+$0x820] =	vst.add.f32.msk $0xffff, v5  }
0x119: {  	[tilespmem:s15+$0x830] =	vst.add.f32.msk $0xffff, v6  }
0x11a: {  	[tilespmem:s15+$0x840] =	vst.add.f32.msk $0xffff, v7  }
0x11b: {  	[tilespmem:s15+$0x850] =	vst.add.f32.msk $0xffff, v8  }
0x11c: {  	[tilespmem:s15+$0x860] =	vst.add.f32.msk $0xffff, v9  }
0x11d: {  	[tilespmem:s15+$0x870] =	vst.add.f32.msk $0xffff, v10  }
0x11e: {  	[tilespmem:s15+$0xC00] =	vst.add.f32.msk $0xffff, v11  }
0x11f: {  	[tilespmem:s15+$0xC10] =	vst.add.f32.msk $0xffff, v12  }
0x120: {  	[tilespmem:s15+$0xC20] =	vst.add.f32.msk $0xffff, v13  }
0x121: {  	[tilespmem:s15+$0xC30] =	vst.add.f32.msk $0xffff, v14  }
0x122: {  	[tilespmem:s15+$0xC40] =	vst.add.f32.msk $0xffff, v15  }
0x123: {  	[tilespmem:s15+$0xC50] =	vst.add.f32.msk $0xffff, v16  }
0x124: {  	[tilespmem:s15+$0xC60] =	vst.add.f32.msk $0xffff, v17  }
0x125: {  	[tilespmem:s15+$0xC70] =	vst.add.f32.msk $0xffff, v18  }
0x126: {  	[tilespmem:s17+$0x800] =	vst.add.f32.msk $0xffff, v3  }
0x127: {  	[tilespmem:s17+$0x810] =	vst.add.f32.msk $0xffff, v4  }
0x128: {  	[tilespmem:s17+$0x820] =	vst.add.f32.msk $0xffff, v5  }
0x129: {  	[tilespmem:s17+$0x830] =	vst.add.f32.msk $0xffff, v6  }
0x12a: {  	[tilespmem:s17+$0x840] =	vst.add.f32.msk $0xffff, v7  }
0x12b: {  	[tilespmem:s17+$0x850] =	vst.add.f32.msk $0xffff, v8  }
0x12c: {  	[tilespmem:s17+$0x860] =	vst.add.f32.msk $0xffff, v9  }
0x12d: {  	[tilespmem:s17+$0x870] =	vst.add.f32.msk $0xffff, v10  }
0x12e: {  	[tilespmem:s17+$0xC00] =	vst.add.f32.msk $0xffff, v11  }
0x12f: {  	[tilespmem:s17+$0xC10] =	vst.add.f32.msk $0xffff, v12  }
0x130: {  	[tilespmem:s17+$0xC20] =	vst.add.f32.msk $0xffff, v13  }
0x131: {  	[tilespmem:s17+$0xC30] =	vst.add.f32.msk $0xffff, v14  }
0x132: {  	[tilespmem:s17+$0xC40] =	vst.add.f32.msk $0xffff, v15  }
0x133: {  	[tilespmem:s17+$0xC50] =	vst.add.f32.msk $0xffff, v16  }
0x134: {  	[tilespmem:s17+$0xC60] =	vst.add.f32.msk $0xffff, v17  }
0x135: {  	[tilespmem:s17+$0xC70] =	vst.add.f32.msk $0xffff, v18  }
0x136: {  	[tilespmem:s18+$0x800] =	vst.add.f32.msk $0xffff, v3  }
0x137: {  	[tilespmem:s18+$0x810] =	vst.add.f32.msk $0xffff, v4  }
0x138: {  	[tilespmem:s18+$0x820] =	vst.add.f32.msk $0xffff, v5  }
0x139: {  	[tilespmem:s18+$0x830] =	vst.add.f32.msk $0xffff, v6  }
0x13a: {  	[tilespmem:s18+$0x840] =	vst.add.f32.msk $0xffff, v7  }
0x13b: {  	[tilespmem:s18+$0x850] =	vst.add.f32.msk $0xffff, v8  }
0x13c: {  	[tilespmem:s18+$0x860] =	vst.add.f32.msk $0xffff, v9  }
0x13d: {  	[tilespmem:s18+$0x870] =	vst.add.f32.msk $0xffff, v10  }
0x13e: {  	[tilespmem:s18+$0xC00] =	vst.add.f32.msk $0xffff, v11  }
0x13f: {  	[tilespmem:s18+$0xC10] =	vst.add.f32.msk $0xffff, v12  }
0x140: {  	[tilespmem:s18+$0xC20] =	vst.add.f32.msk $0xffff, v13  }
0x141: {  	[tilespmem:s18+$0xC30] =	vst.add.f32.msk $0xffff, v14  }
0x142: {  	[tilespmem:s18+$0xC40] =	vst.add.f32.msk $0xffff, v15  }
0x143: {  	[tilespmem:s18+$0xC50] =	vst.add.f32.msk $0xffff, v16  }
0x144: {  	[tilespmem:s18+$0xC60] =	vst.add.f32.msk $0xffff, v17  }
0x145: {  	[tilespmem:s18+$0xC70] =	vst.add.f32.msk $0xffff, v18  }
0x146: {  	[tilespmem:s19+$0x800] =	vst.add.f32.msk $0xffff, v3  }
0x147: {  	[tilespmem:s19+$0x810] =	vst.add.f32.msk $0xffff, v4  }
0x148: {  	[tilespmem:s19+$0x820] =	vst.add.f32.msk $0xffff, v5  }
0x149: {  	[tilespmem:s19+$0x830] =	vst.add.f32.msk $0xffff, v6  }
0x14a: {  	[tilespmem:s19+$0x840] =	vst.add.f32.msk $0xffff, v7  }
0x14b: {  	[tilespmem:s19+$0x850] =	vst.add.f32.msk $0xffff, v8  }
0x14c: {  	[tilespmem:s19+$0x860] =	vst.add.f32.msk $0xffff, v9  }
0x14d: {  	[tilespmem:s19+$0x870] =	vst.add.f32.msk $0xffff, v10  }
0x14e: {  	[tilespmem:s19+$0xC00] =	vst.add.f32.msk $0xffff, v11  }
0x14f: {  	[tilespmem:s19+$0xC10] =	vst.add.f32.msk $0xffff, v12  }
0x150: {  	[tilespmem:s19+$0xC20] =	vst.add.f32.msk $0xffff, v13  }
0x151: {  	[tilespmem:s19+$0xC30] =	vst.add.f32.msk $0xffff, v14  }
0x152: {  	[tilespmem:s19+$0xC40] =	vst.add.f32.msk $0xffff, v15  }
0x153: {  	[tilespmem:s19+$0xC50] =	vst.add.f32.msk $0xffff, v16  }
0x154: {  	[tilespmem:s19+$0xC60] =	vst.add.f32.msk $0xffff, v17  }
0x155: {  	[tilespmem:s19+$0xC70] =	vst.add.f32.msk $0xffff, v18  }
0x156: {  	v3 =	vld.idx.msk [tilespmem:v2+s16+$0x1000 ss:$0x1], $0xffff  }
0x157: {  	v4 =	vld.idx.msk [tilespmem:v2+s16+$0x1010 ss:$0x1], $0xffff  }
0x158: {  	v5 =	vld.idx.msk [tilespmem:v2+s16+$0x1020 ss:$0x1], $0xffff  }
0x159: {  	v6 =	vld.idx.msk [tilespmem:v2+s16+$0x1030 ss:$0x1], $0xffff  }
0x15a: {  	v7 =	vld.idx.msk [tilespmem:v2+s16+$0x1040 ss:$0x1], $0xffff  }
0x15b: {  	v8 =	vld.idx.msk [tilespmem:v2+s16+$0x1050 ss:$0x1], $0xffff  }
0x15c: {  	v9 =	vld.idx.msk [tilespmem:v2+s16+$0x1060 ss:$0x1], $0xffff  }
0x15d: {  	v10 =	vld.idx.msk [tilespmem:v2+s16+$0x1070 ss:$0x1], $0xffff  }
0x15e: {  	v11 =	vld.idx.msk [tilespmem:v2+s16+$0x1400 ss:$0x1], $0xffff  }
0x15f: {  	v12 =	vld.idx.msk [tilespmem:v2+s16+$0x1410 ss:$0x1], $0xffff  }
0x160: {  	v13 =	vld.idx.msk [tilespmem:v2+s16+$0x1420 ss:$0x1], $0xffff  }
0x161: {  	v14 =	vld.idx.msk [tilespmem:v2+s16+$0x1430 ss:$0x1], $0xffff  }
0x162: {  	v15 =	vld.idx.msk [tilespmem:v2+s16+$0x1440 ss:$0x1], $0xffff  }
0x163: {  	v16 =	vld.idx.msk [tilespmem:v2+s16+$0x1450 ss:$0x1], $0xffff  }
0x164: {  	v17 =	vld.idx.msk [tilespmem:v2+s16+$0x1460 ss:$0x1], $0xffff  }
0x165: {  	v18 =	vld.idx.msk [tilespmem:v2+s16+$0x1470 ss:$0x1], $0xffff  }
0x166: {  	[tilespmem:s15+$0x1000] =	vst.add.f32.msk $0xffff, v3  }
0x167: {  	[tilespmem:s15+$0x1010] =	vst.add.f32.msk $0xffff, v4  }
0x168: {  	[tilespmem:s15+$0x1020] =	vst.add.f32.msk $0xffff, v5  }
0x169: {  	[tilespmem:s15+$0x1030] =	vst.add.f32.msk $0xffff, v6  }
0x16a: {  	[tilespmem:s15+$0x1040] =	vst.add.f32.msk $0xffff, v7  }
0x16b: {  	[tilespmem:s15+$0x1050] =	vst.add.f32.msk $0xffff, v8  }
0x16c: {  	[tilespmem:s15+$0x1060] =	vst.add.f32.msk $0xffff, v9  }
0x16d: {  	[tilespmem:s15+$0x1070] =	vst.add.f32.msk $0xffff, v10  }
0x16e: {  	[tilespmem:s15+$0x1400] =	vst.add.f32.msk $0xffff, v11  }
0x16f: {  	[tilespmem:s15+$0x1410] =	vst.add.f32.msk $0xffff, v12  }
0x170: {  	[tilespmem:s15+$0x1420] =	vst.add.f32.msk $0xffff, v13  }
0x171: {  	[tilespmem:s15+$0x1430] =	vst.add.f32.msk $0xffff, v14  }
0x172: {  	[tilespmem:s15+$0x1440] =	vst.add.f32.msk $0xffff, v15  }
0x173: {  	[tilespmem:s15+$0x1450] =	vst.add.f32.msk $0xffff, v16  }
0x174: {  	[tilespmem:s15+$0x1460] =	vst.add.f32.msk $0xffff, v17  }
0x175: {  	[tilespmem:s15+$0x1470] =	vst.add.f32.msk $0xffff, v18  }
0x176: {  	[tilespmem:s17+$0x1000] =	vst.add.f32.msk $0xffff, v3  }
0x177: {  	[tilespmem:s17+$0x1010] =	vst.add.f32.msk $0xffff, v4  }
0x178: {  	[tilespmem:s17+$0x1020] =	vst.add.f32.msk $0xffff, v5  }
0x179: {  	[tilespmem:s17+$0x1030] =	vst.add.f32.msk $0xffff, v6  }
0x17a: {  	[tilespmem:s17+$0x1040] =	vst.add.f32.msk $0xffff, v7  }
0x17b: {  	[tilespmem:s17+$0x1050] =	vst.add.f32.msk $0xffff, v8  }
0x17c: {  	[tilespmem:s17+$0x1060] =	vst.add.f32.msk $0xffff, v9  }
0x17d: {  	[tilespmem:s17+$0x1070] =	vst.add.f32.msk $0xffff, v10  }
0x17e: {  	[tilespmem:s17+$0x1400] =	vst.add.f32.msk $0xffff, v11  }
0x17f: {  	[tilespmem:s17+$0x1410] =	vst.add.f32.msk $0xffff, v12  }
0x180: {  	[tilespmem:s17+$0x1420] =	vst.add.f32.msk $0xffff, v13  }
0x181: {  	[tilespmem:s17+$0x1430] =	vst.add.f32.msk $0xffff, v14  }
0x182: {  	[tilespmem:s17+$0x1440] =	vst.add.f32.msk $0xffff, v15  }
0x183: {  	[tilespmem:s17+$0x1450] =	vst.add.f32.msk $0xffff, v16  }
0x184: {  	[tilespmem:s17+$0x1460] =	vst.add.f32.msk $0xffff, v17  }
0x185: {  	[tilespmem:s17+$0x1470] =	vst.add.f32.msk $0xffff, v18  }
0x186: {  	[tilespmem:s18+$0x1000] =	vst.add.f32.msk $0xffff, v3  }
0x187: {  	[tilespmem:s18+$0x1010] =	vst.add.f32.msk $0xffff, v4  }
0x188: {  	[tilespmem:s18+$0x1020] =	vst.add.f32.msk $0xffff, v5  }
0x189: {  	[tilespmem:s18+$0x1030] =	vst.add.f32.msk $0xffff, v6  }
0x18a: {  	[tilespmem:s18+$0x1040] =	vst.add.f32.msk $0xffff, v7  }
0x18b: {  	[tilespmem:s18+$0x1050] =	vst.add.f32.msk $0xffff, v8  }
0x18c: {  	[tilespmem:s18+$0x1060] =	vst.add.f32.msk $0xffff, v9  }
0x18d: {  	[tilespmem:s18+$0x1070] =	vst.add.f32.msk $0xffff, v10  }
0x18e: {  	[tilespmem:s18+$0x1400] =	vst.add.f32.msk $0xffff, v11  }
0x18f: {  	[tilespmem:s18+$0x1410] =	vst.add.f32.msk $0xffff, v12  }
0x190: {  	[tilespmem:s18+$0x1420] =	vst.add.f32.msk $0xffff, v13  }
0x191: {  	[tilespmem:s18+$0x1430] =	vst.add.f32.msk $0xffff, v14  }
0x192: {  	[tilespmem:s18+$0x1440] =	vst.add.f32.msk $0xffff, v15  }
0x193: {  	[tilespmem:s18+$0x1450] =	vst.add.f32.msk $0xffff, v16  }
0x194: {  	[tilespmem:s18+$0x1460] =	vst.add.f32.msk $0xffff, v17  }
0x195: {  	[tilespmem:s18+$0x1470] =	vst.add.f32.msk $0xffff, v18  }
0x196: {  	[tilespmem:s19+$0x1000] =	vst.add.f32.msk $0xffff, v3  }
0x197: {  	[tilespmem:s19+$0x1010] =	vst.add.f32.msk $0xffff, v4  }
0x198: {  	[tilespmem:s19+$0x1020] =	vst.add.f32.msk $0xffff, v5  }
0x199: {  	[tilespmem:s19+$0x1030] =	vst.add.f32.msk $0xffff, v6  }
0x19a: {  	[tilespmem:s19+$0x1040] =	vst.add.f32.msk $0xffff, v7  }
0x19b: {  	[tilespmem:s19+$0x1050] =	vst.add.f32.msk $0xffff, v8  }
0x19c: {  	[tilespmem:s19+$0x1060] =	vst.add.f32.msk $0xffff, v9  }
0x19d: {  	[tilespmem:s19+$0x1070] =	vst.add.f32.msk $0xffff, v10  }
0x19e: {  	[tilespmem:s19+$0x1400] =	vst.add.f32.msk $0xffff, v11  }
0x19f: {  	[tilespmem:s19+$0x1410] =	vst.add.f32.msk $0xffff, v12  }
0x1a0: {  	[tilespmem:s19+$0x1420] =	vst.add.f32.msk $0xffff, v13  }
0x1a1: {  	[tilespmem:s19+$0x1430] =	vst.add.f32.msk $0xffff, v14  }
0x1a2: {  	[tilespmem:s19+$0x1440] =	vst.add.f32.msk $0xffff, v15  }
0x1a3: {  	[tilespmem:s19+$0x1450] =	vst.add.f32.msk $0xffff, v16  }
0x1a4: {  	[tilespmem:s19+$0x1460] =	vst.add.f32.msk $0xffff, v17  }
0x1a5: {  	[tilespmem:s19+$0x1470] =	vst.add.f32.msk $0xffff, v18  }
0x1a6: {  	v3 =	vld.idx.msk [tilespmem:v2+s16+$0x1800 ss:$0x1], $0xffff  }
0x1a7: {  	v4 =	vld.idx.msk [tilespmem:v2+s16+$0x1810 ss:$0x1], $0xffff  }
0x1a8: {  	v5 =	vld.idx.msk [tilespmem:v2+s16+$0x1820 ss:$0x1], $0xffff  }
0x1a9: {  	v6 =	vld.idx.msk [tilespmem:v2+s16+$0x1830 ss:$0x1], $0xffff  }
0x1aa: {  	v7 =	vld.idx.msk [tilespmem:v2+s16+$0x1840 ss:$0x1], $0xffff  }
0x1ab: {  	v8 =	vld.idx.msk [tilespmem:v2+s16+$0x1850 ss:$0x1], $0xffff  }
0x1ac: {  	v9 =	vld.idx.msk [tilespmem:v2+s16+$0x1860 ss:$0x1], $0xffff  }
0x1ad: {  	v10 =	vld.idx.msk [tilespmem:v2+s16+$0x1870 ss:$0x1], $0xffff  }
0x1ae: {  	v11 =	vld.idx.msk [tilespmem:v2+s16+$0x1C00 ss:$0x1], $0xffff  }
0x1af: {  	v12 =	vld.idx.msk [tilespmem:v2+s16+$0x1C10 ss:$0x1], $0xffff  }
0x1b0: {  	v13 =	vld.idx.msk [tilespmem:v2+s16+$0x1C20 ss:$0x1], $0xffff  }
0x1b1: {  	v14 =	vld.idx.msk [tilespmem:v2+s16+$0x1C30 ss:$0x1], $0xffff  }
0x1b2: {  	v15 =	vld.idx.msk [tilespmem:v2+s16+$0x1C40 ss:$0x1], $0xffff  }
0x1b3: {  	v16 =	vld.idx.msk [tilespmem:v2+s16+$0x1C50 ss:$0x1], $0xffff  }
0x1b4: {  	v17 =	vld.idx.msk [tilespmem:v2+s16+$0x1C60 ss:$0x1], $0xffff  }
0x1b5: {  	v18 =	vld.idx.msk [tilespmem:v2+s16+$0x1C70 ss:$0x1], $0xffff  }
0x1b6: {  	[tilespmem:s15+$0x1800] =	vst.add.f32.msk $0xffff, v3  }
0x1b7: {  	[tilespmem:s15+$0x1810] =	vst.add.f32.msk $0xffff, v4  }
0x1b8: {  	[tilespmem:s15+$0x1820] =	vst.add.f32.msk $0xffff, v5  }
0x1b9: {  	[tilespmem:s15+$0x1830] =	vst.add.f32.msk $0xffff, v6  }
0x1ba: {  	[tilespmem:s15+$0x1840] =	vst.add.f32.msk $0xffff, v7  }
0x1bb: {  	[tilespmem:s15+$0x1850] =	vst.add.f32.msk $0xffff, v8  }
0x1bc: {  	[tilespmem:s15+$0x1860] =	vst.add.f32.msk $0xffff, v9  }
0x1bd: {  	[tilespmem:s15+$0x1870] =	vst.add.f32.msk $0xffff, v10  }
0x1be: {  	[tilespmem:s15+$0x1C00] =	vst.add.f32.msk $0xffff, v11  }
0x1bf: {  	[tilespmem:s15+$0x1C10] =	vst.add.f32.msk $0xffff, v12  }
0x1c0: {  	[tilespmem:s15+$0x1C20] =	vst.add.f32.msk $0xffff, v13  }
0x1c1: {  	[tilespmem:s15+$0x1C30] =	vst.add.f32.msk $0xffff, v14  }
0x1c2: {  	[tilespmem:s15+$0x1C40] =	vst.add.f32.msk $0xffff, v15  }
0x1c3: {  	[tilespmem:s15+$0x1C50] =	vst.add.f32.msk $0xffff, v16  }
0x1c4: {  	[tilespmem:s15+$0x1C60] =	vst.add.f32.msk $0xffff, v17  }
0x1c5: {  	[tilespmem:s15+$0x1C70] =	vst.add.f32.msk $0xffff, v18  }
0x1c6: {  	[tilespmem:s17+$0x1800] =	vst.add.f32.msk $0xffff, v3  }
0x1c7: {  	[tilespmem:s17+$0x1810] =	vst.add.f32.msk $0xffff, v4  }
0x1c8: {  	[tilespmem:s17+$0x1820] =	vst.add.f32.msk $0xffff, v5  }
0x1c9: {  	[tilespmem:s17+$0x1830] =	vst.add.f32.msk $0xffff, v6  }
0x1ca: {  	[tilespmem:s17+$0x1840] =	vst.add.f32.msk $0xffff, v7  }
0x1cb: {  	[tilespmem:s17+$0x1850] =	vst.add.f32.msk $0xffff, v8  }
0x1cc: {  	[tilespmem:s17+$0x1860] =	vst.add.f32.msk $0xffff, v9  }
0x1cd: {  	[tilespmem:s17+$0x1870] =	vst.add.f32.msk $0xffff, v10  }
0x1ce: {  	[tilespmem:s17+$0x1C00] =	vst.add.f32.msk $0xffff, v11  }
0x1cf: {  	[tilespmem:s17+$0x1C10] =	vst.add.f32.msk $0xffff, v12  }
0x1d0: {  	[tilespmem:s17+$0x1C20] =	vst.add.f32.msk $0xffff, v13  }
0x1d1: {  	[tilespmem:s17+$0x1C30] =	vst.add.f32.msk $0xffff, v14  }
0x1d2: {  	[tilespmem:s17+$0x1C40] =	vst.add.f32.msk $0xffff, v15  }
0x1d3: {  	[tilespmem:s17+$0x1C50] =	vst.add.f32.msk $0xffff, v16  }
0x1d4: {  	[tilespmem:s17+$0x1C60] =	vst.add.f32.msk $0xffff, v17  }
0x1d5: {  	[tilespmem:s17+$0x1C70] =	vst.add.f32.msk $0xffff, v18  }
0x1d6: {  	[tilespmem:s18+$0x1800] =	vst.add.f32.msk $0xffff, v3  }
0x1d7: {  	[tilespmem:s18+$0x1810] =	vst.add.f32.msk $0xffff, v4  }
0x1d8: {  	[tilespmem:s18+$0x1820] =	vst.add.f32.msk $0xffff, v5  }
0x1d9: {  	[tilespmem:s18+$0x1830] =	vst.add.f32.msk $0xffff, v6  }
0x1da: {  	[tilespmem:s18+$0x1840] =	vst.add.f32.msk $0xffff, v7  }
0x1db: {  	[tilespmem:s18+$0x1850] =	vst.add.f32.msk $0xffff, v8  }
0x1dc: {  	[tilespmem:s18+$0x1860] =	vst.add.f32.msk $0xffff, v9  }
0x1dd: {  	[tilespmem:s18+$0x1870] =	vst.add.f32.msk $0xffff, v10  }
0x1de: {  	[tilespmem:s18+$0x1C00] =	vst.add.f32.msk $0xffff, v11  }
0x1df: {  	[tilespmem:s18+$0x1C10] =	vst.add.f32.msk $0xffff, v12  }
0x1e0: {  	[tilespmem:s18+$0x1C20] =	vst.add.f32.msk $0xffff, v13  }
0x1e1: {  	[tilespmem:s18+$0x1C30] =	vst.add.f32.msk $0xffff, v14  }
0x1e2: {  	[tilespmem:s18+$0x1C40] =	vst.add.f32.msk $0xffff, v15  }
0x1e3: {  	[tilespmem:s18+$0x1C50] =	vst.add.f32.msk $0xffff, v16  }
0x1e4: {  	[tilespmem:s18+$0x1C60] =	vst.add.f32.msk $0xffff, v17  }
0x1e5: {  	[tilespmem:s18+$0x1C70] =	vst.add.f32.msk $0xffff, v18  }
0x1e6: {  	[tilespmem:s19+$0x1800] =	vst.add.f32.msk $0xffff, v3  }
0x1e7: {  	[tilespmem:s19+$0x1810] =	vst.add.f32.msk $0xffff, v4  }
0x1e8: {  	[tilespmem:s19+$0x1820] =	vst.add.f32.msk $0xffff, v5  }
0x1e9: {  	[tilespmem:s19+$0x1830] =	vst.add.f32.msk $0xffff, v6  }
0x1ea: {  	[tilespmem:s19+$0x1840] =	vst.add.f32.msk $0xffff, v7  }
0x1eb: {  	[tilespmem:s19+$0x1850] =	vst.add.f32.msk $0xffff, v8  }
0x1ec: {  	[tilespmem:s19+$0x1860] =	vst.add.f32.msk $0xffff, v9  }
0x1ed: {  	[tilespmem:s19+$0x1870] =	vst.add.f32.msk $0xffff, v10  }
0x1ee: {  	[tilespmem:s19+$0x1C00] =	vst.add.f32.msk $0xffff, v11  }
0x1ef: {  	[tilespmem:s19+$0x1C10] =	vst.add.f32.msk $0xffff, v12  }
0x1f0: {  	p0 =	sne.s32 s14, $0x7;
	[tilespmem:s19+$0x1C20] =	vst.add.f32.msk $0xffff, v13  }
.Ltmp1:
0x1f1: {  	[tilespmem:s19+$0x1C30] =	vst.add.f32.msk $0xffff, v14;
	(pc) =	sbr.rel @p0 .LBB2_5-.Ltmp1, $4  }
0x1f2: {  	[tilespmem:s19+$0x1C40] =	vst.add.f32.msk $0xffff, v15  }
0x1f3: {  	[tilespmem:s19+$0x1C50] =	vst.add.f32.msk $0xffff, v16  }
0x1f4: {  	[tilespmem:s19+$0x1C60] =	vst.add.f32.msk $0xffff, v17  }
0x1f5: {  	s14 =	sadd.s32 $0x1, s14;
	[tilespmem:s19+$0x1C70] =	vst.add.f32.msk $0xffff, v18  }
0x1f6: {  	s14 =	sor.u32 s12, s25  }
0x1f7: {  	s14 =	sshll.u32 s14, $0xA  }
0x1f8: {  	s15 =	sadd.s32 $0xD, s28;
	s16 =	sadd.s32 s4, s14;
	s18 =	sor.u32 $0x80000, s14  }
0x1f9: {  	[hbm4b:s16+s5] =	stream.linear.scatter [tilespmem:s8], [sflag:s15], $0x2000, $0x38;
	[tilespmem:$0x1C200] =	vst v63  }
0x1fa: {  	s19 =	sadd.s32 $0xD, s31;
	p0 =	sne.s32 s26, $0x10;
	s8 =	sadd.s32 s4, s18  }
0x1fb: {  	[hbm4b:s8+s5] =	stream.linear.scatter [tilespmem:s7], [sflag:s19], $0x2000, $0x38;
	[tilespmem:$0x1C200] =	vst v63  }
.Ltmp2:
0x1fc: {  	s25 =	sor.u32 $0x100000, s14;
	(pc) =	sbr.rel @p0 .LBB2_2-.Ltmp2, $4  }
0x1fd: {  	s28 =	sadd.s32 $0xD, s30;
	s7 =	sadd.s32 s4, s25  }
0x1fe: {  	[hbm4b:s7+s5] =	stream.linear.scatter [tilespmem:s3], [sflag:s28], $0x2000, $0x38;
	[tilespmem:$0x1C200] =	vst v63  }
0x1ff: {  	s30 =	sadd.s32 $0xD, s29;
	s31 =	sadd.s32 s14, s13;
	s25 =	smov.u32 s26  }
0x200: {  	[hbm4b:s31+s5] =	stream.linear.scatter [tilespmem:s0], [sflag:s30], $0x2000, $0x38;
	[tilespmem:$0x1C200] =	vst v63  }
0x201: {  	s0 =	simm.s32 $0xF  }
0x202: {  	_ =	swait.ge [sflag:s0], $0x2000  }
0x203: {  	[sflag:s0] =	ssyncset.done $0x0  }
0x204: {  	s28 =	simm.s32 $0xD;
	[sflag:s0] =	ssyncadd.s32 $0xFFFFE000  }
0x205: {  	_ =	swait.ge [sflag:s28], $0x2000  }
0x206: {  	[sflag:s28] =	ssyncset.done $0x0  }
0x207: {  	s29 =	simm.s32 $0x12;
	[sflag:s28] =	ssyncadd.s32 $0xFFFFE000  }
0x208: {  	_ =	swait.ge [sflag:s29], $0x2000  }
0x209: {  	[sflag:s29] =	ssyncset.done $0x0  }
0x20a: {  	s30 =	simm.s32 $0x10;
	[sflag:s29] =	ssyncadd.s32 $0xFFFFE000  }
0x20b: {  	_ =	swait.ge [sflag:s30], $0x2000  }
0x20c: {  	[sflag:s30] =	ssyncset.done $0x0  }
0x20d: {  	[sflag:s30] =	ssyncadd.s32 $0xFFFFE000  }
0x20e: {  	_ =	swait.ge [sflag:s20], $0x2000  }
0x20f: {  	[sflag:s20] =	ssyncset.done $0x0  }
0x210: {  	[sflag:s20] =	ssyncadd.s32 $0xFFFFE000  }
0x211: {  	_ =	swait.ge [sflag:s21], $0x2000  }
0x212: {  	[sflag:s21] =	ssyncset.done $0x0  }
0x213: {  	[sflag:s21] =	ssyncadd.s32 $0xFFFFE000  }
0x214: {  	_ =	swait.ge [sflag:s22], $0x2000  }
0x215: {  	[sflag:s22] =	ssyncset.done $0x0  }
0x216: {  	[sflag:s22] =	ssyncadd.s32 $0xFFFFE000  }
0x217: {  	_ =	swait.ge [sflag:s23], $0x2000  }
0x218: {  	s24 =	sadd.s32 $0x1, s24;
	s31 =	rddreg [dreg:$0x7]  }
0x219: {  	p0 =	sne.s32 s24, s31  }
.Ltmp3:
0x21a: {  	_ = 	snop;
	(pc) =	sbr.rel @p0 .LBB2_1-.Ltmp3, $3  }
0x21b: {  	_ =	sdelay $0x1  }
0x21c: {  	[sflag:s23] =	ssyncset.done $0x0  }
0x21d: {  	[sflag:s23] =	ssyncadd.s32 $0xFFFFE000  }
0x21e: {  	_ =	sfence.sel $0x180000  }
0x21f: {  	[bflag:$0x0] =	sbarrier.arrive $0xFFFF  }
0x220: {  	_ =	strace $0x90000047  }
0x221: {  	s0 =	stileid.u32;
	[bflag:$0x2] =	sbarrier.arrive $0xFFFF  }
0x222: {  	p0 =	sne.s32 s0, $0x0;
	s0 =	rddreg [dreg:$0x4]  }
0x223: {  	s0 =	sadd.s32 @!p0 $0x100000, s0  }
0x224: {  	[sflag:s0] =	ssyncadd.tile.s32 @!p0 $0x1;
	_ =	shalt  }
.Lfunc_end2:
_tile_overlayer_lowered:
.L_overlay_start_2:
0x225: {  	(tag) =	ssettag $0x2  }
0x226: {  	s0 =	rddreg [dreg:$0x0];
	s2 =	stileid.u32  }
0x227: {  	s1 =	rddreg [dreg:$0x1];
	p0 =	sne.s32 s2, $0x0  }
0x228: {  	s3 =	rddreg [dreg:$0x2];
	[bflag:$0x3] =	sbarrier.arrive $0xFFFF;
	s2 =	simm.s32 @!p0 $0x1C1B  }
0x229: {  	[timem:s3], [sflag:s2] =	dma.local @!p0 [hbm:s0], s1  }
0x22a: {  	s0 =	simm.s32 @!p0 $0x1B  }
0x22b: {  	_ =	swait.ge @!p0 [sflag:s0], s1  }
0x22c: {  	s1 =	ssub.s32 @!p0 $0x0, s1;
	[sflag:s0] =	ssyncset.done @!p0 $0x0  }
0x22d: {  	[sflag:s0] =	ssyncadd.s32 @!p0 s1  }
0x22e: {  	[bflag:$0x3] =	sbarrier.arrive $0xFFFF  }
0x22f: {  	_ =	shalt  }

</sc_bundles>
